<compile_context>
chip_gen: v7x
topology: tpu7x:2x2x1
jax: 0.10.2.dev20260603
libtpu: 0.0.44.dev20260713+nightly
codegen_flags: <defaults>
</compile_context>

<pallas_src>
import functools

import jax
import jax.numpy as jnp
from jax import lax
from jax.experimental import pallas as pl
from jax.experimental.pallas import tpu as pltpu
from jax.experimental.pallas import tpu_sc as plsc

N = 10000
E = 320000
EL = 200000
D = 128
H = 128

NP_ = 10240
EP = 327680
ELP = 212992
CH = 128
NCH_E = EP // (32 * CH)
NCH_L = ELP // (32 * CH)
TROWS = NP_ // 16

_mesh = plsc.VectorSubcoreMesh(core_axis_name="c", subcore_axis_name="s")


def _zero_fill(ref, nrows):
    zz = jnp.zeros((16,), jnp.float32)

    def body(i, _):
        for j in range(8):
            ref[i, pl.ds(j * 16, 16)] = zz
        return 0

    lax.fori_loop(0, nrows, body, 0)


@functools.partial(
    pl.kernel,
    out_type=jax.ShapeDtypeStruct((2, 16, TROWS), jnp.float32),
    mesh=_mesh,
    scratch_types=[
        pltpu.VMEM((CH,), jnp.int32),
        pltpu.VMEM((CH,), jnp.float32),
        pltpu.MemorySpace.VMEM_SHARED((NP_,), jnp.float32),
        pltpu.SemaphoreType.DMA,
    ],
)
def _sc_degree(dst_hbm, out_hbm, idx_v, ones_v, deg_sh, sem):
    c = lax.axis_index("c")
    s = lax.axis_index("s")
    w = c * 16 + s

    one = jnp.ones((16,), jnp.float32)
    zz = jnp.zeros((16,), jnp.float32)
    for j in range(CH // 16):
        ones_v[pl.ds(j * 16, 16)] = zz
    for k in range(TROWS // CH):
        pltpu.sync_copy(ones_v, deg_sh.at[pl.ds(s * TROWS + k * CH, CH)])
    for j in range(CH // 16):
        ones_v[pl.ds(j * 16, 16)] = one

    plsc.subcore_barrier()

    def body(i, _):
        base = (w * NCH_E + i) * CH
        pltpu.sync_copy(dst_hbm.at[pl.ds(base, CH)], idx_v)
        pltpu.sync_copy(ones_v, deg_sh.at[idx_v], add=True)
        return 0

    lax.fori_loop(0, NCH_E, body, 0)

    plsc.subcore_barrier()
    pltpu.sync_copy(deg_sh.at[pl.ds(s * TROWS, TROWS)], out_hbm.at[c, s])


@functools.partial(
    pl.kernel,
    out_type=jax.ShapeDtypeStruct((2, 16, TROWS, D), jnp.float32),
    mesh=_mesh,
    scratch_types=[
        pltpu.VMEM((2, CH), jnp.int32),
        pltpu.VMEM((2, CH), jnp.int32),
        pltpu.VMEM((2, CH, D), jnp.float32),
        pltpu.MemorySpace.VMEM_SHARED((NP_, D), jnp.float32),
        pltpu.SemaphoreType.DMA,
    ],
)
def _sc_spmm(src_hbm, dst_hbm, hp_hbm, out_hbm, sidx_v, didx_v, rows_v,
             agg_sh, sem):
    c = lax.axis_index("c")
    s = lax.axis_index("s")
    w = c * 16 + s

    @pl.when(c == 0)
    def _():
        pltpu.sync_copy(hp_hbm.at[pl.ds(s * TROWS, TROWS)],
                        agg_sh.at[pl.ds(s * TROWS, TROWS)])

    @pl.when(c == 1)
    def _():
        _zero_fill(rows_v.at[0], CH)
        for k in range(TROWS // CH):
            pltpu.sync_copy(rows_v.at[0],
                            agg_sh.at[pl.ds(s * TROWS + k * CH, CH)])

    plsc.subcore_barrier()

    for b in range(2):
        base = (w * NCH_E + b) * CH
        pltpu.sync_copy(src_hbm.at[pl.ds(base, CH)], sidx_v.at[b])
        pltpu.async_copy(hp_hbm.at[sidx_v.at[b]], rows_v.at[b], sem)
        pltpu.sync_copy(dst_hbm.at[pl.ds(base, CH)], didx_v.at[b])

    def body(g, _):
        for b in range(2):
            pltpu.make_async_copy(hp_hbm.at[pl.ds(0, CH)], rows_v.at[b],
                                  sem).wait()
            pltpu.sync_copy(rows_v.at[b], agg_sh.at[didx_v.at[b]], add=True)
            nxt = 2 * g + b + 2

            @pl.when(nxt < NCH_E)
            def _():
                base = (w * NCH_E + nxt) * CH
                pltpu.sync_copy(src_hbm.at[pl.ds(base, CH)], sidx_v.at[b])
                pltpu.async_copy(hp_hbm.at[sidx_v.at[b]], rows_v.at[b], sem)
                pltpu.sync_copy(dst_hbm.at[pl.ds(base, CH)], didx_v.at[b])
        return 0

    lax.fori_loop(0, NCH_E // 2, body, 0)

    plsc.subcore_barrier()
    pltpu.sync_copy(agg_sh.at[pl.ds(s * TROWS, TROWS)], out_hbm.at[c, s])


@functools.partial(
    pl.kernel,
    out_type=jax.ShapeDtypeStruct((ELP, D), jnp.float32),
    mesh=_mesh,
    scratch_types=[
        pltpu.VMEM((4, CH), jnp.int32),
        pltpu.VMEM((4, CH), jnp.int32),
        pltpu.VMEM((4, CH, D), jnp.float32),
        pltpu.SemaphoreType.DMA,
        pltpu.SemaphoreType.DMA,
    ],
)
def _sc_decode(s_hbm, d_hbm, a_hbm, b_hbm, o_hbm,
               sidx_v, didx_v, rows_v, sema, semb):
    c = lax.axis_index("c")
    s = lax.axis_index("s")
    w = c * 16 + s

    for b in range(4):
        base = (w * NCH_L + b) * CH
        pltpu.sync_copy(s_hbm.at[pl.ds(base, CH)], sidx_v.at[b])
        pltpu.async_copy(a_hbm.at[sidx_v.at[b]], rows_v.at[b], sema)
        pltpu.sync_copy(d_hbm.at[pl.ds(base, CH)], didx_v.at[b])

    def body(g, _):
        for b in range(4):
            pltpu.make_async_copy(a_hbm.at[pl.ds(0, CH)], rows_v.at[b],
                                  sema).wait()
            pltpu.async_copy(b_hbm.at[didx_v.at[b]], rows_v.at[b], semb,
                             add=True)
        for b in range(4):
            base = (w * NCH_L + 4 * g + b) * CH
            pltpu.make_async_copy(b_hbm.at[pl.ds(0, CH)], rows_v.at[b],
                                  semb).wait()
            pltpu.sync_copy(rows_v.at[b], o_hbm.at[pl.ds(base, CH)])
            nxt = 4 * g + b + 4

            @pl.when(nxt < NCH_L)
            def _():
                nbase = (w * NCH_L + nxt) * CH
                pltpu.sync_copy(s_hbm.at[pl.ds(nbase, CH)], sidx_v.at[b])
                pltpu.async_copy(a_hbm.at[sidx_v.at[b]], rows_v.at[b], sema)
                pltpu.sync_copy(d_hbm.at[pl.ds(nbase, CH)], didx_v.at[b])
        return 0

    lax.fori_loop(0, NCH_L // 4, body, 0)


_BN = 1024


def _tc_call(body, grid, in_specs, out_specs, out_shape):
    return pl.pallas_call(body, grid=grid, in_specs=in_specs,
                          out_specs=out_specs, out_shape=out_shape)


def _dinv_of(deg_ref):
    deg = deg_ref[0, :] + deg_ref[1, :] + 1.0
    return lax.rsqrt(deg)


def _tc_h1p(xp, w1, degp):
    def body(x_ref, w_ref, deg_ref, o_ref):
        dinv = _dinv_of(deg_ref)
        h = jnp.dot(x_ref[...], w_ref[...], preferred_element_type=jnp.float32)
        o_ref[...] = h * dinv[:, None]

    return _tc_call(
        body, (NP_ // _BN,),
        [pl.BlockSpec((_BN, D), lambda i: (i, 0)),
         pl.BlockSpec((D, H), lambda i: (0, 0)),
         pl.BlockSpec((2, _BN), lambda i: (0, i))],
        pl.BlockSpec((_BN, H), lambda i: (i, 0)),
        jax.ShapeDtypeStruct((NP_, H), jnp.float32),
    )(xp, w1, degp)


def _tc_mid(parts, degp, b1r, w2):
    def body(p_ref, deg_ref, b_ref, w_ref, o_ref):
        dinv = _dinv_of(deg_ref)
        z = (p_ref[0] + p_ref[1]) * dinv[:, None] + b_ref[...]
        z = jnp.maximum(z, 0.0)
        h = jnp.dot(z, w_ref[...], preferred_element_type=jnp.float32)
        o_ref[...] = h * dinv[:, None]

    return _tc_call(
        body, (NP_ // _BN,),
        [pl.BlockSpec((2, _BN, H), lambda i: (0, i, 0)),
         pl.BlockSpec((2, _BN), lambda i: (0, i)),
         pl.BlockSpec((1, H), lambda i: (0, 0)),
         pl.BlockSpec((H, H), lambda i: (0, 0))],
        pl.BlockSpec((_BN, H), lambda i: (i, 0)),
        jax.ShapeDtypeStruct((NP_, H), jnp.float32),
    )(parts, degp, b1r, w2)


def _tc_ab(parts, degp, b2r, bc1r, wc1t, wc1b):
    def body(p_ref, deg_ref, b_ref, bc_ref, wt_ref, wb_ref, a_ref, bo_ref):
        dinv = _dinv_of(deg_ref)
        z = (p_ref[0] + p_ref[1]) * dinv[:, None] + b_ref[...]
        a_ref[...] = (jnp.dot(z, wt_ref[...], preferred_element_type=jnp.float32)
                      + bc_ref[...])
        bo_ref[...] = jnp.dot(z, wb_ref[...], preferred_element_type=jnp.float32)

    return _tc_call(
        body, (NP_ // _BN,),
        [pl.BlockSpec((2, _BN, H), lambda i: (0, i, 0)),
         pl.BlockSpec((2, _BN), lambda i: (0, i)),
         pl.BlockSpec((1, H), lambda i: (0, 0)),
         pl.BlockSpec((1, H), lambda i: (0, 0)),
         pl.BlockSpec((H, H), lambda i: (0, 0)),
         pl.BlockSpec((H, H), lambda i: (0, 0))],
        [pl.BlockSpec((_BN, H), lambda i: (i, 0)),
         pl.BlockSpec((_BN, H), lambda i: (i, 0))],
        [jax.ShapeDtypeStruct((NP_, H), jnp.float32),
         jax.ShapeDtypeStruct((NP_, H), jnp.float32)],
    )(parts, degp, b2r, bc1r, wc1t, wc1b)


def _tc_out(hsum, wc2t):
    def body(h_ref, w_ref, o_ref):
        h = jnp.maximum(h_ref[...], 0.0)
        o_ref[...] = lax.dot_general(
            w_ref[...], h, (((1,), (1,)), ((), ())),
            preferred_element_type=jnp.float32)

    return _tc_call(
        body, (ELP // _BN,),
        [pl.BlockSpec((_BN, H), lambda i: (i, 0)),
         pl.BlockSpec((8, H), lambda i: (0, 0))],
        pl.BlockSpec((8, _BN), lambda i: (0, i)),
        jax.ShapeDtypeStruct((8, ELP), jnp.float32),
    )(hsum, wc2t)


def kernel(x, edge_index, edge_label_index, W1, b1, W2, b2, Wc1, bc1, Wc2,
           bc2):
    f32 = jnp.float32
    xp = jnp.pad(x, ((0, NP_ - N), (0, 0)))
    pad_e = (jnp.arange(EP - E, dtype=jnp.int32) % (NP_ - N)) + N
    srcp = jnp.concatenate([edge_index[0], pad_e])
    dstp = jnp.concatenate([edge_index[1], pad_e])
    pad_l = (jnp.arange(ELP - EL, dtype=jnp.int32) % (NP_ - N)) + N
    sp = jnp.concatenate([edge_label_index[0], pad_l])
    dp = jnp.concatenate([edge_label_index[1], pad_l])

    b1r = b1.reshape(1, H)
    b2r = b2.reshape(1, H)
    bc1r = bc1.reshape(1, H)
    wc1t = Wc1[:H]
    wc1b = Wc1[H:]
    wc2t = jnp.pad(Wc2.T, ((0, 6), (0, 0)))

    degp = _sc_degree(dstp).reshape(2, NP_)

    h1p = _tc_h1p(xp, W1, degp)
    parts1 = _sc_spmm(srcp, dstp, h1p).reshape(2, NP_, D)
    h2p = _tc_mid(parts1, degp, b1r, W2)
    parts2 = _sc_spmm(srcp, dstp, h2p).reshape(2, NP_, D)
    a_nodes, b_nodes = _tc_ab(parts2, degp, b2r, bc1r, wc1t, wc1b)
    hsum = _sc_decode(sp, dp, a_nodes, b_nodes)
    outp = _tc_out(hsum, wc2t)
    return (outp[:2, :EL].T + bc2[None, :]).astype(f32)

# --- scband reference (transcript-rebuilt; emitter-appended) ---
"""Pipeline reference for scband-directed-link-prediction-gnn-15479062135173 (READ-ONLY COPY).

The authoritative reference and input builder live on the scoring server;
editing this copy changes nothing except your own understanding.
"""

import jax, jax.numpy as jnp
import numpy as np

N = 10000
E = 320000
EL = 200000
D = 128
H = 128


def setup_inputs(seed: int = 0) -> dict:
    key = jax.random.key(seed)
    ks = jax.random.split(key, 8)
    x = jax.random.normal(ks[0], (N, D), dtype=jnp.float32)
    edge_index = jax.random.randint(ks[1], (2, E), 0, N, dtype=jnp.int32)
    edge_label_index = jax.random.randint(ks[2], (2, EL), 0, N, dtype=jnp.int32)
    W1 = jax.random.normal(ks[3], (D, H), dtype=jnp.float32) * (1.0 / np.sqrt(D))
    b1 = jnp.zeros((H,), dtype=jnp.float32)
    W2 = jax.random.normal(ks[4], (H, H), dtype=jnp.float32) * (1.0 / np.sqrt(H))
    b2 = jnp.zeros((H,), dtype=jnp.float32)
    Wc1 = jax.random.normal(ks[5], (2 * H, H), dtype=jnp.float32) * (1.0 / np.sqrt(2 * H))
    bc1 = jnp.zeros((H,), dtype=jnp.float32)
    Wc2 = jax.random.normal(ks[6], (H, 2), dtype=jnp.float32) * (1.0 / np.sqrt(H))
    bc2 = jnp.zeros((2,), dtype=jnp.float32)
    return {"x": x, "edge_index": edge_index, "edge_label_index": edge_label_index,
            "W1": W1, "b1": b1, "W2": W2, "b2": b2,
            "Wc1": Wc1, "bc1": bc1, "Wc2": Wc2, "bc2": bc2}


def _gcn_conv(x, src, dst, W, b, n_nodes):
    # GCNConv: linear transform, add self-loops (done by caller), symmetric deg^-1/2 norm, scatter-add
    h = x @ W
    ones = jnp.ones_like(dst, dtype=h.dtype)
    deg = jnp.zeros((n_nodes,), dtype=h.dtype).at[dst].add(ones)
    dinv = jnp.where(deg > 0, 1.0 / jnp.sqrt(deg), 0.0)
    norm = (dinv[src] * dinv[dst])[:, None]
    msg = h[src] * norm
    agg = jnp.zeros_like(h).at[dst].add(msg)
    return agg + b


def reference(x, edge_index, edge_label_index, W1, b1, W2, b2, Wc1, bc1, Wc2, bc2):
    n_nodes = x.shape[0]
    loop = jnp.arange(n_nodes, dtype=edge_index.dtype)
    src = jnp.concatenate([edge_index[0], loop])
    dst = jnp.concatenate([edge_index[1], loop])
    # encode (eval mode: dropout is identity)
    z = _gcn_conv(x, src, dst, W1, b1, n_nodes)
    z = jax.nn.relu(z)
    z = _gcn_conv(z, src, dst, W2, b2, n_nodes)
    # decode
    s = edge_label_index[0]
    d = edge_label_index[1]
    edge_emb = jnp.concatenate([z[s], z[d]], axis=1)
    hcls = jax.nn.relu(edge_emb @ Wc1 + bc1)
    return hcls @ Wc2 + bc2

if __name__ == "__main__":
    import jax
    _d = setup_inputs()
    print(jax.jit(kernel)(*tuple(_d.values())))

</pallas_src>

<mosaic_0001>
#map = affine_map<(d0, d1) -> (0)>
#map1 = affine_map<(d0, d1) -> (0, 0, 0)>
module attributes {stable_mosaic.version = 14 : i64} {
  func.func @_sc_degree(%arg0: i32, %arg1: i32, %arg2: memref<327680xi32, #tpu.memory_space<hbm>>, %arg3: memref<2x16x640xf32, #tpu.memory_space<hbm>>, %arg4: memref<128xi32, #tpu.memory_space<vmem>>, %arg5: memref<128xf32, #tpu.memory_space<vmem>>, %arg6: memref<10240xf32, #tpu.memory_space<vmem_shared>>, %arg7: memref<!tpu.dma_semaphore, #tpu.memory_space<semaphore_mem>>) attributes {dimension_semantics = [#tpu.dimension_semantics<core_parallel>, #tpu.dimension_semantics<subcore_parallel>], iteration_bounds = array<i64: 2, 16>, scalar_prefetch = 0 : i64, scratch_operands = 4 : i64, tpu.core_type = #tpu.core_type<sc_vector_subcore>, window_params = [{transform_indices = #map}, {transform_indices = #map1}]} {
    %mul3A = arith.constant 16 : i32
    %mul3A_0 = arith.muli %arg0, %mul3A : i32
    %add3A = arith.addi %mul3A_0, %arg1 : i32
    %broadcast_in_dim3A = arith.constant 1.000000e+00 : f32
    %broadcast_in_dim3A_1 = vector.broadcast %broadcast_in_dim3A : f32 to vector<16xf32>
    %broadcast_in_dim3A_2 = arith.constant 0.000000e+00 : f32
    %broadcast_in_dim3A_3 = vector.broadcast %broadcast_in_dim3A_2 : f32 to vector<16xf32>
    %swap3A = arith.constant 0 : index
    %swap3A_4 = tpu.vector_load %arg5[%swap3A] {strides = array<i32>} : memref<128xf32, #tpu.memory_space<vmem>>, vector<16xf32>,
    %swap3A_5 = vector.shape_cast %swap3A_4 : vector<16xf32> to vector<16xf32>
    %swap3A_6 = vector.shape_cast %broadcast_in_dim3A_3 : vector<16xf32> to vector<16xf32>
    tpu.vector_store %arg5[%swap3A], %swap3A_6 {strides = array<i32>} : memref<128xf32, #tpu.memory_space<vmem>>, vector<16xf32>,
    %swap3A_7 = arith.constant 16 : index
    %swap3A_8 = tpu.vector_load %arg5[%swap3A_7] {strides = array<i32>} : memref<128xf32, #tpu.memory_space<vmem>>, vector<16xf32>,
    %swap3A_9 = vector.shape_cast %swap3A_8 : vector<16xf32> to vector<16xf32>
    %swap3A_10 = vector.shape_cast %broadcast_in_dim3A_3 : vector<16xf32> to vector<16xf32>
    tpu.vector_store %arg5[%swap3A_7], %swap3A_10 {strides = array<i32>} : memref<128xf32, #tpu.memory_space<vmem>>, vector<16xf32>,
    %swap3A_11 = arith.constant 32 : index
    %swap3A_12 = tpu.vector_load %arg5[%swap3A_11] {strides = array<i32>} : memref<128xf32, #tpu.memory_space<vmem>>, vector<16xf32>,
    %swap3A_13 = vector.shape_cast %swap3A_12 : vector<16xf32> to vector<16xf32>
    %swap3A_14 = vector.shape_cast %broadcast_in_dim3A_3 : vector<16xf32> to vector<16xf32>
    tpu.vector_store %arg5[%swap3A_11], %swap3A_14 {strides = array<i32>} : memref<128xf32, #tpu.memory_space<vmem>>, vector<16xf32>,
    %swap3A_15 = arith.constant 48 : index
    %swap3A_16 = tpu.vector_load %arg5[%swap3A_15] {strides = array<i32>} : memref<128xf32, #tpu.memory_space<vmem>>, vector<16xf32>,
    %swap3A_17 = vector.shape_cast %swap3A_16 : vector<16xf32> to vector<16xf32>
    %swap3A_18 = vector.shape_cast %broadcast_in_dim3A_3 : vector<16xf32> to vector<16xf32>
    tpu.vector_store %arg5[%swap3A_15], %swap3A_18 {strides = array<i32>} : memref<128xf32, #tpu.memory_space<vmem>>, vector<16xf32>,
    %swap3A_19 = arith.constant 64 : index
    %swap3A_20 = tpu.vector_load %arg5[%swap3A_19] {strides = array<i32>} : memref<128xf32, #tpu.memory_space<vmem>>, vector<16xf32>,
    %swap3A_21 = vector.shape_cast %swap3A_20 : vector<16xf32> to vector<16xf32>
    %swap3A_22 = vector.shape_cast %broadcast_in_dim3A_3 : vector<16xf32> to vector<16xf32>
    tpu.vector_store %arg5[%swap3A_19], %swap3A_22 {strides = array<i32>} : memref<128xf32, #tpu.memory_space<vmem>>, vector<16xf32>,
    %swap3A_23 = arith.constant 80 : index
    %swap3A_24 = tpu.vector_load %arg5[%swap3A_23] {strides = array<i32>} : memref<128xf32, #tpu.memory_space<vmem>>, vector<16xf32>,
    %swap3A_25 = vector.shape_cast %swap3A_24 : vector<16xf32> to vector<16xf32>
    %swap3A_26 = vector.shape_cast %broadcast_in_dim3A_3 : vector<16xf32> to vector<16xf32>
    tpu.vector_store %arg5[%swap3A_23], %swap3A_26 {strides = array<i32>} : memref<128xf32, #tpu.memory_space<vmem>>, vector<16xf32>,
    %swap3A_27 = arith.constant 96 : index
    %swap3A_28 = tpu.vector_load %arg5[%swap3A_27] {strides = array<i32>} : memref<128xf32, #tpu.memory_space<vmem>>, vector<16xf32>,
    %swap3A_29 = vector.shape_cast %swap3A_28 : vector<16xf32> to vector<16xf32>
    %swap3A_30 = vector.shape_cast %broadcast_in_dim3A_3 : vector<16xf32> to vector<16xf32>
    tpu.vector_store %arg5[%swap3A_27], %swap3A_30 {strides = array<i32>} : memref<128xf32, #tpu.memory_space<vmem>>, vector<16xf32>,
    %swap3A_31 = arith.constant 112 : index
    %swap3A_32 = tpu.vector_load %arg5[%swap3A_31] {strides = array<i32>} : memref<128xf32, #tpu.memory_space<vmem>>, vector<16xf32>,
    %swap3A_33 = vector.shape_cast %swap3A_32 : vector<16xf32> to vector<16xf32>
    %swap3A_34 = vector.shape_cast %broadcast_in_dim3A_3 : vector<16xf32> to vector<16xf32>
    tpu.vector_store %arg5[%swap3A_31], %swap3A_34 {strides = array<i32>} : memref<128xf32, #tpu.memory_space<vmem>>, vector<16xf32>,
    %mul3A_35 = arith.constant 640 : i32
    %mul3A_36 = arith.muli %arg1, %mul3A_35 : i32
    %add3A_37 = arith.constant 0 : i32
    %add3A_38 = arith.addi %mul3A_36, %add3A_37 : i32
    "tpu.region"() ({
      %run_scoped3A = tpu.sem_alloc : memref<!tpu.dma_semaphore, #tpu.memory_space<semaphore_mem>>
      %dma_start3A = tpu.memref_slice %arg6[%add3A_38] : memref<10240xf32, #tpu.memory_space<vmem_shared>> -> memref<128xf32, #tpu.memory_space<vmem_shared>>
      %dma_start3A_96 = tpu.memref_slice %arg6[%add3A_38] : memref<10240xf32, #tpu.memory_space<vmem_shared>> -> memref<128xf32, #tpu.memory_space<vmem_shared>>
      tpu.enqueue_dma source(%arg5 : memref<128xf32, #tpu.memory_space<vmem>>) target(%dma_start3A_96 : memref<128xf32, #tpu.memory_space<vmem_shared>>) target_semaphore(%run_scoped3A : memref<!tpu.dma_semaphore, #tpu.memory_space<semaphore_mem>>)
      %dma_wait3A = tpu.memref_slice %arg6[%add3A_38] : memref<10240xf32, #tpu.memory_space<vmem_shared>> -> memref<128xf32, #tpu.memory_space<vmem_shared>>
      %dma_wait3A_97 = tpu.memref_slice %arg6[%add3A_38] : memref<10240xf32, #tpu.memory_space<vmem_shared>> -> memref<128xf32, #tpu.memory_space<vmem_shared>>
      tpu.wait_dma2 semaphore(%run_scoped3A : memref<!tpu.dma_semaphore, #tpu.memory_space<semaphore_mem>>) src(%arg5 : memref<128xf32, #tpu.memory_space<vmem>>) dst(%dma_wait3A_97 : memref<128xf32, #tpu.memory_space<vmem_shared>>)
      tpu.yield
    }) : () -> ()
    %mul3A_39 = arith.constant 640 : i32
    %mul3A_40 = arith.muli %arg1, %mul3A_39 : i32
    %add3A_41 = arith.constant 128 : i32
    %add3A_42 = arith.addi %mul3A_40, %add3A_41 : i32
    "tpu.region"() ({
      %run_scoped3A = tpu.sem_alloc : memref<!tpu.dma_semaphore, #tpu.memory_space<semaphore_mem>>
      %dma_start3A = tpu.memref_slice %arg6[%add3A_42] : memref<10240xf32, #tpu.memory_space<vmem_shared>> -> memref<128xf32, #tpu.memory_space<vmem_shared>>
      %dma_start3A_96 = tpu.memref_slice %arg6[%add3A_42] : memref<10240xf32, #tpu.memory_space<vmem_shared>> -> memref<128xf32, #tpu.memory_space<vmem_shared>>
      tpu.enqueue_dma source(%arg5 : memref<128xf32, #tpu.memory_space<vmem>>) target(%dma_start3A_96 : memref<128xf32, #tpu.memory_space<vmem_shared>>) target_semaphore(%run_scoped3A : memref<!tpu.dma_semaphore, #tpu.memory_space<semaphore_mem>>)
      %dma_wait3A = tpu.memref_slice %arg6[%add3A_42] : memref<10240xf32, #tpu.memory_space<vmem_shared>> -> memref<128xf32, #tpu.memory_space<vmem_shared>>
      %dma_wait3A_97 = tpu.memref_slice %arg6[%add3A_42] : memref<10240xf32, #tpu.memory_space<vmem_shared>> -> memref<128xf32, #tpu.memory_space<vmem_shared>>
      tpu.wait_dma2 semaphore(%run_scoped3A : memref<!tpu.dma_semaphore, #tpu.memory_space<semaphore_mem>>) src(%arg5 : memref<128xf32, #tpu.memory_space<vmem>>) dst(%dma_wait3A_97 : memref<128xf32, #tpu.memory_space<vmem_shared>>)
      tpu.yield
    }) : () -> ()
    %mul3A_43 = arith.constant 640 : i32
    %mul3A_44 = arith.muli %arg1, %mul3A_43 : i32
    %add3A_45 = arith.constant 256 : i32
    %add3A_46 = arith.addi %mul3A_44, %add3A_45 : i32
    "tpu.region"() ({
      %run_scoped3A = tpu.sem_alloc : memref<!tpu.dma_semaphore, #tpu.memory_space<semaphore_mem>>
      %dma_start3A = tpu.memref_slice %arg6[%add3A_46] : memref<10240xf32, #tpu.memory_space<vmem_shared>> -> memref<128xf32, #tpu.memory_space<vmem_shared>>
      %dma_start3A_96 = tpu.memref_slice %arg6[%add3A_46] : memref<10240xf32, #tpu.memory_space<vmem_shared>> -> memref<128xf32, #tpu.memory_space<vmem_shared>>
      tpu.enqueue_dma source(%arg5 : memref<128xf32, #tpu.memory_space<vmem>>) target(%dma_start3A_96 : memref<128xf32, #tpu.memory_space<vmem_shared>>) target_semaphore(%run_scoped3A : memref<!tpu.dma_semaphore, #tpu.memory_space<semaphore_mem>>)
      %dma_wait3A = tpu.memref_slice %arg6[%add3A_46] : memref<10240xf32, #tpu.memory_space<vmem_shared>> -> memref<128xf32, #tpu.memory_space<vmem_shared>>
      %dma_wait3A_97 = tpu.memref_slice %arg6[%add3A_46] : memref<10240xf32, #tpu.memory_space<vmem_shared>> -> memref<128xf32, #tpu.memory_space<vmem_shared>>
      tpu.wait_dma2 semaphore(%run_scoped3A : memref<!tpu.dma_semaphore, #tpu.memory_space<semaphore_mem>>) src(%arg5 : memref<128xf32, #tpu.memory_space<vmem>>) dst(%dma_wait3A_97 : memref<128xf32, #tpu.memory_space<vmem_shared>>)
      tpu.yield
    }) : () -> ()
    %mul3A_47 = arith.constant 640 : i32
    %mul3A_48 = arith.muli %arg1, %mul3A_47 : i32
    %add3A_49 = arith.constant 384 : i32
    %add3A_50 = arith.addi %mul3A_48, %add3A_49 : i32
    "tpu.region"() ({
      %run_scoped3A = tpu.sem_alloc : memref<!tpu.dma_semaphore, #tpu.memory_space<semaphore_mem>>
      %dma_start3A = tpu.memref_slice %arg6[%add3A_50] : memref<10240xf32, #tpu.memory_space<vmem_shared>> -> memref<128xf32, #tpu.memory_space<vmem_shared>>
      %dma_start3A_96 = tpu.memref_slice %arg6[%add3A_50] : memref<10240xf32, #tpu.memory_space<vmem_shared>> -> memref<128xf32, #tpu.memory_space<vmem_shared>>
      tpu.enqueue_dma source(%arg5 : memref<128xf32, #tpu.memory_space<vmem>>) target(%dma_start3A_96 : memref<128xf32, #tpu.memory_space<vmem_shared>>) target_semaphore(%run_scoped3A : memref<!tpu.dma_semaphore, #tpu.memory_space<semaphore_mem>>)
      %dma_wait3A = tpu.memref_slice %arg6[%add3A_50] : memref<10240xf32, #tpu.memory_space<vmem_shared>> -> memref<128xf32, #tpu.memory_space<vmem_shared>>
      %dma_wait3A_97 = tpu.memref_slice %arg6[%add3A_50] : memref<10240xf32, #tpu.memory_space<vmem_shared>> -> memref<128xf32, #tpu.memory_space<vmem_shared>>
      tpu.wait_dma2 semaphore(%run_scoped3A : memref<!tpu.dma_semaphore, #tpu.memory_space<semaphore_mem>>) src(%arg5 : memref<128xf32, #tpu.memory_space<vmem>>) dst(%dma_wait3A_97 : memref<128xf32, #tpu.memory_space<vmem_shared>>)
      tpu.yield
    }) : () -> ()
    %mul3A_51 = arith.constant 640 : i32
    %mul3A_52 = arith.muli %arg1, %mul3A_51 : i32
    %add3A_53 = arith.constant 512 : i32
    %add3A_54 = arith.addi %mul3A_52, %add3A_53 : i32
    "tpu.region"() ({
      %run_scoped3A = tpu.sem_alloc : memref<!tpu.dma_semaphore, #tpu.memory_space<semaphore_mem>>
      %dma_start3A = tpu.memref_slice %arg6[%add3A_54] : memref<10240xf32, #tpu.memory_space<vmem_shared>> -> memref<128xf32, #tpu.memory_space<vmem_shared>>
      %dma_start3A_96 = tpu.memref_slice %arg6[%add3A_54] : memref<10240xf32, #tpu.memory_space<vmem_shared>> -> memref<128xf32, #tpu.memory_space<vmem_shared>>
      tpu.enqueue_dma source(%arg5 : memref<128xf32, #tpu.memory_space<vmem>>) target(%dma_start3A_96 : memref<128xf32, #tpu.memory_space<vmem_shared>>) target_semaphore(%run_scoped3A : memref<!tpu.dma_semaphore, #tpu.memory_space<semaphore_mem>>)
      %dma_wait3A = tpu.memref_slice %arg6[%add3A_54] : memref<10240xf32, #tpu.memory_space<vmem_shared>> -> memref<128xf32, #tpu.memory_space<vmem_shared>>
      %dma_wait3A_97 = tpu.memref_slice %arg6[%add3A_54] : memref<10240xf32, #tpu.memory_space<vmem_shared>> -> memref<128xf32, #tpu.memory_space<vmem_shared>>
      tpu.wait_dma2 semaphore(%run_scoped3A : memref<!tpu.dma_semaphore, #tpu.memory_space<semaphore_mem>>) src(%arg5 : memref<128xf32, #tpu.memory_space<vmem>>) dst(%dma_wait3A_97 : memref<128xf32, #tpu.memory_space<vmem_shared>>)
      tpu.yield
    }) : () -> ()
    %swap3A_55 = arith.constant 0 : index
    %swap3A_56 = tpu.vector_load %arg5[%swap3A_55] {strides = array<i32>} : memref<128xf32, #tpu.memory_space<vmem>>, vector<16xf32>,
    %swap3A_57 = vector.shape_cast %swap3A_56 : vector<16xf32> to vector<16xf32>
    %swap3A_58 = vector.shape_cast %broadcast_in_dim3A_1 : vector<16xf32> to vector<16xf32>
    tpu.vector_store %arg5[%swap3A_55], %swap3A_58 {strides = array<i32>} : memref<128xf32, #tpu.memory_space<vmem>>, vector<16xf32>,
    %swap3A_59 = arith.constant 16 : index
    %swap3A_60 = tpu.vector_load %arg5[%swap3A_59] {strides = array<i32>} : memref<128xf32, #tpu.memory_space<vmem>>, vector<16xf32>,
    %swap3A_61 = vector.shape_cast %swap3A_60 : vector<16xf32> to vector<16xf32>
    %swap3A_62 = vector.shape_cast %broadcast_in_dim3A_1 : vector<16xf32> to vector<16xf32>
    tpu.vector_store %arg5[%swap3A_59], %swap3A_62 {strides = array<i32>} : memref<128xf32, #tpu.memory_space<vmem>>, vector<16xf32>,
    %swap3A_63 = arith.constant 32 : index
    %swap3A_64 = tpu.vector_load %arg5[%swap3A_63] {strides = array<i32>} : memref<128xf32, #tpu.memory_space<vmem>>, vector<16xf32>,
    %swap3A_65 = vector.shape_cast %swap3A_64 : vector<16xf32> to vector<16xf32>
    %swap3A_66 = vector.shape_cast %broadcast_in_dim3A_1 : vector<16xf32> to vector<16xf32>
    tpu.vector_store %arg5[%swap3A_63], %swap3A_66 {strides = array<i32>} : memref<128xf32, #tpu.memory_space<vmem>>, vector<16xf32>,
    %swap3A_67 = arith.constant 48 : index
    %swap3A_68 = tpu.vector_load %arg5[%swap3A_67] {strides = array<i32>} : memref<128xf32, #tpu.memory_space<vmem>>, vector<16xf32>,
    %swap3A_69 = vector.shape_cast %swap3A_68 : vector<16xf32> to vector<16xf32>
    %swap3A_70 = vector.shape_cast %broadcast_in_dim3A_1 : vector<16xf32> to vector<16xf32>
    tpu.vector_store %arg5[%swap3A_67], %swap3A_70 {strides = array<i32>} : memref<128xf32, #tpu.memory_space<vmem>>, vector<16xf32>,
    %swap3A_71 = arith.constant 64 : index
    %swap3A_72 = tpu.vector_load %arg5[%swap3A_71] {strides = array<i32>} : memref<128xf32, #tpu.memory_space<vmem>>, vector<16xf32>,
    %swap3A_73 = vector.shape_cast %swap3A_72 : vector<16xf32> to vector<16xf32>
    %swap3A_74 = vector.shape_cast %broadcast_in_dim3A_1 : vector<16xf32> to vector<16xf32>
    tpu.vector_store %arg5[%swap3A_71], %swap3A_74 {strides = array<i32>} : memref<128xf32, #tpu.memory_space<vmem>>, vector<16xf32>,
    %swap3A_75 = arith.constant 80 : index
    %swap3A_76 = tpu.vector_load %arg5[%swap3A_75] {strides = array<i32>} : memref<128xf32, #tpu.memory_space<vmem>>, vector<16xf32>,
    %swap3A_77 = vector.shape_cast %swap3A_76 : vector<16xf32> to vector<16xf32>
    %swap3A_78 = vector.shape_cast %broadcast_in_dim3A_1 : vector<16xf32> to vector<16xf32>
    tpu.vector_store %arg5[%swap3A_75], %swap3A_78 {strides = array<i32>} : memref<128xf32, #tpu.memory_space<vmem>>, vector<16xf32>,
    %swap3A_79 = arith.constant 96 : index
    %swap3A_80 = tpu.vector_load %arg5[%swap3A_79] {strides = array<i32>} : memref<128xf32, #tpu.memory_space<vmem>>, vector<16xf32>,
    %swap3A_81 = vector.shape_cast %swap3A_80 : vector<16xf32> to vector<16xf32>
    %swap3A_82 = vector.shape_cast %broadcast_in_dim3A_1 : vector<16xf32> to vector<16xf32>
    tpu.vector_store %arg5[%swap3A_79], %swap3A_82 {strides = array<i32>} : memref<128xf32, #tpu.memory_space<vmem>>, vector<16xf32>,
    %swap3A_83 = arith.constant 112 : index
    %swap3A_84 = tpu.vector_load %arg5[%swap3A_83] {strides = array<i32>} : memref<128xf32, #tpu.memory_space<vmem>>, vector<16xf32>,
    %swap3A_85 = vector.shape_cast %swap3A_84 : vector<16xf32> to vector<16xf32>
    %swap3A_86 = vector.shape_cast %broadcast_in_dim3A_1 : vector<16xf32> to vector<16xf32>
    tpu.vector_store %arg5[%swap3A_83], %swap3A_86 {strides = array<i32>} : memref<128xf32, #tpu.memory_space<vmem>>, vector<16xf32>,
    %barrier3A = arith.constant 0 : index
    tpu.barrier barrier_id(%barrier3A)
    %scan3A = arith.constant 0 : i32
    %scan3A_87 = arith.constant 0 : i32
    %scan3A_88 = arith.constant 80 : i32
    %scan3A_89 = arith.addi %scan3A_87, %scan3A_88 : i32
    %scan3A_90 = arith.constant 1 : i32
    %scan3A_91 = scf.for %scan3A_96 = %scan3A_87 to %scan3A_89 step %scan3A_90 iter_args(%scan3A_97 = %scan3A) -> (i32)  : i32 {
      %mul3A_98 = arith.constant 80 : i32
      %mul3A_99 = arith.muli %add3A, %mul3A_98 : i32
      %add3A_100 = arith.addi %mul3A_99, %scan3A_96 : i32
      %mul3A_101 = arith.constant 128 : i32
      %mul3A_102 = arith.muli %add3A_100, %mul3A_101 : i32
      "tpu.region"() ({
        %run_scoped3A = tpu.sem_alloc : memref<!tpu.dma_semaphore, #tpu.memory_space<semaphore_mem>>
        %dma_start3A = tpu.memref_slice %arg2[%mul3A_102] : memref<327680xi32, #tpu.memory_space<hbm>> -> memref<128xi32, #tpu.memory_space<hbm>>
        %dma_start3A_104 = tpu.memref_slice %arg2[%mul3A_102] : memref<327680xi32, #tpu.memory_space<hbm>> -> memref<128xi32, #tpu.memory_space<hbm>>
        tpu.enqueue_dma source(%dma_start3A_104 : memref<128xi32, #tpu.memory_space<hbm>>) target(%arg4 : memref<128xi32, #tpu.memory_space<vmem>>) target_semaphore(%run_scoped3A : memref<!tpu.dma_semaphore, #tpu.memory_space<semaphore_mem>>)
        %dma_wait3A = tpu.memref_slice %arg2[%mul3A_102] : memref<327680xi32, #tpu.memory_space<hbm>> -> memref<128xi32, #tpu.memory_space<hbm>>
        %dma_wait3A_105 = tpu.memref_slice %arg2[%mul3A_102] : memref<327680xi32, #tpu.memory_space<hbm>> -> memref<128xi32, #tpu.memory_space<hbm>>
        tpu.wait_dma2 semaphore(%run_scoped3A : memref<!tpu.dma_semaphore, #tpu.memory_space<semaphore_mem>>) src(%dma_wait3A_105 : memref<128xi32, #tpu.memory_space<hbm>>) dst(%arg4 : memref<128xi32, #tpu.memory_space<vmem>>)
        tpu.yield
      }) : () -> ()
      "tpu.region"() ({
        %run_scoped3A = tpu.sem_alloc : memref<!tpu.dma_semaphore, #tpu.memory_space<semaphore_mem>>
        %dma_start3A = arith.constant 0 : i32
        %dma_start3A_104 = tpu.memref_slice %arg6[%dma_start3A] : memref<10240xf32, #tpu.memory_space<vmem_shared>> -> memref<10240xf32, #tpu.memory_space<vmem_shared>>
        tpu.enqueue_indirect_dma source(%arg5 : memref<128xf32, #tpu.memory_space<vmem>>) target(%dma_start3A_104 : memref<10240xf32, #tpu.memory_space<vmem_shared>>) offsets(%arg4 : memref<128xi32, #tpu.memory_space<vmem>>) semaphore(%run_scoped3A : memref<!tpu.dma_semaphore, #tpu.memory_space<semaphore_mem>>) {add = true}
        %dma_wait3A = arith.constant 0 : i32
        %dma_wait3A_105 = tpu.memref_slice %arg6[%dma_wait3A] : memref<10240xf32, #tpu.memory_space<vmem_shared>> -> memref<10240xf32, #tpu.memory_space<vmem_shared>>
        tpu.wait_indirect_dma semaphore(%run_scoped3A : memref<!tpu.dma_semaphore, #tpu.memory_space<semaphore_mem>>) src(%arg5 : memref<128xf32, #tpu.memory_space<vmem>>) dst(%dma_wait3A_105 : memref<10240xf32, #tpu.memory_space<vmem_shared>>)
        tpu.yield
      }) : () -> ()
      %scan3A_103 = arith.constant 0 : i32
      scf.yield %scan3A_103 : i32
    }
    %scan3A_92 = arith.constant 80 : i32
    %barrier3A_93 = arith.constant 0 : index
    tpu.barrier barrier_id(%barrier3A_93)
    %mul3A_94 = arith.constant 640 : i32
    %mul3A_95 = arith.muli %arg1, %mul3A_94 : i32
    "tpu.region"() ({
      %run_scoped3A = tpu.sem_alloc : memref<!tpu.dma_semaphore, #tpu.memory_space<semaphore_mem>>
      %dma_start3A = arith.constant 0 : i32
      %dma_start3A_96 = tpu.memref_slice %arg3[%arg0, %arg1, %dma_start3A] : memref<2x16x640xf32, #tpu.memory_space<hbm>> -> memref<1x1x640xf32, #tpu.memory_space<hbm>>
      %dma_start3A_97 = tpu.memref_squeeze %dma_start3A_96 : memref<1x1x640xf32, #tpu.memory_space<hbm>> -> memref<640xf32, #tpu.memory_space<hbm>>
      %dma_start3A_98 = tpu.memref_slice %arg6[%mul3A_95] : memref<10240xf32, #tpu.memory_space<vmem_shared>> -> memref<640xf32, #tpu.memory_space<vmem_shared>>
      tpu.enqueue_dma source(%dma_start3A_98 : memref<640xf32, #tpu.memory_space<vmem_shared>>) target(%dma_start3A_97 : memref<640xf32, #tpu.memory_space<hbm>>) target_semaphore(%run_scoped3A : memref<!tpu.dma_semaphore, #tpu.memory_space<semaphore_mem>>)
      %dma_wait3A = arith.constant 0 : i32
      %dma_wait3A_99 = tpu.memref_slice %arg3[%arg0, %arg1, %dma_wait3A] : memref<2x16x640xf32, #tpu.memory_space<hbm>> -> memref<1x1x640xf32, #tpu.memory_space<hbm>>
      %dma_wait3A_100 = tpu.memref_squeeze %dma_wait3A_99 : memref<1x1x640xf32, #tpu.memory_space<hbm>> -> memref<640xf32, #tpu.memory_space<hbm>>
      %dma_wait3A_101 = tpu.memref_slice %arg6[%mul3A_95] : memref<10240xf32, #tpu.memory_space<vmem_shared>> -> memref<640xf32, #tpu.memory_space<vmem_shared>>
      tpu.wait_dma2 semaphore(%run_scoped3A : memref<!tpu.dma_semaphore, #tpu.memory_space<semaphore_mem>>) src(%dma_wait3A_101 : memref<640xf32, #tpu.memory_space<vmem_shared>>) dst(%dma_wait3A_100 : memref<640xf32, #tpu.memory_space<hbm>>)
      tpu.yield
    }) : () -> ()
    return
  }
}

#map = affine_map<(d0, d1) -> (0)>
#map1 = affine_map<(d0, d1) -> (0, 0)>
#map2 = affine_map<(d0, d1) -> (0, 0, 0, 0)>
module attributes {stable_mosaic.version = 14 : i64} {
  func.func @_sc_spmm(%arg0: i32, %arg1: i32, %arg2: memref<327680xi32, #tpu.memory_space<hbm>>, %arg3: memref<327680xi32, #tpu.memory_space<hbm>>, %arg4: memref<10240x128xf32, #tpu.memory_space<hbm>>, %arg5: memref<2x16x640x128xf32, #tpu.memory_space<hbm>>, %arg6: memref<2x128xi32, #tpu.memory_space<vmem>>, %arg7: memref<2x128xi32, #tpu.memory_space<vmem>>, %arg8: memref<2x128x128xf32, #tpu.memory_space<vmem>>, %arg9: memref<10240x128xf32, #tpu.memory_space<vmem_shared>>, %arg10: memref<!tpu.dma_semaphore, #tpu.memory_space<semaphore_mem>>) attributes {dimension_semantics = [#tpu.dimension_semantics<core_parallel>, #tpu.dimension_semantics<subcore_parallel>], iteration_bounds = array<i64: 2, 16>, scalar_prefetch = 0 : i64, scratch_operands = 5 : i64, tpu.core_type = #tpu.core_type<sc_vector_subcore>, window_params = [{transform_indices = #map}, {transform_indices = #map}, {transform_indices = #map1}, {transform_indices = #map2}]} {
    %mul3A = arith.constant 16 : i32
    %mul3A_0 = arith.muli %arg0, %mul3A : i32
    %add3A = arith.addi %mul3A_0, %arg1 : i32
    %eq3A = arith.constant 0 : i32
    %eq3A_1 = arith.cmpi eq, %arg0, %eq3A : i32
    %convert_element_type3A = arith.extui %eq3A_1 : i1 to i32
    %cond3A = arith.constant 0 : i32
    %cond3A_2 = arith.cmpi ne, %convert_element_type3A, %cond3A : i32
    scf.if %cond3A_2 {
      %mul3A_55 = arith.constant 640 : i32
      %mul3A_56 = arith.muli %arg1, %mul3A_55 : i32
      %mul3A_57 = arith.constant 640 : i32
      %mul3A_58 = arith.muli %arg1, %mul3A_57 : i32
      "tpu.region"() ({
        %run_scoped3A_59 = tpu.sem_alloc : memref<!tpu.dma_semaphore, #tpu.memory_space<semaphore_mem>>
        %dma_start3A_60 = arith.constant 0 : i32
        %dma_start3A_61 = tpu.memref_slice %arg9[%mul3A_58, %dma_start3A_60] : memref<10240x128xf32, #tpu.memory_space<vmem_shared>> -> memref<640x128xf32, #tpu.memory_space<vmem_shared>>
        %dma_start3A_62 = arith.constant 0 : i32
        %dma_start3A_63 = tpu.memref_slice %arg4[%mul3A_56, %dma_start3A_62] : memref<10240x128xf32, #tpu.memory_space<hbm>> -> memref<640x128xf32, #tpu.memory_space<hbm>>
        tpu.enqueue_dma source(%dma_start3A_63 : memref<640x128xf32, #tpu.memory_space<hbm>>) target(%dma_start3A_61 : memref<640x128xf32, #tpu.memory_space<vmem_shared>>) target_semaphore(%run_scoped3A_59 : memref<!tpu.dma_semaphore, #tpu.memory_space<semaphore_mem>>)
        %dma_wait3A = arith.constant 0 : i32
        %dma_wait3A_64 = tpu.memref_slice %arg9[%mul3A_58, %dma_wait3A] : memref<10240x128xf32, #tpu.memory_space<vmem_shared>> -> memref<640x128xf32, #tpu.memory_space<vmem_shared>>
        %dma_wait3A_65 = arith.constant 0 : i32
        %dma_wait3A_66 = tpu.memref_slice %arg4[%mul3A_56, %dma_wait3A_65] : memref<10240x128xf32, #tpu.memory_space<hbm>> -> memref<640x128xf32, #tpu.memory_space<hbm>>
        tpu.wait_dma2 semaphore(%run_scoped3A_59 : memref<!tpu.dma_semaphore, #tpu.memory_space<semaphore_mem>>) src(%dma_wait3A_66 : memref<640x128xf32, #tpu.memory_space<hbm>>) dst(%dma_wait3A_64 : memref<640x128xf32, #tpu.memory_space<vmem_shared>>)
        tpu.yield
      }) : () -> ()
    } else {
    }
    %eq3A_3 = arith.constant 1 : i32
    %eq3A_4 = arith.cmpi eq, %arg0, %eq3A_3 : i32
    %convert_element_type3A_5 = arith.extui %eq3A_4 : i1 to i32
    %cond3A_6 = arith.constant 0 : i32
    %cond3A_7 = arith.cmpi ne, %convert_element_type3A_5, %cond3A_6 : i32
    scf.if %cond3A_7 {
      %broadcast_in_dim3A = arith.constant 0.000000e+00 : f32
      %broadcast_in_dim3A_55 = vector.broadcast %broadcast_in_dim3A : f32 to vector<16xf32>
      %scan3A_56 = arith.constant 0 : i32
      %scan3A_57 = arith.constant 0 : i32
      %scan3A_58 = arith.constant 0 : i32
      %scan3A_59 = arith.constant 128 : i32
      %scan3A_60 = arith.addi %scan3A_58, %scan3A_59 : i32
      %scan3A_61 = arith.constant 1 : i32
      %scan3A_62 = scf.for %scan3A_89 = %scan3A_58 to %scan3A_60 step %scan3A_61 iter_args(%scan3A_90 = %scan3A_57) -> (i32)  : i32 {
        %swap3A = arith.constant 0 : i32
        %swap3A_91 = arith.constant 0 : i32
        %swap3A_92 = tpu.memref_slice %arg8[%scan3A_56, %swap3A, %swap3A_91] : memref<2x128x128xf32, #tpu.memory_space<vmem>> -> memref<1x128x128xf32, #tpu.memory_space<vmem>>
        %swap3A_93 = tpu.memref_squeeze %swap3A_92 : memref<1x128x128xf32, #tpu.memory_space<vmem>> -> memref<128x128xf32, #tpu.memory_space<vmem>>
        %swap3A_94 = arith.index_cast %scan3A_89 : i32 to index
        %swap3A_95 = arith.constant 0 : index
        %swap3A_96 = tpu.vector_load %swap3A_93[%swap3A_94, %swap3A_95] {strides = array<i32>} : memref<128x128xf32, #tpu.memory_space<vmem>>, vector<1x16xf32>,
        %swap3A_97 = vector.shape_cast %swap3A_96 : vector<1x16xf32> to vector<16xf32>
        %swap3A_98 = vector.shape_cast %broadcast_in_dim3A_55 : vector<16xf32> to vector<1x16xf32>
        tpu.vector_store %swap3A_93[%swap3A_94, %swap3A_95], %swap3A_98 {strides = array<i32>} : memref<128x128xf32, #tpu.memory_space<vmem>>, vector<1x16xf32>,
        %swap3A_99 = arith.constant 0 : i32
        %swap3A_100 = arith.constant 0 : i32
        %swap3A_101 = tpu.memref_slice %arg8[%scan3A_56, %swap3A_99, %swap3A_100] : memref<2x128x128xf32, #tpu.memory_space<vmem>> -> memref<1x128x128xf32, #tpu.memory_space<vmem>>
        %swap3A_102 = tpu.memref_squeeze %swap3A_101 : memref<1x128x128xf32, #tpu.memory_space<vmem>> -> memref<128x128xf32, #tpu.memory_space<vmem>>
        %swap3A_103 = arith.index_cast %scan3A_89 : i32 to index
        %swap3A_104 = arith.constant 16 : index
        %swap3A_105 = tpu.vector_load %swap3A_102[%swap3A_103, %swap3A_104] {strides = array<i32>} : memref<128x128xf32, #tpu.memory_space<vmem>>, vector<1x16xf32>,
        %swap3A_106 = vector.shape_cast %swap3A_105 : vector<1x16xf32> to vector<16xf32>
        %swap3A_107 = vector.shape_cast %broadcast_in_dim3A_55 : vector<16xf32> to vector<1x16xf32>
        tpu.vector_store %swap3A_102[%swap3A_103, %swap3A_104], %swap3A_107 {strides = array<i32>} : memref<128x128xf32, #tpu.memory_space<vmem>>, vector<1x16xf32>,
        %swap3A_108 = arith.constant 0 : i32
        %swap3A_109 = arith.constant 0 : i32
        %swap3A_110 = tpu.memref_slice %arg8[%scan3A_56, %swap3A_108, %swap3A_109] : memref<2x128x128xf32, #tpu.memory_space<vmem>> -> memref<1x128x128xf32, #tpu.memory_space<vmem>>
        %swap3A_111 = tpu.memref_squeeze %swap3A_110 : memref<1x128x128xf32, #tpu.memory_space<vmem>> -> memref<128x128xf32, #tpu.memory_space<vmem>>
        %swap3A_112 = arith.index_cast %scan3A_89 : i32 to index
        %swap3A_113 = arith.constant 32 : index
        %swap3A_114 = tpu.vector_load %swap3A_111[%swap3A_112, %swap3A_113] {strides = array<i32>} : memref<128x128xf32, #tpu.memory_space<vmem>>, vector<1x16xf32>,
        %swap3A_115 = vector.shape_cast %swap3A_114 : vector<1x16xf32> to vector<16xf32>
        %swap3A_116 = vector.shape_cast %broadcast_in_dim3A_55 : vector<16xf32> to vector<1x16xf32>
        tpu.vector_store %swap3A_111[%swap3A_112, %swap3A_113], %swap3A_116 {strides = array<i32>} : memref<128x128xf32, #tpu.memory_space<vmem>>, vector<1x16xf32>,
        %swap3A_117 = arith.constant 0 : i32
        %swap3A_118 = arith.constant 0 : i32
        %swap3A_119 = tpu.memref_slice %arg8[%scan3A_56, %swap3A_117, %swap3A_118] : memref<2x128x128xf32, #tpu.memory_space<vmem>> -> memref<1x128x128xf32, #tpu.memory_space<vmem>>
        %swap3A_120 = tpu.memref_squeeze %swap3A_119 : memref<1x128x128xf32, #tpu.memory_space<vmem>> -> memref<128x128xf32, #tpu.memory_space<vmem>>
        %swap3A_121 = arith.index_cast %scan3A_89 : i32 to index
        %swap3A_122 = arith.constant 48 : index
        %swap3A_123 = tpu.vector_load %swap3A_120[%swap3A_121, %swap3A_122] {strides = array<i32>} : memref<128x128xf32, #tpu.memory_space<vmem>>, vector<1x16xf32>,
        %swap3A_124 = vector.shape_cast %swap3A_123 : vector<1x16xf32> to vector<16xf32>
        %swap3A_125 = vector.shape_cast %broadcast_in_dim3A_55 : vector<16xf32> to vector<1x16xf32>
        tpu.vector_store %swap3A_120[%swap3A_121, %swap3A_122], %swap3A_125 {strides = array<i32>} : memref<128x128xf32, #tpu.memory_space<vmem>>, vector<1x16xf32>,
        %swap3A_126 = arith.constant 0 : i32
        %swap3A_127 = arith.constant 0 : i32
        %swap3A_128 = tpu.memref_slice %arg8[%scan3A_56, %swap3A_126, %swap3A_127] : memref<2x128x128xf32, #tpu.memory_space<vmem>> -> memref<1x128x128xf32, #tpu.memory_space<vmem>>
        %swap3A_129 = tpu.memref_squeeze %swap3A_128 : memref<1x128x128xf32, #tpu.memory_space<vmem>> -> memref<128x128xf32, #tpu.memory_space<vmem>>
        %swap3A_130 = arith.index_cast %scan3A_89 : i32 to index
        %swap3A_131 = arith.constant 64 : index
        %swap3A_132 = tpu.vector_load %swap3A_129[%swap3A_130, %swap3A_131] {strides = array<i32>} : memref<128x128xf32, #tpu.memory_space<vmem>>, vector<1x16xf32>,
        %swap3A_133 = vector.shape_cast %swap3A_132 : vector<1x16xf32> to vector<16xf32>
        %swap3A_134 = vector.shape_cast %broadcast_in_dim3A_55 : vector<16xf32> to vector<1x16xf32>
        tpu.vector_store %swap3A_129[%swap3A_130, %swap3A_131], %swap3A_134 {strides = array<i32>} : memref<128x128xf32, #tpu.memory_space<vmem>>, vector<1x16xf32>,
        %swap3A_135 = arith.constant 0 : i32
        %swap3A_136 = arith.constant 0 : i32
        %swap3A_137 = tpu.memref_slice %arg8[%scan3A_56, %swap3A_135, %swap3A_136] : memref<2x128x128xf32, #tpu.memory_space<vmem>> -> memref<1x128x128xf32, #tpu.memory_space<vmem>>
        %swap3A_138 = tpu.memref_squeeze %swap3A_137 : memref<1x128x128xf32, #tpu.memory_space<vmem>> -> memref<128x128xf32, #tpu.memory_space<vmem>>
        %swap3A_139 = arith.index_cast %scan3A_89 : i32 to index
        %swap3A_140 = arith.constant 80 : index
        %swap3A_141 = tpu.vector_load %swap3A_138[%swap3A_139, %swap3A_140] {strides = array<i32>} : memref<128x128xf32, #tpu.memory_space<vmem>>, vector<1x16xf32>,
        %swap3A_142 = vector.shape_cast %swap3A_141 : vector<1x16xf32> to vector<16xf32>
        %swap3A_143 = vector.shape_cast %broadcast_in_dim3A_55 : vector<16xf32> to vector<1x16xf32>
        tpu.vector_store %swap3A_138[%swap3A_139, %swap3A_140], %swap3A_143 {strides = array<i32>} : memref<128x128xf32, #tpu.memory_space<vmem>>, vector<1x16xf32>,
        %swap3A_144 = arith.constant 0 : i32
        %swap3A_145 = arith.constant 0 : i32
        %swap3A_146 = tpu.memref_slice %arg8[%scan3A_56, %swap3A_144, %swap3A_145] : memref<2x128x128xf32, #tpu.memory_space<vmem>> -> memref<1x128x128xf32, #tpu.memory_space<vmem>>
        %swap3A_147 = tpu.memref_squeeze %swap3A_146 : memref<1x128x128xf32, #tpu.memory_space<vmem>> -> memref<128x128xf32, #tpu.memory_space<vmem>>
        %swap3A_148 = arith.index_cast %scan3A_89 : i32 to index
        %swap3A_149 = arith.constant 96 : index
        %swap3A_150 = tpu.vector_load %swap3A_147[%swap3A_148, %swap3A_149] {strides = array<i32>} : memref<128x128xf32, #tpu.memory_space<vmem>>, vector<1x16xf32>,
        %swap3A_151 = vector.shape_cast %swap3A_150 : vector<1x16xf32> to vector<16xf32>
        %swap3A_152 = vector.shape_cast %broadcast_in_dim3A_55 : vector<16xf32> to vector<1x16xf32>
        tpu.vector_store %swap3A_147[%swap3A_148, %swap3A_149], %swap3A_152 {strides = array<i32>} : memref<128x128xf32, #tpu.memory_space<vmem>>, vector<1x16xf32>,
        %swap3A_153 = arith.constant 0 : i32
        %swap3A_154 = arith.constant 0 : i32
        %swap3A_155 = tpu.memref_slice %arg8[%scan3A_56, %swap3A_153, %swap3A_154] : memref<2x128x128xf32, #tpu.memory_space<vmem>> -> memref<1x128x128xf32, #tpu.memory_space<vmem>>
        %swap3A_156 = tpu.memref_squeeze %swap3A_155 : memref<1x128x128xf32, #tpu.memory_space<vmem>> -> memref<128x128xf32, #tpu.memory_space<vmem>>
        %swap3A_157 = arith.index_cast %scan3A_89 : i32 to index
        %swap3A_158 = arith.constant 112 : index
        %swap3A_159 = tpu.vector_load %swap3A_156[%swap3A_157, %swap3A_158] {strides = array<i32>} : memref<128x128xf32, #tpu.memory_space<vmem>>, vector<1x16xf32>,
        %swap3A_160 = vector.shape_cast %swap3A_159 : vector<1x16xf32> to vector<16xf32>
        %swap3A_161 = vector.shape_cast %broadcast_in_dim3A_55 : vector<16xf32> to vector<1x16xf32>
        tpu.vector_store %swap3A_156[%swap3A_157, %swap3A_158], %swap3A_161 {strides = array<i32>} : memref<128x128xf32, #tpu.memory_space<vmem>>, vector<1x16xf32>,
        %scan3A_162 = arith.constant 0 : i32
        scf.yield %scan3A_162 : i32
      }
      %scan3A_63 = arith.constant 128 : i32
      %mul3A_64 = arith.constant 640 : i32
      %mul3A_65 = arith.muli %arg1, %mul3A_64 : i32
      %add3A_66 = arith.constant 0 : i32
      %add3A_67 = arith.addi %mul3A_65, %add3A_66 : i32
      %run_scoped3A_68 = arith.constant 0 : i32
      "tpu.region"() ({
        %run_scoped3A_89 = tpu.sem_alloc : memref<!tpu.dma_semaphore, #tpu.memory_space<semaphore_mem>>
        %dma_start3A_90 = arith.constant 0 : i32
        %dma_start3A_91 = arith.constant 0 : i32
        %dma_start3A_92 = tpu.memref_slice %arg8[%run_scoped3A_68, %dma_start3A_90, %dma_start3A_91] : memref<2x128x128xf32, #tpu.memory_space<vmem>> -> memref<1x128x128xf32, #tpu.memory_space<vmem>>
        %dma_start3A_93 = tpu.memref_squeeze %dma_start3A_92 : memref<1x128x128xf32, #tpu.memory_space<vmem>> -> memref<128x128xf32, #tpu.memory_space<vmem>>
        %dma_start3A_94 = arith.constant 0 : i32
        %dma_start3A_95 = tpu.memref_slice %arg9[%add3A_67, %dma_start3A_94] : memref<10240x128xf32, #tpu.memory_space<vmem_shared>> -> memref<128x128xf32, #tpu.memory_space<vmem_shared>>
        %dma_start3A_96 = arith.constant 0 : i32
        %dma_start3A_97 = tpu.memref_slice %arg9[%add3A_67, %dma_start3A_96] : memref<10240x128xf32, #tpu.memory_space<vmem_shared>> -> memref<128x128xf32, #tpu.memory_space<vmem_shared>>
        %dma_start3A_98 = arith.constant 0 : i32
        %dma_start3A_99 = arith.constant 0 : i32
        %dma_start3A_100 = tpu.memref_slice %arg8[%run_scoped3A_68, %dma_start3A_98, %dma_start3A_99] : memref<2x128x128xf32, #tpu.memory_space<vmem>> -> memref<1x128x128xf32, #tpu.memory_space<vmem>>
        %dma_start3A_101 = tpu.memref_squeeze %dma_start3A_100 : memref<1x128x128xf32, #tpu.memory_space<vmem>> -> memref<128x128xf32, #tpu.memory_space<vmem>>
        tpu.enqueue_dma source(%dma_start3A_101 : memref<128x128xf32, #tpu.memory_space<vmem>>) target(%dma_start3A_97 : memref<128x128xf32, #tpu.memory_space<vmem_shared>>) target_semaphore(%run_scoped3A_89 : memref<!tpu.dma_semaphore, #tpu.memory_space<semaphore_mem>>)
        %dma_wait3A = arith.constant 0 : i32
        %dma_wait3A_102 = arith.constant 0 : i32
        %dma_wait3A_103 = tpu.memref_slice %arg8[%run_scoped3A_68, %dma_wait3A, %dma_wait3A_102] : memref<2x128x128xf32, #tpu.memory_space<vmem>> -> memref<1x128x128xf32, #tpu.memory_space<vmem>>
        %dma_wait3A_104 = tpu.memref_squeeze %dma_wait3A_103 : memref<1x128x128xf32, #tpu.memory_space<vmem>> -> memref<128x128xf32, #tpu.memory_space<vmem>>
        %dma_wait3A_105 = arith.constant 0 : i32
        %dma_wait3A_106 = tpu.memref_slice %arg9[%add3A_67, %dma_wait3A_105] : memref<10240x128xf32, #tpu.memory_space<vmem_shared>> -> memref<128x128xf32, #tpu.memory_space<vmem_shared>>
        %dma_wait3A_107 = arith.constant 0 : i32
        %dma_wait3A_108 = tpu.memref_slice %arg9[%add3A_67, %dma_wait3A_107] : memref<10240x128xf32, #tpu.memory_space<vmem_shared>> -> memref<128x128xf32, #tpu.memory_space<vmem_shared>>
        %dma_wait3A_109 = arith.constant 0 : i32
        %dma_wait3A_110 = arith.constant 0 : i32
        %dma_wait3A_111 = tpu.memref_slice %arg8[%run_scoped3A_68, %dma_wait3A_109, %dma_wait3A_110] : memref<2x128x128xf32, #tpu.memory_space<vmem>> -> memref<1x128x128xf32, #tpu.memory_space<vmem>>
        %dma_wait3A_112 = tpu.memref_squeeze %dma_wait3A_111 : memref<1x128x128xf32, #tpu.memory_space<vmem>> -> memref<128x128xf32, #tpu.memory_space<vmem>>
        tpu.wait_dma2 semaphore(%run_scoped3A_89 : memref<!tpu.dma_semaphore, #tpu.memory_space<semaphore_mem>>) src(%dma_wait3A_112 : memref<128x128xf32, #tpu.memory_space<vmem>>) dst(%dma_wait3A_108 : memref<128x128xf32, #tpu.memory_space<vmem_shared>>)
        tpu.yield
      }) : () -> ()
      %mul3A_69 = arith.constant 640 : i32
      %mul3A_70 = arith.muli %arg1, %mul3A_69 : i32
      %add3A_71 = arith.constant 128 : i32
      %add3A_72 = arith.addi %mul3A_70, %add3A_71 : i32
      %run_scoped3A_73 = arith.constant 0 : i32
      "tpu.region"() ({
        %run_scoped3A_89 = tpu.sem_alloc : memref<!tpu.dma_semaphore, #tpu.memory_space<semaphore_mem>>
        %dma_start3A_90 = arith.constant 0 : i32
        %dma_start3A_91 = arith.constant 0 : i32
        %dma_start3A_92 = tpu.memref_slice %arg8[%run_scoped3A_73, %dma_start3A_90, %dma_start3A_91] : memref<2x128x128xf32, #tpu.memory_space<vmem>> -> memref<1x128x128xf32, #tpu.memory_space<vmem>>
        %dma_start3A_93 = tpu.memref_squeeze %dma_start3A_92 : memref<1x128x128xf32, #tpu.memory_space<vmem>> -> memref<128x128xf32, #tpu.memory_space<vmem>>
        %dma_start3A_94 = arith.constant 0 : i32
        %dma_start3A_95 = tpu.memref_slice %arg9[%add3A_72, %dma_start3A_94] : memref<10240x128xf32, #tpu.memory_space<vmem_shared>> -> memref<128x128xf32, #tpu.memory_space<vmem_shared>>
        %dma_start3A_96 = arith.constant 0 : i32
        %dma_start3A_97 = tpu.memref_slice %arg9[%add3A_72, %dma_start3A_96] : memref<10240x128xf32, #tpu.memory_space<vmem_shared>> -> memref<128x128xf32, #tpu.memory_space<vmem_shared>>
        %dma_start3A_98 = arith.constant 0 : i32
        %dma_start3A_99 = arith.constant 0 : i32
        %dma_start3A_100 = tpu.memref_slice %arg8[%run_scoped3A_73, %dma_start3A_98, %dma_start3A_99] : memref<2x128x128xf32, #tpu.memory_space<vmem>> -> memref<1x128x128xf32, #tpu.memory_space<vmem>>
        %dma_start3A_101 = tpu.memref_squeeze %dma_start3A_100 : memref<1x128x128xf32, #tpu.memory_space<vmem>> -> memref<128x128xf32, #tpu.memory_space<vmem>>
        tpu.enqueue_dma source(%dma_start3A_101 : memref<128x128xf32, #tpu.memory_space<vmem>>) target(%dma_start3A_97 : memref<128x128xf32, #tpu.memory_space<vmem_shared>>) target_semaphore(%run_scoped3A_89 : memref<!tpu.dma_semaphore, #tpu.memory_space<semaphore_mem>>)
        %dma_wait3A = arith.constant 0 : i32
        %dma_wait3A_102 = arith.constant 0 : i32
        %dma_wait3A_103 = tpu.memref_slice %arg8[%run_scoped3A_73, %dma_wait3A, %dma_wait3A_102] : memref<2x128x128xf32, #tpu.memory_space<vmem>> -> memref<1x128x128xf32, #tpu.memory_space<vmem>>
        %dma_wait3A_104 = tpu.memref_squeeze %dma_wait3A_103 : memref<1x128x128xf32, #tpu.memory_space<vmem>> -> memref<128x128xf32, #tpu.memory_space<vmem>>
        %dma_wait3A_105 = arith.constant 0 : i32
        %dma_wait3A_106 = tpu.memref_slice %arg9[%add3A_72, %dma_wait3A_105] : memref<10240x128xf32, #tpu.memory_space<vmem_shared>> -> memref<128x128xf32, #tpu.memory_space<vmem_shared>>
        %dma_wait3A_107 = arith.constant 0 : i32
        %dma_wait3A_108 = tpu.memref_slice %arg9[%add3A_72, %dma_wait3A_107] : memref<10240x128xf32, #tpu.memory_space<vmem_shared>> -> memref<128x128xf32, #tpu.memory_space<vmem_shared>>
        %dma_wait3A_109 = arith.constant 0 : i32
        %dma_wait3A_110 = arith.constant 0 : i32
        %dma_wait3A_111 = tpu.memref_slice %arg8[%run_scoped3A_73, %dma_wait3A_109, %dma_wait3A_110] : memref<2x128x128xf32, #tpu.memory_space<vmem>> -> memref<1x128x128xf32, #tpu.memory_space<vmem>>
        %dma_wait3A_112 = tpu.memref_squeeze %dma_wait3A_111 : memref<1x128x128xf32, #tpu.memory_space<vmem>> -> memref<128x128xf32, #tpu.memory_space<vmem>>
        tpu.wait_dma2 semaphore(%run_scoped3A_89 : memref<!tpu.dma_semaphore, #tpu.memory_space<semaphore_mem>>) src(%dma_wait3A_112 : memref<128x128xf32, #tpu.memory_space<vmem>>) dst(%dma_wait3A_108 : memref<128x128xf32, #tpu.memory_space<vmem_shared>>)
        tpu.yield
      }) : () -> ()
      %mul3A_74 = arith.constant 640 : i32
      %mul3A_75 = arith.muli %arg1, %mul3A_74 : i32
      %add3A_76 = arith.constant 256 : i32
      %add3A_77 = arith.addi %mul3A_75, %add3A_76 : i32
      %run_scoped3A_78 = arith.constant 0 : i32
      "tpu.region"() ({
        %run_scoped3A_89 = tpu.sem_alloc : memref<!tpu.dma_semaphore, #tpu.memory_space<semaphore_mem>>
        %dma_start3A_90 = arith.constant 0 : i32
        %dma_start3A_91 = arith.constant 0 : i32
        %dma_start3A_92 = tpu.memref_slice %arg8[%run_scoped3A_78, %dma_start3A_90, %dma_start3A_91] : memref<2x128x128xf32, #tpu.memory_space<vmem>> -> memref<1x128x128xf32, #tpu.memory_space<vmem>>
        %dma_start3A_93 = tpu.memref_squeeze %dma_start3A_92 : memref<1x128x128xf32, #tpu.memory_space<vmem>> -> memref<128x128xf32, #tpu.memory_space<vmem>>
        %dma_start3A_94 = arith.constant 0 : i32
        %dma_start3A_95 = tpu.memref_slice %arg9[%add3A_77, %dma_start3A_94] : memref<10240x128xf32, #tpu.memory_space<vmem_shared>> -> memref<128x128xf32, #tpu.memory_space<vmem_shared>>
        %dma_start3A_96 = arith.constant 0 : i32
        %dma_start3A_97 = tpu.memref_slice %arg9[%add3A_77, %dma_start3A_96] : memref<10240x128xf32, #tpu.memory_space<vmem_shared>> -> memref<128x128xf32, #tpu.memory_space<vmem_shared>>
        %dma_start3A_98 = arith.constant 0 : i32
        %dma_start3A_99 = arith.constant 0 : i32
        %dma_start3A_100 = tpu.memref_slice %arg8[%run_scoped3A_78, %dma_start3A_98, %dma_start3A_99] : memref<2x128x128xf32, #tpu.memory_space<vmem>> -> memref<1x128x128xf32, #tpu.memory_space<vmem>>
        %dma_start3A_101 = tpu.memref_squeeze %dma_start3A_100 : memref<1x128x128xf32, #tpu.memory_space<vmem>> -> memref<128x128xf32, #tpu.memory_space<vmem>>
        tpu.enqueue_dma source(%dma_start3A_101 : memref<128x128xf32, #tpu.memory_space<vmem>>) target(%dma_start3A_97 : memref<128x128xf32, #tpu.memory_space<vmem_shared>>) target_semaphore(%run_scoped3A_89 : memref<!tpu.dma_semaphore, #tpu.memory_space<semaphore_mem>>)
        %dma_wait3A = arith.constant 0 : i32
        %dma_wait3A_102 = arith.constant 0 : i32
        %dma_wait3A_103 = tpu.memref_slice %arg8[%run_scoped3A_78, %dma_wait3A, %dma_wait3A_102] : memref<2x128x128xf32, #tpu.memory_space<vmem>> -> memref<1x128x128xf32, #tpu.memory_space<vmem>>
        %dma_wait3A_104 = tpu.memref_squeeze %dma_wait3A_103 : memref<1x128x128xf32, #tpu.memory_space<vmem>> -> memref<128x128xf32, #tpu.memory_space<vmem>>
        %dma_wait3A_105 = arith.constant 0 : i32
        %dma_wait3A_106 = tpu.memref_slice %arg9[%add3A_77, %dma_wait3A_105] : memref<10240x128xf32, #tpu.memory_space<vmem_shared>> -> memref<128x128xf32, #tpu.memory_space<vmem_shared>>
        %dma_wait3A_107 = arith.constant 0 : i32
        %dma_wait3A_108 = tpu.memref_slice %arg9[%add3A_77, %dma_wait3A_107] : memref<10240x128xf32, #tpu.memory_space<vmem_shared>> -> memref<128x128xf32, #tpu.memory_space<vmem_shared>>
        %dma_wait3A_109 = arith.constant 0 : i32
        %dma_wait3A_110 = arith.constant 0 : i32
        %dma_wait3A_111 = tpu.memref_slice %arg8[%run_scoped3A_78, %dma_wait3A_109, %dma_wait3A_110] : memref<2x128x128xf32, #tpu.memory_space<vmem>> -> memref<1x128x128xf32, #tpu.memory_space<vmem>>
        %dma_wait3A_112 = tpu.memref_squeeze %dma_wait3A_111 : memref<1x128x128xf32, #tpu.memory_space<vmem>> -> memref<128x128xf32, #tpu.memory_space<vmem>>
        tpu.wait_dma2 semaphore(%run_scoped3A_89 : memref<!tpu.dma_semaphore, #tpu.memory_space<semaphore_mem>>) src(%dma_wait3A_112 : memref<128x128xf32, #tpu.memory_space<vmem>>) dst(%dma_wait3A_108 : memref<128x128xf32, #tpu.memory_space<vmem_shared>>)
        tpu.yield
      }) : () -> ()
      %mul3A_79 = arith.constant 640 : i32
      %mul3A_80 = arith.muli %arg1, %mul3A_79 : i32
      %add3A_81 = arith.constant 384 : i32
      %add3A_82 = arith.addi %mul3A_80, %add3A_81 : i32
      %run_scoped3A_83 = arith.constant 0 : i32
      "tpu.region"() ({
        %run_scoped3A_89 = tpu.sem_alloc : memref<!tpu.dma_semaphore, #tpu.memory_space<semaphore_mem>>
        %dma_start3A_90 = arith.constant 0 : i32
        %dma_start3A_91 = arith.constant 0 : i32
        %dma_start3A_92 = tpu.memref_slice %arg8[%run_scoped3A_83, %dma_start3A_90, %dma_start3A_91] : memref<2x128x128xf32, #tpu.memory_space<vmem>> -> memref<1x128x128xf32, #tpu.memory_space<vmem>>
        %dma_start3A_93 = tpu.memref_squeeze %dma_start3A_92 : memref<1x128x128xf32, #tpu.memory_space<vmem>> -> memref<128x128xf32, #tpu.memory_space<vmem>>
        %dma_start3A_94 = arith.constant 0 : i32
        %dma_start3A_95 = tpu.memref_slice %arg9[%add3A_82, %dma_start3A_94] : memref<10240x128xf32, #tpu.memory_space<vmem_shared>> -> memref<128x128xf32, #tpu.memory_space<vmem_shared>>
        %dma_start3A_96 = arith.constant 0 : i32
        %dma_start3A_97 = tpu.memref_slice %arg9[%add3A_82, %dma_start3A_96] : memref<10240x128xf32, #tpu.memory_space<vmem_shared>> -> memref<128x128xf32, #tpu.memory_space<vmem_shared>>
        %dma_start3A_98 = arith.constant 0 : i32
        %dma_start3A_99 = arith.constant 0 : i32
        %dma_start3A_100 = tpu.memref_slice %arg8[%run_scoped3A_83, %dma_start3A_98, %dma_start3A_99] : memref<2x128x128xf32, #tpu.memory_space<vmem>> -> memref<1x128x128xf32, #tpu.memory_space<vmem>>
        %dma_start3A_101 = tpu.memref_squeeze %dma_start3A_100 : memref<1x128x128xf32, #tpu.memory_space<vmem>> -> memref<128x128xf32, #tpu.memory_space<vmem>>
        tpu.enqueue_dma source(%dma_start3A_101 : memref<128x128xf32, #tpu.memory_space<vmem>>) target(%dma_start3A_97 : memref<128x128xf32, #tpu.memory_space<vmem_shared>>) target_semaphore(%run_scoped3A_89 : memref<!tpu.dma_semaphore, #tpu.memory_space<semaphore_mem>>)
        %dma_wait3A = arith.constant 0 : i32
        %dma_wait3A_102 = arith.constant 0 : i32
        %dma_wait3A_103 = tpu.memref_slice %arg8[%run_scoped3A_83, %dma_wait3A, %dma_wait3A_102] : memref<2x128x128xf32, #tpu.memory_space<vmem>> -> memref<1x128x128xf32, #tpu.memory_space<vmem>>
        %dma_wait3A_104 = tpu.memref_squeeze %dma_wait3A_103 : memref<1x128x128xf32, #tpu.memory_space<vmem>> -> memref<128x128xf32, #tpu.memory_space<vmem>>
        %dma_wait3A_105 = arith.constant 0 : i32
        %dma_wait3A_106 = tpu.memref_slice %arg9[%add3A_82, %dma_wait3A_105] : memref<10240x128xf32, #tpu.memory_space<vmem_shared>> -> memref<128x128xf32, #tpu.memory_space<vmem_shared>>
        %dma_wait3A_107 = arith.constant 0 : i32
        %dma_wait3A_108 = tpu.memref_slice %arg9[%add3A_82, %dma_wait3A_107] : memref<10240x128xf32, #tpu.memory_space<vmem_shared>> -> memref<128x128xf32, #tpu.memory_space<vmem_shared>>
        %dma_wait3A_109 = arith.constant 0 : i32
        %dma_wait3A_110 = arith.constant 0 : i32
        %dma_wait3A_111 = tpu.memref_slice %arg8[%run_scoped3A_83, %dma_wait3A_109, %dma_wait3A_110] : memref<2x128x128xf32, #tpu.memory_space<vmem>> -> memref<1x128x128xf32, #tpu.memory_space<vmem>>
        %dma_wait3A_112 = tpu.memref_squeeze %dma_wait3A_111 : memref<1x128x128xf32, #tpu.memory_space<vmem>> -> memref<128x128xf32, #tpu.memory_space<vmem>>
        tpu.wait_dma2 semaphore(%run_scoped3A_89 : memref<!tpu.dma_semaphore, #tpu.memory_space<semaphore_mem>>) src(%dma_wait3A_112 : memref<128x128xf32, #tpu.memory_space<vmem>>) dst(%dma_wait3A_108 : memref<128x128xf32, #tpu.memory_space<vmem_shared>>)
        tpu.yield
      }) : () -> ()
      %mul3A_84 = arith.constant 640 : i32
      %mul3A_85 = arith.muli %arg1, %mul3A_84 : i32
      %add3A_86 = arith.constant 512 : i32
      %add3A_87 = arith.addi %mul3A_85, %add3A_86 : i32
      %run_scoped3A_88 = arith.constant 0 : i32
      "tpu.region"() ({
        %run_scoped3A_89 = tpu.sem_alloc : memref<!tpu.dma_semaphore, #tpu.memory_space<semaphore_mem>>
        %dma_start3A_90 = arith.constant 0 : i32
        %dma_start3A_91 = arith.constant 0 : i32
        %dma_start3A_92 = tpu.memref_slice %arg8[%run_scoped3A_88, %dma_start3A_90, %dma_start3A_91] : memref<2x128x128xf32, #tpu.memory_space<vmem>> -> memref<1x128x128xf32, #tpu.memory_space<vmem>>
        %dma_start3A_93 = tpu.memref_squeeze %dma_start3A_92 : memref<1x128x128xf32, #tpu.memory_space<vmem>> -> memref<128x128xf32, #tpu.memory_space<vmem>>
        %dma_start3A_94 = arith.constant 0 : i32
        %dma_start3A_95 = tpu.memref_slice %arg9[%add3A_87, %dma_start3A_94] : memref<10240x128xf32, #tpu.memory_space<vmem_shared>> -> memref<128x128xf32, #tpu.memory_space<vmem_shared>>
        %dma_start3A_96 = arith.constant 0 : i32
        %dma_start3A_97 = tpu.memref_slice %arg9[%add3A_87, %dma_start3A_96] : memref<10240x128xf32, #tpu.memory_space<vmem_shared>> -> memref<128x128xf32, #tpu.memory_space<vmem_shared>>
        %dma_start3A_98 = arith.constant 0 : i32
        %dma_start3A_99 = arith.constant 0 : i32
        %dma_start3A_100 = tpu.memref_slice %arg8[%run_scoped3A_88, %dma_start3A_98, %dma_start3A_99] : memref<2x128x128xf32, #tpu.memory_space<vmem>> -> memref<1x128x128xf32, #tpu.memory_space<vmem>>
        %dma_start3A_101 = tpu.memref_squeeze %dma_start3A_100 : memref<1x128x128xf32, #tpu.memory_space<vmem>> -> memref<128x128xf32, #tpu.memory_space<vmem>>
        tpu.enqueue_dma source(%dma_start3A_101 : memref<128x128xf32, #tpu.memory_space<vmem>>) target(%dma_start3A_97 : memref<128x128xf32, #tpu.memory_space<vmem_shared>>) target_semaphore(%run_scoped3A_89 : memref<!tpu.dma_semaphore, #tpu.memory_space<semaphore_mem>>)
        %dma_wait3A = arith.constant 0 : i32
        %dma_wait3A_102 = arith.constant 0 : i32
        %dma_wait3A_103 = tpu.memref_slice %arg8[%run_scoped3A_88, %dma_wait3A, %dma_wait3A_102] : memref<2x128x128xf32, #tpu.memory_space<vmem>> -> memref<1x128x128xf32, #tpu.memory_space<vmem>>
        %dma_wait3A_104 = tpu.memref_squeeze %dma_wait3A_103 : memref<1x128x128xf32, #tpu.memory_space<vmem>> -> memref<128x128xf32, #tpu.memory_space<vmem>>
        %dma_wait3A_105 = arith.constant 0 : i32
        %dma_wait3A_106 = tpu.memref_slice %arg9[%add3A_87, %dma_wait3A_105] : memref<10240x128xf32, #tpu.memory_space<vmem_shared>> -> memref<128x128xf32, #tpu.memory_space<vmem_shared>>
        %dma_wait3A_107 = arith.constant 0 : i32
        %dma_wait3A_108 = tpu.memref_slice %arg9[%add3A_87, %dma_wait3A_107] : memref<10240x128xf32, #tpu.memory_space<vmem_shared>> -> memref<128x128xf32, #tpu.memory_space<vmem_shared>>
        %dma_wait3A_109 = arith.constant 0 : i32
        %dma_wait3A_110 = arith.constant 0 : i32
        %dma_wait3A_111 = tpu.memref_slice %arg8[%run_scoped3A_88, %dma_wait3A_109, %dma_wait3A_110] : memref<2x128x128xf32, #tpu.memory_space<vmem>> -> memref<1x128x128xf32, #tpu.memory_space<vmem>>
        %dma_wait3A_112 = tpu.memref_squeeze %dma_wait3A_111 : memref<1x128x128xf32, #tpu.memory_space<vmem>> -> memref<128x128xf32, #tpu.memory_space<vmem>>
        tpu.wait_dma2 semaphore(%run_scoped3A_89 : memref<!tpu.dma_semaphore, #tpu.memory_space<semaphore_mem>>) src(%dma_wait3A_112 : memref<128x128xf32, #tpu.memory_space<vmem>>) dst(%dma_wait3A_108 : memref<128x128xf32, #tpu.memory_space<vmem_shared>>)
        tpu.yield
      }) : () -> ()
    } else {
    }
    %barrier3A = arith.constant 0 : index
    tpu.barrier barrier_id(%barrier3A)
    %mul3A_8 = arith.constant 80 : i32
    %mul3A_9 = arith.muli %add3A, %mul3A_8 : i32
    %add3A_10 = arith.constant 0 : i32
    %add3A_11 = arith.addi %mul3A_9, %add3A_10 : i32
    %mul3A_12 = arith.constant 128 : i32
    %mul3A_13 = arith.muli %add3A_11, %mul3A_12 : i32
    %run_scoped3A = arith.constant 0 : i32
    "tpu.region"() ({
      %run_scoped3A_55 = tpu.sem_alloc : memref<!tpu.dma_semaphore, #tpu.memory_space<semaphore_mem>>
      %dma_start3A_56 = arith.constant 0 : i32
      %dma_start3A_57 = tpu.memref_slice %arg6[%run_scoped3A, %dma_start3A_56] : memref<2x128xi32, #tpu.memory_space<vmem>> -> memref<1x128xi32, #tpu.memory_space<vmem>>
      %dma_start3A_58 = tpu.memref_squeeze %dma_start3A_57 : memref<1x128xi32, #tpu.memory_space<vmem>> -> memref<128xi32, #tpu.memory_space<vmem>>
      %dma_start3A_59 = tpu.memref_slice %arg2[%mul3A_13] : memref<327680xi32, #tpu.memory_space<hbm>> -> memref<128xi32, #tpu.memory_space<hbm>>
      %dma_start3A_60 = arith.constant 0 : i32
      %dma_start3A_61 = tpu.memref_slice %arg6[%run_scoped3A, %dma_start3A_60] : memref<2x128xi32, #tpu.memory_space<vmem>> -> memref<1x128xi32, #tpu.memory_space<vmem>>
      %dma_start3A_62 = tpu.memref_squeeze %dma_start3A_61 : memref<1x128xi32, #tpu.memory_space<vmem>> -> memref<128xi32, #tpu.memory_space<vmem>>
      %dma_start3A_63 = tpu.memref_slice %arg2[%mul3A_13] : memref<327680xi32, #tpu.memory_space<hbm>> -> memref<128xi32, #tpu.memory_space<hbm>>
      tpu.enqueue_dma source(%dma_start3A_63 : memref<128xi32, #tpu.memory_space<hbm>>) target(%dma_start3A_62 : memref<128xi32, #tpu.memory_space<vmem>>) target_semaphore(%run_scoped3A_55 : memref<!tpu.dma_semaphore, #tpu.memory_space<semaphore_mem>>)
      %dma_wait3A = arith.constant 0 : i32
      %dma_wait3A_64 = tpu.memref_slice %arg6[%run_scoped3A, %dma_wait3A] : memref<2x128xi32, #tpu.memory_space<vmem>> -> memref<1x128xi32, #tpu.memory_space<vmem>>
      %dma_wait3A_65 = tpu.memref_squeeze %dma_wait3A_64 : memref<1x128xi32, #tpu.memory_space<vmem>> -> memref<128xi32, #tpu.memory_space<vmem>>
      %dma_wait3A_66 = tpu.memref_slice %arg2[%mul3A_13] : memref<327680xi32, #tpu.memory_space<hbm>> -> memref<128xi32, #tpu.memory_space<hbm>>
      %dma_wait3A_67 = arith.constant 0 : i32
      %dma_wait3A_68 = tpu.memref_slice %arg6[%run_scoped3A, %dma_wait3A_67] : memref<2x128xi32, #tpu.memory_space<vmem>> -> memref<1x128xi32, #tpu.memory_space<vmem>>
      %dma_wait3A_69 = tpu.memref_squeeze %dma_wait3A_68 : memref<1x128xi32, #tpu.memory_space<vmem>> -> memref<128xi32, #tpu.memory_space<vmem>>
      %dma_wait3A_70 = tpu.memref_slice %arg2[%mul3A_13] : memref<327680xi32, #tpu.memory_space<hbm>> -> memref<128xi32, #tpu.memory_space<hbm>>
      tpu.wait_dma2 semaphore(%run_scoped3A_55 : memref<!tpu.dma_semaphore, #tpu.memory_space<semaphore_mem>>) src(%dma_wait3A_70 : memref<128xi32, #tpu.memory_space<hbm>>) dst(%dma_wait3A_69 : memref<128xi32, #tpu.memory_space<vmem>>)
      tpu.yield
    }) : () -> ()
    %dma_start3A = arith.constant 0 : i32
    %dma_start3A_14 = arith.constant 0 : i32
    %dma_start3A_15 = arith.constant 0 : i32
    %dma_start3A_16 = arith.constant 0 : i32
    %dma_start3A_17 = tpu.memref_slice %arg8[%dma_start3A_14, %dma_start3A_15, %dma_start3A_16] : memref<2x128x128xf32, #tpu.memory_space<vmem>> -> memref<1x128x128xf32, #tpu.memory_space<vmem>>
    %dma_start3A_18 = tpu.memref_squeeze %dma_start3A_17 : memref<1x128x128xf32, #tpu.memory_space<vmem>> -> memref<128x128xf32, #tpu.memory_space<vmem>>
    %dma_start3A_19 = arith.constant 0 : i32
    %dma_start3A_20 = tpu.memref_slice %arg6[%dma_start3A, %dma_start3A_19] : memref<2x128xi32, #tpu.memory_space<vmem>> -> memref<1x128xi32, #tpu.memory_space<vmem>>
    %dma_start3A_21 = tpu.memref_squeeze %dma_start3A_20 : memref<1x128xi32, #tpu.memory_space<vmem>> -> memref<128xi32, #tpu.memory_space<vmem>>
    %dma_start3A_22 = arith.constant 0 : i32
    %dma_start3A_23 = arith.constant 0 : i32
    %dma_start3A_24 = tpu.memref_slice %arg4[%dma_start3A_22, %dma_start3A_23] : memref<10240x128xf32, #tpu.memory_space<hbm>> -> memref<10240x128xf32, #tpu.memory_space<hbm>>
    tpu.enqueue_indirect_dma source(%dma_start3A_24 : memref<10240x128xf32, #tpu.memory_space<hbm>>) target(%dma_start3A_18 : memref<128x128xf32, #tpu.memory_space<vmem>>) offsets(%dma_start3A_21 : memref<128xi32, #tpu.memory_space<vmem>>) semaphore(%arg10 : memref<!tpu.dma_semaphore, #tpu.memory_space<semaphore_mem>>)
    %run_scoped3A_25 = arith.constant 0 : i32
    "tpu.region"() ({
      %run_scoped3A_55 = tpu.sem_alloc : memref<!tpu.dma_semaphore, #tpu.memory_space<semaphore_mem>>
      %dma_start3A_56 = arith.constant 0 : i32
      %dma_start3A_57 = tpu.memref_slice %arg7[%run_scoped3A_25, %dma_start3A_56] : memref<2x128xi32, #tpu.memory_space<vmem>> -> memref<1x128xi32, #tpu.memory_space<vmem>>
      %dma_start3A_58 = tpu.memref_squeeze %dma_start3A_57 : memref<1x128xi32, #tpu.memory_space<vmem>> -> memref<128xi32, #tpu.memory_space<vmem>>
      %dma_start3A_59 = tpu.memref_slice %arg3[%mul3A_13] : memref<327680xi32, #tpu.memory_space<hbm>> -> memref<128xi32, #tpu.memory_space<hbm>>
      %dma_start3A_60 = arith.constant 0 : i32
      %dma_start3A_61 = tpu.memref_slice %arg7[%run_scoped3A_25, %dma_start3A_60] : memref<2x128xi32, #tpu.memory_space<vmem>> -> memref<1x128xi32, #tpu.memory_space<vmem>>
      %dma_start3A_62 = tpu.memref_squeeze %dma_start3A_61 : memref<1x128xi32, #tpu.memory_space<vmem>> -> memref<128xi32, #tpu.memory_space<vmem>>
      %dma_start3A_63 = tpu.memref_slice %arg3[%mul3A_13] : memref<327680xi32, #tpu.memory_space<hbm>> -> memref<128xi32, #tpu.memory_space<hbm>>
      tpu.enqueue_dma source(%dma_start3A_63 : memref<128xi32, #tpu.memory_space<hbm>>) target(%dma_start3A_62 : memref<128xi32, #tpu.memory_space<vmem>>) target_semaphore(%run_scoped3A_55 : memref<!tpu.dma_semaphore, #tpu.memory_space<semaphore_mem>>)
      %dma_wait3A = arith.constant 0 : i32
      %dma_wait3A_64 = tpu.memref_slice %arg7[%run_scoped3A_25, %dma_wait3A] : memref<2x128xi32, #tpu.memory_space<vmem>> -> memref<1x128xi32, #tpu.memory_space<vmem>>
      %dma_wait3A_65 = tpu.memref_squeeze %dma_wait3A_64 : memref<1x128xi32, #tpu.memory_space<vmem>> -> memref<128xi32, #tpu.memory_space<vmem>>
      %dma_wait3A_66 = tpu.memref_slice %arg3[%mul3A_13] : memref<327680xi32, #tpu.memory_space<hbm>> -> memref<128xi32, #tpu.memory_space<hbm>>
      %dma_wait3A_67 = arith.constant 0 : i32
      %dma_wait3A_68 = tpu.memref_slice %arg7[%run_scoped3A_25, %dma_wait3A_67] : memref<2x128xi32, #tpu.memory_space<vmem>> -> memref<1x128xi32, #tpu.memory_space<vmem>>
      %dma_wait3A_69 = tpu.memref_squeeze %dma_wait3A_68 : memref<1x128xi32, #tpu.memory_space<vmem>> -> memref<128xi32, #tpu.memory_space<vmem>>
      %dma_wait3A_70 = tpu.memref_slice %arg3[%mul3A_13] : memref<327680xi32, #tpu.memory_space<hbm>> -> memref<128xi32, #tpu.memory_space<hbm>>
      tpu.wait_dma2 semaphore(%run_scoped3A_55 : memref<!tpu.dma_semaphore, #tpu.memory_space<semaphore_mem>>) src(%dma_wait3A_70 : memref<128xi32, #tpu.memory_space<hbm>>) dst(%dma_wait3A_69 : memref<128xi32, #tpu.memory_space<vmem>>)
      tpu.yield
    }) : () -> ()
    %mul3A_26 = arith.constant 80 : i32
    %mul3A_27 = arith.muli %add3A, %mul3A_26 : i32
    %add3A_28 = arith.constant 1 : i32
    %add3A_29 = arith.addi %mul3A_27, %add3A_28 : i32
    %mul3A_30 = arith.constant 128 : i32
    %mul3A_31 = arith.muli %add3A_29, %mul3A_30 : i32
    %run_scoped3A_32 = arith.constant 1 : i32
    "tpu.region"() ({
      %run_scoped3A_55 = tpu.sem_alloc : memref<!tpu.dma_semaphore, #tpu.memory_space<semaphore_mem>>
      %dma_start3A_56 = arith.constant 0 : i32
      %dma_start3A_57 = tpu.memref_slice %arg6[%run_scoped3A_32, %dma_start3A_56] : memref<2x128xi32, #tpu.memory_space<vmem>> -> memref<1x128xi32, #tpu.memory_space<vmem>>
      %dma_start3A_58 = tpu.memref_squeeze %dma_start3A_57 : memref<1x128xi32, #tpu.memory_space<vmem>> -> memref<128xi32, #tpu.memory_space<vmem>>
      %dma_start3A_59 = tpu.memref_slice %arg2[%mul3A_31] : memref<327680xi32, #tpu.memory_space<hbm>> -> memref<128xi32, #tpu.memory_space<hbm>>
      %dma_start3A_60 = arith.constant 0 : i32
      %dma_start3A_61 = tpu.memref_slice %arg6[%run_scoped3A_32, %dma_start3A_60] : memref<2x128xi32, #tpu.memory_space<vmem>> -> memref<1x128xi32, #tpu.memory_space<vmem>>
      %dma_start3A_62 = tpu.memref_squeeze %dma_start3A_61 : memref<1x128xi32, #tpu.memory_space<vmem>> -> memref<128xi32, #tpu.memory_space<vmem>>
      %dma_start3A_63 = tpu.memref_slice %arg2[%mul3A_31] : memref<327680xi32, #tpu.memory_space<hbm>> -> memref<128xi32, #tpu.memory_space<hbm>>
      tpu.enqueue_dma source(%dma_start3A_63 : memref<128xi32, #tpu.memory_space<hbm>>) target(%dma_start3A_62 : memref<128xi32, #tpu.memory_space<vmem>>) target_semaphore(%run_scoped3A_55 : memref<!tpu.dma_semaphore, #tpu.memory_space<semaphore_mem>>)
      %dma_wait3A = arith.constant 0 : i32
      %dma_wait3A_64 = tpu.memref_slice %arg6[%run_scoped3A_32, %dma_wait3A] : memref<2x128xi32, #tpu.memory_space<vmem>> -> memref<1x128xi32, #tpu.memory_space<vmem>>
      %dma_wait3A_65 = tpu.memref_squeeze %dma_wait3A_64 : memref<1x128xi32, #tpu.memory_space<vmem>> -> memref<128xi32, #tpu.memory_space<vmem>>
      %dma_wait3A_66 = tpu.memref_slice %arg2[%mul3A_31] : memref<327680xi32, #tpu.memory_space<hbm>> -> memref<128xi32, #tpu.memory_space<hbm>>
      %dma_wait3A_67 = arith.constant 0 : i32
      %dma_wait3A_68 = tpu.memref_slice %arg6[%run_scoped3A_32, %dma_wait3A_67] : memref<2x128xi32, #tpu.memory_space<vmem>> -> memref<1x128xi32, #tpu.memory_space<vmem>>
      %dma_wait3A_69 = tpu.memref_squeeze %dma_wait3A_68 : memref<1x128xi32, #tpu.memory_space<vmem>> -> memref<128xi32, #tpu.memory_space<vmem>>
      %dma_wait3A_70 = tpu.memref_slice %arg2[%mul3A_31] : memref<327680xi32, #tpu.memory_space<hbm>> -> memref<128xi32, #tpu.memory_space<hbm>>
      tpu.wait_dma2 semaphore(%run_scoped3A_55 : memref<!tpu.dma_semaphore, #tpu.memory_space<semaphore_mem>>) src(%dma_wait3A_70 : memref<128xi32, #tpu.memory_space<hbm>>) dst(%dma_wait3A_69 : memref<128xi32, #tpu.memory_space<vmem>>)
      tpu.yield
    }) : () -> ()
    %dma_start3A_33 = arith.constant 1 : i32
    %dma_start3A_34 = arith.constant 1 : i32
    %dma_start3A_35 = arith.constant 0 : i32
    %dma_start3A_36 = arith.constant 0 : i32
    %dma_start3A_37 = tpu.memref_slice %arg8[%dma_start3A_34, %dma_start3A_35, %dma_start3A_36] : memref<2x128x128xf32, #tpu.memory_space<vmem>> -> memref<1x128x128xf32, #tpu.memory_space<vmem>>
    %dma_start3A_38 = tpu.memref_squeeze %dma_start3A_37 : memref<1x128x128xf32, #tpu.memory_space<vmem>> -> memref<128x128xf32, #tpu.memory_space<vmem>>
    %dma_start3A_39 = arith.constant 0 : i32
    %dma_start3A_40 = tpu.memref_slice %arg6[%dma_start3A_33, %dma_start3A_39] : memref<2x128xi32, #tpu.memory_space<vmem>> -> memref<1x128xi32, #tpu.memory_space<vmem>>
    %dma_start3A_41 = tpu.memref_squeeze %dma_start3A_40 : memref<1x128xi32, #tpu.memory_space<vmem>> -> memref<128xi32, #tpu.memory_space<vmem>>
    %dma_start3A_42 = arith.constant 0 : i32
    %dma_start3A_43 = arith.constant 0 : i32
    %dma_start3A_44 = tpu.memref_slice %arg4[%dma_start3A_42, %dma_start3A_43] : memref<10240x128xf32, #tpu.memory_space<hbm>> -> memref<10240x128xf32, #tpu.memory_space<hbm>>
    tpu.enqueue_indirect_dma source(%dma_start3A_44 : memref<10240x128xf32, #tpu.memory_space<hbm>>) target(%dma_start3A_38 : memref<128x128xf32, #tpu.memory_space<vmem>>) offsets(%dma_start3A_41 : memref<128xi32, #tpu.memory_space<vmem>>) semaphore(%arg10 : memref<!tpu.dma_semaphore, #tpu.memory_space<semaphore_mem>>)
    %run_scoped3A_45 = arith.constant 1 : i32
    "tpu.region"() ({
      %run_scoped3A_55 = tpu.sem_alloc : memref<!tpu.dma_semaphore, #tpu.memory_space<semaphore_mem>>
      %dma_start3A_56 = arith.constant 0 : i32
      %dma_start3A_57 = tpu.memref_slice %arg7[%run_scoped3A_45, %dma_start3A_56] : memref<2x128xi32, #tpu.memory_space<vmem>> -> memref<1x128xi32, #tpu.memory_space<vmem>>
      %dma_start3A_58 = tpu.memref_squeeze %dma_start3A_57 : memref<1x128xi32, #tpu.memory_space<vmem>> -> memref<128xi32, #tpu.memory_space<vmem>>
      %dma_start3A_59 = tpu.memref_slice %arg3[%mul3A_31] : memref<327680xi32, #tpu.memory_space<hbm>> -> memref<128xi32, #tpu.memory_space<hbm>>
      %dma_start3A_60 = arith.constant 0 : i32
      %dma_start3A_61 = tpu.memref_slice %arg7[%run_scoped3A_45, %dma_start3A_60] : memref<2x128xi32, #tpu.memory_space<vmem>> -> memref<1x128xi32, #tpu.memory_space<vmem>>
      %dma_start3A_62 = tpu.memref_squeeze %dma_start3A_61 : memref<1x128xi32, #tpu.memory_space<vmem>> -> memref<128xi32, #tpu.memory_space<vmem>>
      %dma_start3A_63 = tpu.memref_slice %arg3[%mul3A_31] : memref<327680xi32, #tpu.memory_space<hbm>> -> memref<128xi32, #tpu.memory_space<hbm>>
      tpu.enqueue_dma source(%dma_start3A_63 : memref<128xi32, #tpu.memory_space<hbm>>) target(%dma_start3A_62 : memref<128xi32, #tpu.memory_space<vmem>>) target_semaphore(%run_scoped3A_55 : memref<!tpu.dma_semaphore, #tpu.memory_space<semaphore_mem>>)
      %dma_wait3A = arith.constant 0 : i32
      %dma_wait3A_64 = tpu.memref_slice %arg7[%run_scoped3A_45, %dma_wait3A] : memref<2x128xi32, #tpu.memory_space<vmem>> -> memref<1x128xi32, #tpu.memory_space<vmem>>
      %dma_wait3A_65 = tpu.memref_squeeze %dma_wait3A_64 : memref<1x128xi32, #tpu.memory_space<vmem>> -> memref<128xi32, #tpu.memory_space<vmem>>
      %dma_wait3A_66 = tpu.memref_slice %arg3[%mul3A_31] : memref<327680xi32, #tpu.memory_space<hbm>> -> memref<128xi32, #tpu.memory_space<hbm>>
      %dma_wait3A_67 = arith.constant 0 : i32
      %dma_wait3A_68 = tpu.memref_slice %arg7[%run_scoped3A_45, %dma_wait3A_67] : memref<2x128xi32, #tpu.memory_space<vmem>> -> memref<1x128xi32, #tpu.memory_space<vmem>>
      %dma_wait3A_69 = tpu.memref_squeeze %dma_wait3A_68 : memref<1x128xi32, #tpu.memory_space<vmem>> -> memref<128xi32, #tpu.memory_space<vmem>>
      %dma_wait3A_70 = tpu.memref_slice %arg3[%mul3A_31] : memref<327680xi32, #tpu.memory_space<hbm>> -> memref<128xi32, #tpu.memory_space<hbm>>
      tpu.wait_dma2 semaphore(%run_scoped3A_55 : memref<!tpu.dma_semaphore, #tpu.memory_space<semaphore_mem>>) src(%dma_wait3A_70 : memref<128xi32, #tpu.memory_space<hbm>>) dst(%dma_wait3A_69 : memref<128xi32, #tpu.memory_space<vmem>>)
      tpu.yield
    }) : () -> ()
    %scan3A = arith.constant 0 : i32
    %scan3A_46 = arith.constant 0 : i32
    %scan3A_47 = arith.constant 40 : i32
    %scan3A_48 = arith.addi %scan3A_46, %scan3A_47 : i32
    %scan3A_49 = arith.constant 1 : i32
    %scan3A_50 = scf.for %scan3A_55 = %scan3A_46 to %scan3A_48 step %scan3A_49 iter_args(%scan3A_56 = %scan3A) -> (i32)  : i32 {
      %dma_wait3A = arith.constant 0 : i32
      %dma_wait3A_57 = arith.constant 0 : i32
      %dma_wait3A_58 = arith.constant 0 : i32
      %dma_wait3A_59 = tpu.memref_slice %arg8[%dma_wait3A, %dma_wait3A_57, %dma_wait3A_58] : memref<2x128x128xf32, #tpu.memory_space<vmem>> -> memref<1x128x128xf32, #tpu.memory_space<vmem>>
      %dma_wait3A_60 = tpu.memref_squeeze %dma_wait3A_59 : memref<1x128x128xf32, #tpu.memory_space<vmem>> -> memref<128x128xf32, #tpu.memory_space<vmem>>
      %dma_wait3A_61 = arith.constant 0 : i32
      %dma_wait3A_62 = arith.constant 0 : i32
      %dma_wait3A_63 = tpu.memref_slice %arg4[%dma_wait3A_61, %dma_wait3A_62] : memref<10240x128xf32, #tpu.memory_space<hbm>> -> memref<128x128xf32, #tpu.memory_space<hbm>>
      %dma_wait3A_64 = arith.constant 0 : i32
      %dma_wait3A_65 = arith.constant 0 : i32
      %dma_wait3A_66 = tpu.memref_slice %arg8[%dma_wait3A, %dma_wait3A_64, %dma_wait3A_65] : memref<2x128x128xf32, #tpu.memory_space<vmem>> -> memref<1x128x128xf32, #tpu.memory_space<vmem>>
      %dma_wait3A_67 = tpu.memref_squeeze %dma_wait3A_66 : memref<1x128x128xf32, #tpu.memory_space<vmem>> -> memref<128x128xf32, #tpu.memory_space<vmem>>
      %dma_wait3A_68 = arith.constant 0 : i32
      %dma_wait3A_69 = arith.constant 0 : i32
      %dma_wait3A_70 = tpu.memref_slice %arg4[%dma_wait3A_68, %dma_wait3A_69] : memref<10240x128xf32, #tpu.memory_space<hbm>> -> memref<128x128xf32, #tpu.memory_space<hbm>>
      tpu.wait_dma2 semaphore(%arg10 : memref<!tpu.dma_semaphore, #tpu.memory_space<semaphore_mem>>) src(%dma_wait3A_70 : memref<128x128xf32, #tpu.memory_space<hbm>>) dst(%dma_wait3A_67 : memref<128x128xf32, #tpu.memory_space<vmem>>)
      %run_scoped3A_71 = arith.constant 0 : i32
      %run_scoped3A_72 = arith.constant 0 : i32
      "tpu.region"() ({
        %run_scoped3A_112 = tpu.sem_alloc : memref<!tpu.dma_semaphore, #tpu.memory_space<semaphore_mem>>
        %dma_start3A_113 = arith.constant 0 : i32
        %dma_start3A_114 = arith.constant 0 : i32
        %dma_start3A_115 = tpu.memref_slice %arg8[%run_scoped3A_71, %dma_start3A_113, %dma_start3A_114] : memref<2x128x128xf32, #tpu.memory_space<vmem>> -> memref<1x128x128xf32, #tpu.memory_space<vmem>>
        %dma_start3A_116 = tpu.memref_squeeze %dma_start3A_115 : memref<1x128x128xf32, #tpu.memory_space<vmem>> -> memref<128x128xf32, #tpu.memory_space<vmem>>
        %dma_start3A_117 = arith.constant 0 : i32
        %dma_start3A_118 = tpu.memref_slice %arg7[%run_scoped3A_72, %dma_start3A_117] : memref<2x128xi32, #tpu.memory_space<vmem>> -> memref<1x128xi32, #tpu.memory_space<vmem>>
        %dma_start3A_119 = tpu.memref_squeeze %dma_start3A_118 : memref<1x128xi32, #tpu.memory_space<vmem>> -> memref<128xi32, #tpu.memory_space<vmem>>
        %dma_start3A_120 = arith.constant 0 : i32
        %dma_start3A_121 = arith.constant 0 : i32
        %dma_start3A_122 = tpu.memref_slice %arg9[%dma_start3A_120, %dma_start3A_121] : memref<10240x128xf32, #tpu.memory_space<vmem_shared>> -> memref<10240x128xf32, #tpu.memory_space<vmem_shared>>
        tpu.enqueue_indirect_dma source(%dma_start3A_116 : memref<128x128xf32, #tpu.memory_space<vmem>>) target(%dma_start3A_122 : memref<10240x128xf32, #tpu.memory_space<vmem_shared>>) offsets(%dma_start3A_119 : memref<128xi32, #tpu.memory_space<vmem>>) semaphore(%run_scoped3A_112 : memref<!tpu.dma_semaphore, #tpu.memory_space<semaphore_mem>>) {add = true}
        %dma_wait3A_123 = arith.constant 0 : i32
        %dma_wait3A_124 = arith.constant 0 : i32
        %dma_wait3A_125 = tpu.memref_slice %arg8[%run_scoped3A_71, %dma_wait3A_123, %dma_wait3A_124] : memref<2x128x128xf32, #tpu.memory_space<vmem>> -> memref<1x128x128xf32, #tpu.memory_space<vmem>>
        %dma_wait3A_126 = tpu.memref_squeeze %dma_wait3A_125 : memref<1x128x128xf32, #tpu.memory_space<vmem>> -> memref<128x128xf32, #tpu.memory_space<vmem>>
        %dma_wait3A_127 = arith.constant 0 : i32
        %dma_wait3A_128 = tpu.memref_slice %arg7[%run_scoped3A_72, %dma_wait3A_127] : memref<2x128xi32, #tpu.memory_space<vmem>> -> memref<1x128xi32, #tpu.memory_space<vmem>>
        %dma_wait3A_129 = tpu.memref_squeeze %dma_wait3A_128 : memref<1x128xi32, #tpu.memory_space<vmem>> -> memref<128xi32, #tpu.memory_space<vmem>>
        %dma_wait3A_130 = arith.constant 0 : i32
        %dma_wait3A_131 = arith.constant 0 : i32
        %dma_wait3A_132 = tpu.memref_slice %arg9[%dma_wait3A_130, %dma_wait3A_131] : memref<10240x128xf32, #tpu.memory_space<vmem_shared>> -> memref<10240x128xf32, #tpu.memory_space<vmem_shared>>
        tpu.wait_indirect_dma semaphore(%run_scoped3A_112 : memref<!tpu.dma_semaphore, #tpu.memory_space<semaphore_mem>>) src(%dma_wait3A_126 : memref<128x128xf32, #tpu.memory_space<vmem>>) dst(%dma_wait3A_132 : memref<10240x128xf32, #tpu.memory_space<vmem_shared>>)
        tpu.yield
      }) : () -> ()
      %mul3A_73 = arith.constant 2 : i32
      %mul3A_74 = arith.muli %mul3A_73, %scan3A_55 : i32
      %add3A_75 = arith.constant 0 : i32
      %add3A_76 = arith.addi %mul3A_74, %add3A_75 : i32
      %add3A_77 = arith.constant 2 : i32
      %add3A_78 = arith.addi %add3A_76, %add3A_77 : i32
      %lt3A = arith.constant 80 : i32
      %lt3A_79 = arith.cmpi slt, %add3A_78, %lt3A : i32
      %convert_element_type3A_80 = arith.extui %lt3A_79 : i1 to i32
      %cond3A_81 = arith.constant 0 : i32
      %cond3A_82 = arith.cmpi ne, %convert_element_type3A_80, %cond3A_81 : i32
      scf.if %cond3A_82 {
        %mul3A_112 = arith.constant 80 : i32
        %mul3A_113 = arith.muli %add3A, %mul3A_112 : i32
        %add3A_114 = arith.addi %mul3A_113, %add3A_78 : i32
        %mul3A_115 = arith.constant 128 : i32
        %mul3A_116 = arith.muli %add3A_114, %mul3A_115 : i32
        %run_scoped3A_117 = arith.constant 0 : i32
        "tpu.region"() ({
          %run_scoped3A_131 = tpu.sem_alloc : memref<!tpu.dma_semaphore, #tpu.memory_space<semaphore_mem>>
          %dma_start3A_132 = arith.constant 0 : i32
          %dma_start3A_133 = tpu.memref_slice %arg6[%run_scoped3A_117, %dma_start3A_132] : memref<2x128xi32, #tpu.memory_space<vmem>> -> memref<1x128xi32, #tpu.memory_space<vmem>>
          %dma_start3A_134 = tpu.memref_squeeze %dma_start3A_133 : memref<1x128xi32, #tpu.memory_space<vmem>> -> memref<128xi32, #tpu.memory_space<vmem>>
          %dma_start3A_135 = tpu.memref_slice %arg2[%mul3A_116] : memref<327680xi32, #tpu.memory_space<hbm>> -> memref<128xi32, #tpu.memory_space<hbm>>
          %dma_start3A_136 = arith.constant 0 : i32
          %dma_start3A_137 = tpu.memref_slice %arg6[%run_scoped3A_117, %dma_start3A_136] : memref<2x128xi32, #tpu.memory_space<vmem>> -> memref<1x128xi32, #tpu.memory_space<vmem>>
          %dma_start3A_138 = tpu.memref_squeeze %dma_start3A_137 : memref<1x128xi32, #tpu.memory_space<vmem>> -> memref<128xi32, #tpu.memory_space<vmem>>
          %dma_start3A_139 = tpu.memref_slice %arg2[%mul3A_116] : memref<327680xi32, #tpu.memory_space<hbm>> -> memref<128xi32, #tpu.memory_space<hbm>>
          tpu.enqueue_dma source(%dma_start3A_139 : memref<128xi32, #tpu.memory_space<hbm>>) target(%dma_start3A_138 : memref<128xi32, #tpu.memory_space<vmem>>) target_semaphore(%run_scoped3A_131 : memref<!tpu.dma_semaphore, #tpu.memory_space<semaphore_mem>>)
          %dma_wait3A_140 = arith.constant 0 : i32
          %dma_wait3A_141 = tpu.memref_slice %arg6[%run_scoped3A_117, %dma_wait3A_140] : memref<2x128xi32, #tpu.memory_space<vmem>> -> memref<1x128xi32, #tpu.memory_space<vmem>>
          %dma_wait3A_142 = tpu.memref_squeeze %dma_wait3A_141 : memref<1x128xi32, #tpu.memory_space<vmem>> -> memref<128xi32, #tpu.memory_space<vmem>>
          %dma_wait3A_143 = tpu.memref_slice %arg2[%mul3A_116] : memref<327680xi32, #tpu.memory_space<hbm>> -> memref<128xi32, #tpu.memory_space<hbm>>
          %dma_wait3A_144 = arith.constant 0 : i32
          %dma_wait3A_145 = tpu.memref_slice %arg6[%run_scoped3A_117, %dma_wait3A_144] : memref<2x128xi32, #tpu.memory_space<vmem>> -> memref<1x128xi32, #tpu.memory_space<vmem>>
          %dma_wait3A_146 = tpu.memref_squeeze %dma_wait3A_145 : memref<1x128xi32, #tpu.memory_space<vmem>> -> memref<128xi32, #tpu.memory_space<vmem>>
          %dma_wait3A_147 = tpu.memref_slice %arg2[%mul3A_116] : memref<327680xi32, #tpu.memory_space<hbm>> -> memref<128xi32, #tpu.memory_space<hbm>>
          tpu.wait_dma2 semaphore(%run_scoped3A_131 : memref<!tpu.dma_semaphore, #tpu.memory_space<semaphore_mem>>) src(%dma_wait3A_147 : memref<128xi32, #tpu.memory_space<hbm>>) dst(%dma_wait3A_146 : memref<128xi32, #tpu.memory_space<vmem>>)
          tpu.yield
        }) : () -> ()
        %dma_start3A_118 = arith.constant 0 : i32
        %dma_start3A_119 = arith.constant 0 : i32
        %dma_start3A_120 = arith.constant 0 : i32
        %dma_start3A_121 = arith.constant 0 : i32
        %dma_start3A_122 = tpu.memref_slice %arg8[%dma_start3A_119, %dma_start3A_120, %dma_start3A_121] : memref<2x128x128xf32, #tpu.memory_space<vmem>> -> memref<1x128x128xf32, #tpu.memory_space<vmem>>
        %dma_start3A_123 = tpu.memref_squeeze %dma_start3A_122 : memref<1x128x128xf32, #tpu.memory_space<vmem>> -> memref<128x128xf32, #tpu.memory_space<vmem>>
        %dma_start3A_124 = arith.constant 0 : i32
        %dma_start3A_125 = tpu.memref_slice %arg6[%dma_start3A_118, %dma_start3A_124] : memref<2x128xi32, #tpu.memory_space<vmem>> -> memref<1x128xi32, #tpu.memory_space<vmem>>
        %dma_start3A_126 = tpu.memref_squeeze %dma_start3A_125 : memref<1x128xi32, #tpu.memory_space<vmem>> -> memref<128xi32, #tpu.memory_space<vmem>>
        %dma_start3A_127 = arith.constant 0 : i32
        %dma_start3A_128 = arith.constant 0 : i32
        %dma_start3A_129 = tpu.memref_slice %arg4[%dma_start3A_127, %dma_start3A_128] : memref<10240x128xf32, #tpu.memory_space<hbm>> -> memref<10240x128xf32, #tpu.memory_space<hbm>>
        tpu.enqueue_indirect_dma source(%dma_start3A_129 : memref<10240x128xf32, #tpu.memory_space<hbm>>) target(%dma_start3A_123 : memref<128x128xf32, #tpu.memory_space<vmem>>) offsets(%dma_start3A_126 : memref<128xi32, #tpu.memory_space<vmem>>) semaphore(%arg10 : memref<!tpu.dma_semaphore, #tpu.memory_space<semaphore_mem>>)
        %run_scoped3A_130 = arith.constant 0 : i32
        "tpu.region"() ({
          %run_scoped3A_131 = tpu.sem_alloc : memref<!tpu.dma_semaphore, #tpu.memory_space<semaphore_mem>>
          %dma_start3A_132 = arith.constant 0 : i32
          %dma_start3A_133 = tpu.memref_slice %arg7[%run_scoped3A_130, %dma_start3A_132] : memref<2x128xi32, #tpu.memory_space<vmem>> -> memref<1x128xi32, #tpu.memory_space<vmem>>
          %dma_start3A_134 = tpu.memref_squeeze %dma_start3A_133 : memref<1x128xi32, #tpu.memory_space<vmem>> -> memref<128xi32, #tpu.memory_space<vmem>>
          %dma_start3A_135 = tpu.memref_slice %arg3[%mul3A_116] : memref<327680xi32, #tpu.memory_space<hbm>> -> memref<128xi32, #tpu.memory_space<hbm>>
          %dma_start3A_136 = arith.constant 0 : i32
          %dma_start3A_137 = tpu.memref_slice %arg7[%run_scoped3A_130, %dma_start3A_136] : memref<2x128xi32, #tpu.memory_space<vmem>> -> memref<1x128xi32, #tpu.memory_space<vmem>>
          %dma_start3A_138 = tpu.memref_squeeze %dma_start3A_137 : memref<1x128xi32, #tpu.memory_space<vmem>> -> memref<128xi32, #tpu.memory_space<vmem>>
          %dma_start3A_139 = tpu.memref_slice %arg3[%mul3A_116] : memref<327680xi32, #tpu.memory_space<hbm>> -> memref<128xi32, #tpu.memory_space<hbm>>
          tpu.enqueue_dma source(%dma_start3A_139 : memref<128xi32, #tpu.memory_space<hbm>>) target(%dma_start3A_138 : memref<128xi32, #tpu.memory_space<vmem>>) target_semaphore(%run_scoped3A_131 : memref<!tpu.dma_semaphore, #tpu.memory_space<semaphore_mem>>)
          %dma_wait3A_140 = arith.constant 0 : i32
          %dma_wait3A_141 = tpu.memref_slice %arg7[%run_scoped3A_130, %dma_wait3A_140] : memref<2x128xi32, #tpu.memory_space<vmem>> -> memref<1x128xi32, #tpu.memory_space<vmem>>
          %dma_wait3A_142 = tpu.memref_squeeze %dma_wait3A_141 : memref<1x128xi32, #tpu.memory_space<vmem>> -> memref<128xi32, #tpu.memory_space<vmem>>
          %dma_wait3A_143 = tpu.memref_slice %arg3[%mul3A_116] : memref<327680xi32, #tpu.memory_space<hbm>> -> memref<128xi32, #tpu.memory_space<hbm>>
          %dma_wait3A_144 = arith.constant 0 : i32
          %dma_wait3A_145 = tpu.memref_slice %arg7[%run_scoped3A_130, %dma_wait3A_144] : memref<2x128xi32, #tpu.memory_space<vmem>> -> memref<1x128xi32, #tpu.memory_space<vmem>>
          %dma_wait3A_146 = tpu.memref_squeeze %dma_wait3A_145 : memref<1x128xi32, #tpu.memory_space<vmem>> -> memref<128xi32, #tpu.memory_space<vmem>>
          %dma_wait3A_147 = tpu.memref_slice %arg3[%mul3A_116] : memref<327680xi32, #tpu.memory_space<hbm>> -> memref<128xi32, #tpu.memory_space<hbm>>
          tpu.wait_dma2 semaphore(%run_scoped3A_131 : memref<!tpu.dma_semaphore, #tpu.memory_space<semaphore_mem>>) src(%dma_wait3A_147 : memref<128xi32, #tpu.memory_space<hbm>>) dst(%dma_wait3A_146 : memref<128xi32, #tpu.memory_space<vmem>>)
          tpu.yield
        }) : () -> ()
      } else {
      }
      %dma_wait3A_83 = arith.constant 1 : i32
      %dma_wait3A_84 = arith.constant 0 : i32
      %dma_wait3A_85 = arith.constant 0 : i32
      %dma_wait3A_86 = tpu.memref_slice %arg8[%dma_wait3A_83, %dma_wait3A_84, %dma_wait3A_85] : memref<2x128x128xf32, #tpu.memory_space<vmem>> -> memref<1x128x128xf32, #tpu.memory_space<vmem>>
      %dma_wait3A_87 = tpu.memref_squeeze %dma_wait3A_86 : memref<1x128x128xf32, #tpu.memory_space<vmem>> -> memref<128x128xf32, #tpu.memory_space<vmem>>
      %dma_wait3A_88 = arith.constant 0 : i32
      %dma_wait3A_89 = arith.constant 0 : i32
      %dma_wait3A_90 = tpu.memref_slice %arg4[%dma_wait3A_88, %dma_wait3A_89] : memref<10240x128xf32, #tpu.memory_space<hbm>> -> memref<128x128xf32, #tpu.memory_space<hbm>>
      %dma_wait3A_91 = arith.constant 0 : i32
      %dma_wait3A_92 = arith.constant 0 : i32
      %dma_wait3A_93 = tpu.memref_slice %arg8[%dma_wait3A_83, %dma_wait3A_91, %dma_wait3A_92] : memref<2x128x128xf32, #tpu.memory_space<vmem>> -> memref<1x128x128xf32, #tpu.memory_space<vmem>>
      %dma_wait3A_94 = tpu.memref_squeeze %dma_wait3A_93 : memref<1x128x128xf32, #tpu.memory_space<vmem>> -> memref<128x128xf32, #tpu.memory_space<vmem>>
      %dma_wait3A_95 = arith.constant 0 : i32
      %dma_wait3A_96 = arith.constant 0 : i32
      %dma_wait3A_97 = tpu.memref_slice %arg4[%dma_wait3A_95, %dma_wait3A_96] : memref<10240x128xf32, #tpu.memory_space<hbm>> -> memref<128x128xf32, #tpu.memory_space<hbm>>
      tpu.wait_dma2 semaphore(%arg10 : memref<!tpu.dma_semaphore, #tpu.memory_space<semaphore_mem>>) src(%dma_wait3A_97 : memref<128x128xf32, #tpu.memory_space<hbm>>) dst(%dma_wait3A_94 : memref<128x128xf32, #tpu.memory_space<vmem>>)
      %run_scoped3A_98 = arith.constant 1 : i32
      %run_scoped3A_99 = arith.constant 1 : i32
      "tpu.region"() ({
        %run_scoped3A_112 = tpu.sem_alloc : memref<!tpu.dma_semaphore, #tpu.memory_space<semaphore_mem>>
        %dma_start3A_113 = arith.constant 0 : i32
        %dma_start3A_114 = arith.constant 0 : i32
        %dma_start3A_115 = tpu.memref_slice %arg8[%run_scoped3A_98, %dma_start3A_113, %dma_start3A_114] : memref<2x128x128xf32, #tpu.memory_space<vmem>> -> memref<1x128x128xf32, #tpu.memory_space<vmem>>
        %dma_start3A_116 = tpu.memref_squeeze %dma_start3A_115 : memref<1x128x128xf32, #tpu.memory_space<vmem>> -> memref<128x128xf32, #tpu.memory_space<vmem>>
        %dma_start3A_117 = arith.constant 0 : i32
        %dma_start3A_118 = tpu.memref_slice %arg7[%run_scoped3A_99, %dma_start3A_117] : memref<2x128xi32, #tpu.memory_space<vmem>> -> memref<1x128xi32, #tpu.memory_space<vmem>>
        %dma_start3A_119 = tpu.memref_squeeze %dma_start3A_118 : memref<1x128xi32, #tpu.memory_space<vmem>> -> memref<128xi32, #tpu.memory_space<vmem>>
        %dma_start3A_120 = arith.constant 0 : i32
        %dma_start3A_121 = arith.constant 0 : i32
        %dma_start3A_122 = tpu.memref_slice %arg9[%dma_start3A_120, %dma_start3A_121] : memref<10240x128xf32, #tpu.memory_space<vmem_shared>> -> memref<10240x128xf32, #tpu.memory_space<vmem_shared>>
        tpu.enqueue_indirect_dma source(%dma_start3A_116 : memref<128x128xf32, #tpu.memory_space<vmem>>) target(%dma_start3A_122 : memref<10240x128xf32, #tpu.memory_space<vmem_shared>>) offsets(%dma_start3A_119 : memref<128xi32, #tpu.memory_space<vmem>>) semaphore(%run_scoped3A_112 : memref<!tpu.dma_semaphore, #tpu.memory_space<semaphore_mem>>) {add = true}
        %dma_wait3A_123 = arith.constant 0 : i32
        %dma_wait3A_124 = arith.constant 0 : i32
        %dma_wait3A_125 = tpu.memref_slice %arg8[%run_scoped3A_98, %dma_wait3A_123, %dma_wait3A_124] : memref<2x128x128xf32, #tpu.memory_space<vmem>> -> memref<1x128x128xf32, #tpu.memory_space<vmem>>
        %dma_wait3A_126 = tpu.memref_squeeze %dma_wait3A_125 : memref<1x128x128xf32, #tpu.memory_space<vmem>> -> memref<128x128xf32, #tpu.memory_space<vmem>>
        %dma_wait3A_127 = arith.constant 0 : i32
        %dma_wait3A_128 = tpu.memref_slice %arg7[%run_scoped3A_99, %dma_wait3A_127] : memref<2x128xi32, #tpu.memory_space<vmem>> -> memref<1x128xi32, #tpu.memory_space<vmem>>
        %dma_wait3A_129 = tpu.memref_squeeze %dma_wait3A_128 : memref<1x128xi32, #tpu.memory_space<vmem>> -> memref<128xi32, #tpu.memory_space<vmem>>
        %dma_wait3A_130 = arith.constant 0 : i32
        %dma_wait3A_131 = arith.constant 0 : i32
        %dma_wait3A_132 = tpu.memref_slice %arg9[%dma_wait3A_130, %dma_wait3A_131] : memref<10240x128xf32, #tpu.memory_space<vmem_shared>> -> memref<10240x128xf32, #tpu.memory_space<vmem_shared>>
        tpu.wait_indirect_dma semaphore(%run_scoped3A_112 : memref<!tpu.dma_semaphore, #tpu.memory_space<semaphore_mem>>) src(%dma_wait3A_126 : memref<128x128xf32, #tpu.memory_space<vmem>>) dst(%dma_wait3A_132 : memref<10240x128xf32, #tpu.memory_space<vmem_shared>>)
        tpu.yield
      }) : () -> ()
      %mul3A_100 = arith.constant 2 : i32
      %mul3A_101 = arith.muli %mul3A_100, %scan3A_55 : i32
      %add3A_102 = arith.constant 1 : i32
      %add3A_103 = arith.addi %mul3A_101, %add3A_102 : i32
      %add3A_104 = arith.constant 2 : i32
      %add3A_105 = arith.addi %add3A_103, %add3A_104 : i32
      %lt3A_106 = arith.constant 80 : i32
      %lt3A_107 = arith.cmpi slt, %add3A_105, %lt3A_106 : i32
      %convert_element_type3A_108 = arith.extui %lt3A_107 : i1 to i32
      %cond3A_109 = arith.constant 0 : i32
      %cond3A_110 = arith.cmpi ne, %convert_element_type3A_108, %cond3A_109 : i32
      scf.if %cond3A_110 {
        %mul3A_112 = arith.constant 80 : i32
        %mul3A_113 = arith.muli %add3A, %mul3A_112 : i32
        %add3A_114 = arith.addi %mul3A_113, %add3A_105 : i32
        %mul3A_115 = arith.constant 128 : i32
        %mul3A_116 = arith.muli %add3A_114, %mul3A_115 : i32
        %run_scoped3A_117 = arith.constant 1 : i32
        "tpu.region"() ({
          %run_scoped3A_131 = tpu.sem_alloc : memref<!tpu.dma_semaphore, #tpu.memory_space<semaphore_mem>>
          %dma_start3A_132 = arith.constant 0 : i32
          %dma_start3A_133 = tpu.memref_slice %arg6[%run_scoped3A_117, %dma_start3A_132] : memref<2x128xi32, #tpu.memory_space<vmem>> -> memref<1x128xi32, #tpu.memory_space<vmem>>
          %dma_start3A_134 = tpu.memref_squeeze %dma_start3A_133 : memref<1x128xi32, #tpu.memory_space<vmem>> -> memref<128xi32, #tpu.memory_space<vmem>>
          %dma_start3A_135 = tpu.memref_slice %arg2[%mul3A_116] : memref<327680xi32, #tpu.memory_space<hbm>> -> memref<128xi32, #tpu.memory_space<hbm>>
          %dma_start3A_136 = arith.constant 0 : i32
          %dma_start3A_137 = tpu.memref_slice %arg6[%run_scoped3A_117, %dma_start3A_136] : memref<2x128xi32, #tpu.memory_space<vmem>> -> memref<1x128xi32, #tpu.memory_space<vmem>>
          %dma_start3A_138 = tpu.memref_squeeze %dma_start3A_137 : memref<1x128xi32, #tpu.memory_space<vmem>> -> memref<128xi32, #tpu.memory_space<vmem>>
          %dma_start3A_139 = tpu.memref_slice %arg2[%mul3A_116] : memref<327680xi32, #tpu.memory_space<hbm>> -> memref<128xi32, #tpu.memory_space<hbm>>
          tpu.enqueue_dma source(%dma_start3A_139 : memref<128xi32, #tpu.memory_space<hbm>>) target(%dma_start3A_138 : memref<128xi32, #tpu.memory_space<vmem>>) target_semaphore(%run_scoped3A_131 : memref<!tpu.dma_semaphore, #tpu.memory_space<semaphore_mem>>)
          %dma_wait3A_140 = arith.constant 0 : i32
          %dma_wait3A_141 = tpu.memref_slice %arg6[%run_scoped3A_117, %dma_wait3A_140] : memref<2x128xi32, #tpu.memory_space<vmem>> -> memref<1x128xi32, #tpu.memory_space<vmem>>
          %dma_wait3A_142 = tpu.memref_squeeze %dma_wait3A_141 : memref<1x128xi32, #tpu.memory_space<vmem>> -> memref<128xi32, #tpu.memory_space<vmem>>
          %dma_wait3A_143 = tpu.memref_slice %arg2[%mul3A_116] : memref<327680xi32, #tpu.memory_space<hbm>> -> memref<128xi32, #tpu.memory_space<hbm>>
          %dma_wait3A_144 = arith.constant 0 : i32
          %dma_wait3A_145 = tpu.memref_slice %arg6[%run_scoped3A_117, %dma_wait3A_144] : memref<2x128xi32, #tpu.memory_space<vmem>> -> memref<1x128xi32, #tpu.memory_space<vmem>>
          %dma_wait3A_146 = tpu.memref_squeeze %dma_wait3A_145 : memref<1x128xi32, #tpu.memory_space<vmem>> -> memref<128xi32, #tpu.memory_space<vmem>>
          %dma_wait3A_147 = tpu.memref_slice %arg2[%mul3A_116] : memref<327680xi32, #tpu.memory_space<hbm>> -> memref<128xi32, #tpu.memory_space<hbm>>
          tpu.wait_dma2 semaphore(%run_scoped3A_131 : memref<!tpu.dma_semaphore, #tpu.memory_space<semaphore_mem>>) src(%dma_wait3A_147 : memref<128xi32, #tpu.memory_space<hbm>>) dst(%dma_wait3A_146 : memref<128xi32, #tpu.memory_space<vmem>>)
          tpu.yield
        }) : () -> ()
        %dma_start3A_118 = arith.constant 1 : i32
        %dma_start3A_119 = arith.constant 1 : i32
        %dma_start3A_120 = arith.constant 0 : i32
        %dma_start3A_121 = arith.constant 0 : i32
        %dma_start3A_122 = tpu.memref_slice %arg8[%dma_start3A_119, %dma_start3A_120, %dma_start3A_121] : memref<2x128x128xf32, #tpu.memory_space<vmem>> -> memref<1x128x128xf32, #tpu.memory_space<vmem>>
        %dma_start3A_123 = tpu.memref_squeeze %dma_start3A_122 : memref<1x128x128xf32, #tpu.memory_space<vmem>> -> memref<128x128xf32, #tpu.memory_space<vmem>>
        %dma_start3A_124 = arith.constant 0 : i32
        %dma_start3A_125 = tpu.memref_slice %arg6[%dma_start3A_118, %dma_start3A_124] : memref<2x128xi32, #tpu.memory_space<vmem>> -> memref<1x128xi32, #tpu.memory_space<vmem>>
        %dma_start3A_126 = tpu.memref_squeeze %dma_start3A_125 : memref<1x128xi32, #tpu.memory_space<vmem>> -> memref<128xi32, #tpu.memory_space<vmem>>
        %dma_start3A_127 = arith.constant 0 : i32
        %dma_start3A_128 = arith.constant 0 : i32
        %dma_start3A_129 = tpu.memref_slice %arg4[%dma_start3A_127, %dma_start3A_128] : memref<10240x128xf32, #tpu.memory_space<hbm>> -> memref<10240x128xf32, #tpu.memory_space<hbm>>
        tpu.enqueue_indirect_dma source(%dma_start3A_129 : memref<10240x128xf32, #tpu.memory_space<hbm>>) target(%dma_start3A_123 : memref<128x128xf32, #tpu.memory_space<vmem>>) offsets(%dma_start3A_126 : memref<128xi32, #tpu.memory_space<vmem>>) semaphore(%arg10 : memref<!tpu.dma_semaphore, #tpu.memory_space<semaphore_mem>>)
        %run_scoped3A_130 = arith.constant 1 : i32
        "tpu.region"() ({
          %run_scoped3A_131 = tpu.sem_alloc : memref<!tpu.dma_semaphore, #tpu.memory_space<semaphore_mem>>
          %dma_start3A_132 = arith.constant 0 : i32
          %dma_start3A_133 = tpu.memref_slice %arg7[%run_scoped3A_130, %dma_start3A_132] : memref<2x128xi32, #tpu.memory_space<vmem>> -> memref<1x128xi32, #tpu.memory_space<vmem>>
          %dma_start3A_134 = tpu.memref_squeeze %dma_start3A_133 : memref<1x128xi32, #tpu.memory_space<vmem>> -> memref<128xi32, #tpu.memory_space<vmem>>
          %dma_start3A_135 = tpu.memref_slice %arg3[%mul3A_116] : memref<327680xi32, #tpu.memory_space<hbm>> -> memref<128xi32, #tpu.memory_space<hbm>>
          %dma_start3A_136 = arith.constant 0 : i32
          %dma_start3A_137 = tpu.memref_slice %arg7[%run_scoped3A_130, %dma_start3A_136] : memref<2x128xi32, #tpu.memory_space<vmem>> -> memref<1x128xi32, #tpu.memory_space<vmem>>
          %dma_start3A_138 = tpu.memref_squeeze %dma_start3A_137 : memref<1x128xi32, #tpu.memory_space<vmem>> -> memref<128xi32, #tpu.memory_space<vmem>>
          %dma_start3A_139 = tpu.memref_slice %arg3[%mul3A_116] : memref<327680xi32, #tpu.memory_space<hbm>> -> memref<128xi32, #tpu.memory_space<hbm>>
          tpu.enqueue_dma source(%dma_start3A_139 : memref<128xi32, #tpu.memory_space<hbm>>) target(%dma_start3A_138 : memref<128xi32, #tpu.memory_space<vmem>>) target_semaphore(%run_scoped3A_131 : memref<!tpu.dma_semaphore, #tpu.memory_space<semaphore_mem>>)
          %dma_wait3A_140 = arith.constant 0 : i32
          %dma_wait3A_141 = tpu.memref_slice %arg7[%run_scoped3A_130, %dma_wait3A_140] : memref<2x128xi32, #tpu.memory_space<vmem>> -> memref<1x128xi32, #tpu.memory_space<vmem>>
          %dma_wait3A_142 = tpu.memref_squeeze %dma_wait3A_141 : memref<1x128xi32, #tpu.memory_space<vmem>> -> memref<128xi32, #tpu.memory_space<vmem>>
          %dma_wait3A_143 = tpu.memref_slice %arg3[%mul3A_116] : memref<327680xi32, #tpu.memory_space<hbm>> -> memref<128xi32, #tpu.memory_space<hbm>>
          %dma_wait3A_144 = arith.constant 0 : i32
          %dma_wait3A_145 = tpu.memref_slice %arg7[%run_scoped3A_130, %dma_wait3A_144] : memref<2x128xi32, #tpu.memory_space<vmem>> -> memref<1x128xi32, #tpu.memory_space<vmem>>
          %dma_wait3A_146 = tpu.memref_squeeze %dma_wait3A_145 : memref<1x128xi32, #tpu.memory_space<vmem>> -> memref<128xi32, #tpu.memory_space<vmem>>
          %dma_wait3A_147 = tpu.memref_slice %arg3[%mul3A_116] : memref<327680xi32, #tpu.memory_space<hbm>> -> memref<128xi32, #tpu.memory_space<hbm>>
          tpu.wait_dma2 semaphore(%run_scoped3A_131 : memref<!tpu.dma_semaphore, #tpu.memory_space<semaphore_mem>>) src(%dma_wait3A_147 : memref<128xi32, #tpu.memory_space<hbm>>) dst(%dma_wait3A_146 : memref<128xi32, #tpu.memory_space<vmem>>)
          tpu.yield
        }) : () -> ()
      } else {
      }
      %scan3A_111 = arith.constant 0 : i32
      scf.yield %scan3A_111 : i32
    }
    %scan3A_51 = arith.constant 40 : i32
    %barrier3A_52 = arith.constant 0 : index
    tpu.barrier barrier_id(%barrier3A_52)
    %mul3A_53 = arith.constant 640 : i32
    %mul3A_54 = arith.muli %arg1, %mul3A_53 : i32
    "tpu.region"() ({
      %run_scoped3A_55 = tpu.sem_alloc : memref<!tpu.dma_semaphore, #tpu.memory_space<semaphore_mem>>
      %dma_start3A_56 = arith.constant 0 : i32
      %dma_start3A_57 = arith.constant 0 : i32
      %dma_start3A_58 = tpu.memref_slice %arg5[%arg0, %arg1, %dma_start3A_56, %dma_start3A_57] : memref<2x16x640x128xf32, #tpu.memory_space<hbm>> -> memref<1x1x640x128xf32, #tpu.memory_space<hbm>>
      %dma_start3A_59 = tpu.memref_squeeze %dma_start3A_58 : memref<1x1x640x128xf32, #tpu.memory_space<hbm>> -> memref<640x128xf32, #tpu.memory_space<hbm>>
      %dma_start3A_60 = arith.constant 0 : i32
      %dma_start3A_61 = tpu.memref_slice %arg9[%mul3A_54, %dma_start3A_60] : memref<10240x128xf32, #tpu.memory_space<vmem_shared>> -> memref<640x128xf32, #tpu.memory_space<vmem_shared>>
      tpu.enqueue_dma source(%dma_start3A_61 : memref<640x128xf32, #tpu.memory_space<vmem_shared>>) target(%dma_start3A_59 : memref<640x128xf32, #tpu.memory_space<hbm>>) target_semaphore(%run_scoped3A_55 : memref<!tpu.dma_semaphore, #tpu.memory_space<semaphore_mem>>)
      %dma_wait3A = arith.constant 0 : i32
      %dma_wait3A_62 = arith.constant 0 : i32
      %dma_wait3A_63 = tpu.memref_slice %arg5[%arg0, %arg1, %dma_wait3A, %dma_wait3A_62] : memref<2x16x640x128xf32, #tpu.memory_space<hbm>> -> memref<1x1x640x128xf32, #tpu.memory_space<hbm>>
      %dma_wait3A_64 = tpu.memref_squeeze %dma_wait3A_63 : memref<1x1x640x128xf32, #tpu.memory_space<hbm>> -> memref<640x128xf32, #tpu.memory_space<hbm>>
      %dma_wait3A_65 = arith.constant 0 : i32
      %dma_wait3A_66 = tpu.memref_slice %arg9[%mul3A_54, %dma_wait3A_65] : memref<10240x128xf32, #tpu.memory_space<vmem_shared>> -> memref<640x128xf32, #tpu.memory_space<vmem_shared>>
      tpu.wait_dma2 semaphore(%run_scoped3A_55 : memref<!tpu.dma_semaphore, #tpu.memory_space<semaphore_mem>>) src(%dma_wait3A_66 : memref<640x128xf32, #tpu.memory_space<vmem_shared>>) dst(%dma_wait3A_64 : memref<640x128xf32, #tpu.memory_space<hbm>>)
      tpu.yield
    }) : () -> ()
    return
  }
}

#map = affine_map<(d0, d1) -> (0)>
#map1 = affine_map<(d0, d1) -> (0, 0)>
module attributes {stable_mosaic.version = 14 : i64} {
  func.func @_sc_decode(%arg0: i32, %arg1: i32, %arg2: memref<212992xi32, #tpu.memory_space<hbm>>, %arg3: memref<212992xi32, #tpu.memory_space<hbm>>, %arg4: memref<10240x128xf32, #tpu.memory_space<hbm>>, %arg5: memref<10240x128xf32, #tpu.memory_space<hbm>>, %arg6: memref<212992x128xf32, #tpu.memory_space<hbm>>, %arg7: memref<4x128xi32, #tpu.memory_space<vmem>>, %arg8: memref<4x128xi32, #tpu.memory_space<vmem>>, %arg9: memref<4x128x128xf32, #tpu.memory_space<vmem>>, %arg10: memref<!tpu.dma_semaphore, #tpu.memory_space<semaphore_mem>>, %arg11: memref<!tpu.dma_semaphore, #tpu.memory_space<semaphore_mem>>) attributes {dimension_semantics = [#tpu.dimension_semantics<core_parallel>, #tpu.dimension_semantics<subcore_parallel>], iteration_bounds = array<i64: 2, 16>, scalar_prefetch = 0 : i64, scratch_operands = 5 : i64, tpu.core_type = #tpu.core_type<sc_vector_subcore>, window_params = [{transform_indices = #map}, {transform_indices = #map}, {transform_indices = #map1}, {transform_indices = #map1}, {transform_indices = #map1}]} {
    %mul3A = arith.constant 16 : i32
    %mul3A_0 = arith.muli %arg0, %mul3A : i32
    %add3A = arith.addi %mul3A_0, %arg1 : i32
    %mul3A_1 = arith.constant 52 : i32
    %mul3A_2 = arith.muli %add3A, %mul3A_1 : i32
    %add3A_3 = arith.constant 0 : i32
    %add3A_4 = arith.addi %mul3A_2, %add3A_3 : i32
    %mul3A_5 = arith.constant 128 : i32
    %mul3A_6 = arith.muli %add3A_4, %mul3A_5 : i32
    %run_scoped3A = arith.constant 0 : i32
    "tpu.region"() ({
      %run_scoped3A_85 = tpu.sem_alloc : memref<!tpu.dma_semaphore, #tpu.memory_space<semaphore_mem>>
      %dma_start3A_86 = arith.constant 0 : i32
      %dma_start3A_87 = tpu.memref_slice %arg7[%run_scoped3A, %dma_start3A_86] : memref<4x128xi32, #tpu.memory_space<vmem>> -> memref<1x128xi32, #tpu.memory_space<vmem>>
      %dma_start3A_88 = tpu.memref_squeeze %dma_start3A_87 : memref<1x128xi32, #tpu.memory_space<vmem>> -> memref<128xi32, #tpu.memory_space<vmem>>
      %dma_start3A_89 = tpu.memref_slice %arg2[%mul3A_6] : memref<212992xi32, #tpu.memory_space<hbm>> -> memref<128xi32, #tpu.memory_space<hbm>>
      %dma_start3A_90 = arith.constant 0 : i32
      %dma_start3A_91 = tpu.memref_slice %arg7[%run_scoped3A, %dma_start3A_90] : memref<4x128xi32, #tpu.memory_space<vmem>> -> memref<1x128xi32, #tpu.memory_space<vmem>>
      %dma_start3A_92 = tpu.memref_squeeze %dma_start3A_91 : memref<1x128xi32, #tpu.memory_space<vmem>> -> memref<128xi32, #tpu.memory_space<vmem>>
      %dma_start3A_93 = tpu.memref_slice %arg2[%mul3A_6] : memref<212992xi32, #tpu.memory_space<hbm>> -> memref<128xi32, #tpu.memory_space<hbm>>
      tpu.enqueue_dma source(%dma_start3A_93 : memref<128xi32, #tpu.memory_space<hbm>>) target(%dma_start3A_92 : memref<128xi32, #tpu.memory_space<vmem>>) target_semaphore(%run_scoped3A_85 : memref<!tpu.dma_semaphore, #tpu.memory_space<semaphore_mem>>)
      %dma_wait3A = arith.constant 0 : i32
      %dma_wait3A_94 = tpu.memref_slice %arg7[%run_scoped3A, %dma_wait3A] : memref<4x128xi32, #tpu.memory_space<vmem>> -> memref<1x128xi32, #tpu.memory_space<vmem>>
      %dma_wait3A_95 = tpu.memref_squeeze %dma_wait3A_94 : memref<1x128xi32, #tpu.memory_space<vmem>> -> memref<128xi32, #tpu.memory_space<vmem>>
      %dma_wait3A_96 = tpu.memref_slice %arg2[%mul3A_6] : memref<212992xi32, #tpu.memory_space<hbm>> -> memref<128xi32, #tpu.memory_space<hbm>>
      %dma_wait3A_97 = arith.constant 0 : i32
      %dma_wait3A_98 = tpu.memref_slice %arg7[%run_scoped3A, %dma_wait3A_97] : memref<4x128xi32, #tpu.memory_space<vmem>> -> memref<1x128xi32, #tpu.memory_space<vmem>>
      %dma_wait3A_99 = tpu.memref_squeeze %dma_wait3A_98 : memref<1x128xi32, #tpu.memory_space<vmem>> -> memref<128xi32, #tpu.memory_space<vmem>>
      %dma_wait3A_100 = tpu.memref_slice %arg2[%mul3A_6] : memref<212992xi32, #tpu.memory_space<hbm>> -> memref<128xi32, #tpu.memory_space<hbm>>
      tpu.wait_dma2 semaphore(%run_scoped3A_85 : memref<!tpu.dma_semaphore, #tpu.memory_space<semaphore_mem>>) src(%dma_wait3A_100 : memref<128xi32, #tpu.memory_space<hbm>>) dst(%dma_wait3A_99 : memref<128xi32, #tpu.memory_space<vmem>>)
      tpu.yield
    }) : () -> ()
    %dma_start3A = arith.constant 0 : i32
    %dma_start3A_7 = arith.constant 0 : i32
    %dma_start3A_8 = arith.constant 0 : i32
    %dma_start3A_9 = arith.constant 0 : i32
    %dma_start3A_10 = tpu.memref_slice %arg9[%dma_start3A_7, %dma_start3A_8, %dma_start3A_9] : memref<4x128x128xf32, #tpu.memory_space<vmem>> -> memref<1x128x128xf32, #tpu.memory_space<vmem>>
    %dma_start3A_11 = tpu.memref_squeeze %dma_start3A_10 : memref<1x128x128xf32, #tpu.memory_space<vmem>> -> memref<128x128xf32, #tpu.memory_space<vmem>>
    %dma_start3A_12 = arith.constant 0 : i32
    %dma_start3A_13 = tpu.memref_slice %arg7[%dma_start3A, %dma_start3A_12] : memref<4x128xi32, #tpu.memory_space<vmem>> -> memref<1x128xi32, #tpu.memory_space<vmem>>
    %dma_start3A_14 = tpu.memref_squeeze %dma_start3A_13 : memref<1x128xi32, #tpu.memory_space<vmem>> -> memref<128xi32, #tpu.memory_space<vmem>>
    %dma_start3A_15 = arith.constant 0 : i32
    %dma_start3A_16 = arith.constant 0 : i32
    %dma_start3A_17 = tpu.memref_slice %arg4[%dma_start3A_15, %dma_start3A_16] : memref<10240x128xf32, #tpu.memory_space<hbm>> -> memref<10240x128xf32, #tpu.memory_space<hbm>>
    tpu.enqueue_indirect_dma source(%dma_start3A_17 : memref<10240x128xf32, #tpu.memory_space<hbm>>) target(%dma_start3A_11 : memref<128x128xf32, #tpu.memory_space<vmem>>) offsets(%dma_start3A_14 : memref<128xi32, #tpu.memory_space<vmem>>) semaphore(%arg10 : memref<!tpu.dma_semaphore, #tpu.memory_space<semaphore_mem>>)
    %run_scoped3A_18 = arith.constant 0 : i32
    "tpu.region"() ({
      %run_scoped3A_85 = tpu.sem_alloc : memref<!tpu.dma_semaphore, #tpu.memory_space<semaphore_mem>>
      %dma_start3A_86 = arith.constant 0 : i32
      %dma_start3A_87 = tpu.memref_slice %arg8[%run_scoped3A_18, %dma_start3A_86] : memref<4x128xi32, #tpu.memory_space<vmem>> -> memref<1x128xi32, #tpu.memory_space<vmem>>
      %dma_start3A_88 = tpu.memref_squeeze %dma_start3A_87 : memref<1x128xi32, #tpu.memory_space<vmem>> -> memref<128xi32, #tpu.memory_space<vmem>>
      %dma_start3A_89 = tpu.memref_slice %arg3[%mul3A_6] : memref<212992xi32, #tpu.memory_space<hbm>> -> memref<128xi32, #tpu.memory_space<hbm>>
      %dma_start3A_90 = arith.constant 0 : i32
      %dma_start3A_91 = tpu.memref_slice %arg8[%run_scoped3A_18, %dma_start3A_90] : memref<4x128xi32, #tpu.memory_space<vmem>> -> memref<1x128xi32, #tpu.memory_space<vmem>>
      %dma_start3A_92 = tpu.memref_squeeze %dma_start3A_91 : memref<1x128xi32, #tpu.memory_space<vmem>> -> memref<128xi32, #tpu.memory_space<vmem>>
      %dma_start3A_93 = tpu.memref_slice %arg3[%mul3A_6] : memref<212992xi32, #tpu.memory_space<hbm>> -> memref<128xi32, #tpu.memory_space<hbm>>
      tpu.enqueue_dma source(%dma_start3A_93 : memref<128xi32, #tpu.memory_space<hbm>>) target(%dma_start3A_92 : memref<128xi32, #tpu.memory_space<vmem>>) target_semaphore(%run_scoped3A_85 : memref<!tpu.dma_semaphore, #tpu.memory_space<semaphore_mem>>)
      %dma_wait3A = arith.constant 0 : i32
      %dma_wait3A_94 = tpu.memref_slice %arg8[%run_scoped3A_18, %dma_wait3A] : memref<4x128xi32, #tpu.memory_space<vmem>> -> memref<1x128xi32, #tpu.memory_space<vmem>>
      %dma_wait3A_95 = tpu.memref_squeeze %dma_wait3A_94 : memref<1x128xi32, #tpu.memory_space<vmem>> -> memref<128xi32, #tpu.memory_space<vmem>>
      %dma_wait3A_96 = tpu.memref_slice %arg3[%mul3A_6] : memref<212992xi32, #tpu.memory_space<hbm>> -> memref<128xi32, #tpu.memory_space<hbm>>
      %dma_wait3A_97 = arith.constant 0 : i32
      %dma_wait3A_98 = tpu.memref_slice %arg8[%run_scoped3A_18, %dma_wait3A_97] : memref<4x128xi32, #tpu.memory_space<vmem>> -> memref<1x128xi32, #tpu.memory_space<vmem>>
      %dma_wait3A_99 = tpu.memref_squeeze %dma_wait3A_98 : memref<1x128xi32, #tpu.memory_space<vmem>> -> memref<128xi32, #tpu.memory_space<vmem>>
      %dma_wait3A_100 = tpu.memref_slice %arg3[%mul3A_6] : memref<212992xi32, #tpu.memory_space<hbm>> -> memref<128xi32, #tpu.memory_space<hbm>>
      tpu.wait_dma2 semaphore(%run_scoped3A_85 : memref<!tpu.dma_semaphore, #tpu.memory_space<semaphore_mem>>) src(%dma_wait3A_100 : memref<128xi32, #tpu.memory_space<hbm>>) dst(%dma_wait3A_99 : memref<128xi32, #tpu.memory_space<vmem>>)
      tpu.yield
    }) : () -> ()
    %mul3A_19 = arith.constant 52 : i32
    %mul3A_20 = arith.muli %add3A, %mul3A_19 : i32
    %add3A_21 = arith.constant 1 : i32
    %add3A_22 = arith.addi %mul3A_20, %add3A_21 : i32
    %mul3A_23 = arith.constant 128 : i32
    %mul3A_24 = arith.muli %add3A_22, %mul3A_23 : i32
    %run_scoped3A_25 = arith.constant 1 : i32
    "tpu.region"() ({
      %run_scoped3A_85 = tpu.sem_alloc : memref<!tpu.dma_semaphore, #tpu.memory_space<semaphore_mem>>
      %dma_start3A_86 = arith.constant 0 : i32
      %dma_start3A_87 = tpu.memref_slice %arg7[%run_scoped3A_25, %dma_start3A_86] : memref<4x128xi32, #tpu.memory_space<vmem>> -> memref<1x128xi32, #tpu.memory_space<vmem>>
      %dma_start3A_88 = tpu.memref_squeeze %dma_start3A_87 : memref<1x128xi32, #tpu.memory_space<vmem>> -> memref<128xi32, #tpu.memory_space<vmem>>
      %dma_start3A_89 = tpu.memref_slice %arg2[%mul3A_24] : memref<212992xi32, #tpu.memory_space<hbm>> -> memref<128xi32, #tpu.memory_space<hbm>>
      %dma_start3A_90 = arith.constant 0 : i32
      %dma_start3A_91 = tpu.memref_slice %arg7[%run_scoped3A_25, %dma_start3A_90] : memref<4x128xi32, #tpu.memory_space<vmem>> -> memref<1x128xi32, #tpu.memory_space<vmem>>
      %dma_start3A_92 = tpu.memref_squeeze %dma_start3A_91 : memref<1x128xi32, #tpu.memory_space<vmem>> -> memref<128xi32, #tpu.memory_space<vmem>>
      %dma_start3A_93 = tpu.memref_slice %arg2[%mul3A_24] : memref<212992xi32, #tpu.memory_space<hbm>> -> memref<128xi32, #tpu.memory_space<hbm>>
      tpu.enqueue_dma source(%dma_start3A_93 : memref<128xi32, #tpu.memory_space<hbm>>) target(%dma_start3A_92 : memref<128xi32, #tpu.memory_space<vmem>>) target_semaphore(%run_scoped3A_85 : memref<!tpu.dma_semaphore, #tpu.memory_space<semaphore_mem>>)
      %dma_wait3A = arith.constant 0 : i32
      %dma_wait3A_94 = tpu.memref_slice %arg7[%run_scoped3A_25, %dma_wait3A] : memref<4x128xi32, #tpu.memory_space<vmem>> -> memref<1x128xi32, #tpu.memory_space<vmem>>
      %dma_wait3A_95 = tpu.memref_squeeze %dma_wait3A_94 : memref<1x128xi32, #tpu.memory_space<vmem>> -> memref<128xi32, #tpu.memory_space<vmem>>
      %dma_wait3A_96 = tpu.memref_slice %arg2[%mul3A_24] : memref<212992xi32, #tpu.memory_space<hbm>> -> memref<128xi32, #tpu.memory_space<hbm>>
      %dma_wait3A_97 = arith.constant 0 : i32
      %dma_wait3A_98 = tpu.memref_slice %arg7[%run_scoped3A_25, %dma_wait3A_97] : memref<4x128xi32, #tpu.memory_space<vmem>> -> memref<1x128xi32, #tpu.memory_space<vmem>>
      %dma_wait3A_99 = tpu.memref_squeeze %dma_wait3A_98 : memref<1x128xi32, #tpu.memory_space<vmem>> -> memref<128xi32, #tpu.memory_space<vmem>>
      %dma_wait3A_100 = tpu.memref_slice %arg2[%mul3A_24] : memref<212992xi32, #tpu.memory_space<hbm>> -> memref<128xi32, #tpu.memory_space<hbm>>
      tpu.wait_dma2 semaphore(%run_scoped3A_85 : memref<!tpu.dma_semaphore, #tpu.memory_space<semaphore_mem>>) src(%dma_wait3A_100 : memref<128xi32, #tpu.memory_space<hbm>>) dst(%dma_wait3A_99 : memref<128xi32, #tpu.memory_space<vmem>>)
      tpu.yield
    }) : () -> ()
    %dma_start3A_26 = arith.constant 1 : i32
    %dma_start3A_27 = arith.constant 1 : i32
    %dma_start3A_28 = arith.constant 0 : i32
    %dma_start3A_29 = arith.constant 0 : i32
    %dma_start3A_30 = tpu.memref_slice %arg9[%dma_start3A_27, %dma_start3A_28, %dma_start3A_29] : memref<4x128x128xf32, #tpu.memory_space<vmem>> -> memref<1x128x128xf32, #tpu.memory_space<vmem>>
    %dma_start3A_31 = tpu.memref_squeeze %dma_start3A_30 : memref<1x128x128xf32, #tpu.memory_space<vmem>> -> memref<128x128xf32, #tpu.memory_space<vmem>>
    %dma_start3A_32 = arith.constant 0 : i32
    %dma_start3A_33 = tpu.memref_slice %arg7[%dma_start3A_26, %dma_start3A_32] : memref<4x128xi32, #tpu.memory_space<vmem>> -> memref<1x128xi32, #tpu.memory_space<vmem>>
    %dma_start3A_34 = tpu.memref_squeeze %dma_start3A_33 : memref<1x128xi32, #tpu.memory_space<vmem>> -> memref<128xi32, #tpu.memory_space<vmem>>
    %dma_start3A_35 = arith.constant 0 : i32
    %dma_start3A_36 = arith.constant 0 : i32
    %dma_start3A_37 = tpu.memref_slice %arg4[%dma_start3A_35, %dma_start3A_36] : memref<10240x128xf32, #tpu.memory_space<hbm>> -> memref<10240x128xf32, #tpu.memory_space<hbm>>
    tpu.enqueue_indirect_dma source(%dma_start3A_37 : memref<10240x128xf32, #tpu.memory_space<hbm>>) target(%dma_start3A_31 : memref<128x128xf32, #tpu.memory_space<vmem>>) offsets(%dma_start3A_34 : memref<128xi32, #tpu.memory_space<vmem>>) semaphore(%arg10 : memref<!tpu.dma_semaphore, #tpu.memory_space<semaphore_mem>>)
    %run_scoped3A_38 = arith.constant 1 : i32
    "tpu.region"() ({
      %run_scoped3A_85 = tpu.sem_alloc : memref<!tpu.dma_semaphore, #tpu.memory_space<semaphore_mem>>
      %dma_start3A_86 = arith.constant 0 : i32
      %dma_start3A_87 = tpu.memref_slice %arg8[%run_scoped3A_38, %dma_start3A_86] : memref<4x128xi32, #tpu.memory_space<vmem>> -> memref<1x128xi32, #tpu.memory_space<vmem>>
      %dma_start3A_88 = tpu.memref_squeeze %dma_start3A_87 : memref<1x128xi32, #tpu.memory_space<vmem>> -> memref<128xi32, #tpu.memory_space<vmem>>
      %dma_start3A_89 = tpu.memref_slice %arg3[%mul3A_24] : memref<212992xi32, #tpu.memory_space<hbm>> -> memref<128xi32, #tpu.memory_space<hbm>>
      %dma_start3A_90 = arith.constant 0 : i32
      %dma_start3A_91 = tpu.memref_slice %arg8[%run_scoped3A_38, %dma_start3A_90] : memref<4x128xi32, #tpu.memory_space<vmem>> -> memref<1x128xi32, #tpu.memory_space<vmem>>
      %dma_start3A_92 = tpu.memref_squeeze %dma_start3A_91 : memref<1x128xi32, #tpu.memory_space<vmem>> -> memref<128xi32, #tpu.memory_space<vmem>>
      %dma_start3A_93 = tpu.memref_slice %arg3[%mul3A_24] : memref<212992xi32, #tpu.memory_space<hbm>> -> memref<128xi32, #tpu.memory_space<hbm>>
      tpu.enqueue_dma source(%dma_start3A_93 : memref<128xi32, #tpu.memory_space<hbm>>) target(%dma_start3A_92 : memref<128xi32, #tpu.memory_space<vmem>>) target_semaphore(%run_scoped3A_85 : memref<!tpu.dma_semaphore, #tpu.memory_space<semaphore_mem>>)
      %dma_wait3A = arith.constant 0 : i32
      %dma_wait3A_94 = tpu.memref_slice %arg8[%run_scoped3A_38, %dma_wait3A] : memref<4x128xi32, #tpu.memory_space<vmem>> -> memref<1x128xi32, #tpu.memory_space<vmem>>
      %dma_wait3A_95 = tpu.memref_squeeze %dma_wait3A_94 : memref<1x128xi32, #tpu.memory_space<vmem>> -> memref<128xi32, #tpu.memory_space<vmem>>
      %dma_wait3A_96 = tpu.memref_slice %arg3[%mul3A_24] : memref<212992xi32, #tpu.memory_space<hbm>> -> memref<128xi32, #tpu.memory_space<hbm>>
      %dma_wait3A_97 = arith.constant 0 : i32
      %dma_wait3A_98 = tpu.memref_slice %arg8[%run_scoped3A_38, %dma_wait3A_97] : memref<4x128xi32, #tpu.memory_space<vmem>> -> memref<1x128xi32, #tpu.memory_space<vmem>>
      %dma_wait3A_99 = tpu.memref_squeeze %dma_wait3A_98 : memref<1x128xi32, #tpu.memory_space<vmem>> -> memref<128xi32, #tpu.memory_space<vmem>>
      %dma_wait3A_100 = tpu.memref_slice %arg3[%mul3A_24] : memref<212992xi32, #tpu.memory_space<hbm>> -> memref<128xi32, #tpu.memory_space<hbm>>
      tpu.wait_dma2 semaphore(%run_scoped3A_85 : memref<!tpu.dma_semaphore, #tpu.memory_space<semaphore_mem>>) src(%dma_wait3A_100 : memref<128xi32, #tpu.memory_space<hbm>>) dst(%dma_wait3A_99 : memref<128xi32, #tpu.memory_space<vmem>>)
      tpu.yield
    }) : () -> ()
    %mul3A_39 = arith.constant 52 : i32
    %mul3A_40 = arith.muli %add3A, %mul3A_39 : i32
    %add3A_41 = arith.constant 2 : i32
    %add3A_42 = arith.addi %mul3A_40, %add3A_41 : i32
    %mul3A_43 = arith.constant 128 : i32
    %mul3A_44 = arith.muli %add3A_42, %mul3A_43 : i32
    %run_scoped3A_45 = arith.constant 2 : i32
    "tpu.region"() ({
      %run_scoped3A_85 = tpu.sem_alloc : memref<!tpu.dma_semaphore, #tpu.memory_space<semaphore_mem>>
      %dma_start3A_86 = arith.constant 0 : i32
      %dma_start3A_87 = tpu.memref_slice %arg7[%run_scoped3A_45, %dma_start3A_86] : memref<4x128xi32, #tpu.memory_space<vmem>> -> memref<1x128xi32, #tpu.memory_space<vmem>>
      %dma_start3A_88 = tpu.memref_squeeze %dma_start3A_87 : memref<1x128xi32, #tpu.memory_space<vmem>> -> memref<128xi32, #tpu.memory_space<vmem>>
      %dma_start3A_89 = tpu.memref_slice %arg2[%mul3A_44] : memref<212992xi32, #tpu.memory_space<hbm>> -> memref<128xi32, #tpu.memory_space<hbm>>
      %dma_start3A_90 = arith.constant 0 : i32
      %dma_start3A_91 = tpu.memref_slice %arg7[%run_scoped3A_45, %dma_start3A_90] : memref<4x128xi32, #tpu.memory_space<vmem>> -> memref<1x128xi32, #tpu.memory_space<vmem>>
      %dma_start3A_92 = tpu.memref_squeeze %dma_start3A_91 : memref<1x128xi32, #tpu.memory_space<vmem>> -> memref<128xi32, #tpu.memory_space<vmem>>
      %dma_start3A_93 = tpu.memref_slice %arg2[%mul3A_44] : memref<212992xi32, #tpu.memory_space<hbm>> -> memref<128xi32, #tpu.memory_space<hbm>>
      tpu.enqueue_dma source(%dma_start3A_93 : memref<128xi32, #tpu.memory_space<hbm>>) target(%dma_start3A_92 : memref<128xi32, #tpu.memory_space<vmem>>) target_semaphore(%run_scoped3A_85 : memref<!tpu.dma_semaphore, #tpu.memory_space<semaphore_mem>>)
      %dma_wait3A = arith.constant 0 : i32
      %dma_wait3A_94 = tpu.memref_slice %arg7[%run_scoped3A_45, %dma_wait3A] : memref<4x128xi32, #tpu.memory_space<vmem>> -> memref<1x128xi32, #tpu.memory_space<vmem>>
      %dma_wait3A_95 = tpu.memref_squeeze %dma_wait3A_94 : memref<1x128xi32, #tpu.memory_space<vmem>> -> memref<128xi32, #tpu.memory_space<vmem>>
      %dma_wait3A_96 = tpu.memref_slice %arg2[%mul3A_44] : memref<212992xi32, #tpu.memory_space<hbm>> -> memref<128xi32, #tpu.memory_space<hbm>>
      %dma_wait3A_97 = arith.constant 0 : i32
      %dma_wait3A_98 = tpu.memref_slice %arg7[%run_scoped3A_45, %dma_wait3A_97] : memref<4x128xi32, #tpu.memory_space<vmem>> -> memref<1x128xi32, #tpu.memory_space<vmem>>
      %dma_wait3A_99 = tpu.memref_squeeze %dma_wait3A_98 : memref<1x128xi32, #tpu.memory_space<vmem>> -> memref<128xi32, #tpu.memory_space<vmem>>
      %dma_wait3A_100 = tpu.memref_slice %arg2[%mul3A_44] : memref<212992xi32, #tpu.memory_space<hbm>> -> memref<128xi32, #tpu.memory_space<hbm>>
      tpu.wait_dma2 semaphore(%run_scoped3A_85 : memref<!tpu.dma_semaphore, #tpu.memory_space<semaphore_mem>>) src(%dma_wait3A_100 : memref<128xi32, #tpu.memory_space<hbm>>) dst(%dma_wait3A_99 : memref<128xi32, #tpu.memory_space<vmem>>)
      tpu.yield
    }) : () -> ()
    %dma_start3A_46 = arith.constant 2 : i32
    %dma_start3A_47 = arith.constant 2 : i32
    %dma_start3A_48 = arith.constant 0 : i32
    %dma_start3A_49 = arith.constant 0 : i32
    %dma_start3A_50 = tpu.memref_slice %arg9[%dma_start3A_47, %dma_start3A_48, %dma_start3A_49] : memref<4x128x128xf32, #tpu.memory_space<vmem>> -> memref<1x128x128xf32, #tpu.memory_space<vmem>>
    %dma_start3A_51 = tpu.memref_squeeze %dma_start3A_50 : memref<1x128x128xf32, #tpu.memory_space<vmem>> -> memref<128x128xf32, #tpu.memory_space<vmem>>
    %dma_start3A_52 = arith.constant 0 : i32
    %dma_start3A_53 = tpu.memref_slice %arg7[%dma_start3A_46, %dma_start3A_52] : memref<4x128xi32, #tpu.memory_space<vmem>> -> memref<1x128xi32, #tpu.memory_space<vmem>>
    %dma_start3A_54 = tpu.memref_squeeze %dma_start3A_53 : memref<1x128xi32, #tpu.memory_space<vmem>> -> memref<128xi32, #tpu.memory_space<vmem>>
    %dma_start3A_55 = arith.constant 0 : i32
    %dma_start3A_56 = arith.constant 0 : i32
    %dma_start3A_57 = tpu.memref_slice %arg4[%dma_start3A_55, %dma_start3A_56] : memref<10240x128xf32, #tpu.memory_space<hbm>> -> memref<10240x128xf32, #tpu.memory_space<hbm>>
    tpu.enqueue_indirect_dma source(%dma_start3A_57 : memref<10240x128xf32, #tpu.memory_space<hbm>>) target(%dma_start3A_51 : memref<128x128xf32, #tpu.memory_space<vmem>>) offsets(%dma_start3A_54 : memref<128xi32, #tpu.memory_space<vmem>>) semaphore(%arg10 : memref<!tpu.dma_semaphore, #tpu.memory_space<semaphore_mem>>)
    %run_scoped3A_58 = arith.constant 2 : i32
    "tpu.region"() ({
      %run_scoped3A_85 = tpu.sem_alloc : memref<!tpu.dma_semaphore, #tpu.memory_space<semaphore_mem>>
      %dma_start3A_86 = arith.constant 0 : i32
      %dma_start3A_87 = tpu.memref_slice %arg8[%run_scoped3A_58, %dma_start3A_86] : memref<4x128xi32, #tpu.memory_space<vmem>> -> memref<1x128xi32, #tpu.memory_space<vmem>>
      %dma_start3A_88 = tpu.memref_squeeze %dma_start3A_87 : memref<1x128xi32, #tpu.memory_space<vmem>> -> memref<128xi32, #tpu.memory_space<vmem>>
      %dma_start3A_89 = tpu.memref_slice %arg3[%mul3A_44] : memref<212992xi32, #tpu.memory_space<hbm>> -> memref<128xi32, #tpu.memory_space<hbm>>
      %dma_start3A_90 = arith.constant 0 : i32
      %dma_start3A_91 = tpu.memref_slice %arg8[%run_scoped3A_58, %dma_start3A_90] : memref<4x128xi32, #tpu.memory_space<vmem>> -> memref<1x128xi32, #tpu.memory_space<vmem>>
      %dma_start3A_92 = tpu.memref_squeeze %dma_start3A_91 : memref<1x128xi32, #tpu.memory_space<vmem>> -> memref<128xi32, #tpu.memory_space<vmem>>
      %dma_start3A_93 = tpu.memref_slice %arg3[%mul3A_44] : memref<212992xi32, #tpu.memory_space<hbm>> -> memref<128xi32, #tpu.memory_space<hbm>>
      tpu.enqueue_dma source(%dma_start3A_93 : memref<128xi32, #tpu.memory_space<hbm>>) target(%dma_start3A_92 : memref<128xi32, #tpu.memory_space<vmem>>) target_semaphore(%run_scoped3A_85 : memref<!tpu.dma_semaphore, #tpu.memory_space<semaphore_mem>>)
      %dma_wait3A = arith.constant 0 : i32
      %dma_wait3A_94 = tpu.memref_slice %arg8[%run_scoped3A_58, %dma_wait3A] : memref<4x128xi32, #tpu.memory_space<vmem>> -> memref<1x128xi32, #tpu.memory_space<vmem>>
      %dma_wait3A_95 = tpu.memref_squeeze %dma_wait3A_94 : memref<1x128xi32, #tpu.memory_space<vmem>> -> memref<128xi32, #tpu.memory_space<vmem>>
      %dma_wait3A_96 = tpu.memref_slice %arg3[%mul3A_44] : memref<212992xi32, #tpu.memory_space<hbm>> -> memref<128xi32, #tpu.memory_space<hbm>>
      %dma_wait3A_97 = arith.constant 0 : i32
      %dma_wait3A_98 = tpu.memref_slice %arg8[%run_scoped3A_58, %dma_wait3A_97] : memref<4x128xi32, #tpu.memory_space<vmem>> -> memref<1x128xi32, #tpu.memory_space<vmem>>
      %dma_wait3A_99 = tpu.memref_squeeze %dma_wait3A_98 : memref<1x128xi32, #tpu.memory_space<vmem>> -> memref<128xi32, #tpu.memory_space<vmem>>
      %dma_wait3A_100 = tpu.memref_slice %arg3[%mul3A_44] : memref<212992xi32, #tpu.memory_space<hbm>> -> memref<128xi32, #tpu.memory_space<hbm>>
      tpu.wait_dma2 semaphore(%run_scoped3A_85 : memref<!tpu.dma_semaphore, #tpu.memory_space<semaphore_mem>>) src(%dma_wait3A_100 : memref<128xi32, #tpu.memory_space<hbm>>) dst(%dma_wait3A_99 : memref<128xi32, #tpu.memory_space<vmem>>)
      tpu.yield
    }) : () -> ()
    %mul3A_59 = arith.constant 52 : i32
    %mul3A_60 = arith.muli %add3A, %mul3A_59 : i32
    %add3A_61 = arith.constant 3 : i32
    %add3A_62 = arith.addi %mul3A_60, %add3A_61 : i32
    %mul3A_63 = arith.constant 128 : i32
    %mul3A_64 = arith.muli %add3A_62, %mul3A_63 : i32
    %run_scoped3A_65 = arith.constant 3 : i32
    "tpu.region"() ({
      %run_scoped3A_85 = tpu.sem_alloc : memref<!tpu.dma_semaphore, #tpu.memory_space<semaphore_mem>>
      %dma_start3A_86 = arith.constant 0 : i32
      %dma_start3A_87 = tpu.memref_slice %arg7[%run_scoped3A_65, %dma_start3A_86] : memref<4x128xi32, #tpu.memory_space<vmem>> -> memref<1x128xi32, #tpu.memory_space<vmem>>
      %dma_start3A_88 = tpu.memref_squeeze %dma_start3A_87 : memref<1x128xi32, #tpu.memory_space<vmem>> -> memref<128xi32, #tpu.memory_space<vmem>>
      %dma_start3A_89 = tpu.memref_slice %arg2[%mul3A_64] : memref<212992xi32, #tpu.memory_space<hbm>> -> memref<128xi32, #tpu.memory_space<hbm>>
      %dma_start3A_90 = arith.constant 0 : i32
      %dma_start3A_91 = tpu.memref_slice %arg7[%run_scoped3A_65, %dma_start3A_90] : memref<4x128xi32, #tpu.memory_space<vmem>> -> memref<1x128xi32, #tpu.memory_space<vmem>>
      %dma_start3A_92 = tpu.memref_squeeze %dma_start3A_91 : memref<1x128xi32, #tpu.memory_space<vmem>> -> memref<128xi32, #tpu.memory_space<vmem>>
      %dma_start3A_93 = tpu.memref_slice %arg2[%mul3A_64] : memref<212992xi32, #tpu.memory_space<hbm>> -> memref<128xi32, #tpu.memory_space<hbm>>
      tpu.enqueue_dma source(%dma_start3A_93 : memref<128xi32, #tpu.memory_space<hbm>>) target(%dma_start3A_92 : memref<128xi32, #tpu.memory_space<vmem>>) target_semaphore(%run_scoped3A_85 : memref<!tpu.dma_semaphore, #tpu.memory_space<semaphore_mem>>)
      %dma_wait3A = arith.constant 0 : i32
      %dma_wait3A_94 = tpu.memref_slice %arg7[%run_scoped3A_65, %dma_wait3A] : memref<4x128xi32, #tpu.memory_space<vmem>> -> memref<1x128xi32, #tpu.memory_space<vmem>>
      %dma_wait3A_95 = tpu.memref_squeeze %dma_wait3A_94 : memref<1x128xi32, #tpu.memory_space<vmem>> -> memref<128xi32, #tpu.memory_space<vmem>>
      %dma_wait3A_96 = tpu.memref_slice %arg2[%mul3A_64] : memref<212992xi32, #tpu.memory_space<hbm>> -> memref<128xi32, #tpu.memory_space<hbm>>
      %dma_wait3A_97 = arith.constant 0 : i32
      %dma_wait3A_98 = tpu.memref_slice %arg7[%run_scoped3A_65, %dma_wait3A_97] : memref<4x128xi32, #tpu.memory_space<vmem>> -> memref<1x128xi32, #tpu.memory_space<vmem>>
      %dma_wait3A_99 = tpu.memref_squeeze %dma_wait3A_98 : memref<1x128xi32, #tpu.memory_space<vmem>> -> memref<128xi32, #tpu.memory_space<vmem>>
      %dma_wait3A_100 = tpu.memref_slice %arg2[%mul3A_64] : memref<212992xi32, #tpu.memory_space<hbm>> -> memref<128xi32, #tpu.memory_space<hbm>>
      tpu.wait_dma2 semaphore(%run_scoped3A_85 : memref<!tpu.dma_semaphore, #tpu.memory_space<semaphore_mem>>) src(%dma_wait3A_100 : memref<128xi32, #tpu.memory_space<hbm>>) dst(%dma_wait3A_99 : memref<128xi32, #tpu.memory_space<vmem>>)
      tpu.yield
    }) : () -> ()
    %dma_start3A_66 = arith.constant 3 : i32
    %dma_start3A_67 = arith.constant 3 : i32
    %dma_start3A_68 = arith.constant 0 : i32
    %dma_start3A_69 = arith.constant 0 : i32
    %dma_start3A_70 = tpu.memref_slice %arg9[%dma_start3A_67, %dma_start3A_68, %dma_start3A_69] : memref<4x128x128xf32, #tpu.memory_space<vmem>> -> memref<1x128x128xf32, #tpu.memory_space<vmem>>
    %dma_start3A_71 = tpu.memref_squeeze %dma_start3A_70 : memref<1x128x128xf32, #tpu.memory_space<vmem>> -> memref<128x128xf32, #tpu.memory_space<vmem>>
    %dma_start3A_72 = arith.constant 0 : i32
    %dma_start3A_73 = tpu.memref_slice %arg7[%dma_start3A_66, %dma_start3A_72] : memref<4x128xi32, #tpu.memory_space<vmem>> -> memref<1x128xi32, #tpu.memory_space<vmem>>
    %dma_start3A_74 = tpu.memref_squeeze %dma_start3A_73 : memref<1x128xi32, #tpu.memory_space<vmem>> -> memref<128xi32, #tpu.memory_space<vmem>>
    %dma_start3A_75 = arith.constant 0 : i32
    %dma_start3A_76 = arith.constant 0 : i32
    %dma_start3A_77 = tpu.memref_slice %arg4[%dma_start3A_75, %dma_start3A_76] : memref<10240x128xf32, #tpu.memory_space<hbm>> -> memref<10240x128xf32, #tpu.memory_space<hbm>>
    tpu.enqueue_indirect_dma source(%dma_start3A_77 : memref<10240x128xf32, #tpu.memory_space<hbm>>) target(%dma_start3A_71 : memref<128x128xf32, #tpu.memory_space<vmem>>) offsets(%dma_start3A_74 : memref<128xi32, #tpu.memory_space<vmem>>) semaphore(%arg10 : memref<!tpu.dma_semaphore, #tpu.memory_space<semaphore_mem>>)
    %run_scoped3A_78 = arith.constant 3 : i32
    "tpu.region"() ({
      %run_scoped3A_85 = tpu.sem_alloc : memref<!tpu.dma_semaphore, #tpu.memory_space<semaphore_mem>>
      %dma_start3A_86 = arith.constant 0 : i32
      %dma_start3A_87 = tpu.memref_slice %arg8[%run_scoped3A_78, %dma_start3A_86] : memref<4x128xi32, #tpu.memory_space<vmem>> -> memref<1x128xi32, #tpu.memory_space<vmem>>
      %dma_start3A_88 = tpu.memref_squeeze %dma_start3A_87 : memref<1x128xi32, #tpu.memory_space<vmem>> -> memref<128xi32, #tpu.memory_space<vmem>>
      %dma_start3A_89 = tpu.memref_slice %arg3[%mul3A_64] : memref<212992xi32, #tpu.memory_space<hbm>> -> memref<128xi32, #tpu.memory_space<hbm>>
      %dma_start3A_90 = arith.constant 0 : i32
      %dma_start3A_91 = tpu.memref_slice %arg8[%run_scoped3A_78, %dma_start3A_90] : memref<4x128xi32, #tpu.memory_space<vmem>> -> memref<1x128xi32, #tpu.memory_space<vmem>>
      %dma_start3A_92 = tpu.memref_squeeze %dma_start3A_91 : memref<1x128xi32, #tpu.memory_space<vmem>> -> memref<128xi32, #tpu.memory_space<vmem>>
      %dma_start3A_93 = tpu.memref_slice %arg3[%mul3A_64] : memref<212992xi32, #tpu.memory_space<hbm>> -> memref<128xi32, #tpu.memory_space<hbm>>
      tpu.enqueue_dma source(%dma_start3A_93 : memref<128xi32, #tpu.memory_space<hbm>>) target(%dma_start3A_92 : memref<128xi32, #tpu.memory_space<vmem>>) target_semaphore(%run_scoped3A_85 : memref<!tpu.dma_semaphore, #tpu.memory_space<semaphore_mem>>)
      %dma_wait3A = arith.constant 0 : i32
      %dma_wait3A_94 = tpu.memref_slice %arg8[%run_scoped3A_78, %dma_wait3A] : memref<4x128xi32, #tpu.memory_space<vmem>> -> memref<1x128xi32, #tpu.memory_space<vmem>>
      %dma_wait3A_95 = tpu.memref_squeeze %dma_wait3A_94 : memref<1x128xi32, #tpu.memory_space<vmem>> -> memref<128xi32, #tpu.memory_space<vmem>>
      %dma_wait3A_96 = tpu.memref_slice %arg3[%mul3A_64] : memref<212992xi32, #tpu.memory_space<hbm>> -> memref<128xi32, #tpu.memory_space<hbm>>
      %dma_wait3A_97 = arith.constant 0 : i32
      %dma_wait3A_98 = tpu.memref_slice %arg8[%run_scoped3A_78, %dma_wait3A_97] : memref<4x128xi32, #tpu.memory_space<vmem>> -> memref<1x128xi32, #tpu.memory_space<vmem>>
      %dma_wait3A_99 = tpu.memref_squeeze %dma_wait3A_98 : memref<1x128xi32, #tpu.memory_space<vmem>> -> memref<128xi32, #tpu.memory_space<vmem>>
      %dma_wait3A_100 = tpu.memref_slice %arg3[%mul3A_64] : memref<212992xi32, #tpu.memory_space<hbm>> -> memref<128xi32, #tpu.memory_space<hbm>>
      tpu.wait_dma2 semaphore(%run_scoped3A_85 : memref<!tpu.dma_semaphore, #tpu.memory_space<semaphore_mem>>) src(%dma_wait3A_100 : memref<128xi32, #tpu.memory_space<hbm>>) dst(%dma_wait3A_99 : memref<128xi32, #tpu.memory_space<vmem>>)
      tpu.yield
    }) : () -> ()
    %scan3A = arith.constant 0 : i32
    %scan3A_79 = arith.constant 0 : i32
    %scan3A_80 = arith.constant 13 : i32
    %scan3A_81 = arith.addi %scan3A_79, %scan3A_80 : i32
    %scan3A_82 = arith.constant 1 : i32
    %scan3A_83 = scf.for %scan3A_85 = %scan3A_79 to %scan3A_81 step %scan3A_82 iter_args(%scan3A_86 = %scan3A) -> (i32)  : i32 {
      %dma_wait3A = arith.constant 0 : i32
      %dma_wait3A_87 = arith.constant 0 : i32
      %dma_wait3A_88 = arith.constant 0 : i32
      %dma_wait3A_89 = tpu.memref_slice %arg9[%dma_wait3A, %dma_wait3A_87, %dma_wait3A_88] : memref<4x128x128xf32, #tpu.memory_space<vmem>> -> memref<1x128x128xf32, #tpu.memory_space<vmem>>
      %dma_wait3A_90 = tpu.memref_squeeze %dma_wait3A_89 : memref<1x128x128xf32, #tpu.memory_space<vmem>> -> memref<128x128xf32, #tpu.memory_space<vmem>>
      %dma_wait3A_91 = arith.constant 0 : i32
      %dma_wait3A_92 = arith.constant 0 : i32
      %dma_wait3A_93 = tpu.memref_slice %arg4[%dma_wait3A_91, %dma_wait3A_92] : memref<10240x128xf32, #tpu.memory_space<hbm>> -> memref<128x128xf32, #tpu.memory_space<hbm>>
      %dma_wait3A_94 = arith.constant 0 : i32
      %dma_wait3A_95 = arith.constant 0 : i32
      %dma_wait3A_96 = tpu.memref_slice %arg9[%dma_wait3A, %dma_wait3A_94, %dma_wait3A_95] : memref<4x128x128xf32, #tpu.memory_space<vmem>> -> memref<1x128x128xf32, #tpu.memory_space<vmem>>
      %dma_wait3A_97 = tpu.memref_squeeze %dma_wait3A_96 : memref<1x128x128xf32, #tpu.memory_space<vmem>> -> memref<128x128xf32, #tpu.memory_space<vmem>>
      %dma_wait3A_98 = arith.constant 0 : i32
      %dma_wait3A_99 = arith.constant 0 : i32
      %dma_wait3A_100 = tpu.memref_slice %arg4[%dma_wait3A_98, %dma_wait3A_99] : memref<10240x128xf32, #tpu.memory_space<hbm>> -> memref<128x128xf32, #tpu.memory_space<hbm>>
      tpu.wait_dma2 semaphore(%arg10 : memref<!tpu.dma_semaphore, #tpu.memory_space<semaphore_mem>>) src(%dma_wait3A_100 : memref<128x128xf32, #tpu.memory_space<hbm>>) dst(%dma_wait3A_97 : memref<128x128xf32, #tpu.memory_space<vmem>>)
      %dma_start3A_101 = arith.constant 0 : i32
      %dma_start3A_102 = arith.constant 0 : i32
      %dma_start3A_103 = arith.constant 0 : i32
      %dma_start3A_104 = arith.constant 0 : i32
      %dma_start3A_105 = tpu.memref_slice %arg9[%dma_start3A_102, %dma_start3A_103, %dma_start3A_104] : memref<4x128x128xf32, #tpu.memory_space<vmem>> -> memref<1x128x128xf32, #tpu.memory_space<vmem>>
      %dma_start3A_106 = tpu.memref_squeeze %dma_start3A_105 : memref<1x128x128xf32, #tpu.memory_space<vmem>> -> memref<128x128xf32, #tpu.memory_space<vmem>>
      %dma_start3A_107 = arith.constant 0 : i32
      %dma_start3A_108 = tpu.memref_slice %arg8[%dma_start3A_101, %dma_start3A_107] : memref<4x128xi32, #tpu.memory_space<vmem>> -> memref<1x128xi32, #tpu.memory_space<vmem>>
      %dma_start3A_109 = tpu.memref_squeeze %dma_start3A_108 : memref<1x128xi32, #tpu.memory_space<vmem>> -> memref<128xi32, #tpu.memory_space<vmem>>
      %dma_start3A_110 = arith.constant 0 : i32
      %dma_start3A_111 = arith.constant 0 : i32
      %dma_start3A_112 = tpu.memref_slice %arg5[%dma_start3A_110, %dma_start3A_111] : memref<10240x128xf32, #tpu.memory_space<hbm>> -> memref<10240x128xf32, #tpu.memory_space<hbm>>
      tpu.enqueue_indirect_dma source(%dma_start3A_112 : memref<10240x128xf32, #tpu.memory_space<hbm>>) target(%dma_start3A_106 : memref<128x128xf32, #tpu.memory_space<vmem>>) offsets(%dma_start3A_109 : memref<128xi32, #tpu.memory_space<vmem>>) semaphore(%arg11 : memref<!tpu.dma_semaphore, #tpu.memory_space<semaphore_mem>>) {add = true}
      %dma_wait3A_113 = arith.constant 1 : i32
      %dma_wait3A_114 = arith.constant 0 : i32
      %dma_wait3A_115 = arith.constant 0 : i32
      %dma_wait3A_116 = tpu.memref_slice %arg9[%dma_wait3A_113, %dma_wait3A_114, %dma_wait3A_115] : memref<4x128x128xf32, #tpu.memory_space<vmem>> -> memref<1x128x128xf32, #tpu.memory_space<vmem>>
      %dma_wait3A_117 = tpu.memref_squeeze %dma_wait3A_116 : memref<1x128x128xf32, #tpu.memory_space<vmem>> -> memref<128x128xf32, #tpu.memory_space<vmem>>
      %dma_wait3A_118 = arith.constant 0 : i32
      %dma_wait3A_119 = arith.constant 0 : i32
      %dma_wait3A_120 = tpu.memref_slice %arg4[%dma_wait3A_118, %dma_wait3A_119] : memref<10240x128xf32, #tpu.memory_space<hbm>> -> memref<128x128xf32, #tpu.memory_space<hbm>>
      %dma_wait3A_121 = arith.constant 0 : i32
      %dma_wait3A_122 = arith.constant 0 : i32
      %dma_wait3A_123 = tpu.memref_slice %arg9[%dma_wait3A_113, %dma_wait3A_121, %dma_wait3A_122] : memref<4x128x128xf32, #tpu.memory_space<vmem>> -> memref<1x128x128xf32, #tpu.memory_space<vmem>>
      %dma_wait3A_124 = tpu.memref_squeeze %dma_wait3A_123 : memref<1x128x128xf32, #tpu.memory_space<vmem>> -> memref<128x128xf32, #tpu.memory_space<vmem>>
      %dma_wait3A_125 = arith.constant 0 : i32
      %dma_wait3A_126 = arith.constant 0 : i32
      %dma_wait3A_127 = tpu.memref_slice %arg4[%dma_wait3A_125, %dma_wait3A_126] : memref<10240x128xf32, #tpu.memory_space<hbm>> -> memref<128x128xf32, #tpu.memory_space<hbm>>
      tpu.wait_dma2 semaphore(%arg10 : memref<!tpu.dma_semaphore, #tpu.memory_space<semaphore_mem>>) src(%dma_wait3A_127 : memref<128x128xf32, #tpu.memory_space<hbm>>) dst(%dma_wait3A_124 : memref<128x128xf32, #tpu.memory_space<vmem>>)
      %dma_start3A_128 = arith.constant 1 : i32
      %dma_start3A_129 = arith.constant 1 : i32
      %dma_start3A_130 = arith.constant 0 : i32
      %dma_start3A_131 = arith.constant 0 : i32
      %dma_start3A_132 = tpu.memref_slice %arg9[%dma_start3A_129, %dma_start3A_130, %dma_start3A_131] : memref<4x128x128xf32, #tpu.memory_space<vmem>> -> memref<1x128x128xf32, #tpu.memory_space<vmem>>
      %dma_start3A_133 = tpu.memref_squeeze %dma_start3A_132 : memref<1x128x128xf32, #tpu.memory_space<vmem>> -> memref<128x128xf32, #tpu.memory_space<vmem>>
      %dma_start3A_134 = arith.constant 0 : i32
      %dma_start3A_135 = tpu.memref_slice %arg8[%dma_start3A_128, %dma_start3A_134] : memref<4x128xi32, #tpu.memory_space<vmem>> -> memref<1x128xi32, #tpu.memory_space<vmem>>
      %dma_start3A_136 = tpu.memref_squeeze %dma_start3A_135 : memref<1x128xi32, #tpu.memory_space<vmem>> -> memref<128xi32, #tpu.memory_space<vmem>>
      %dma_start3A_137 = arith.constant 0 : i32
      %dma_start3A_138 = arith.constant 0 : i32
      %dma_start3A_139 = tpu.memref_slice %arg5[%dma_start3A_137, %dma_start3A_138] : memref<10240x128xf32, #tpu.memory_space<hbm>> -> memref<10240x128xf32, #tpu.memory_space<hbm>>
      tpu.enqueue_indirect_dma source(%dma_start3A_139 : memref<10240x128xf32, #tpu.memory_space<hbm>>) target(%dma_start3A_133 : memref<128x128xf32, #tpu.memory_space<vmem>>) offsets(%dma_start3A_136 : memref<128xi32, #tpu.memory_space<vmem>>) semaphore(%arg11 : memref<!tpu.dma_semaphore, #tpu.memory_space<semaphore_mem>>) {add = true}
      %dma_wait3A_140 = arith.constant 2 : i32
      %dma_wait3A_141 = arith.constant 0 : i32
      %dma_wait3A_142 = arith.constant 0 : i32
      %dma_wait3A_143 = tpu.memref_slice %arg9[%dma_wait3A_140, %dma_wait3A_141, %dma_wait3A_142] : memref<4x128x128xf32, #tpu.memory_space<vmem>> -> memref<1x128x128xf32, #tpu.memory_space<vmem>>
      %dma_wait3A_144 = tpu.memref_squeeze %dma_wait3A_143 : memref<1x128x128xf32, #tpu.memory_space<vmem>> -> memref<128x128xf32, #tpu.memory_space<vmem>>
      %dma_wait3A_145 = arith.constant 0 : i32
      %dma_wait3A_146 = arith.constant 0 : i32
      %dma_wait3A_147 = tpu.memref_slice %arg4[%dma_wait3A_145, %dma_wait3A_146] : memref<10240x128xf32, #tpu.memory_space<hbm>> -> memref<128x128xf32, #tpu.memory_space<hbm>>
      %dma_wait3A_148 = arith.constant 0 : i32
      %dma_wait3A_149 = arith.constant 0 : i32
      %dma_wait3A_150 = tpu.memref_slice %arg9[%dma_wait3A_140, %dma_wait3A_148, %dma_wait3A_149] : memref<4x128x128xf32, #tpu.memory_space<vmem>> -> memref<1x128x128xf32, #tpu.memory_space<vmem>>
      %dma_wait3A_151 = tpu.memref_squeeze %dma_wait3A_150 : memref<1x128x128xf32, #tpu.memory_space<vmem>> -> memref<128x128xf32, #tpu.memory_space<vmem>>
      %dma_wait3A_152 = arith.constant 0 : i32
      %dma_wait3A_153 = arith.constant 0 : i32
      %dma_wait3A_154 = tpu.memref_slice %arg4[%dma_wait3A_152, %dma_wait3A_153] : memref<10240x128xf32, #tpu.memory_space<hbm>> -> memref<128x128xf32, #tpu.memory_space<hbm>>
      tpu.wait_dma2 semaphore(%arg10 : memref<!tpu.dma_semaphore, #tpu.memory_space<semaphore_mem>>) src(%dma_wait3A_154 : memref<128x128xf32, #tpu.memory_space<hbm>>) dst(%dma_wait3A_151 : memref<128x128xf32, #tpu.memory_space<vmem>>)
      %dma_start3A_155 = arith.constant 2 : i32
      %dma_start3A_156 = arith.constant 2 : i32
      %dma_start3A_157 = arith.constant 0 : i32
      %dma_start3A_158 = arith.constant 0 : i32
      %dma_start3A_159 = tpu.memref_slice %arg9[%dma_start3A_156, %dma_start3A_157, %dma_start3A_158] : memref<4x128x128xf32, #tpu.memory_space<vmem>> -> memref<1x128x128xf32, #tpu.memory_space<vmem>>
      %dma_start3A_160 = tpu.memref_squeeze %dma_start3A_159 : memref<1x128x128xf32, #tpu.memory_space<vmem>> -> memref<128x128xf32, #tpu.memory_space<vmem>>
      %dma_start3A_161 = arith.constant 0 : i32
      %dma_start3A_162 = tpu.memref_slice %arg8[%dma_start3A_155, %dma_start3A_161] : memref<4x128xi32, #tpu.memory_space<vmem>> -> memref<1x128xi32, #tpu.memory_space<vmem>>
      %dma_start3A_163 = tpu.memref_squeeze %dma_start3A_162 : memref<1x128xi32, #tpu.memory_space<vmem>> -> memref<128xi32, #tpu.memory_space<vmem>>
      %dma_start3A_164 = arith.constant 0 : i32
      %dma_start3A_165 = arith.constant 0 : i32
      %dma_start3A_166 = tpu.memref_slice %arg5[%dma_start3A_164, %dma_start3A_165] : memref<10240x128xf32, #tpu.memory_space<hbm>> -> memref<10240x128xf32, #tpu.memory_space<hbm>>
      tpu.enqueue_indirect_dma source(%dma_start3A_166 : memref<10240x128xf32, #tpu.memory_space<hbm>>) target(%dma_start3A_160 : memref<128x128xf32, #tpu.memory_space<vmem>>) offsets(%dma_start3A_163 : memref<128xi32, #tpu.memory_space<vmem>>) semaphore(%arg11 : memref<!tpu.dma_semaphore, #tpu.memory_space<semaphore_mem>>) {add = true}
      %dma_wait3A_167 = arith.constant 3 : i32
      %dma_wait3A_168 = arith.constant 0 : i32
      %dma_wait3A_169 = arith.constant 0 : i32
      %dma_wait3A_170 = tpu.memref_slice %arg9[%dma_wait3A_167, %dma_wait3A_168, %dma_wait3A_169] : memref<4x128x128xf32, #tpu.memory_space<vmem>> -> memref<1x128x128xf32, #tpu.memory_space<vmem>>
      %dma_wait3A_171 = tpu.memref_squeeze %dma_wait3A_170 : memref<1x128x128xf32, #tpu.memory_space<vmem>> -> memref<128x128xf32, #tpu.memory_space<vmem>>
      %dma_wait3A_172 = arith.constant 0 : i32
      %dma_wait3A_173 = arith.constant 0 : i32
      %dma_wait3A_174 = tpu.memref_slice %arg4[%dma_wait3A_172, %dma_wait3A_173] : memref<10240x128xf32, #tpu.memory_space<hbm>> -> memref<128x128xf32, #tpu.memory_space<hbm>>
      %dma_wait3A_175 = arith.constant 0 : i32
      %dma_wait3A_176 = arith.constant 0 : i32
      %dma_wait3A_177 = tpu.memref_slice %arg9[%dma_wait3A_167, %dma_wait3A_175, %dma_wait3A_176] : memref<4x128x128xf32, #tpu.memory_space<vmem>> -> memref<1x128x128xf32, #tpu.memory_space<vmem>>
      %dma_wait3A_178 = tpu.memref_squeeze %dma_wait3A_177 : memref<1x128x128xf32, #tpu.memory_space<vmem>> -> memref<128x128xf32, #tpu.memory_space<vmem>>
      %dma_wait3A_179 = arith.constant 0 : i32
      %dma_wait3A_180 = arith.constant 0 : i32
      %dma_wait3A_181 = tpu.memref_slice %arg4[%dma_wait3A_179, %dma_wait3A_180] : memref<10240x128xf32, #tpu.memory_space<hbm>> -> memref<128x128xf32, #tpu.memory_space<hbm>>
      tpu.wait_dma2 semaphore(%arg10 : memref<!tpu.dma_semaphore, #tpu.memory_space<semaphore_mem>>) src(%dma_wait3A_181 : memref<128x128xf32, #tpu.memory_space<hbm>>) dst(%dma_wait3A_178 : memref<128x128xf32, #tpu.memory_space<vmem>>)
      %dma_start3A_182 = arith.constant 3 : i32
      %dma_start3A_183 = arith.constant 3 : i32
      %dma_start3A_184 = arith.constant 0 : i32
      %dma_start3A_185 = arith.constant 0 : i32
      %dma_start3A_186 = tpu.memref_slice %arg9[%dma_start3A_183, %dma_start3A_184, %dma_start3A_185] : memref<4x128x128xf32, #tpu.memory_space<vmem>> -> memref<1x128x128xf32, #tpu.memory_space<vmem>>
      %dma_start3A_187 = tpu.memref_squeeze %dma_start3A_186 : memref<1x128x128xf32, #tpu.memory_space<vmem>> -> memref<128x128xf32, #tpu.memory_space<vmem>>
      %dma_start3A_188 = arith.constant 0 : i32
      %dma_start3A_189 = tpu.memref_slice %arg8[%dma_start3A_182, %dma_start3A_188] : memref<4x128xi32, #tpu.memory_space<vmem>> -> memref<1x128xi32, #tpu.memory_space<vmem>>
      %dma_start3A_190 = tpu.memref_squeeze %dma_start3A_189 : memref<1x128xi32, #tpu.memory_space<vmem>> -> memref<128xi32, #tpu.memory_space<vmem>>
      %dma_start3A_191 = arith.constant 0 : i32
      %dma_start3A_192 = arith.constant 0 : i32
      %dma_start3A_193 = tpu.memref_slice %arg5[%dma_start3A_191, %dma_start3A_192] : memref<10240x128xf32, #tpu.memory_space<hbm>> -> memref<10240x128xf32, #tpu.memory_space<hbm>>
      tpu.enqueue_indirect_dma source(%dma_start3A_193 : memref<10240x128xf32, #tpu.memory_space<hbm>>) target(%dma_start3A_187 : memref<128x128xf32, #tpu.memory_space<vmem>>) offsets(%dma_start3A_190 : memref<128xi32, #tpu.memory_space<vmem>>) semaphore(%arg11 : memref<!tpu.dma_semaphore, #tpu.memory_space<semaphore_mem>>) {add = true}
      %mul3A_194 = arith.constant 52 : i32
      %mul3A_195 = arith.muli %add3A, %mul3A_194 : i32
      %mul3A_196 = arith.constant 4 : i32
      %mul3A_197 = arith.muli %mul3A_196, %scan3A_85 : i32
      %add3A_198 = arith.addi %mul3A_195, %mul3A_197 : i32
      %add3A_199 = arith.constant 0 : i32
      %add3A_200 = arith.addi %add3A_198, %add3A_199 : i32
      %mul3A_201 = arith.constant 128 : i32
      %mul3A_202 = arith.muli %add3A_200, %mul3A_201 : i32
      %dma_wait3A_203 = arith.constant 0 : i32
      %dma_wait3A_204 = arith.constant 0 : i32
      %dma_wait3A_205 = arith.constant 0 : i32
      %dma_wait3A_206 = tpu.memref_slice %arg9[%dma_wait3A_203, %dma_wait3A_204, %dma_wait3A_205] : memref<4x128x128xf32, #tpu.memory_space<vmem>> -> memref<1x128x128xf32, #tpu.memory_space<vmem>>
      %dma_wait3A_207 = tpu.memref_squeeze %dma_wait3A_206 : memref<1x128x128xf32, #tpu.memory_space<vmem>> -> memref<128x128xf32, #tpu.memory_space<vmem>>
      %dma_wait3A_208 = arith.constant 0 : i32
      %dma_wait3A_209 = arith.constant 0 : i32
      %dma_wait3A_210 = tpu.memref_slice %arg5[%dma_wait3A_208, %dma_wait3A_209] : memref<10240x128xf32, #tpu.memory_space<hbm>> -> memref<128x128xf32, #tpu.memory_space<hbm>>
      %dma_wait3A_211 = arith.constant 0 : i32
      %dma_wait3A_212 = arith.constant 0 : i32
      %dma_wait3A_213 = tpu.memref_slice %arg9[%dma_wait3A_203, %dma_wait3A_211, %dma_wait3A_212] : memref<4x128x128xf32, #tpu.memory_space<vmem>> -> memref<1x128x128xf32, #tpu.memory_space<vmem>>
      %dma_wait3A_214 = tpu.memref_squeeze %dma_wait3A_213 : memref<1x128x128xf32, #tpu.memory_space<vmem>> -> memref<128x128xf32, #tpu.memory_space<vmem>>
      %dma_wait3A_215 = arith.constant 0 : i32
      %dma_wait3A_216 = arith.constant 0 : i32
      %dma_wait3A_217 = tpu.memref_slice %arg5[%dma_wait3A_215, %dma_wait3A_216] : memref<10240x128xf32, #tpu.memory_space<hbm>> -> memref<128x128xf32, #tpu.memory_space<hbm>>
      tpu.wait_dma2 semaphore(%arg11 : memref<!tpu.dma_semaphore, #tpu.memory_space<semaphore_mem>>) src(%dma_wait3A_217 : memref<128x128xf32, #tpu.memory_space<hbm>>) dst(%dma_wait3A_214 : memref<128x128xf32, #tpu.memory_space<vmem>>)
      %run_scoped3A_218 = arith.constant 0 : i32
      "tpu.region"() ({
        %run_scoped3A_336 = tpu.sem_alloc : memref<!tpu.dma_semaphore, #tpu.memory_space<semaphore_mem>>
        %dma_start3A_337 = arith.constant 0 : i32
        %dma_start3A_338 = arith.constant 0 : i32
        %dma_start3A_339 = tpu.memref_slice %arg9[%run_scoped3A_218, %dma_start3A_337, %dma_start3A_338] : memref<4x128x128xf32, #tpu.memory_space<vmem>> -> memref<1x128x128xf32, #tpu.memory_space<vmem>>
        %dma_start3A_340 = tpu.memref_squeeze %dma_start3A_339 : memref<1x128x128xf32, #tpu.memory_space<vmem>> -> memref<128x128xf32, #tpu.memory_space<vmem>>
        %dma_start3A_341 = arith.constant 0 : i32
        %dma_start3A_342 = tpu.memref_slice %arg6[%mul3A_202, %dma_start3A_341] : memref<212992x128xf32, #tpu.memory_space<hbm>> -> memref<128x128xf32, #tpu.memory_space<hbm>>
        %dma_start3A_343 = arith.constant 0 : i32
        %dma_start3A_344 = tpu.memref_slice %arg6[%mul3A_202, %dma_start3A_343] : memref<212992x128xf32, #tpu.memory_space<hbm>> -> memref<128x128xf32, #tpu.memory_space<hbm>>
        %dma_start3A_345 = arith.constant 0 : i32
        %dma_start3A_346 = arith.constant 0 : i32
        %dma_start3A_347 = tpu.memref_slice %arg9[%run_scoped3A_218, %dma_start3A_345, %dma_start3A_346] : memref<4x128x128xf32, #tpu.memory_space<vmem>> -> memref<1x128x128xf32, #tpu.memory_space<vmem>>
        %dma_start3A_348 = tpu.memref_squeeze %dma_start3A_347 : memref<1x128x128xf32, #tpu.memory_space<vmem>> -> memref<128x128xf32, #tpu.memory_space<vmem>>
        tpu.enqueue_dma source(%dma_start3A_348 : memref<128x128xf32, #tpu.memory_space<vmem>>) target(%dma_start3A_344 : memref<128x128xf32, #tpu.memory_space<hbm>>) target_semaphore(%run_scoped3A_336 : memref<!tpu.dma_semaphore, #tpu.memory_space<semaphore_mem>>)
        %dma_wait3A_349 = arith.constant 0 : i32
        %dma_wait3A_350 = arith.constant 0 : i32
        %dma_wait3A_351 = tpu.memref_slice %arg9[%run_scoped3A_218, %dma_wait3A_349, %dma_wait3A_350] : memref<4x128x128xf32, #tpu.memory_space<vmem>> -> memref<1x128x128xf32, #tpu.memory_space<vmem>>
        %dma_wait3A_352 = tpu.memref_squeeze %dma_wait3A_351 : memref<1x128x128xf32, #tpu.memory_space<vmem>> -> memref<128x128xf32, #tpu.memory_space<vmem>>
        %dma_wait3A_353 = arith.constant 0 : i32
        %dma_wait3A_354 = tpu.memref_slice %arg6[%mul3A_202, %dma_wait3A_353] : memref<212992x128xf32, #tpu.memory_space<hbm>> -> memref<128x128xf32, #tpu.memory_space<hbm>>
        %dma_wait3A_355 = arith.constant 0 : i32
        %dma_wait3A_356 = tpu.memref_slice %arg6[%mul3A_202, %dma_wait3A_355] : memref<212992x128xf32, #tpu.memory_space<hbm>> -> memref<128x128xf32, #tpu.memory_space<hbm>>
        %dma_wait3A_357 = arith.constant 0 : i32
        %dma_wait3A_358 = arith.constant 0 : i32
        %dma_wait3A_359 = tpu.memref_slice %arg9[%run_scoped3A_218, %dma_wait3A_357, %dma_wait3A_358] : memref<4x128x128xf32, #tpu.memory_space<vmem>> -> memref<1x128x128xf32, #tpu.memory_space<vmem>>
        %dma_wait3A_360 = tpu.memref_squeeze %dma_wait3A_359 : memref<1x128x128xf32, #tpu.memory_space<vmem>> -> memref<128x128xf32, #tpu.memory_space<vmem>>
        tpu.wait_dma2 semaphore(%run_scoped3A_336 : memref<!tpu.dma_semaphore, #tpu.memory_space<semaphore_mem>>) src(%dma_wait3A_360 : memref<128x128xf32, #tpu.memory_space<vmem>>) dst(%dma_wait3A_356 : memref<128x128xf32, #tpu.memory_space<hbm>>)
        tpu.yield
      }) : () -> ()
      %mul3A_219 = arith.constant 4 : i32
      %mul3A_220 = arith.muli %mul3A_219, %scan3A_85 : i32
      %add3A_221 = arith.constant 0 : i32
      %add3A_222 = arith.addi %mul3A_220, %add3A_221 : i32
      %add3A_223 = arith.constant 4 : i32
      %add3A_224 = arith.addi %add3A_222, %add3A_223 : i32
      %lt3A = arith.constant 52 : i32
      %lt3A_225 = arith.cmpi slt, %add3A_224, %lt3A : i32
      %convert_element_type3A = arith.extui %lt3A_225 : i1 to i32
      %cond3A = arith.constant 0 : i32
      %cond3A_226 = arith.cmpi ne, %convert_element_type3A, %cond3A : i32
      scf.if %cond3A_226 {
        %mul3A_336 = arith.constant 52 : i32
        %mul3A_337 = arith.muli %add3A, %mul3A_336 : i32
        %add3A_338 = arith.addi %mul3A_337, %add3A_224 : i32
        %mul3A_339 = arith.constant 128 : i32
        %mul3A_340 = arith.muli %add3A_338, %mul3A_339 : i32
        %run_scoped3A_341 = arith.constant 0 : i32
        "tpu.region"() ({
          %run_scoped3A_355 = tpu.sem_alloc : memref<!tpu.dma_semaphore, #tpu.memory_space<semaphore_mem>>
          %dma_start3A_356 = arith.constant 0 : i32
          %dma_start3A_357 = tpu.memref_slice %arg7[%run_scoped3A_341, %dma_start3A_356] : memref<4x128xi32, #tpu.memory_space<vmem>> -> memref<1x128xi32, #tpu.memory_space<vmem>>
          %dma_start3A_358 = tpu.memref_squeeze %dma_start3A_357 : memref<1x128xi32, #tpu.memory_space<vmem>> -> memref<128xi32, #tpu.memory_space<vmem>>
          %dma_start3A_359 = tpu.memref_slice %arg2[%mul3A_340] : memref<212992xi32, #tpu.memory_space<hbm>> -> memref<128xi32, #tpu.memory_space<hbm>>
          %dma_start3A_360 = arith.constant 0 : i32
          %dma_start3A_361 = tpu.memref_slice %arg7[%run_scoped3A_341, %dma_start3A_360] : memref<4x128xi32, #tpu.memory_space<vmem>> -> memref<1x128xi32, #tpu.memory_space<vmem>>
          %dma_start3A_362 = tpu.memref_squeeze %dma_start3A_361 : memref<1x128xi32, #tpu.memory_space<vmem>> -> memref<128xi32, #tpu.memory_space<vmem>>
          %dma_start3A_363 = tpu.memref_slice %arg2[%mul3A_340] : memref<212992xi32, #tpu.memory_space<hbm>> -> memref<128xi32, #tpu.memory_space<hbm>>
          tpu.enqueue_dma source(%dma_start3A_363 : memref<128xi32, #tpu.memory_space<hbm>>) target(%dma_start3A_362 : memref<128xi32, #tpu.memory_space<vmem>>) target_semaphore(%run_scoped3A_355 : memref<!tpu.dma_semaphore, #tpu.memory_space<semaphore_mem>>)
          %dma_wait3A_364 = arith.constant 0 : i32
          %dma_wait3A_365 = tpu.memref_slice %arg7[%run_scoped3A_341, %dma_wait3A_364] : memref<4x128xi32, #tpu.memory_space<vmem>> -> memref<1x128xi32, #tpu.memory_space<vmem>>
          %dma_wait3A_366 = tpu.memref_squeeze %dma_wait3A_365 : memref<1x128xi32, #tpu.memory_space<vmem>> -> memref<128xi32, #tpu.memory_space<vmem>>
          %dma_wait3A_367 = tpu.memref_slice %arg2[%mul3A_340] : memref<212992xi32, #tpu.memory_space<hbm>> -> memref<128xi32, #tpu.memory_space<hbm>>
          %dma_wait3A_368 = arith.constant 0 : i32
          %dma_wait3A_369 = tpu.memref_slice %arg7[%run_scoped3A_341, %dma_wait3A_368] : memref<4x128xi32, #tpu.memory_space<vmem>> -> memref<1x128xi32, #tpu.memory_space<vmem>>
          %dma_wait3A_370 = tpu.memref_squeeze %dma_wait3A_369 : memref<1x128xi32, #tpu.memory_space<vmem>> -> memref<128xi32, #tpu.memory_space<vmem>>
          %dma_wait3A_371 = tpu.memref_slice %arg2[%mul3A_340] : memref<212992xi32, #tpu.memory_space<hbm>> -> memref<128xi32, #tpu.memory_space<hbm>>
          tpu.wait_dma2 semaphore(%run_scoped3A_355 : memref<!tpu.dma_semaphore, #tpu.memory_space<semaphore_mem>>) src(%dma_wait3A_371 : memref<128xi32, #tpu.memory_space<hbm>>) dst(%dma_wait3A_370 : memref<128xi32, #tpu.memory_space<vmem>>)
          tpu.yield
        }) : () -> ()
        %dma_start3A_342 = arith.constant 0 : i32
        %dma_start3A_343 = arith.constant 0 : i32
        %dma_start3A_344 = arith.constant 0 : i32
        %dma_start3A_345 = arith.constant 0 : i32
        %dma_start3A_346 = tpu.memref_slice %arg9[%dma_start3A_343, %dma_start3A_344, %dma_start3A_345] : memref<4x128x128xf32, #tpu.memory_space<vmem>> -> memref<1x128x128xf32, #tpu.memory_space<vmem>>
        %dma_start3A_347 = tpu.memref_squeeze %dma_start3A_346 : memref<1x128x128xf32, #tpu.memory_space<vmem>> -> memref<128x128xf32, #tpu.memory_space<vmem>>
        %dma_start3A_348 = arith.constant 0 : i32
        %dma_start3A_349 = tpu.memref_slice %arg7[%dma_start3A_342, %dma_start3A_348] : memref<4x128xi32, #tpu.memory_space<vmem>> -> memref<1x128xi32, #tpu.memory_space<vmem>>
        %dma_start3A_350 = tpu.memref_squeeze %dma_start3A_349 : memref<1x128xi32, #tpu.memory_space<vmem>> -> memref<128xi32, #tpu.memory_space<vmem>>
        %dma_start3A_351 = arith.constant 0 : i32
        %dma_start3A_352 = arith.constant 0 : i32
        %dma_start3A_353 = tpu.memref_slice %arg4[%dma_start3A_351, %dma_start3A_352] : memref<10240x128xf32, #tpu.memory_space<hbm>> -> memref<10240x128xf32, #tpu.memory_space<hbm>>
        tpu.enqueue_indirect_dma source(%dma_start3A_353 : memref<10240x128xf32, #tpu.memory_space<hbm>>) target(%dma_start3A_347 : memref<128x128xf32, #tpu.memory_space<vmem>>) offsets(%dma_start3A_350 : memref<128xi32, #tpu.memory_space<vmem>>) semaphore(%arg10 : memref<!tpu.dma_semaphore, #tpu.memory_space<semaphore_mem>>)
        %run_scoped3A_354 = arith.constant 0 : i32
        "tpu.region"() ({
          %run_scoped3A_355 = tpu.sem_alloc : memref<!tpu.dma_semaphore, #tpu.memory_space<semaphore_mem>>
          %dma_start3A_356 = arith.constant 0 : i32
          %dma_start3A_357 = tpu.memref_slice %arg8[%run_scoped3A_354, %dma_start3A_356] : memref<4x128xi32, #tpu.memory_space<vmem>> -> memref<1x128xi32, #tpu.memory_space<vmem>>
          %dma_start3A_358 = tpu.memref_squeeze %dma_start3A_357 : memref<1x128xi32, #tpu.memory_space<vmem>> -> memref<128xi32, #tpu.memory_space<vmem>>
          %dma_start3A_359 = tpu.memref_slice %arg3[%mul3A_340] : memref<212992xi32, #tpu.memory_space<hbm>> -> memref<128xi32, #tpu.memory_space<hbm>>
          %dma_start3A_360 = arith.constant 0 : i32
          %dma_start3A_361 = tpu.memref_slice %arg8[%run_scoped3A_354, %dma_start3A_360] : memref<4x128xi32, #tpu.memory_space<vmem>> -> memref<1x128xi32, #tpu.memory_space<vmem>>
          %dma_start3A_362 = tpu.memref_squeeze %dma_start3A_361 : memref<1x128xi32, #tpu.memory_space<vmem>> -> memref<128xi32, #tpu.memory_space<vmem>>
          %dma_start3A_363 = tpu.memref_slice %arg3[%mul3A_340] : memref<212992xi32, #tpu.memory_space<hbm>> -> memref<128xi32, #tpu.memory_space<hbm>>
          tpu.enqueue_dma source(%dma_start3A_363 : memref<128xi32, #tpu.memory_space<hbm>>) target(%dma_start3A_362 : memref<128xi32, #tpu.memory_space<vmem>>) target_semaphore(%run_scoped3A_355 : memref<!tpu.dma_semaphore, #tpu.memory_space<semaphore_mem>>)
          %dma_wait3A_364 = arith.constant 0 : i32
          %dma_wait3A_365 = tpu.memref_slice %arg8[%run_scoped3A_354, %dma_wait3A_364] : memref<4x128xi32, #tpu.memory_space<vmem>> -> memref<1x128xi32, #tpu.memory_space<vmem>>
          %dma_wait3A_366 = tpu.memref_squeeze %dma_wait3A_365 : memref<1x128xi32, #tpu.memory_space<vmem>> -> memref<128xi32, #tpu.memory_space<vmem>>
          %dma_wait3A_367 = tpu.memref_slice %arg3[%mul3A_340] : memref<212992xi32, #tpu.memory_space<hbm>> -> memref<128xi32, #tpu.memory_space<hbm>>
          %dma_wait3A_368 = arith.constant 0 : i32
          %dma_wait3A_369 = tpu.memref_slice %arg8[%run_scoped3A_354, %dma_wait3A_368] : memref<4x128xi32, #tpu.memory_space<vmem>> -> memref<1x128xi32, #tpu.memory_space<vmem>>
          %dma_wait3A_370 = tpu.memref_squeeze %dma_wait3A_369 : memref<1x128xi32, #tpu.memory_space<vmem>> -> memref<128xi32, #tpu.memory_space<vmem>>
          %dma_wait3A_371 = tpu.memref_slice %arg3[%mul3A_340] : memref<212992xi32, #tpu.memory_space<hbm>> -> memref<128xi32, #tpu.memory_space<hbm>>
          tpu.wait_dma2 semaphore(%run_scoped3A_355 : memref<!tpu.dma_semaphore, #tpu.memory_space<semaphore_mem>>) src(%dma_wait3A_371 : memref<128xi32, #tpu.memory_space<hbm>>) dst(%dma_wait3A_370 : memref<128xi32, #tpu.memory_space<vmem>>)
          tpu.yield
        }) : () -> ()
      } else {
      }
      %mul3A_227 = arith.constant 52 : i32
      %mul3A_228 = arith.muli %add3A, %mul3A_227 : i32
      %mul3A_229 = arith.constant 4 : i32
      %mul3A_230 = arith.muli %mul3A_229, %scan3A_85 : i32
      %add3A_231 = arith.addi %mul3A_228, %mul3A_230 : i32
      %add3A_232 = arith.constant 1 : i32
      %add3A_233 = arith.addi %add3A_231, %add3A_232 : i32
      %mul3A_234 = arith.constant 128 : i32
      %mul3A_235 = arith.muli %add3A_233, %mul3A_234 : i32
      %dma_wait3A_236 = arith.constant 1 : i32
      %dma_wait3A_237 = arith.constant 0 : i32
      %dma_wait3A_238 = arith.constant 0 : i32
      %dma_wait3A_239 = tpu.memref_slice %arg9[%dma_wait3A_236, %dma_wait3A_237, %dma_wait3A_238] : memref<4x128x128xf32, #tpu.memory_space<vmem>> -> memref<1x128x128xf32, #tpu.memory_space<vmem>>
      %dma_wait3A_240 = tpu.memref_squeeze %dma_wait3A_239 : memref<1x128x128xf32, #tpu.memory_space<vmem>> -> memref<128x128xf32, #tpu.memory_space<vmem>>
      %dma_wait3A_241 = arith.constant 0 : i32
      %dma_wait3A_242 = arith.constant 0 : i32
      %dma_wait3A_243 = tpu.memref_slice %arg5[%dma_wait3A_241, %dma_wait3A_242] : memref<10240x128xf32, #tpu.memory_space<hbm>> -> memref<128x128xf32, #tpu.memory_space<hbm>>
      %dma_wait3A_244 = arith.constant 0 : i32
      %dma_wait3A_245 = arith.constant 0 : i32
      %dma_wait3A_246 = tpu.memref_slice %arg9[%dma_wait3A_236, %dma_wait3A_244, %dma_wait3A_245] : memref<4x128x128xf32, #tpu.memory_space<vmem>> -> memref<1x128x128xf32, #tpu.memory_space<vmem>>
      %dma_wait3A_247 = tpu.memref_squeeze %dma_wait3A_246 : memref<1x128x128xf32, #tpu.memory_space<vmem>> -> memref<128x128xf32, #tpu.memory_space<vmem>>
      %dma_wait3A_248 = arith.constant 0 : i32
      %dma_wait3A_249 = arith.constant 0 : i32
      %dma_wait3A_250 = tpu.memref_slice %arg5[%dma_wait3A_248, %dma_wait3A_249] : memref<10240x128xf32, #tpu.memory_space<hbm>> -> memref<128x128xf32, #tpu.memory_space<hbm>>
      tpu.wait_dma2 semaphore(%arg11 : memref<!tpu.dma_semaphore, #tpu.memory_space<semaphore_mem>>) src(%dma_wait3A_250 : memref<128x128xf32, #tpu.memory_space<hbm>>) dst(%dma_wait3A_247 : memref<128x128xf32, #tpu.memory_space<vmem>>)
      %run_scoped3A_251 = arith.constant 1 : i32
      "tpu.region"() ({
        %run_scoped3A_336 = tpu.sem_alloc : memref<!tpu.dma_semaphore, #tpu.memory_space<semaphore_mem>>
        %dma_start3A_337 = arith.constant 0 : i32
        %dma_start3A_338 = arith.constant 0 : i32
        %dma_start3A_339 = tpu.memref_slice %arg9[%run_scoped3A_251, %dma_start3A_337, %dma_start3A_338] : memref<4x128x128xf32, #tpu.memory_space<vmem>> -> memref<1x128x128xf32, #tpu.memory_space<vmem>>
        %dma_start3A_340 = tpu.memref_squeeze %dma_start3A_339 : memref<1x128x128xf32, #tpu.memory_space<vmem>> -> memref<128x128xf32, #tpu.memory_space<vmem>>
        %dma_start3A_341 = arith.constant 0 : i32
        %dma_start3A_342 = tpu.memref_slice %arg6[%mul3A_235, %dma_start3A_341] : memref<212992x128xf32, #tpu.memory_space<hbm>> -> memref<128x128xf32, #tpu.memory_space<hbm>>
        %dma_start3A_343 = arith.constant 0 : i32
        %dma_start3A_344 = tpu.memref_slice %arg6[%mul3A_235, %dma_start3A_343] : memref<212992x128xf32, #tpu.memory_space<hbm>> -> memref<128x128xf32, #tpu.memory_space<hbm>>
        %dma_start3A_345 = arith.constant 0 : i32
        %dma_start3A_346 = arith.constant 0 : i32
        %dma_start3A_347 = tpu.memref_slice %arg9[%run_scoped3A_251, %dma_start3A_345, %dma_start3A_346] : memref<4x128x128xf32, #tpu.memory_space<vmem>> -> memref<1x128x128xf32, #tpu.memory_space<vmem>>
        %dma_start3A_348 = tpu.memref_squeeze %dma_start3A_347 : memref<1x128x128xf32, #tpu.memory_space<vmem>> -> memref<128x128xf32, #tpu.memory_space<vmem>>
        tpu.enqueue_dma source(%dma_start3A_348 : memref<128x128xf32, #tpu.memory_space<vmem>>) target(%dma_start3A_344 : memref<128x128xf32, #tpu.memory_space<hbm>>) target_semaphore(%run_scoped3A_336 : memref<!tpu.dma_semaphore, #tpu.memory_space<semaphore_mem>>)
        %dma_wait3A_349 = arith.constant 0 : i32
        %dma_wait3A_350 = arith.constant 0 : i32
        %dma_wait3A_351 = tpu.memref_slice %arg9[%run_scoped3A_251, %dma_wait3A_349, %dma_wait3A_350] : memref<4x128x128xf32, #tpu.memory_space<vmem>> -> memref<1x128x128xf32, #tpu.memory_space<vmem>>
        %dma_wait3A_352 = tpu.memref_squeeze %dma_wait3A_351 : memref<1x128x128xf32, #tpu.memory_space<vmem>> -> memref<128x128xf32, #tpu.memory_space<vmem>>
        %dma_wait3A_353 = arith.constant 0 : i32
        %dma_wait3A_354 = tpu.memref_slice %arg6[%mul3A_235, %dma_wait3A_353] : memref<212992x128xf32, #tpu.memory_space<hbm>> -> memref<128x128xf32, #tpu.memory_space<hbm>>
        %dma_wait3A_355 = arith.constant 0 : i32
        %dma_wait3A_356 = tpu.memref_slice %arg6[%mul3A_235, %dma_wait3A_355] : memref<212992x128xf32, #tpu.memory_space<hbm>> -> memref<128x128xf32, #tpu.memory_space<hbm>>
        %dma_wait3A_357 = arith.constant 0 : i32
        %dma_wait3A_358 = arith.constant 0 : i32
        %dma_wait3A_359 = tpu.memref_slice %arg9[%run_scoped3A_251, %dma_wait3A_357, %dma_wait3A_358] : memref<4x128x128xf32, #tpu.memory_space<vmem>> -> memref<1x128x128xf32, #tpu.memory_space<vmem>>
        %dma_wait3A_360 = tpu.memref_squeeze %dma_wait3A_359 : memref<1x128x128xf32, #tpu.memory_space<vmem>> -> memref<128x128xf32, #tpu.memory_space<vmem>>
        tpu.wait_dma2 semaphore(%run_scoped3A_336 : memref<!tpu.dma_semaphore, #tpu.memory_space<semaphore_mem>>) src(%dma_wait3A_360 : memref<128x128xf32, #tpu.memory_space<vmem>>) dst(%dma_wait3A_356 : memref<128x128xf32, #tpu.memory_space<hbm>>)
        tpu.yield
      }) : () -> ()
      %mul3A_252 = arith.constant 4 : i32
      %mul3A_253 = arith.muli %mul3A_252, %scan3A_85 : i32
      %add3A_254 = arith.constant 1 : i32
      %add3A_255 = arith.addi %mul3A_253, %add3A_254 : i32
      %add3A_256 = arith.constant 4 : i32
      %add3A_257 = arith.addi %add3A_255, %add3A_256 : i32
      %lt3A_258 = arith.constant 52 : i32
      %lt3A_259 = arith.cmpi slt, %add3A_257, %lt3A_258 : i32
      %convert_element_type3A_260 = arith.extui %lt3A_259 : i1 to i32
      %cond3A_261 = arith.constant 0 : i32
      %cond3A_262 = arith.cmpi ne, %convert_element_type3A_260, %cond3A_261 : i32
      scf.if %cond3A_262 {
        %mul3A_336 = arith.constant 52 : i32
        %mul3A_337 = arith.muli %add3A, %mul3A_336 : i32
        %add3A_338 = arith.addi %mul3A_337, %add3A_257 : i32
        %mul3A_339 = arith.constant 128 : i32
        %mul3A_340 = arith.muli %add3A_338, %mul3A_339 : i32
        %run_scoped3A_341 = arith.constant 1 : i32
        "tpu.region"() ({
          %run_scoped3A_355 = tpu.sem_alloc : memref<!tpu.dma_semaphore, #tpu.memory_space<semaphore_mem>>
          %dma_start3A_356 = arith.constant 0 : i32
          %dma_start3A_357 = tpu.memref_slice %arg7[%run_scoped3A_341, %dma_start3A_356] : memref<4x128xi32, #tpu.memory_space<vmem>> -> memref<1x128xi32, #tpu.memory_space<vmem>>
          %dma_start3A_358 = tpu.memref_squeeze %dma_start3A_357 : memref<1x128xi32, #tpu.memory_space<vmem>> -> memref<128xi32, #tpu.memory_space<vmem>>
          %dma_start3A_359 = tpu.memref_slice %arg2[%mul3A_340] : memref<212992xi32, #tpu.memory_space<hbm>> -> memref<128xi32, #tpu.memory_space<hbm>>
          %dma_start3A_360 = arith.constant 0 : i32
          %dma_start3A_361 = tpu.memref_slice %arg7[%run_scoped3A_341, %dma_start3A_360] : memref<4x128xi32, #tpu.memory_space<vmem>> -> memref<1x128xi32, #tpu.memory_space<vmem>>
          %dma_start3A_362 = tpu.memref_squeeze %dma_start3A_361 : memref<1x128xi32, #tpu.memory_space<vmem>> -> memref<128xi32, #tpu.memory_space<vmem>>
          %dma_start3A_363 = tpu.memref_slice %arg2[%mul3A_340] : memref<212992xi32, #tpu.memory_space<hbm>> -> memref<128xi32, #tpu.memory_space<hbm>>
          tpu.enqueue_dma source(%dma_start3A_363 : memref<128xi32, #tpu.memory_space<hbm>>) target(%dma_start3A_362 : memref<128xi32, #tpu.memory_space<vmem>>) target_semaphore(%run_scoped3A_355 : memref<!tpu.dma_semaphore, #tpu.memory_space<semaphore_mem>>)
          %dma_wait3A_364 = arith.constant 0 : i32
          %dma_wait3A_365 = tpu.memref_slice %arg7[%run_scoped3A_341, %dma_wait3A_364] : memref<4x128xi32, #tpu.memory_space<vmem>> -> memref<1x128xi32, #tpu.memory_space<vmem>>
          %dma_wait3A_366 = tpu.memref_squeeze %dma_wait3A_365 : memref<1x128xi32, #tpu.memory_space<vmem>> -> memref<128xi32, #tpu.memory_space<vmem>>
          %dma_wait3A_367 = tpu.memref_slice %arg2[%mul3A_340] : memref<212992xi32, #tpu.memory_space<hbm>> -> memref<128xi32, #tpu.memory_space<hbm>>
          %dma_wait3A_368 = arith.constant 0 : i32
          %dma_wait3A_369 = tpu.memref_slice %arg7[%run_scoped3A_341, %dma_wait3A_368] : memref<4x128xi32, #tpu.memory_space<vmem>> -> memref<1x128xi32, #tpu.memory_space<vmem>>
          %dma_wait3A_370 = tpu.memref_squeeze %dma_wait3A_369 : memref<1x128xi32, #tpu.memory_space<vmem>> -> memref<128xi32, #tpu.memory_space<vmem>>
          %dma_wait3A_371 = tpu.memref_slice %arg2[%mul3A_340] : memref<212992xi32, #tpu.memory_space<hbm>> -> memref<128xi32, #tpu.memory_space<hbm>>
          tpu.wait_dma2 semaphore(%run_scoped3A_355 : memref<!tpu.dma_semaphore, #tpu.memory_space<semaphore_mem>>) src(%dma_wait3A_371 : memref<128xi32, #tpu.memory_space<hbm>>) dst(%dma_wait3A_370 : memref<128xi32, #tpu.memory_space<vmem>>)
          tpu.yield
        }) : () -> ()
        %dma_start3A_342 = arith.constant 1 : i32
        %dma_start3A_343 = arith.constant 1 : i32
        %dma_start3A_344 = arith.constant 0 : i32
        %dma_start3A_345 = arith.constant 0 : i32
        %dma_start3A_346 = tpu.memref_slice %arg9[%dma_start3A_343, %dma_start3A_344, %dma_start3A_345] : memref<4x128x128xf32, #tpu.memory_space<vmem>> -> memref<1x128x128xf32, #tpu.memory_space<vmem>>
        %dma_start3A_347 = tpu.memref_squeeze %dma_start3A_346 : memref<1x128x128xf32, #tpu.memory_space<vmem>> -> memref<128x128xf32, #tpu.memory_space<vmem>>
        %dma_start3A_348 = arith.constant 0 : i32
        %dma_start3A_349 = tpu.memref_slice %arg7[%dma_start3A_342, %dma_start3A_348] : memref<4x128xi32, #tpu.memory_space<vmem>> -> memref<1x128xi32, #tpu.memory_space<vmem>>
        %dma_start3A_350 = tpu.memref_squeeze %dma_start3A_349 : memref<1x128xi32, #tpu.memory_space<vmem>> -> memref<128xi32, #tpu.memory_space<vmem>>
        %dma_start3A_351 = arith.constant 0 : i32
        %dma_start3A_352 = arith.constant 0 : i32
        %dma_start3A_353 = tpu.memref_slice %arg4[%dma_start3A_351, %dma_start3A_352] : memref<10240x128xf32, #tpu.memory_space<hbm>> -> memref<10240x128xf32, #tpu.memory_space<hbm>>
        tpu.enqueue_indirect_dma source(%dma_start3A_353 : memref<10240x128xf32, #tpu.memory_space<hbm>>) target(%dma_start3A_347 : memref<128x128xf32, #tpu.memory_space<vmem>>) offsets(%dma_start3A_350 : memref<128xi32, #tpu.memory_space<vmem>>) semaphore(%arg10 : memref<!tpu.dma_semaphore, #tpu.memory_space<semaphore_mem>>)
        %run_scoped3A_354 = arith.constant 1 : i32
        "tpu.region"() ({
          %run_scoped3A_355 = tpu.sem_alloc : memref<!tpu.dma_semaphore, #tpu.memory_space<semaphore_mem>>
          %dma_start3A_356 = arith.constant 0 : i32
          %dma_start3A_357 = tpu.memref_slice %arg8[%run_scoped3A_354, %dma_start3A_356] : memref<4x128xi32, #tpu.memory_space<vmem>> -> memref<1x128xi32, #tpu.memory_space<vmem>>
          %dma_start3A_358 = tpu.memref_squeeze %dma_start3A_357 : memref<1x128xi32, #tpu.memory_space<vmem>> -> memref<128xi32, #tpu.memory_space<vmem>>
          %dma_start3A_359 = tpu.memref_slice %arg3[%mul3A_340] : memref<212992xi32, #tpu.memory_space<hbm>> -> memref<128xi32, #tpu.memory_space<hbm>>
          %dma_start3A_360 = arith.constant 0 : i32
          %dma_start3A_361 = tpu.memref_slice %arg8[%run_scoped3A_354, %dma_start3A_360] : memref<4x128xi32, #tpu.memory_space<vmem>> -> memref<1x128xi32, #tpu.memory_space<vmem>>
          %dma_start3A_362 = tpu.memref_squeeze %dma_start3A_361 : memref<1x128xi32, #tpu.memory_space<vmem>> -> memref<128xi32, #tpu.memory_space<vmem>>
          %dma_start3A_363 = tpu.memref_slice %arg3[%mul3A_340] : memref<212992xi32, #tpu.memory_space<hbm>> -> memref<128xi32, #tpu.memory_space<hbm>>
          tpu.enqueue_dma source(%dma_start3A_363 : memref<128xi32, #tpu.memory_space<hbm>>) target(%dma_start3A_362 : memref<128xi32, #tpu.memory_space<vmem>>) target_semaphore(%run_scoped3A_355 : memref<!tpu.dma_semaphore, #tpu.memory_space<semaphore_mem>>)
          %dma_wait3A_364 = arith.constant 0 : i32
          %dma_wait3A_365 = tpu.memref_slice %arg8[%run_scoped3A_354, %dma_wait3A_364] : memref<4x128xi32, #tpu.memory_space<vmem>> -> memref<1x128xi32, #tpu.memory_space<vmem>>
          %dma_wait3A_366 = tpu.memref_squeeze %dma_wait3A_365 : memref<1x128xi32, #tpu.memory_space<vmem>> -> memref<128xi32, #tpu.memory_space<vmem>>
          %dma_wait3A_367 = tpu.memref_slice %arg3[%mul3A_340] : memref<212992xi32, #tpu.memory_space<hbm>> -> memref<128xi32, #tpu.memory_space<hbm>>
          %dma_wait3A_368 = arith.constant 0 : i32
          %dma_wait3A_369 = tpu.memref_slice %arg8[%run_scoped3A_354, %dma_wait3A_368] : memref<4x128xi32, #tpu.memory_space<vmem>> -> memref<1x128xi32, #tpu.memory_space<vmem>>
          %dma_wait3A_370 = tpu.memref_squeeze %dma_wait3A_369 : memref<1x128xi32, #tpu.memory_space<vmem>> -> memref<128xi32, #tpu.memory_space<vmem>>
          %dma_wait3A_371 = tpu.memref_slice %arg3[%mul3A_340] : memref<212992xi32, #tpu.memory_space<hbm>> -> memref<128xi32, #tpu.memory_space<hbm>>
          tpu.wait_dma2 semaphore(%run_scoped3A_355 : memref<!tpu.dma_semaphore, #tpu.memory_space<semaphore_mem>>) src(%dma_wait3A_371 : memref<128xi32, #tpu.memory_space<hbm>>) dst(%dma_wait3A_370 : memref<128xi32, #tpu.memory_space<vmem>>)
          tpu.yield
        }) : () -> ()
      } else {
      }
      %mul3A_263 = arith.constant 52 : i32
      %mul3A_264 = arith.muli %add3A, %mul3A_263 : i32
      %mul3A_265 = arith.constant 4 : i32
      %mul3A_266 = arith.muli %mul3A_265, %scan3A_85 : i32
      %add3A_267 = arith.addi %mul3A_264, %mul3A_266 : i32
      %add3A_268 = arith.constant 2 : i32
      %add3A_269 = arith.addi %add3A_267, %add3A_268 : i32
      %mul3A_270 = arith.constant 128 : i32
      %mul3A_271 = arith.muli %add3A_269, %mul3A_270 : i32
      %dma_wait3A_272 = arith.constant 2 : i32
      %dma_wait3A_273 = arith.constant 0 : i32
      %dma_wait3A_274 = arith.constant 0 : i32
      %dma_wait3A_275 = tpu.memref_slice %arg9[%dma_wait3A_272, %dma_wait3A_273, %dma_wait3A_274] : memref<4x128x128xf32, #tpu.memory_space<vmem>> -> memref<1x128x128xf32, #tpu.memory_space<vmem>>
      %dma_wait3A_276 = tpu.memref_squeeze %dma_wait3A_275 : memref<1x128x128xf32, #tpu.memory_space<vmem>> -> memref<128x128xf32, #tpu.memory_space<vmem>>
      %dma_wait3A_277 = arith.constant 0 : i32
      %dma_wait3A_278 = arith.constant 0 : i32
      %dma_wait3A_279 = tpu.memref_slice %arg5[%dma_wait3A_277, %dma_wait3A_278] : memref<10240x128xf32, #tpu.memory_space<hbm>> -> memref<128x128xf32, #tpu.memory_space<hbm>>
      %dma_wait3A_280 = arith.constant 0 : i32
      %dma_wait3A_281 = arith.constant 0 : i32
      %dma_wait3A_282 = tpu.memref_slice %arg9[%dma_wait3A_272, %dma_wait3A_280, %dma_wait3A_281] : memref<4x128x128xf32, #tpu.memory_space<vmem>> -> memref<1x128x128xf32, #tpu.memory_space<vmem>>
      %dma_wait3A_283 = tpu.memref_squeeze %dma_wait3A_282 : memref<1x128x128xf32, #tpu.memory_space<vmem>> -> memref<128x128xf32, #tpu.memory_space<vmem>>
      %dma_wait3A_284 = arith.constant 0 : i32
      %dma_wait3A_285 = arith.constant 0 : i32
      %dma_wait3A_286 = tpu.memref_slice %arg5[%dma_wait3A_284, %dma_wait3A_285] : memref<10240x128xf32, #tpu.memory_space<hbm>> -> memref<128x128xf32, #tpu.memory_space<hbm>>
      tpu.wait_dma2 semaphore(%arg11 : memref<!tpu.dma_semaphore, #tpu.memory_space<semaphore_mem>>) src(%dma_wait3A_286 : memref<128x128xf32, #tpu.memory_space<hbm>>) dst(%dma_wait3A_283 : memref<128x128xf32, #tpu.memory_space<vmem>>)
      %run_scoped3A_287 = arith.constant 2 : i32
      "tpu.region"() ({
        %run_scoped3A_336 = tpu.sem_alloc : memref<!tpu.dma_semaphore, #tpu.memory_space<semaphore_mem>>
        %dma_start3A_337 = arith.constant 0 : i32
        %dma_start3A_338 = arith.constant 0 : i32
        %dma_start3A_339 = tpu.memref_slice %arg9[%run_scoped3A_287, %dma_start3A_337, %dma_start3A_338] : memref<4x128x128xf32, #tpu.memory_space<vmem>> -> memref<1x128x128xf32, #tpu.memory_space<vmem>>
        %dma_start3A_340 = tpu.memref_squeeze %dma_start3A_339 : memref<1x128x128xf32, #tpu.memory_space<vmem>> -> memref<128x128xf32, #tpu.memory_space<vmem>>
        %dma_start3A_341 = arith.constant 0 : i32
        %dma_start3A_342 = tpu.memref_slice %arg6[%mul3A_271, %dma_start3A_341] : memref<212992x128xf32, #tpu.memory_space<hbm>> -> memref<128x128xf32, #tpu.memory_space<hbm>>
        %dma_start3A_343 = arith.constant 0 : i32
        %dma_start3A_344 = tpu.memref_slice %arg6[%mul3A_271, %dma_start3A_343] : memref<212992x128xf32, #tpu.memory_space<hbm>> -> memref<128x128xf32, #tpu.memory_space<hbm>>
        %dma_start3A_345 = arith.constant 0 : i32
        %dma_start3A_346 = arith.constant 0 : i32
        %dma_start3A_347 = tpu.memref_slice %arg9[%run_scoped3A_287, %dma_start3A_345, %dma_start3A_346] : memref<4x128x128xf32, #tpu.memory_space<vmem>> -> memref<1x128x128xf32, #tpu.memory_space<vmem>>
        %dma_start3A_348 = tpu.memref_squeeze %dma_start3A_347 : memref<1x128x128xf32, #tpu.memory_space<vmem>> -> memref<128x128xf32, #tpu.memory_space<vmem>>
        tpu.enqueue_dma source(%dma_start3A_348 : memref<128x128xf32, #tpu.memory_space<vmem>>) target(%dma_start3A_344 : memref<128x128xf32, #tpu.memory_space<hbm>>) target_semaphore(%run_scoped3A_336 : memref<!tpu.dma_semaphore, #tpu.memory_space<semaphore_mem>>)
        %dma_wait3A_349 = arith.constant 0 : i32
        %dma_wait3A_350 = arith.constant 0 : i32
        %dma_wait3A_351 = tpu.memref_slice %arg9[%run_scoped3A_287, %dma_wait3A_349, %dma_wait3A_350] : memref<4x128x128xf32, #tpu.memory_space<vmem>> -> memref<1x128x128xf32, #tpu.memory_space<vmem>>
        %dma_wait3A_352 = tpu.memref_squeeze %dma_wait3A_351 : memref<1x128x128xf32, #tpu.memory_space<vmem>> -> memref<128x128xf32, #tpu.memory_space<vmem>>
        %dma_wait3A_353 = arith.constant 0 : i32
        %dma_wait3A_354 = tpu.memref_slice %arg6[%mul3A_271, %dma_wait3A_353] : memref<212992x128xf32, #tpu.memory_space<hbm>> -> memref<128x128xf32, #tpu.memory_space<hbm>>
        %dma_wait3A_355 = arith.constant 0 : i32
        %dma_wait3A_356 = tpu.memref_slice %arg6[%mul3A_271, %dma_wait3A_355] : memref<212992x128xf32, #tpu.memory_space<hbm>> -> memref<128x128xf32, #tpu.memory_space<hbm>>
        %dma_wait3A_357 = arith.constant 0 : i32
        %dma_wait3A_358 = arith.constant 0 : i32
        %dma_wait3A_359 = tpu.memref_slice %arg9[%run_scoped3A_287, %dma_wait3A_357, %dma_wait3A_358] : memref<4x128x128xf32, #tpu.memory_space<vmem>> -> memref<1x128x128xf32, #tpu.memory_space<vmem>>
        %dma_wait3A_360 = tpu.memref_squeeze %dma_wait3A_359 : memref<1x128x128xf32, #tpu.memory_space<vmem>> -> memref<128x128xf32, #tpu.memory_space<vmem>>
        tpu.wait_dma2 semaphore(%run_scoped3A_336 : memref<!tpu.dma_semaphore, #tpu.memory_space<semaphore_mem>>) src(%dma_wait3A_360 : memref<128x128xf32, #tpu.memory_space<vmem>>) dst(%dma_wait3A_356 : memref<128x128xf32, #tpu.memory_space<hbm>>)
        tpu.yield
      }) : () -> ()
      %mul3A_288 = arith.constant 4 : i32
      %mul3A_289 = arith.muli %mul3A_288, %scan3A_85 : i32
      %add3A_290 = arith.constant 2 : i32
      %add3A_291 = arith.addi %mul3A_289, %add3A_290 : i32
      %add3A_292 = arith.constant 4 : i32
      %add3A_293 = arith.addi %add3A_291, %add3A_292 : i32
      %lt3A_294 = arith.constant 52 : i32
      %lt3A_295 = arith.cmpi slt, %add3A_293, %lt3A_294 : i32
      %convert_element_type3A_296 = arith.extui %lt3A_295 : i1 to i32
      %cond3A_297 = arith.constant 0 : i32
      %cond3A_298 = arith.cmpi ne, %convert_element_type3A_296, %cond3A_297 : i32
      scf.if %cond3A_298 {
        %mul3A_336 = arith.constant 52 : i32
        %mul3A_337 = arith.muli %add3A, %mul3A_336 : i32
        %add3A_338 = arith.addi %mul3A_337, %add3A_293 : i32
        %mul3A_339 = arith.constant 128 : i32
        %mul3A_340 = arith.muli %add3A_338, %mul3A_339 : i32
        %run_scoped3A_341 = arith.constant 2 : i32
        "tpu.region"() ({
          %run_scoped3A_355 = tpu.sem_alloc : memref<!tpu.dma_semaphore, #tpu.memory_space<semaphore_mem>>
          %dma_start3A_356 = arith.constant 0 : i32
          %dma_start3A_357 = tpu.memref_slice %arg7[%run_scoped3A_341, %dma_start3A_356] : memref<4x128xi32, #tpu.memory_space<vmem>> -> memref<1x128xi32, #tpu.memory_space<vmem>>
          %dma_start3A_358 = tpu.memref_squeeze %dma_start3A_357 : memref<1x128xi32, #tpu.memory_space<vmem>> -> memref<128xi32, #tpu.memory_space<vmem>>
          %dma_start3A_359 = tpu.memref_slice %arg2[%mul3A_340] : memref<212992xi32, #tpu.memory_space<hbm>> -> memref<128xi32, #tpu.memory_space<hbm>>
          %dma_start3A_360 = arith.constant 0 : i32
          %dma_start3A_361 = tpu.memref_slice %arg7[%run_scoped3A_341, %dma_start3A_360] : memref<4x128xi32, #tpu.memory_space<vmem>> -> memref<1x128xi32, #tpu.memory_space<vmem>>
          %dma_start3A_362 = tpu.memref_squeeze %dma_start3A_361 : memref<1x128xi32, #tpu.memory_space<vmem>> -> memref<128xi32, #tpu.memory_space<vmem>>
          %dma_start3A_363 = tpu.memref_slice %arg2[%mul3A_340] : memref<212992xi32, #tpu.memory_space<hbm>> -> memref<128xi32, #tpu.memory_space<hbm>>
          tpu.enqueue_dma source(%dma_start3A_363 : memref<128xi32, #tpu.memory_space<hbm>>) target(%dma_start3A_362 : memref<128xi32, #tpu.memory_space<vmem>>) target_semaphore(%run_scoped3A_355 : memref<!tpu.dma_semaphore, #tpu.memory_space<semaphore_mem>>)
          %dma_wait3A_364 = arith.constant 0 : i32
          %dma_wait3A_365 = tpu.memref_slice %arg7[%run_scoped3A_341, %dma_wait3A_364] : memref<4x128xi32, #tpu.memory_space<vmem>> -> memref<1x128xi32, #tpu.memory_space<vmem>>
          %dma_wait3A_366 = tpu.memref_squeeze %dma_wait3A_365 : memref<1x128xi32, #tpu.memory_space<vmem>> -> memref<128xi32, #tpu.memory_space<vmem>>
          %dma_wait3A_367 = tpu.memref_slice %arg2[%mul3A_340] : memref<212992xi32, #tpu.memory_space<hbm>> -> memref<128xi32, #tpu.memory_space<hbm>>
          %dma_wait3A_368 = arith.constant 0 : i32
          %dma_wait3A_369 = tpu.memref_slice %arg7[%run_scoped3A_341, %dma_wait3A_368] : memref<4x128xi32, #tpu.memory_space<vmem>> -> memref<1x128xi32, #tpu.memory_space<vmem>>
          %dma_wait3A_370 = tpu.memref_squeeze %dma_wait3A_369 : memref<1x128xi32, #tpu.memory_space<vmem>> -> memref<128xi32, #tpu.memory_space<vmem>>
          %dma_wait3A_371 = tpu.memref_slice %arg2[%mul3A_340] : memref<212992xi32, #tpu.memory_space<hbm>> -> memref<128xi32, #tpu.memory_space<hbm>>
          tpu.wait_dma2 semaphore(%run_scoped3A_355 : memref<!tpu.dma_semaphore, #tpu.memory_space<semaphore_mem>>) src(%dma_wait3A_371 : memref<128xi32, #tpu.memory_space<hbm>>) dst(%dma_wait3A_370 : memref<128xi32, #tpu.memory_space<vmem>>)
          tpu.yield
        }) : () -> ()
        %dma_start3A_342 = arith.constant 2 : i32
        %dma_start3A_343 = arith.constant 2 : i32
        %dma_start3A_344 = arith.constant 0 : i32
        %dma_start3A_345 = arith.constant 0 : i32
        %dma_start3A_346 = tpu.memref_slice %arg9[%dma_start3A_343, %dma_start3A_344, %dma_start3A_345] : memref<4x128x128xf32, #tpu.memory_space<vmem>> -> memref<1x128x128xf32, #tpu.memory_space<vmem>>
        %dma_start3A_347 = tpu.memref_squeeze %dma_start3A_346 : memref<1x128x128xf32, #tpu.memory_space<vmem>> -> memref<128x128xf32, #tpu.memory_space<vmem>>
        %dma_start3A_348 = arith.constant 0 : i32
        %dma_start3A_349 = tpu.memref_slice %arg7[%dma_start3A_342, %dma_start3A_348] : memref<4x128xi32, #tpu.memory_space<vmem>> -> memref<1x128xi32, #tpu.memory_space<vmem>>
        %dma_start3A_350 = tpu.memref_squeeze %dma_start3A_349 : memref<1x128xi32, #tpu.memory_space<vmem>> -> memref<128xi32, #tpu.memory_space<vmem>>
        %dma_start3A_351 = arith.constant 0 : i32
        %dma_start3A_352 = arith.constant 0 : i32
        %dma_start3A_353 = tpu.memref_slice %arg4[%dma_start3A_351, %dma_start3A_352] : memref<10240x128xf32, #tpu.memory_space<hbm>> -> memref<10240x128xf32, #tpu.memory_space<hbm>>
        tpu.enqueue_indirect_dma source(%dma_start3A_353 : memref<10240x128xf32, #tpu.memory_space<hbm>>) target(%dma_start3A_347 : memref<128x128xf32, #tpu.memory_space<vmem>>) offsets(%dma_start3A_350 : memref<128xi32, #tpu.memory_space<vmem>>) semaphore(%arg10 : memref<!tpu.dma_semaphore, #tpu.memory_space<semaphore_mem>>)
        %run_scoped3A_354 = arith.constant 2 : i32
        "tpu.region"() ({
          %run_scoped3A_355 = tpu.sem_alloc : memref<!tpu.dma_semaphore, #tpu.memory_space<semaphore_mem>>
          %dma_start3A_356 = arith.constant 0 : i32
          %dma_start3A_357 = tpu.memref_slice %arg8[%run_scoped3A_354, %dma_start3A_356] : memref<4x128xi32, #tpu.memory_space<vmem>> -> memref<1x128xi32, #tpu.memory_space<vmem>>
          %dma_start3A_358 = tpu.memref_squeeze %dma_start3A_357 : memref<1x128xi32, #tpu.memory_space<vmem>> -> memref<128xi32, #tpu.memory_space<vmem>>
          %dma_start3A_359 = tpu.memref_slice %arg3[%mul3A_340] : memref<212992xi32, #tpu.memory_space<hbm>> -> memref<128xi32, #tpu.memory_space<hbm>>
          %dma_start3A_360 = arith.constant 0 : i32
          %dma_start3A_361 = tpu.memref_slice %arg8[%run_scoped3A_354, %dma_start3A_360] : memref<4x128xi32, #tpu.memory_space<vmem>> -> memref<1x128xi32, #tpu.memory_space<vmem>>
          %dma_start3A_362 = tpu.memref_squeeze %dma_start3A_361 : memref<1x128xi32, #tpu.memory_space<vmem>> -> memref<128xi32, #tpu.memory_space<vmem>>
          %dma_start3A_363 = tpu.memref_slice %arg3[%mul3A_340] : memref<212992xi32, #tpu.memory_space<hbm>> -> memref<128xi32, #tpu.memory_space<hbm>>
          tpu.enqueue_dma source(%dma_start3A_363 : memref<128xi32, #tpu.memory_space<hbm>>) target(%dma_start3A_362 : memref<128xi32, #tpu.memory_space<vmem>>) target_semaphore(%run_scoped3A_355 : memref<!tpu.dma_semaphore, #tpu.memory_space<semaphore_mem>>)
          %dma_wait3A_364 = arith.constant 0 : i32
          %dma_wait3A_365 = tpu.memref_slice %arg8[%run_scoped3A_354, %dma_wait3A_364] : memref<4x128xi32, #tpu.memory_space<vmem>> -> memref<1x128xi32, #tpu.memory_space<vmem>>
          %dma_wait3A_366 = tpu.memref_squeeze %dma_wait3A_365 : memref<1x128xi32, #tpu.memory_space<vmem>> -> memref<128xi32, #tpu.memory_space<vmem>>
          %dma_wait3A_367 = tpu.memref_slice %arg3[%mul3A_340] : memref<212992xi32, #tpu.memory_space<hbm>> -> memref<128xi32, #tpu.memory_space<hbm>>
          %dma_wait3A_368 = arith.constant 0 : i32
          %dma_wait3A_369 = tpu.memref_slice %arg8[%run_scoped3A_354, %dma_wait3A_368] : memref<4x128xi32, #tpu.memory_space<vmem>> -> memref<1x128xi32, #tpu.memory_space<vmem>>
          %dma_wait3A_370 = tpu.memref_squeeze %dma_wait3A_369 : memref<1x128xi32, #tpu.memory_space<vmem>> -> memref<128xi32, #tpu.memory_space<vmem>>
          %dma_wait3A_371 = tpu.memref_slice %arg3[%mul3A_340] : memref<212992xi32, #tpu.memory_space<hbm>> -> memref<128xi32, #tpu.memory_space<hbm>>
          tpu.wait_dma2 semaphore(%run_scoped3A_355 : memref<!tpu.dma_semaphore, #tpu.memory_space<semaphore_mem>>) src(%dma_wait3A_371 : memref<128xi32, #tpu.memory_space<hbm>>) dst(%dma_wait3A_370 : memref<128xi32, #tpu.memory_space<vmem>>)
          tpu.yield
        }) : () -> ()
      } else {
      }
      %mul3A_299 = arith.constant 52 : i32
      %mul3A_300 = arith.muli %add3A, %mul3A_299 : i32
      %mul3A_301 = arith.constant 4 : i32
      %mul3A_302 = arith.muli %mul3A_301, %scan3A_85 : i32
      %add3A_303 = arith.addi %mul3A_300, %mul3A_302 : i32
      %add3A_304 = arith.constant 3 : i32
      %add3A_305 = arith.addi %add3A_303, %add3A_304 : i32
      %mul3A_306 = arith.constant 128 : i32
      %mul3A_307 = arith.muli %add3A_305, %mul3A_306 : i32
      %dma_wait3A_308 = arith.constant 3 : i32
      %dma_wait3A_309 = arith.constant 0 : i32
      %dma_wait3A_310 = arith.constant 0 : i32
      %dma_wait3A_311 = tpu.memref_slice %arg9[%dma_wait3A_308, %dma_wait3A_309, %dma_wait3A_310] : memref<4x128x128xf32, #tpu.memory_space<vmem>> -> memref<1x128x128xf32, #tpu.memory_space<vmem>>
      %dma_wait3A_312 = tpu.memref_squeeze %dma_wait3A_311 : memref<1x128x128xf32, #tpu.memory_space<vmem>> -> memref<128x128xf32, #tpu.memory_space<vmem>>
      %dma_wait3A_313 = arith.constant 0 : i32
      %dma_wait3A_314 = arith.constant 0 : i32
      %dma_wait3A_315 = tpu.memref_slice %arg5[%dma_wait3A_313, %dma_wait3A_314] : memref<10240x128xf32, #tpu.memory_space<hbm>> -> memref<128x128xf32, #tpu.memory_space<hbm>>
      %dma_wait3A_316 = arith.constant 0 : i32
      %dma_wait3A_317 = arith.constant 0 : i32
      %dma_wait3A_318 = tpu.memref_slice %arg9[%dma_wait3A_308, %dma_wait3A_316, %dma_wait3A_317] : memref<4x128x128xf32, #tpu.memory_space<vmem>> -> memref<1x128x128xf32, #tpu.memory_space<vmem>>
      %dma_wait3A_319 = tpu.memref_squeeze %dma_wait3A_318 : memref<1x128x128xf32, #tpu.memory_space<vmem>> -> memref<128x128xf32, #tpu.memory_space<vmem>>
      %dma_wait3A_320 = arith.constant 0 : i32
      %dma_wait3A_321 = arith.constant 0 : i32
      %dma_wait3A_322 = tpu.memref_slice %arg5[%dma_wait3A_320, %dma_wait3A_321] : memref<10240x128xf32, #tpu.memory_space<hbm>> -> memref<128x128xf32, #tpu.memory_space<hbm>>
      tpu.wait_dma2 semaphore(%arg11 : memref<!tpu.dma_semaphore, #tpu.memory_space<semaphore_mem>>) src(%dma_wait3A_322 : memref<128x128xf32, #tpu.memory_space<hbm>>) dst(%dma_wait3A_319 : memref<128x128xf32, #tpu.memory_space<vmem>>)
      %run_scoped3A_323 = arith.constant 3 : i32
      "tpu.region"() ({
        %run_scoped3A_336 = tpu.sem_alloc : memref<!tpu.dma_semaphore, #tpu.memory_space<semaphore_mem>>
        %dma_start3A_337 = arith.constant 0 : i32
        %dma_start3A_338 = arith.constant 0 : i32
        %dma_start3A_339 = tpu.memref_slice %arg9[%run_scoped3A_323, %dma_start3A_337, %dma_start3A_338] : memref<4x128x128xf32, #tpu.memory_space<vmem>> -> memref<1x128x128xf32, #tpu.memory_space<vmem>>
        %dma_start3A_340 = tpu.memref_squeeze %dma_start3A_339 : memref<1x128x128xf32, #tpu.memory_space<vmem>> -> memref<128x128xf32, #tpu.memory_space<vmem>>
        %dma_start3A_341 = arith.constant 0 : i32
        %dma_start3A_342 = tpu.memref_slice %arg6[%mul3A_307, %dma_start3A_341] : memref<212992x128xf32, #tpu.memory_space<hbm>> -> memref<128x128xf32, #tpu.memory_space<hbm>>
        %dma_start3A_343 = arith.constant 0 : i32
        %dma_start3A_344 = tpu.memref_slice %arg6[%mul3A_307, %dma_start3A_343] : memref<212992x128xf32, #tpu.memory_space<hbm>> -> memref<128x128xf32, #tpu.memory_space<hbm>>
        %dma_start3A_345 = arith.constant 0 : i32
        %dma_start3A_346 = arith.constant 0 : i32
        %dma_start3A_347 = tpu.memref_slice %arg9[%run_scoped3A_323, %dma_start3A_345, %dma_start3A_346] : memref<4x128x128xf32, #tpu.memory_space<vmem>> -> memref<1x128x128xf32, #tpu.memory_space<vmem>>
        %dma_start3A_348 = tpu.memref_squeeze %dma_start3A_347 : memref<1x128x128xf32, #tpu.memory_space<vmem>> -> memref<128x128xf32, #tpu.memory_space<vmem>>
        tpu.enqueue_dma source(%dma_start3A_348 : memref<128x128xf32, #tpu.memory_space<vmem>>) target(%dma_start3A_344 : memref<128x128xf32, #tpu.memory_space<hbm>>) target_semaphore(%run_scoped3A_336 : memref<!tpu.dma_semaphore, #tpu.memory_space<semaphore_mem>>)
        %dma_wait3A_349 = arith.constant 0 : i32
        %dma_wait3A_350 = arith.constant 0 : i32
        %dma_wait3A_351 = tpu.memref_slice %arg9[%run_scoped3A_323, %dma_wait3A_349, %dma_wait3A_350] : memref<4x128x128xf32, #tpu.memory_space<vmem>> -> memref<1x128x128xf32, #tpu.memory_space<vmem>>
        %dma_wait3A_352 = tpu.memref_squeeze %dma_wait3A_351 : memref<1x128x128xf32, #tpu.memory_space<vmem>> -> memref<128x128xf32, #tpu.memory_space<vmem>>
        %dma_wait3A_353 = arith.constant 0 : i32
        %dma_wait3A_354 = tpu.memref_slice %arg6[%mul3A_307, %dma_wait3A_353] : memref<212992x128xf32, #tpu.memory_space<hbm>> -> memref<128x128xf32, #tpu.memory_space<hbm>>
        %dma_wait3A_355 = arith.constant 0 : i32
        %dma_wait3A_356 = tpu.memref_slice %arg6[%mul3A_307, %dma_wait3A_355] : memref<212992x128xf32, #tpu.memory_space<hbm>> -> memref<128x128xf32, #tpu.memory_space<hbm>>
        %dma_wait3A_357 = arith.constant 0 : i32
        %dma_wait3A_358 = arith.constant 0 : i32
        %dma_wait3A_359 = tpu.memref_slice %arg9[%run_scoped3A_323, %dma_wait3A_357, %dma_wait3A_358] : memref<4x128x128xf32, #tpu.memory_space<vmem>> -> memref<1x128x128xf32, #tpu.memory_space<vmem>>
        %dma_wait3A_360 = tpu.memref_squeeze %dma_wait3A_359 : memref<1x128x128xf32, #tpu.memory_space<vmem>> -> memref<128x128xf32, #tpu.memory_space<vmem>>
        tpu.wait_dma2 semaphore(%run_scoped3A_336 : memref<!tpu.dma_semaphore, #tpu.memory_space<semaphore_mem>>) src(%dma_wait3A_360 : memref<128x128xf32, #tpu.memory_space<vmem>>) dst(%dma_wait3A_356 : memref<128x128xf32, #tpu.memory_space<hbm>>)
        tpu.yield
      }) : () -> ()
      %mul3A_324 = arith.constant 4 : i32
      %mul3A_325 = arith.muli %mul3A_324, %scan3A_85 : i32
      %add3A_326 = arith.constant 3 : i32
      %add3A_327 = arith.addi %mul3A_325, %add3A_326 : i32
      %add3A_328 = arith.constant 4 : i32
      %add3A_329 = arith.addi %add3A_327, %add3A_328 : i32
      %lt3A_330 = arith.constant 52 : i32
      %lt3A_331 = arith.cmpi slt, %add3A_329, %lt3A_330 : i32
      %convert_element_type3A_332 = arith.extui %lt3A_331 : i1 to i32
      %cond3A_333 = arith.constant 0 : i32
      %cond3A_334 = arith.cmpi ne, %convert_element_type3A_332, %cond3A_333 : i32
      scf.if %cond3A_334 {
        %mul3A_336 = arith.constant 52 : i32
        %mul3A_337 = arith.muli %add3A, %mul3A_336 : i32
        %add3A_338 = arith.addi %mul3A_337, %add3A_329 : i32
        %mul3A_339 = arith.constant 128 : i32
        %mul3A_340 = arith.muli %add3A_338, %mul3A_339 : i32
        %run_scoped3A_341 = arith.constant 3 : i32
        "tpu.region"() ({
          %run_scoped3A_355 = tpu.sem_alloc : memref<!tpu.dma_semaphore, #tpu.memory_space<semaphore_mem>>
          %dma_start3A_356 = arith.constant 0 : i32
          %dma_start3A_357 = tpu.memref_slice %arg7[%run_scoped3A_341, %dma_start3A_356] : memref<4x128xi32, #tpu.memory_space<vmem>> -> memref<1x128xi32, #tpu.memory_space<vmem>>
          %dma_start3A_358 = tpu.memref_squeeze %dma_start3A_357 : memref<1x128xi32, #tpu.memory_space<vmem>> -> memref<128xi32, #tpu.memory_space<vmem>>
          %dma_start3A_359 = tpu.memref_slice %arg2[%mul3A_340] : memref<212992xi32, #tpu.memory_space<hbm>> -> memref<128xi32, #tpu.memory_space<hbm>>
          %dma_start3A_360 = arith.constant 0 : i32
          %dma_start3A_361 = tpu.memref_slice %arg7[%run_scoped3A_341, %dma_start3A_360] : memref<4x128xi32, #tpu.memory_space<vmem>> -> memref<1x128xi32, #tpu.memory_space<vmem>>
          %dma_start3A_362 = tpu.memref_squeeze %dma_start3A_361 : memref<1x128xi32, #tpu.memory_space<vmem>> -> memref<128xi32, #tpu.memory_space<vmem>>
          %dma_start3A_363 = tpu.memref_slice %arg2[%mul3A_340] : memref<212992xi32, #tpu.memory_space<hbm>> -> memref<128xi32, #tpu.memory_space<hbm>>
          tpu.enqueue_dma source(%dma_start3A_363 : memref<128xi32, #tpu.memory_space<hbm>>) target(%dma_start3A_362 : memref<128xi32, #tpu.memory_space<vmem>>) target_semaphore(%run_scoped3A_355 : memref<!tpu.dma_semaphore, #tpu.memory_space<semaphore_mem>>)
          %dma_wait3A_364 = arith.constant 0 : i32
          %dma_wait3A_365 = tpu.memref_slice %arg7[%run_scoped3A_341, %dma_wait3A_364] : memref<4x128xi32, #tpu.memory_space<vmem>> -> memref<1x128xi32, #tpu.memory_space<vmem>>
          %dma_wait3A_366 = tpu.memref_squeeze %dma_wait3A_365 : memref<1x128xi32, #tpu.memory_space<vmem>> -> memref<128xi32, #tpu.memory_space<vmem>>
          %dma_wait3A_367 = tpu.memref_slice %arg2[%mul3A_340] : memref<212992xi32, #tpu.memory_space<hbm>> -> memref<128xi32, #tpu.memory_space<hbm>>
          %dma_wait3A_368 = arith.constant 0 : i32
          %dma_wait3A_369 = tpu.memref_slice %arg7[%run_scoped3A_341, %dma_wait3A_368] : memref<4x128xi32, #tpu.memory_space<vmem>> -> memref<1x128xi32, #tpu.memory_space<vmem>>
          %dma_wait3A_370 = tpu.memref_squeeze %dma_wait3A_369 : memref<1x128xi32, #tpu.memory_space<vmem>> -> memref<128xi32, #tpu.memory_space<vmem>>
          %dma_wait3A_371 = tpu.memref_slice %arg2[%mul3A_340] : memref<212992xi32, #tpu.memory_space<hbm>> -> memref<128xi32, #tpu.memory_space<hbm>>
          tpu.wait_dma2 semaphore(%run_scoped3A_355 : memref<!tpu.dma_semaphore, #tpu.memory_space<semaphore_mem>>) src(%dma_wait3A_371 : memref<128xi32, #tpu.memory_space<hbm>>) dst(%dma_wait3A_370 : memref<128xi32, #tpu.memory_space<vmem>>)
          tpu.yield
        }) : () -> ()
        %dma_start3A_342 = arith.constant 3 : i32
        %dma_start3A_343 = arith.constant 3 : i32
        %dma_start3A_344 = arith.constant 0 : i32
        %dma_start3A_345 = arith.constant 0 : i32
        %dma_start3A_346 = tpu.memref_slice %arg9[%dma_start3A_343, %dma_start3A_344, %dma_start3A_345] : memref<4x128x128xf32, #tpu.memory_space<vmem>> -> memref<1x128x128xf32, #tpu.memory_space<vmem>>
        %dma_start3A_347 = tpu.memref_squeeze %dma_start3A_346 : memref<1x128x128xf32, #tpu.memory_space<vmem>> -> memref<128x128xf32, #tpu.memory_space<vmem>>
        %dma_start3A_348 = arith.constant 0 : i32
        %dma_start3A_349 = tpu.memref_slice %arg7[%dma_start3A_342, %dma_start3A_348] : memref<4x128xi32, #tpu.memory_space<vmem>> -> memref<1x128xi32, #tpu.memory_space<vmem>>
        %dma_start3A_350 = tpu.memref_squeeze %dma_start3A_349 : memref<1x128xi32, #tpu.memory_space<vmem>> -> memref<128xi32, #tpu.memory_space<vmem>>
        %dma_start3A_351 = arith.constant 0 : i32
        %dma_start3A_352 = arith.constant 0 : i32
        %dma_start3A_353 = tpu.memref_slice %arg4[%dma_start3A_351, %dma_start3A_352] : memref<10240x128xf32, #tpu.memory_space<hbm>> -> memref<10240x128xf32, #tpu.memory_space<hbm>>
        tpu.enqueue_indirect_dma source(%dma_start3A_353 : memref<10240x128xf32, #tpu.memory_space<hbm>>) target(%dma_start3A_347 : memref<128x128xf32, #tpu.memory_space<vmem>>) offsets(%dma_start3A_350 : memref<128xi32, #tpu.memory_space<vmem>>) semaphore(%arg10 : memref<!tpu.dma_semaphore, #tpu.memory_space<semaphore_mem>>)
        %run_scoped3A_354 = arith.constant 3 : i32
        "tpu.region"() ({
          %run_scoped3A_355 = tpu.sem_alloc : memref<!tpu.dma_semaphore, #tpu.memory_space<semaphore_mem>>
          %dma_start3A_356 = arith.constant 0 : i32
          %dma_start3A_357 = tpu.memref_slice %arg8[%run_scoped3A_354, %dma_start3A_356] : memref<4x128xi32, #tpu.memory_space<vmem>> -> memref<1x128xi32, #tpu.memory_space<vmem>>
          %dma_start3A_358 = tpu.memref_squeeze %dma_start3A_357 : memref<1x128xi32, #tpu.memory_space<vmem>> -> memref<128xi32, #tpu.memory_space<vmem>>
          %dma_start3A_359 = tpu.memref_slice %arg3[%mul3A_340] : memref<212992xi32, #tpu.memory_space<hbm>> -> memref<128xi32, #tpu.memory_space<hbm>>
          %dma_start3A_360 = arith.constant 0 : i32
          %dma_start3A_361 = tpu.memref_slice %arg8[%run_scoped3A_354, %dma_start3A_360] : memref<4x128xi32, #tpu.memory_space<vmem>> -> memref<1x128xi32, #tpu.memory_space<vmem>>
          %dma_start3A_362 = tpu.memref_squeeze %dma_start3A_361 : memref<1x128xi32, #tpu.memory_space<vmem>> -> memref<128xi32, #tpu.memory_space<vmem>>
          %dma_start3A_363 = tpu.memref_slice %arg3[%mul3A_340] : memref<212992xi32, #tpu.memory_space<hbm>> -> memref<128xi32, #tpu.memory_space<hbm>>
          tpu.enqueue_dma source(%dma_start3A_363 : memref<128xi32, #tpu.memory_space<hbm>>) target(%dma_start3A_362 : memref<128xi32, #tpu.memory_space<vmem>>) target_semaphore(%run_scoped3A_355 : memref<!tpu.dma_semaphore, #tpu.memory_space<semaphore_mem>>)
          %dma_wait3A_364 = arith.constant 0 : i32
          %dma_wait3A_365 = tpu.memref_slice %arg8[%run_scoped3A_354, %dma_wait3A_364] : memref<4x128xi32, #tpu.memory_space<vmem>> -> memref<1x128xi32, #tpu.memory_space<vmem>>
          %dma_wait3A_366 = tpu.memref_squeeze %dma_wait3A_365 : memref<1x128xi32, #tpu.memory_space<vmem>> -> memref<128xi32, #tpu.memory_space<vmem>>
          %dma_wait3A_367 = tpu.memref_slice %arg3[%mul3A_340] : memref<212992xi32, #tpu.memory_space<hbm>> -> memref<128xi32, #tpu.memory_space<hbm>>
          %dma_wait3A_368 = arith.constant 0 : i32
          %dma_wait3A_369 = tpu.memref_slice %arg8[%run_scoped3A_354, %dma_wait3A_368] : memref<4x128xi32, #tpu.memory_space<vmem>> -> memref<1x128xi32, #tpu.memory_space<vmem>>
          %dma_wait3A_370 = tpu.memref_squeeze %dma_wait3A_369 : memref<1x128xi32, #tpu.memory_space<vmem>> -> memref<128xi32, #tpu.memory_space<vmem>>
          %dma_wait3A_371 = tpu.memref_slice %arg3[%mul3A_340] : memref<212992xi32, #tpu.memory_space<hbm>> -> memref<128xi32, #tpu.memory_space<hbm>>
          tpu.wait_dma2 semaphore(%run_scoped3A_355 : memref<!tpu.dma_semaphore, #tpu.memory_space<semaphore_mem>>) src(%dma_wait3A_371 : memref<128xi32, #tpu.memory_space<hbm>>) dst(%dma_wait3A_370 : memref<128xi32, #tpu.memory_space<vmem>>)
          tpu.yield
        }) : () -> ()
      } else {
      }
      %scan3A_335 = arith.constant 0 : i32
      scf.yield %scan3A_335 : i32
    }
    %scan3A_84 = arith.constant 13 : i32
    return
  }
}

#map = affine_map<(d0, d1) -> (0)>
#map1 = affine_map<(d0, d1) -> (0, 0)>
#map2 = affine_map<(d0, d1) -> (0, 0, 0, 0)>
module attributes {stable_mosaic.version = 14 : i64} {
  func.func @_sc_spmm(%arg0: i32, %arg1: i32, %arg2: memref<327680xi32, #tpu.memory_space<hbm>>, %arg3: memref<327680xi32, #tpu.memory_space<hbm>>, %arg4: memref<10240x128xf32, #tpu.memory_space<hbm>>, %arg5: memref<2x16x640x128xf32, #tpu.memory_space<hbm>>, %arg6: memref<2x128xi32, #tpu.memory_space<vmem>>, %arg7: memref<2x128xi32, #tpu.memory_space<vmem>>, %arg8: memref<2x128x128xf32, #tpu.memory_space<vmem>>, %arg9: memref<10240x128xf32, #tpu.memory_space<vmem_shared>>, %arg10: memref<!tpu.dma_semaphore, #tpu.memory_space<semaphore_mem>>) attributes {dimension_semantics = [#tpu.dimension_semantics<core_parallel>, #tpu.dimension_semantics<subcore_parallel>], iteration_bounds = array<i64: 2, 16>, scalar_prefetch = 0 : i64, scratch_operands = 5 : i64, tpu.core_type = #tpu.core_type<sc_vector_subcore>, window_params = [{transform_indices = #map}, {transform_indices = #map}, {transform_indices = #map1}, {transform_indices = #map2}]} {
    %mul3A = arith.constant 16 : i32
    %mul3A_0 = arith.muli %arg0, %mul3A : i32
    %add3A = arith.addi %mul3A_0, %arg1 : i32
    %eq3A = arith.constant 0 : i32
    %eq3A_1 = arith.cmpi eq, %arg0, %eq3A : i32
    %convert_element_type3A = arith.extui %eq3A_1 : i1 to i32
    %cond3A = arith.constant 0 : i32
    %cond3A_2 = arith.cmpi ne, %convert_element_type3A, %cond3A : i32
    scf.if %cond3A_2 {
      %mul3A_55 = arith.constant 640 : i32
      %mul3A_56 = arith.muli %arg1, %mul3A_55 : i32
      %mul3A_57 = arith.constant 640 : i32
      %mul3A_58 = arith.muli %arg1, %mul3A_57 : i32
      "tpu.region"() ({
        %run_scoped3A_59 = tpu.sem_alloc : memref<!tpu.dma_semaphore, #tpu.memory_space<semaphore_mem>>
        %dma_start3A_60 = arith.constant 0 : i32
        %dma_start3A_61 = tpu.memref_slice %arg9[%mul3A_58, %dma_start3A_60] : memref<10240x128xf32, #tpu.memory_space<vmem_shared>> -> memref<640x128xf32, #tpu.memory_space<vmem_shared>>
        %dma_start3A_62 = arith.constant 0 : i32
        %dma_start3A_63 = tpu.memref_slice %arg4[%mul3A_56, %dma_start3A_62] : memref<10240x128xf32, #tpu.memory_space<hbm>> -> memref<640x128xf32, #tpu.memory_space<hbm>>
        tpu.enqueue_dma source(%dma_start3A_63 : memref<640x128xf32, #tpu.memory_space<hbm>>) target(%dma_start3A_61 : memref<640x128xf32, #tpu.memory_space<vmem_shared>>) target_semaphore(%run_scoped3A_59 : memref<!tpu.dma_semaphore, #tpu.memory_space<semaphore_mem>>)
        %dma_wait3A = arith.constant 0 : i32
        %dma_wait3A_64 = tpu.memref_slice %arg9[%mul3A_58, %dma_wait3A] : memref<10240x128xf32, #tpu.memory_space<vmem_shared>> -> memref<640x128xf32, #tpu.memory_space<vmem_shared>>
        %dma_wait3A_65 = arith.constant 0 : i32
        %dma_wait3A_66 = tpu.memref_slice %arg4[%mul3A_56, %dma_wait3A_65] : memref<10240x128xf32, #tpu.memory_space<hbm>> -> memref<640x128xf32, #tpu.memory_space<hbm>>
        tpu.wait_dma2 semaphore(%run_scoped3A_59 : memref<!tpu.dma_semaphore, #tpu.memory_space<semaphore_mem>>) src(%dma_wait3A_66 : memref<640x128xf32, #tpu.memory_space<hbm>>) dst(%dma_wait3A_64 : memref<640x128xf32, #tpu.memory_space<vmem_shared>>)
        tpu.yield
      }) : () -> ()
    } else {
    }
    %eq3A_3 = arith.constant 1 : i32
    %eq3A_4 = arith.cmpi eq, %arg0, %eq3A_3 : i32
    %convert_element_type3A_5 = arith.extui %eq3A_4 : i1 to i32
    %cond3A_6 = arith.constant 0 : i32
    %cond3A_7 = arith.cmpi ne, %convert_element_type3A_5, %cond3A_6 : i32
    scf.if %cond3A_7 {
      %broadcast_in_dim3A = arith.constant 0.000000e+00 : f32
      %broadcast_in_dim3A_55 = vector.broadcast %broadcast_in_dim3A : f32 to vector<16xf32>
      %scan3A_56 = arith.constant 0 : i32
      %scan3A_57 = arith.constant 0 : i32
      %scan3A_58 = arith.constant 0 : i32
      %scan3A_59 = arith.constant 128 : i32
      %scan3A_60 = arith.addi %scan3A_58, %scan3A_59 : i32
      %scan3A_61 = arith.constant 1 : i32
      %scan3A_62 = scf.for %scan3A_89 = %scan3A_58 to %scan3A_60 step %scan3A_61 iter_args(%scan3A_90 = %scan3A_57) -> (i32)  : i32 {
        %swap3A = arith.constant 0 : i32
        %swap3A_91 = arith.constant 0 : i32
        %swap3A_92 = tpu.memref_slice %arg8[%scan3A_56, %swap3A, %swap3A_91] : memref<2x128x128xf32, #tpu.memory_space<vmem>> -> memref<1x128x128xf32, #tpu.memory_space<vmem>>
        %swap3A_93 = tpu.memref_squeeze %swap3A_92 : memref<1x128x128xf32, #tpu.memory_space<vmem>> -> memref<128x128xf32, #tpu.memory_space<vmem>>
        %swap3A_94 = arith.index_cast %scan3A_89 : i32 to index
        %swap3A_95 = arith.constant 0 : index
        %swap3A_96 = tpu.vector_load %swap3A_93[%swap3A_94, %swap3A_95] {strides = array<i32>} : memref<128x128xf32, #tpu.memory_space<vmem>>, vector<1x16xf32>,
        %swap3A_97 = vector.shape_cast %swap3A_96 : vector<1x16xf32> to vector<16xf32>
        %swap3A_98 = vector.shape_cast %broadcast_in_dim3A_55 : vector<16xf32> to vector<1x16xf32>
        tpu.vector_store %swap3A_93[%swap3A_94, %swap3A_95], %swap3A_98 {strides = array<i32>} : memref<128x128xf32, #tpu.memory_space<vmem>>, vector<1x16xf32>,
        %swap3A_99 = arith.constant 0 : i32
        %swap3A_100 = arith.constant 0 : i32
        %swap3A_101 = tpu.memref_slice %arg8[%scan3A_56, %swap3A_99, %swap3A_100] : memref<2x128x128xf32, #tpu.memory_space<vmem>> -> memref<1x128x128xf32, #tpu.memory_space<vmem>>
        %swap3A_102 = tpu.memref_squeeze %swap3A_101 : memref<1x128x128xf32, #tpu.memory_space<vmem>> -> memref<128x128xf32, #tpu.memory_space<vmem>>
        %swap3A_103 = arith.index_cast %scan3A_89 : i32 to index
        %swap3A_104 = arith.constant 16 : index
        %swap3A_105 = tpu.vector_load %swap3A_102[%swap3A_103, %swap3A_104] {strides = array<i32>} : memref<128x128xf32, #tpu.memory_space<vmem>>, vector<1x16xf32>,
        %swap3A_106 = vector.shape_cast %swap3A_105 : vector<1x16xf32> to vector<16xf32>
        %swap3A_107 = vector.shape_cast %broadcast_in_dim3A_55 : vector<16xf32> to vector<1x16xf32>
        tpu.vector_store %swap3A_102[%swap3A_103, %swap3A_104], %swap3A_107 {strides = array<i32>} : memref<128x128xf32, #tpu.memory_space<vmem>>, vector<1x16xf32>,
        %swap3A_108 = arith.constant 0 : i32
        %swap3A_109 = arith.constant 0 : i32
        %swap3A_110 = tpu.memref_slice %arg8[%scan3A_56, %swap3A_108, %swap3A_109] : memref<2x128x128xf32, #tpu.memory_space<vmem>> -> memref<1x128x128xf32, #tpu.memory_space<vmem>>
        %swap3A_111 = tpu.memref_squeeze %swap3A_110 : memref<1x128x128xf32, #tpu.memory_space<vmem>> -> memref<128x128xf32, #tpu.memory_space<vmem>>
        %swap3A_112 = arith.index_cast %scan3A_89 : i32 to index
        %swap3A_113 = arith.constant 32 : index
        %swap3A_114 = tpu.vector_load %swap3A_111[%swap3A_112, %swap3A_113] {strides = array<i32>} : memref<128x128xf32, #tpu.memory_space<vmem>>, vector<1x16xf32>,
        %swap3A_115 = vector.shape_cast %swap3A_114 : vector<1x16xf32> to vector<16xf32>
        %swap3A_116 = vector.shape_cast %broadcast_in_dim3A_55 : vector<16xf32> to vector<1x16xf32>
        tpu.vector_store %swap3A_111[%swap3A_112, %swap3A_113], %swap3A_116 {strides = array<i32>} : memref<128x128xf32, #tpu.memory_space<vmem>>, vector<1x16xf32>,
        %swap3A_117 = arith.constant 0 : i32
        %swap3A_118 = arith.constant 0 : i32
        %swap3A_119 = tpu.memref_slice %arg8[%scan3A_56, %swap3A_117, %swap3A_118] : memref<2x128x128xf32, #tpu.memory_space<vmem>> -> memref<1x128x128xf32, #tpu.memory_space<vmem>>
        %swap3A_120 = tpu.memref_squeeze %swap3A_119 : memref<1x128x128xf32, #tpu.memory_space<vmem>> -> memref<128x128xf32, #tpu.memory_space<vmem>>
        %swap3A_121 = arith.index_cast %scan3A_89 : i32 to index
        %swap3A_122 = arith.constant 48 : index
        %swap3A_123 = tpu.vector_load %swap3A_120[%swap3A_121, %swap3A_122] {strides = array<i32>} : memref<128x128xf32, #tpu.memory_space<vmem>>, vector<1x16xf32>,
        %swap3A_124 = vector.shape_cast %swap3A_123 : vector<1x16xf32> to vector<16xf32>
        %swap3A_125 = vector.shape_cast %broadcast_in_dim3A_55 : vector<16xf32> to vector<1x16xf32>
        tpu.vector_store %swap3A_120[%swap3A_121, %swap3A_122], %swap3A_125 {strides = array<i32>} : memref<128x128xf32, #tpu.memory_space<vmem>>, vector<1x16xf32>,
        %swap3A_126 = arith.constant 0 : i32
        %swap3A_127 = arith.constant 0 : i32
        %swap3A_128 = tpu.memref_slice %arg8[%scan3A_56, %swap3A_126, %swap3A_127] : memref<2x128x128xf32, #tpu.memory_space<vmem>> -> memref<1x128x128xf32, #tpu.memory_space<vmem>>
        %swap3A_129 = tpu.memref_squeeze %swap3A_128 : memref<1x128x128xf32, #tpu.memory_space<vmem>> -> memref<128x128xf32, #tpu.memory_space<vmem>>
        %swap3A_130 = arith.index_cast %scan3A_89 : i32 to index
        %swap3A_131 = arith.constant 64 : index
        %swap3A_132 = tpu.vector_load %swap3A_129[%swap3A_130, %swap3A_131] {strides = array<i32>} : memref<128x128xf32, #tpu.memory_space<vmem>>, vector<1x16xf32>,
        %swap3A_133 = vector.shape_cast %swap3A_132 : vector<1x16xf32> to vector<16xf32>
        %swap3A_134 = vector.shape_cast %broadcast_in_dim3A_55 : vector<16xf32> to vector<1x16xf32>
        tpu.vector_store %swap3A_129[%swap3A_130, %swap3A_131], %swap3A_134 {strides = array<i32>} : memref<128x128xf32, #tpu.memory_space<vmem>>, vector<1x16xf32>,
        %swap3A_135 = arith.constant 0 : i32
        %swap3A_136 = arith.constant 0 : i32
        %swap3A_137 = tpu.memref_slice %arg8[%scan3A_56, %swap3A_135, %swap3A_136] : memref<2x128x128xf32, #tpu.memory_space<vmem>> -> memref<1x128x128xf32, #tpu.memory_space<vmem>>
        %swap3A_138 = tpu.memref_squeeze %swap3A_137 : memref<1x128x128xf32, #tpu.memory_space<vmem>> -> memref<128x128xf32, #tpu.memory_space<vmem>>
        %swap3A_139 = arith.index_cast %scan3A_89 : i32 to index
        %swap3A_140 = arith.constant 80 : index
        %swap3A_141 = tpu.vector_load %swap3A_138[%swap3A_139, %swap3A_140] {strides = array<i32>} : memref<128x128xf32, #tpu.memory_space<vmem>>, vector<1x16xf32>,
        %swap3A_142 = vector.shape_cast %swap3A_141 : vector<1x16xf32> to vector<16xf32>
        %swap3A_143 = vector.shape_cast %broadcast_in_dim3A_55 : vector<16xf32> to vector<1x16xf32>
        tpu.vector_store %swap3A_138[%swap3A_139, %swap3A_140], %swap3A_143 {strides = array<i32>} : memref<128x128xf32, #tpu.memory_space<vmem>>, vector<1x16xf32>,
        %swap3A_144 = arith.constant 0 : i32
        %swap3A_145 = arith.constant 0 : i32
        %swap3A_146 = tpu.memref_slice %arg8[%scan3A_56, %swap3A_144, %swap3A_145] : memref<2x128x128xf32, #tpu.memory_space<vmem>> -> memref<1x128x128xf32, #tpu.memory_space<vmem>>
        %swap3A_147 = tpu.memref_squeeze %swap3A_146 : memref<1x128x128xf32, #tpu.memory_space<vmem>> -> memref<128x128xf32, #tpu.memory_space<vmem>>
        %swap3A_148 = arith.index_cast %scan3A_89 : i32 to index
        %swap3A_149 = arith.constant 96 : index
        %swap3A_150 = tpu.vector_load %swap3A_147[%swap3A_148, %swap3A_149] {strides = array<i32>} : memref<128x128xf32, #tpu.memory_space<vmem>>, vector<1x16xf32>,
        %swap3A_151 = vector.shape_cast %swap3A_150 : vector<1x16xf32> to vector<16xf32>
        %swap3A_152 = vector.shape_cast %broadcast_in_dim3A_55 : vector<16xf32> to vector<1x16xf32>
        tpu.vector_store %swap3A_147[%swap3A_148, %swap3A_149], %swap3A_152 {strides = array<i32>} : memref<128x128xf32, #tpu.memory_space<vmem>>, vector<1x16xf32>,
        %swap3A_153 = arith.constant 0 : i32
        %swap3A_154 = arith.constant 0 : i32
        %swap3A_155 = tpu.memref_slice %arg8[%scan3A_56, %swap3A_153, %swap3A_154] : memref<2x128x128xf32, #tpu.memory_space<vmem>> -> memref<1x128x128xf32, #tpu.memory_space<vmem>>
        %swap3A_156 = tpu.memref_squeeze %swap3A_155 : memref<1x128x128xf32, #tpu.memory_space<vmem>> -> memref<128x128xf32, #tpu.memory_space<vmem>>
        %swap3A_157 = arith.index_cast %scan3A_89 : i32 to index
        %swap3A_158 = arith.constant 112 : index
        %swap3A_159 = tpu.vector_load %swap3A_156[%swap3A_157, %swap3A_158] {strides = array<i32>} : memref<128x128xf32, #tpu.memory_space<vmem>>, vector<1x16xf32>,
        %swap3A_160 = vector.shape_cast %swap3A_159 : vector<1x16xf32> to vector<16xf32>
        %swap3A_161 = vector.shape_cast %broadcast_in_dim3A_55 : vector<16xf32> to vector<1x16xf32>
        tpu.vector_store %swap3A_156[%swap3A_157, %swap3A_158], %swap3A_161 {strides = array<i32>} : memref<128x128xf32, #tpu.memory_space<vmem>>, vector<1x16xf32>,
        %scan3A_162 = arith.constant 0 : i32
        scf.yield %scan3A_162 : i32
      }
      %scan3A_63 = arith.constant 128 : i32
      %mul3A_64 = arith.constant 640 : i32
      %mul3A_65 = arith.muli %arg1, %mul3A_64 : i32
      %add3A_66 = arith.constant 0 : i32
      %add3A_67 = arith.addi %mul3A_65, %add3A_66 : i32
      %run_scoped3A_68 = arith.constant 0 : i32
      "tpu.region"() ({
        %run_scoped3A_89 = tpu.sem_alloc : memref<!tpu.dma_semaphore, #tpu.memory_space<semaphore_mem>>
        %dma_start3A_90 = arith.constant 0 : i32
        %dma_start3A_91 = arith.constant 0 : i32
        %dma_start3A_92 = tpu.memref_slice %arg8[%run_scoped3A_68, %dma_start3A_90, %dma_start3A_91] : memref<2x128x128xf32, #tpu.memory_space<vmem>> -> memref<1x128x128xf32, #tpu.memory_space<vmem>>
        %dma_start3A_93 = tpu.memref_squeeze %dma_start3A_92 : memref<1x128x128xf32, #tpu.memory_space<vmem>> -> memref<128x128xf32, #tpu.memory_space<vmem>>
        %dma_start3A_94 = arith.constant 0 : i32
        %dma_start3A_95 = tpu.memref_slice %arg9[%add3A_67, %dma_start3A_94] : memref<10240x128xf32, #tpu.memory_space<vmem_shared>> -> memref<128x128xf32, #tpu.memory_space<vmem_shared>>
        %dma_start3A_96 = arith.constant 0 : i32
        %dma_start3A_97 = tpu.memref_slice %arg9[%add3A_67, %dma_start3A_96] : memref<10240x128xf32, #tpu.memory_space<vmem_shared>> -> memref<128x128xf32, #tpu.memory_space<vmem_shared>>
        %dma_start3A_98 = arith.constant 0 : i32
        %dma_start3A_99 = arith.constant 0 : i32
        %dma_start3A_100 = tpu.memref_slice %arg8[%run_scoped3A_68, %dma_start3A_98, %dma_start3A_99] : memref<2x128x128xf32, #tpu.memory_space<vmem>> -> memref<1x128x128xf32, #tpu.memory_space<vmem>>
        %dma_start3A_101 = tpu.memref_squeeze %dma_start3A_100 : memref<1x128x128xf32, #tpu.memory_space<vmem>> -> memref<128x128xf32, #tpu.memory_space<vmem>>
        tpu.enqueue_dma source(%dma_start3A_101 : memref<128x128xf32, #tpu.memory_space<vmem>>) target(%dma_start3A_97 : memref<128x128xf32, #tpu.memory_space<vmem_shared>>) target_semaphore(%run_scoped3A_89 : memref<!tpu.dma_semaphore, #tpu.memory_space<semaphore_mem>>)
        %dma_wait3A = arith.constant 0 : i32
        %dma_wait3A_102 = arith.constant 0 : i32
        %dma_wait3A_103 = tpu.memref_slice %arg8[%run_scoped3A_68, %dma_wait3A, %dma_wait3A_102] : memref<2x128x128xf32, #tpu.memory_space<vmem>> -> memref<1x128x128xf32, #tpu.memory_space<vmem>>
        %dma_wait3A_104 = tpu.memref_squeeze %dma_wait3A_103 : memref<1x128x128xf32, #tpu.memory_space<vmem>> -> memref<128x128xf32, #tpu.memory_space<vmem>>
        %dma_wait3A_105 = arith.constant 0 : i32
        %dma_wait3A_106 = tpu.memref_slice %arg9[%add3A_67, %dma_wait3A_105] : memref<10240x128xf32, #tpu.memory_space<vmem_shared>> -> memref<128x128xf32, #tpu.memory_space<vmem_shared>>
        %dma_wait3A_107 = arith.constant 0 : i32
        %dma_wait3A_108 = tpu.memref_slice %arg9[%add3A_67, %dma_wait3A_107] : memref<10240x128xf32, #tpu.memory_space<vmem_shared>> -> memref<128x128xf32, #tpu.memory_space<vmem_shared>>
        %dma_wait3A_109 = arith.constant 0 : i32
        %dma_wait3A_110 = arith.constant 0 : i32
        %dma_wait3A_111 = tpu.memref_slice %arg8[%run_scoped3A_68, %dma_wait3A_109, %dma_wait3A_110] : memref<2x128x128xf32, #tpu.memory_space<vmem>> -> memref<1x128x128xf32, #tpu.memory_space<vmem>>
        %dma_wait3A_112 = tpu.memref_squeeze %dma_wait3A_111 : memref<1x128x128xf32, #tpu.memory_space<vmem>> -> memref<128x128xf32, #tpu.memory_space<vmem>>
        tpu.wait_dma2 semaphore(%run_scoped3A_89 : memref<!tpu.dma_semaphore, #tpu.memory_space<semaphore_mem>>) src(%dma_wait3A_112 : memref<128x128xf32, #tpu.memory_space<vmem>>) dst(%dma_wait3A_108 : memref<128x128xf32, #tpu.memory_space<vmem_shared>>)
        tpu.yield
      }) : () -> ()
      %mul3A_69 = arith.constant 640 : i32
      %mul3A_70 = arith.muli %arg1, %mul3A_69 : i32
      %add3A_71 = arith.constant 128 : i32
      %add3A_72 = arith.addi %mul3A_70, %add3A_71 : i32
      %run_scoped3A_73 = arith.constant 0 : i32
      "tpu.region"() ({
        %run_scoped3A_89 = tpu.sem_alloc : memref<!tpu.dma_semaphore, #tpu.memory_space<semaphore_mem>>
        %dma_start3A_90 = arith.constant 0 : i32
        %dma_start3A_91 = arith.constant 0 : i32
        %dma_start3A_92 = tpu.memref_slice %arg8[%run_scoped3A_73, %dma_start3A_90, %dma_start3A_91] : memref<2x128x128xf32, #tpu.memory_space<vmem>> -> memref<1x128x128xf32, #tpu.memory_space<vmem>>
        %dma_start3A_93 = tpu.memref_squeeze %dma_start3A_92 : memref<1x128x128xf32, #tpu.memory_space<vmem>> -> memref<128x128xf32, #tpu.memory_space<vmem>>
        %dma_start3A_94 = arith.constant 0 : i32
        %dma_start3A_95 = tpu.memref_slice %arg9[%add3A_72, %dma_start3A_94] : memref<10240x128xf32, #tpu.memory_space<vmem_shared>> -> memref<128x128xf32, #tpu.memory_space<vmem_shared>>
        %dma_start3A_96 = arith.constant 0 : i32
        %dma_start3A_97 = tpu.memref_slice %arg9[%add3A_72, %dma_start3A_96] : memref<10240x128xf32, #tpu.memory_space<vmem_shared>> -> memref<128x128xf32, #tpu.memory_space<vmem_shared>>
        %dma_start3A_98 = arith.constant 0 : i32
        %dma_start3A_99 = arith.constant 0 : i32
        %dma_start3A_100 = tpu.memref_slice %arg8[%run_scoped3A_73, %dma_start3A_98, %dma_start3A_99] : memref<2x128x128xf32, #tpu.memory_space<vmem>> -> memref<1x128x128xf32, #tpu.memory_space<vmem>>
        %dma_start3A_101 = tpu.memref_squeeze %dma_start3A_100 : memref<1x128x128xf32, #tpu.memory_space<vmem>> -> memref<128x128xf32, #tpu.memory_space<vmem>>
        tpu.enqueue_dma source(%dma_start3A_101 : memref<128x128xf32, #tpu.memory_space<vmem>>) target(%dma_start3A_97 : memref<128x128xf32, #tpu.memory_space<vmem_shared>>) target_semaphore(%run_scoped3A_89 : memref<!tpu.dma_semaphore, #tpu.memory_space<semaphore_mem>>)
        %dma_wait3A = arith.constant 0 : i32
        %dma_wait3A_102 = arith.constant 0 : i32
        %dma_wait3A_103 = tpu.memref_slice %arg8[%run_scoped3A_73, %dma_wait3A, %dma_wait3A_102] : memref<2x128x128xf32, #tpu.memory_space<vmem>> -> memref<1x128x128xf32, #tpu.memory_space<vmem>>
        %dma_wait3A_104 = tpu.memref_squeeze %dma_wait3A_103 : memref<1x128x128xf32, #tpu.memory_space<vmem>> -> memref<128x128xf32, #tpu.memory_space<vmem>>
        %dma_wait3A_105 = arith.constant 0 : i32
        %dma_wait3A_106 = tpu.memref_slice %arg9[%add3A_72, %dma_wait3A_105] : memref<10240x128xf32, #tpu.memory_space<vmem_shared>> -> memref<128x128xf32, #tpu.memory_space<vmem_shared>>
        %dma_wait3A_107 = arith.constant 0 : i32
        %dma_wait3A_108 = tpu.memref_slice %arg9[%add3A_72, %dma_wait3A_107] : memref<10240x128xf32, #tpu.memory_space<vmem_shared>> -> memref<128x128xf32, #tpu.memory_space<vmem_shared>>
        %dma_wait3A_109 = arith.constant 0 : i32
        %dma_wait3A_110 = arith.constant 0 : i32
        %dma_wait3A_111 = tpu.memref_slice %arg8[%run_scoped3A_73, %dma_wait3A_109, %dma_wait3A_110] : memref<2x128x128xf32, #tpu.memory_space<vmem>> -> memref<1x128x128xf32, #tpu.memory_space<vmem>>
        %dma_wait3A_112 = tpu.memref_squeeze %dma_wait3A_111 : memref<1x128x128xf32, #tpu.memory_space<vmem>> -> memref<128x128xf32, #tpu.memory_space<vmem>>
        tpu.wait_dma2 semaphore(%run_scoped3A_89 : memref<!tpu.dma_semaphore, #tpu.memory_space<semaphore_mem>>) src(%dma_wait3A_112 : memref<128x128xf32, #tpu.memory_space<vmem>>) dst(%dma_wait3A_108 : memref<128x128xf32, #tpu.memory_space<vmem_shared>>)
        tpu.yield
      }) : () -> ()
      %mul3A_74 = arith.constant 640 : i32
      %mul3A_75 = arith.muli %arg1, %mul3A_74 : i32
      %add3A_76 = arith.constant 256 : i32
      %add3A_77 = arith.addi %mul3A_75, %add3A_76 : i32
      %run_scoped3A_78 = arith.constant 0 : i32
      "tpu.region"() ({
        %run_scoped3A_89 = tpu.sem_alloc : memref<!tpu.dma_semaphore, #tpu.memory_space<semaphore_mem>>
        %dma_start3A_90 = arith.constant 0 : i32
        %dma_start3A_91 = arith.constant 0 : i32
        %dma_start3A_92 = tpu.memref_slice %arg8[%run_scoped3A_78, %dma_start3A_90, %dma_start3A_91] : memref<2x128x128xf32, #tpu.memory_space<vmem>> -> memref<1x128x128xf32, #tpu.memory_space<vmem>>
        %dma_start3A_93 = tpu.memref_squeeze %dma_start3A_92 : memref<1x128x128xf32, #tpu.memory_space<vmem>> -> memref<128x128xf32, #tpu.memory_space<vmem>>
        %dma_start3A_94 = arith.constant 0 : i32
        %dma_start3A_95 = tpu.memref_slice %arg9[%add3A_77, %dma_start3A_94] : memref<10240x128xf32, #tpu.memory_space<vmem_shared>> -> memref<128x128xf32, #tpu.memory_space<vmem_shared>>
        %dma_start3A_96 = arith.constant 0 : i32
        %dma_start3A_97 = tpu.memref_slice %arg9[%add3A_77, %dma_start3A_96] : memref<10240x128xf32, #tpu.memory_space<vmem_shared>> -> memref<128x128xf32, #tpu.memory_space<vmem_shared>>
        %dma_start3A_98 = arith.constant 0 : i32
        %dma_start3A_99 = arith.constant 0 : i32
        %dma_start3A_100 = tpu.memref_slice %arg8[%run_scoped3A_78, %dma_start3A_98, %dma_start3A_99] : memref<2x128x128xf32, #tpu.memory_space<vmem>> -> memref<1x128x128xf32, #tpu.memory_space<vmem>>
        %dma_start3A_101 = tpu.memref_squeeze %dma_start3A_100 : memref<1x128x128xf32, #tpu.memory_space<vmem>> -> memref<128x128xf32, #tpu.memory_space<vmem>>
        tpu.enqueue_dma source(%dma_start3A_101 : memref<128x128xf32, #tpu.memory_space<vmem>>) target(%dma_start3A_97 : memref<128x128xf32, #tpu.memory_space<vmem_shared>>) target_semaphore(%run_scoped3A_89 : memref<!tpu.dma_semaphore, #tpu.memory_space<semaphore_mem>>)
        %dma_wait3A = arith.constant 0 : i32
        %dma_wait3A_102 = arith.constant 0 : i32
        %dma_wait3A_103 = tpu.memref_slice %arg8[%run_scoped3A_78, %dma_wait3A, %dma_wait3A_102] : memref<2x128x128xf32, #tpu.memory_space<vmem>> -> memref<1x128x128xf32, #tpu.memory_space<vmem>>
        %dma_wait3A_104 = tpu.memref_squeeze %dma_wait3A_103 : memref<1x128x128xf32, #tpu.memory_space<vmem>> -> memref<128x128xf32, #tpu.memory_space<vmem>>
        %dma_wait3A_105 = arith.constant 0 : i32
        %dma_wait3A_106 = tpu.memref_slice %arg9[%add3A_77, %dma_wait3A_105] : memref<10240x128xf32, #tpu.memory_space<vmem_shared>> -> memref<128x128xf32, #tpu.memory_space<vmem_shared>>
        %dma_wait3A_107 = arith.constant 0 : i32
        %dma_wait3A_108 = tpu.memref_slice %arg9[%add3A_77, %dma_wait3A_107] : memref<10240x128xf32, #tpu.memory_space<vmem_shared>> -> memref<128x128xf32, #tpu.memory_space<vmem_shared>>
        %dma_wait3A_109 = arith.constant 0 : i32
        %dma_wait3A_110 = arith.constant 0 : i32
        %dma_wait3A_111 = tpu.memref_slice %arg8[%run_scoped3A_78, %dma_wait3A_109, %dma_wait3A_110] : memref<2x128x128xf32, #tpu.memory_space<vmem>> -> memref<1x128x128xf32, #tpu.memory_space<vmem>>
        %dma_wait3A_112 = tpu.memref_squeeze %dma_wait3A_111 : memref<1x128x128xf32, #tpu.memory_space<vmem>> -> memref<128x128xf32, #tpu.memory_space<vmem>>
        tpu.wait_dma2 semaphore(%run_scoped3A_89 : memref<!tpu.dma_semaphore, #tpu.memory_space<semaphore_mem>>) src(%dma_wait3A_112 : memref<128x128xf32, #tpu.memory_space<vmem>>) dst(%dma_wait3A_108 : memref<128x128xf32, #tpu.memory_space<vmem_shared>>)
        tpu.yield
      }) : () -> ()
      %mul3A_79 = arith.constant 640 : i32
      %mul3A_80 = arith.muli %arg1, %mul3A_79 : i32
      %add3A_81 = arith.constant 384 : i32
      %add3A_82 = arith.addi %mul3A_80, %add3A_81 : i32
      %run_scoped3A_83 = arith.constant 0 : i32
      "tpu.region"() ({
        %run_scoped3A_89 = tpu.sem_alloc : memref<!tpu.dma_semaphore, #tpu.memory_space<semaphore_mem>>
        %dma_start3A_90 = arith.constant 0 : i32
        %dma_start3A_91 = arith.constant 0 : i32
        %dma_start3A_92 = tpu.memref_slice %arg8[%run_scoped3A_83, %dma_start3A_90, %dma_start3A_91] : memref<2x128x128xf32, #tpu.memory_space<vmem>> -> memref<1x128x128xf32, #tpu.memory_space<vmem>>
        %dma_start3A_93 = tpu.memref_squeeze %dma_start3A_92 : memref<1x128x128xf32, #tpu.memory_space<vmem>> -> memref<128x128xf32, #tpu.memory_space<vmem>>
        %dma_start3A_94 = arith.constant 0 : i32
        %dma_start3A_95 = tpu.memref_slice %arg9[%add3A_82, %dma_start3A_94] : memref<10240x128xf32, #tpu.memory_space<vmem_shared>> -> memref<128x128xf32, #tpu.memory_space<vmem_shared>>
        %dma_start3A_96 = arith.constant 0 : i32
        %dma_start3A_97 = tpu.memref_slice %arg9[%add3A_82, %dma_start3A_96] : memref<10240x128xf32, #tpu.memory_space<vmem_shared>> -> memref<128x128xf32, #tpu.memory_space<vmem_shared>>
        %dma_start3A_98 = arith.constant 0 : i32
        %dma_start3A_99 = arith.constant 0 : i32
        %dma_start3A_100 = tpu.memref_slice %arg8[%run_scoped3A_83, %dma_start3A_98, %dma_start3A_99] : memref<2x128x128xf32, #tpu.memory_space<vmem>> -> memref<1x128x128xf32, #tpu.memory_space<vmem>>
        %dma_start3A_101 = tpu.memref_squeeze %dma_start3A_100 : memref<1x128x128xf32, #tpu.memory_space<vmem>> -> memref<128x128xf32, #tpu.memory_space<vmem>>
        tpu.enqueue_dma source(%dma_start3A_101 : memref<128x128xf32, #tpu.memory_space<vmem>>) target(%dma_start3A_97 : memref<128x128xf32, #tpu.memory_space<vmem_shared>>) target_semaphore(%run_scoped3A_89 : memref<!tpu.dma_semaphore, #tpu.memory_space<semaphore_mem>>)
        %dma_wait3A = arith.constant 0 : i32
        %dma_wait3A_102 = arith.constant 0 : i32
        %dma_wait3A_103 = tpu.memref_slice %arg8[%run_scoped3A_83, %dma_wait3A, %dma_wait3A_102] : memref<2x128x128xf32, #tpu.memory_space<vmem>> -> memref<1x128x128xf32, #tpu.memory_space<vmem>>
        %dma_wait3A_104 = tpu.memref_squeeze %dma_wait3A_103 : memref<1x128x128xf32, #tpu.memory_space<vmem>> -> memref<128x128xf32, #tpu.memory_space<vmem>>
        %dma_wait3A_105 = arith.constant 0 : i32
        %dma_wait3A_106 = tpu.memref_slice %arg9[%add3A_82, %dma_wait3A_105] : memref<10240x128xf32, #tpu.memory_space<vmem_shared>> -> memref<128x128xf32, #tpu.memory_space<vmem_shared>>
        %dma_wait3A_107 = arith.constant 0 : i32
        %dma_wait3A_108 = tpu.memref_slice %arg9[%add3A_82, %dma_wait3A_107] : memref<10240x128xf32, #tpu.memory_space<vmem_shared>> -> memref<128x128xf32, #tpu.memory_space<vmem_shared>>
        %dma_wait3A_109 = arith.constant 0 : i32
        %dma_wait3A_110 = arith.constant 0 : i32
        %dma_wait3A_111 = tpu.memref_slice %arg8[%run_scoped3A_83, %dma_wait3A_109, %dma_wait3A_110] : memref<2x128x128xf32, #tpu.memory_space<vmem>> -> memref<1x128x128xf32, #tpu.memory_space<vmem>>
        %dma_wait3A_112 = tpu.memref_squeeze %dma_wait3A_111 : memref<1x128x128xf32, #tpu.memory_space<vmem>> -> memref<128x128xf32, #tpu.memory_space<vmem>>
        tpu.wait_dma2 semaphore(%run_scoped3A_89 : memref<!tpu.dma_semaphore, #tpu.memory_space<semaphore_mem>>) src(%dma_wait3A_112 : memref<128x128xf32, #tpu.memory_space<vmem>>) dst(%dma_wait3A_108 : memref<128x128xf32, #tpu.memory_space<vmem_shared>>)
        tpu.yield
      }) : () -> ()
      %mul3A_84 = arith.constant 640 : i32
      %mul3A_85 = arith.muli %arg1, %mul3A_84 : i32
      %add3A_86 = arith.constant 512 : i32
      %add3A_87 = arith.addi %mul3A_85, %add3A_86 : i32
      %run_scoped3A_88 = arith.constant 0 : i32
      "tpu.region"() ({
        %run_scoped3A_89 = tpu.sem_alloc : memref<!tpu.dma_semaphore, #tpu.memory_space<semaphore_mem>>
        %dma_start3A_90 = arith.constant 0 : i32
        %dma_start3A_91 = arith.constant 0 : i32
        %dma_start3A_92 = tpu.memref_slice %arg8[%run_scoped3A_88, %dma_start3A_90, %dma_start3A_91] : memref<2x128x128xf32, #tpu.memory_space<vmem>> -> memref<1x128x128xf32, #tpu.memory_space<vmem>>
        %dma_start3A_93 = tpu.memref_squeeze %dma_start3A_92 : memref<1x128x128xf32, #tpu.memory_space<vmem>> -> memref<128x128xf32, #tpu.memory_space<vmem>>
        %dma_start3A_94 = arith.constant 0 : i32
        %dma_start3A_95 = tpu.memref_slice %arg9[%add3A_87, %dma_start3A_94] : memref<10240x128xf32, #tpu.memory_space<vmem_shared>> -> memref<128x128xf32, #tpu.memory_space<vmem_shared>>
        %dma_start3A_96 = arith.constant 0 : i32
        %dma_start3A_97 = tpu.memref_slice %arg9[%add3A_87, %dma_start3A_96] : memref<10240x128xf32, #tpu.memory_space<vmem_shared>> -> memref<128x128xf32, #tpu.memory_space<vmem_shared>>
        %dma_start3A_98 = arith.constant 0 : i32
        %dma_start3A_99 = arith.constant 0 : i32
        %dma_start3A_100 = tpu.memref_slice %arg8[%run_scoped3A_88, %dma_start3A_98, %dma_start3A_99] : memref<2x128x128xf32, #tpu.memory_space<vmem>> -> memref<1x128x128xf32, #tpu.memory_space<vmem>>
        %dma_start3A_101 = tpu.memref_squeeze %dma_start3A_100 : memref<1x128x128xf32, #tpu.memory_space<vmem>> -> memref<128x128xf32, #tpu.memory_space<vmem>>
        tpu.enqueue_dma source(%dma_start3A_101 : memref<128x128xf32, #tpu.memory_space<vmem>>) target(%dma_start3A_97 : memref<128x128xf32, #tpu.memory_space<vmem_shared>>) target_semaphore(%run_scoped3A_89 : memref<!tpu.dma_semaphore, #tpu.memory_space<semaphore_mem>>)
        %dma_wait3A = arith.constant 0 : i32
        %dma_wait3A_102 = arith.constant 0 : i32
        %dma_wait3A_103 = tpu.memref_slice %arg8[%run_scoped3A_88, %dma_wait3A, %dma_wait3A_102] : memref<2x128x128xf32, #tpu.memory_space<vmem>> -> memref<1x128x128xf32, #tpu.memory_space<vmem>>
        %dma_wait3A_104 = tpu.memref_squeeze %dma_wait3A_103 : memref<1x128x128xf32, #tpu.memory_space<vmem>> -> memref<128x128xf32, #tpu.memory_space<vmem>>
        %dma_wait3A_105 = arith.constant 0 : i32
        %dma_wait3A_106 = tpu.memref_slice %arg9[%add3A_87, %dma_wait3A_105] : memref<10240x128xf32, #tpu.memory_space<vmem_shared>> -> memref<128x128xf32, #tpu.memory_space<vmem_shared>>
        %dma_wait3A_107 = arith.constant 0 : i32
        %dma_wait3A_108 = tpu.memref_slice %arg9[%add3A_87, %dma_wait3A_107] : memref<10240x128xf32, #tpu.memory_space<vmem_shared>> -> memref<128x128xf32, #tpu.memory_space<vmem_shared>>
        %dma_wait3A_109 = arith.constant 0 : i32
        %dma_wait3A_110 = arith.constant 0 : i32
        %dma_wait3A_111 = tpu.memref_slice %arg8[%run_scoped3A_88, %dma_wait3A_109, %dma_wait3A_110] : memref<2x128x128xf32, #tpu.memory_space<vmem>> -> memref<1x128x128xf32, #tpu.memory_space<vmem>>
        %dma_wait3A_112 = tpu.memref_squeeze %dma_wait3A_111 : memref<1x128x128xf32, #tpu.memory_space<vmem>> -> memref<128x128xf32, #tpu.memory_space<vmem>>
        tpu.wait_dma2 semaphore(%run_scoped3A_89 : memref<!tpu.dma_semaphore, #tpu.memory_space<semaphore_mem>>) src(%dma_wait3A_112 : memref<128x128xf32, #tpu.memory_space<vmem>>) dst(%dma_wait3A_108 : memref<128x128xf32, #tpu.memory_space<vmem_shared>>)
        tpu.yield
      }) : () -> ()
    } else {
    }
    %barrier3A = arith.constant 0 : index
    tpu.barrier barrier_id(%barrier3A)
    %mul3A_8 = arith.constant 80 : i32
    %mul3A_9 = arith.muli %add3A, %mul3A_8 : i32
    %add3A_10 = arith.constant 0 : i32
    %add3A_11 = arith.addi %mul3A_9, %add3A_10 : i32
    %mul3A_12 = arith.constant 128 : i32
    %mul3A_13 = arith.muli %add3A_11, %mul3A_12 : i32
    %run_scoped3A = arith.constant 0 : i32
    "tpu.region"() ({
      %run_scoped3A_55 = tpu.sem_alloc : memref<!tpu.dma_semaphore, #tpu.memory_space<semaphore_mem>>
      %dma_start3A_56 = arith.constant 0 : i32
      %dma_start3A_57 = tpu.memref_slice %arg6[%run_scoped3A, %dma_start3A_56] : memref<2x128xi32, #tpu.memory_space<vmem>> -> memref<1x128xi32, #tpu.memory_space<vmem>>
      %dma_start3A_58 = tpu.memref_squeeze %dma_start3A_57 : memref<1x128xi32, #tpu.memory_space<vmem>> -> memref<128xi32, #tpu.memory_space<vmem>>
      %dma_start3A_59 = tpu.memref_slice %arg2[%mul3A_13] : memref<327680xi32, #tpu.memory_space<hbm>> -> memref<128xi32, #tpu.memory_space<hbm>>
      %dma_start3A_60 = arith.constant 0 : i32
      %dma_start3A_61 = tpu.memref_slice %arg6[%run_scoped3A, %dma_start3A_60] : memref<2x128xi32, #tpu.memory_space<vmem>> -> memref<1x128xi32, #tpu.memory_space<vmem>>
      %dma_start3A_62 = tpu.memref_squeeze %dma_start3A_61 : memref<1x128xi32, #tpu.memory_space<vmem>> -> memref<128xi32, #tpu.memory_space<vmem>>
      %dma_start3A_63 = tpu.memref_slice %arg2[%mul3A_13] : memref<327680xi32, #tpu.memory_space<hbm>> -> memref<128xi32, #tpu.memory_space<hbm>>
      tpu.enqueue_dma source(%dma_start3A_63 : memref<128xi32, #tpu.memory_space<hbm>>) target(%dma_start3A_62 : memref<128xi32, #tpu.memory_space<vmem>>) target_semaphore(%run_scoped3A_55 : memref<!tpu.dma_semaphore, #tpu.memory_space<semaphore_mem>>)
      %dma_wait3A = arith.constant 0 : i32
      %dma_wait3A_64 = tpu.memref_slice %arg6[%run_scoped3A, %dma_wait3A] : memref<2x128xi32, #tpu.memory_space<vmem>> -> memref<1x128xi32, #tpu.memory_space<vmem>>
      %dma_wait3A_65 = tpu.memref_squeeze %dma_wait3A_64 : memref<1x128xi32, #tpu.memory_space<vmem>> -> memref<128xi32, #tpu.memory_space<vmem>>
      %dma_wait3A_66 = tpu.memref_slice %arg2[%mul3A_13] : memref<327680xi32, #tpu.memory_space<hbm>> -> memref<128xi32, #tpu.memory_space<hbm>>
      %dma_wait3A_67 = arith.constant 0 : i32
      %dma_wait3A_68 = tpu.memref_slice %arg6[%run_scoped3A, %dma_wait3A_67] : memref<2x128xi32, #tpu.memory_space<vmem>> -> memref<1x128xi32, #tpu.memory_space<vmem>>
      %dma_wait3A_69 = tpu.memref_squeeze %dma_wait3A_68 : memref<1x128xi32, #tpu.memory_space<vmem>> -> memref<128xi32, #tpu.memory_space<vmem>>
      %dma_wait3A_70 = tpu.memref_slice %arg2[%mul3A_13] : memref<327680xi32, #tpu.memory_space<hbm>> -> memref<128xi32, #tpu.memory_space<hbm>>
      tpu.wait_dma2 semaphore(%run_scoped3A_55 : memref<!tpu.dma_semaphore, #tpu.memory_space<semaphore_mem>>) src(%dma_wait3A_70 : memref<128xi32, #tpu.memory_space<hbm>>) dst(%dma_wait3A_69 : memref<128xi32, #tpu.memory_space<vmem>>)
      tpu.yield
    }) : () -> ()
    %dma_start3A = arith.constant 0 : i32
    %dma_start3A_14 = arith.constant 0 : i32
    %dma_start3A_15 = arith.constant 0 : i32
    %dma_start3A_16 = arith.constant 0 : i32
    %dma_start3A_17 = tpu.memref_slice %arg8[%dma_start3A_14, %dma_start3A_15, %dma_start3A_16] : memref<2x128x128xf32, #tpu.memory_space<vmem>> -> memref<1x128x128xf32, #tpu.memory_space<vmem>>
    %dma_start3A_18 = tpu.memref_squeeze %dma_start3A_17 : memref<1x128x128xf32, #tpu.memory_space<vmem>> -> memref<128x128xf32, #tpu.memory_space<vmem>>
    %dma_start3A_19 = arith.constant 0 : i32
    %dma_start3A_20 = tpu.memref_slice %arg6[%dma_start3A, %dma_start3A_19] : memref<2x128xi32, #tpu.memory_space<vmem>> -> memref<1x128xi32, #tpu.memory_space<vmem>>
    %dma_start3A_21 = tpu.memref_squeeze %dma_start3A_20 : memref<1x128xi32, #tpu.memory_space<vmem>> -> memref<128xi32, #tpu.memory_space<vmem>>
    %dma_start3A_22 = arith.constant 0 : i32
    %dma_start3A_23 = arith.constant 0 : i32
    %dma_start3A_24 = tpu.memref_slice %arg4[%dma_start3A_22, %dma_start3A_23] : memref<10240x128xf32, #tpu.memory_space<hbm>> -> memref<10240x128xf32, #tpu.memory_space<hbm>>
    tpu.enqueue_indirect_dma source(%dma_start3A_24 : memref<10240x128xf32, #tpu.memory_space<hbm>>) target(%dma_start3A_18 : memref<128x128xf32, #tpu.memory_space<vmem>>) offsets(%dma_start3A_21 : memref<128xi32, #tpu.memory_space<vmem>>) semaphore(%arg10 : memref<!tpu.dma_semaphore, #tpu.memory_space<semaphore_mem>>)
    %run_scoped3A_25 = arith.constant 0 : i32
    "tpu.region"() ({
      %run_scoped3A_55 = tpu.sem_alloc : memref<!tpu.dma_semaphore, #tpu.memory_space<semaphore_mem>>
      %dma_start3A_56 = arith.constant 0 : i32
      %dma_start3A_57 = tpu.memref_slice %arg7[%run_scoped3A_25, %dma_start3A_56] : memref<2x128xi32, #tpu.memory_space<vmem>> -> memref<1x128xi32, #tpu.memory_space<vmem>>
      %dma_start3A_58 = tpu.memref_squeeze %dma_start3A_57 : memref<1x128xi32, #tpu.memory_space<vmem>> -> memref<128xi32, #tpu.memory_space<vmem>>
      %dma_start3A_59 = tpu.memref_slice %arg3[%mul3A_13] : memref<327680xi32, #tpu.memory_space<hbm>> -> memref<128xi32, #tpu.memory_space<hbm>>
      %dma_start3A_60 = arith.constant 0 : i32
      %dma_start3A_61 = tpu.memref_slice %arg7[%run_scoped3A_25, %dma_start3A_60] : memref<2x128xi32, #tpu.memory_space<vmem>> -> memref<1x128xi32, #tpu.memory_space<vmem>>
      %dma_start3A_62 = tpu.memref_squeeze %dma_start3A_61 : memref<1x128xi32, #tpu.memory_space<vmem>> -> memref<128xi32, #tpu.memory_space<vmem>>
      %dma_start3A_63 = tpu.memref_slice %arg3[%mul3A_13] : memref<327680xi32, #tpu.memory_space<hbm>> -> memref<128xi32, #tpu.memory_space<hbm>>
      tpu.enqueue_dma source(%dma_start3A_63 : memref<128xi32, #tpu.memory_space<hbm>>) target(%dma_start3A_62 : memref<128xi32, #tpu.memory_space<vmem>>) target_semaphore(%run_scoped3A_55 : memref<!tpu.dma_semaphore, #tpu.memory_space<semaphore_mem>>)
      %dma_wait3A = arith.constant 0 : i32
      %dma_wait3A_64 = tpu.memref_slice %arg7[%run_scoped3A_25, %dma_wait3A] : memref<2x128xi32, #tpu.memory_space<vmem>> -> memref<1x128xi32, #tpu.memory_space<vmem>>
      %dma_wait3A_65 = tpu.memref_squeeze %dma_wait3A_64 : memref<1x128xi32, #tpu.memory_space<vmem>> -> memref<128xi32, #tpu.memory_space<vmem>>
      %dma_wait3A_66 = tpu.memref_slice %arg3[%mul3A_13] : memref<327680xi32, #tpu.memory_space<hbm>> -> memref<128xi32, #tpu.memory_space<hbm>>
      %dma_wait3A_67 = arith.constant 0 : i32
      %dma_wait3A_68 = tpu.memref_slice %arg7[%run_scoped3A_25, %dma_wait3A_67] : memref<2x128xi32, #tpu.memory_space<vmem>> -> memref<1x128xi32, #tpu.memory_space<vmem>>
      %dma_wait3A_69 = tpu.memref_squeeze %dma_wait3A_68 : memref<1x128xi32, #tpu.memory_space<vmem>> -> memref<128xi32, #tpu.memory_space<vmem>>
      %dma_wait3A_70 = tpu.memref_slice %arg3[%mul3A_13] : memref<327680xi32, #tpu.memory_space<hbm>> -> memref<128xi32, #tpu.memory_space<hbm>>
      tpu.wait_dma2 semaphore(%run_scoped3A_55 : memref<!tpu.dma_semaphore, #tpu.memory_space<semaphore_mem>>) src(%dma_wait3A_70 : memref<128xi32, #tpu.memory_space<hbm>>) dst(%dma_wait3A_69 : memref<128xi32, #tpu.memory_space<vmem>>)
      tpu.yield
    }) : () -> ()
    %mul3A_26 = arith.constant 80 : i32
    %mul3A_27 = arith.muli %add3A, %mul3A_26 : i32
    %add3A_28 = arith.constant 1 : i32
    %add3A_29 = arith.addi %mul3A_27, %add3A_28 : i32
    %mul3A_30 = arith.constant 128 : i32
    %mul3A_31 = arith.muli %add3A_29, %mul3A_30 : i32
    %run_scoped3A_32 = arith.constant 1 : i32
    "tpu.region"() ({
      %run_scoped3A_55 = tpu.sem_alloc : memref<!tpu.dma_semaphore, #tpu.memory_space<semaphore_mem>>
      %dma_start3A_56 = arith.constant 0 : i32
      %dma_start3A_57 = tpu.memref_slice %arg6[%run_scoped3A_32, %dma_start3A_56] : memref<2x128xi32, #tpu.memory_space<vmem>> -> memref<1x128xi32, #tpu.memory_space<vmem>>
      %dma_start3A_58 = tpu.memref_squeeze %dma_start3A_57 : memref<1x128xi32, #tpu.memory_space<vmem>> -> memref<128xi32, #tpu.memory_space<vmem>>
      %dma_start3A_59 = tpu.memref_slice %arg2[%mul3A_31] : memref<327680xi32, #tpu.memory_space<hbm>> -> memref<128xi32, #tpu.memory_space<hbm>>
      %dma_start3A_60 = arith.constant 0 : i32
      %dma_start3A_61 = tpu.memref_slice %arg6[%run_scoped3A_32, %dma_start3A_60] : memref<2x128xi32, #tpu.memory_space<vmem>> -> memref<1x128xi32, #tpu.memory_space<vmem>>
      %dma_start3A_62 = tpu.memref_squeeze %dma_start3A_61 : memref<1x128xi32, #tpu.memory_space<vmem>> -> memref<128xi32, #tpu.memory_space<vmem>>
      %dma_start3A_63 = tpu.memref_slice %arg2[%mul3A_31] : memref<327680xi32, #tpu.memory_space<hbm>> -> memref<128xi32, #tpu.memory_space<hbm>>
      tpu.enqueue_dma source(%dma_start3A_63 : memref<128xi32, #tpu.memory_space<hbm>>) target(%dma_start3A_62 : memref<128xi32, #tpu.memory_space<vmem>>) target_semaphore(%run_scoped3A_55 : memref<!tpu.dma_semaphore, #tpu.memory_space<semaphore_mem>>)
      %dma_wait3A = arith.constant 0 : i32
      %dma_wait3A_64 = tpu.memref_slice %arg6[%run_scoped3A_32, %dma_wait3A] : memref<2x128xi32, #tpu.memory_space<vmem>> -> memref<1x128xi32, #tpu.memory_space<vmem>>
      %dma_wait3A_65 = tpu.memref_squeeze %dma_wait3A_64 : memref<1x128xi32, #tpu.memory_space<vmem>> -> memref<128xi32, #tpu.memory_space<vmem>>
      %dma_wait3A_66 = tpu.memref_slice %arg2[%mul3A_31] : memref<327680xi32, #tpu.memory_space<hbm>> -> memref<128xi32, #tpu.memory_space<hbm>>
      %dma_wait3A_67 = arith.constant 0 : i32
      %dma_wait3A_68 = tpu.memref_slice %arg6[%run_scoped3A_32, %dma_wait3A_67] : memref<2x128xi32, #tpu.memory_space<vmem>> -> memref<1x128xi32, #tpu.memory_space<vmem>>
      %dma_wait3A_69 = tpu.memref_squeeze %dma_wait3A_68 : memref<1x128xi32, #tpu.memory_space<vmem>> -> memref<128xi32, #tpu.memory_space<vmem>>
      %dma_wait3A_70 = tpu.memref_slice %arg2[%mul3A_31] : memref<327680xi32, #tpu.memory_space<hbm>> -> memref<128xi32, #tpu.memory_space<hbm>>
      tpu.wait_dma2 semaphore(%run_scoped3A_55 : memref<!tpu.dma_semaphore, #tpu.memory_space<semaphore_mem>>) src(%dma_wait3A_70 : memref<128xi32, #tpu.memory_space<hbm>>) dst(%dma_wait3A_69 : memref<128xi32, #tpu.memory_space<vmem>>)
      tpu.yield
    }) : () -> ()
    %dma_start3A_33 = arith.constant 1 : i32
    %dma_start3A_34 = arith.constant 1 : i32
    %dma_start3A_35 = arith.constant 0 : i32
    %dma_start3A_36 = arith.constant 0 : i32
    %dma_start3A_37 = tpu.memref_slice %arg8[%dma_start3A_34, %dma_start3A_35, %dma_start3A_36] : memref<2x128x128xf32, #tpu.memory_space<vmem>> -> memref<1x128x128xf32, #tpu.memory_space<vmem>>
    %dma_start3A_38 = tpu.memref_squeeze %dma_start3A_37 : memref<1x128x128xf32, #tpu.memory_space<vmem>> -> memref<128x128xf32, #tpu.memory_space<vmem>>
    %dma_start3A_39 = arith.constant 0 : i32
    %dma_start3A_40 = tpu.memref_slice %arg6[%dma_start3A_33, %dma_start3A_39] : memref<2x128xi32, #tpu.memory_space<vmem>> -> memref<1x128xi32, #tpu.memory_space<vmem>>
    %dma_start3A_41 = tpu.memref_squeeze %dma_start3A_40 : memref<1x128xi32, #tpu.memory_space<vmem>> -> memref<128xi32, #tpu.memory_space<vmem>>
    %dma_start3A_42 = arith.constant 0 : i32
    %dma_start3A_43 = arith.constant 0 : i32
    %dma_start3A_44 = tpu.memref_slice %arg4[%dma_start3A_42, %dma_start3A_43] : memref<10240x128xf32, #tpu.memory_space<hbm>> -> memref<10240x128xf32, #tpu.memory_space<hbm>>
    tpu.enqueue_indirect_dma source(%dma_start3A_44 : memref<10240x128xf32, #tpu.memory_space<hbm>>) target(%dma_start3A_38 : memref<128x128xf32, #tpu.memory_space<vmem>>) offsets(%dma_start3A_41 : memref<128xi32, #tpu.memory_space<vmem>>) semaphore(%arg10 : memref<!tpu.dma_semaphore, #tpu.memory_space<semaphore_mem>>)
    %run_scoped3A_45 = arith.constant 1 : i32
    "tpu.region"() ({
      %run_scoped3A_55 = tpu.sem_alloc : memref<!tpu.dma_semaphore, #tpu.memory_space<semaphore_mem>>
      %dma_start3A_56 = arith.constant 0 : i32
      %dma_start3A_57 = tpu.memref_slice %arg7[%run_scoped3A_45, %dma_start3A_56] : memref<2x128xi32, #tpu.memory_space<vmem>> -> memref<1x128xi32, #tpu.memory_space<vmem>>
      %dma_start3A_58 = tpu.memref_squeeze %dma_start3A_57 : memref<1x128xi32, #tpu.memory_space<vmem>> -> memref<128xi32, #tpu.memory_space<vmem>>
      %dma_start3A_59 = tpu.memref_slice %arg3[%mul3A_31] : memref<327680xi32, #tpu.memory_space<hbm>> -> memref<128xi32, #tpu.memory_space<hbm>>
      %dma_start3A_60 = arith.constant 0 : i32
      %dma_start3A_61 = tpu.memref_slice %arg7[%run_scoped3A_45, %dma_start3A_60] : memref<2x128xi32, #tpu.memory_space<vmem>> -> memref<1x128xi32, #tpu.memory_space<vmem>>
      %dma_start3A_62 = tpu.memref_squeeze %dma_start3A_61 : memref<1x128xi32, #tpu.memory_space<vmem>> -> memref<128xi32, #tpu.memory_space<vmem>>
      %dma_start3A_63 = tpu.memref_slice %arg3[%mul3A_31] : memref<327680xi32, #tpu.memory_space<hbm>> -> memref<128xi32, #tpu.memory_space<hbm>>
      tpu.enqueue_dma source(%dma_start3A_63 : memref<128xi32, #tpu.memory_space<hbm>>) target(%dma_start3A_62 : memref<128xi32, #tpu.memory_space<vmem>>) target_semaphore(%run_scoped3A_55 : memref<!tpu.dma_semaphore, #tpu.memory_space<semaphore_mem>>)
      %dma_wait3A = arith.constant 0 : i32
      %dma_wait3A_64 = tpu.memref_slice %arg7[%run_scoped3A_45, %dma_wait3A] : memref<2x128xi32, #tpu.memory_space<vmem>> -> memref<1x128xi32, #tpu.memory_space<vmem>>
      %dma_wait3A_65 = tpu.memref_squeeze %dma_wait3A_64 : memref<1x128xi32, #tpu.memory_space<vmem>> -> memref<128xi32, #tpu.memory_space<vmem>>
      %dma_wait3A_66 = tpu.memref_slice %arg3[%mul3A_31] : memref<327680xi32, #tpu.memory_space<hbm>> -> memref<128xi32, #tpu.memory_space<hbm>>
      %dma_wait3A_67 = arith.constant 0 : i32
      %dma_wait3A_68 = tpu.memref_slice %arg7[%run_scoped3A_45, %dma_wait3A_67] : memref<2x128xi32, #tpu.memory_space<vmem>> -> memref<1x128xi32, #tpu.memory_space<vmem>>
      %dma_wait3A_69 = tpu.memref_squeeze %dma_wait3A_68 : memref<1x128xi32, #tpu.memory_space<vmem>> -> memref<128xi32, #tpu.memory_space<vmem>>
      %dma_wait3A_70 = tpu.memref_slice %arg3[%mul3A_31] : memref<327680xi32, #tpu.memory_space<hbm>> -> memref<128xi32, #tpu.memory_space<hbm>>
      tpu.wait_dma2 semaphore(%run_scoped3A_55 : memref<!tpu.dma_semaphore, #tpu.memory_space<semaphore_mem>>) src(%dma_wait3A_70 : memref<128xi32, #tpu.memory_space<hbm>>) dst(%dma_wait3A_69 : memref<128xi32, #tpu.memory_space<vmem>>)
      tpu.yield
    }) : () -> ()
    %scan3A = arith.constant 0 : i32
    %scan3A_46 = arith.constant 0 : i32
    %scan3A_47 = arith.constant 40 : i32
    %scan3A_48 = arith.addi %scan3A_46, %scan3A_47 : i32
    %scan3A_49 = arith.constant 1 : i32
    %scan3A_50 = scf.for %scan3A_55 = %scan3A_46 to %scan3A_48 step %scan3A_49 iter_args(%scan3A_56 = %scan3A) -> (i32)  : i32 {
      %dma_wait3A = arith.constant 0 : i32
      %dma_wait3A_57 = arith.constant 0 : i32
      %dma_wait3A_58 = arith.constant 0 : i32
      %dma_wait3A_59 = tpu.memref_slice %arg8[%dma_wait3A, %dma_wait3A_57, %dma_wait3A_58] : memref<2x128x128xf32, #tpu.memory_space<vmem>> -> memref<1x128x128xf32, #tpu.memory_space<vmem>>
      %dma_wait3A_60 = tpu.memref_squeeze %dma_wait3A_59 : memref<1x128x128xf32, #tpu.memory_space<vmem>> -> memref<128x128xf32, #tpu.memory_space<vmem>>
      %dma_wait3A_61 = arith.constant 0 : i32
      %dma_wait3A_62 = arith.constant 0 : i32
      %dma_wait3A_63 = tpu.memref_slice %arg4[%dma_wait3A_61, %dma_wait3A_62] : memref<10240x128xf32, #tpu.memory_space<hbm>> -> memref<128x128xf32, #tpu.memory_space<hbm>>
      %dma_wait3A_64 = arith.constant 0 : i32
      %dma_wait3A_65 = arith.constant 0 : i32
      %dma_wait3A_66 = tpu.memref_slice %arg8[%dma_wait3A, %dma_wait3A_64, %dma_wait3A_65] : memref<2x128x128xf32, #tpu.memory_space<vmem>> -> memref<1x128x128xf32, #tpu.memory_space<vmem>>
      %dma_wait3A_67 = tpu.memref_squeeze %dma_wait3A_66 : memref<1x128x128xf32, #tpu.memory_space<vmem>> -> memref<128x128xf32, #tpu.memory_space<vmem>>
      %dma_wait3A_68 = arith.constant 0 : i32
      %dma_wait3A_69 = arith.constant 0 : i32
      %dma_wait3A_70 = tpu.memref_slice %arg4[%dma_wait3A_68, %dma_wait3A_69] : memref<10240x128xf32, #tpu.memory_space<hbm>> -> memref<128x128xf32, #tpu.memory_space<hbm>>
      tpu.wait_dma2 semaphore(%arg10 : memref<!tpu.dma_semaphore, #tpu.memory_space<semaphore_mem>>) src(%dma_wait3A_70 : memref<128x128xf32, #tpu.memory_space<hbm>>) dst(%dma_wait3A_67 : memref<128x128xf32, #tpu.memory_space<vmem>>)
      %run_scoped3A_71 = arith.constant 0 : i32
      %run_scoped3A_72 = arith.constant 0 : i32
      "tpu.region"() ({
        %run_scoped3A_112 = tpu.sem_alloc : memref<!tpu.dma_semaphore, #tpu.memory_space<semaphore_mem>>
        %dma_start3A_113 = arith.constant 0 : i32
        %dma_start3A_114 = arith.constant 0 : i32
        %dma_start3A_115 = tpu.memref_slice %arg8[%run_scoped3A_71, %dma_start3A_113, %dma_start3A_114] : memref<2x128x128xf32, #tpu.memory_space<vmem>> -> memref<1x128x128xf32, #tpu.memory_space<vmem>>
        %dma_start3A_116 = tpu.memref_squeeze %dma_start3A_115 : memref<1x128x128xf32, #tpu.memory_space<vmem>> -> memref<128x128xf32, #tpu.memory_space<vmem>>
        %dma_start3A_117 = arith.constant 0 : i32
        %dma_start3A_118 = tpu.memref_slice %arg7[%run_scoped3A_72, %dma_start3A_117] : memref<2x128xi32, #tpu.memory_space<vmem>> -> memref<1x128xi32, #tpu.memory_space<vmem>>
        %dma_start3A_119 = tpu.memref_squeeze %dma_start3A_118 : memref<1x128xi32, #tpu.memory_space<vmem>> -> memref<128xi32, #tpu.memory_space<vmem>>
        %dma_start3A_120 = arith.constant 0 : i32
        %dma_start3A_121 = arith.constant 0 : i32
        %dma_start3A_122 = tpu.memref_slice %arg9[%dma_start3A_120, %dma_start3A_121] : memref<10240x128xf32, #tpu.memory_space<vmem_shared>> -> memref<10240x128xf32, #tpu.memory_space<vmem_shared>>
        tpu.enqueue_indirect_dma source(%dma_start3A_116 : memref<128x128xf32, #tpu.memory_space<vmem>>) target(%dma_start3A_122 : memref<10240x128xf32, #tpu.memory_space<vmem_shared>>) offsets(%dma_start3A_119 : memref<128xi32, #tpu.memory_space<vmem>>) semaphore(%run_scoped3A_112 : memref<!tpu.dma_semaphore, #tpu.memory_space<semaphore_mem>>) {add = true}
        %dma_wait3A_123 = arith.constant 0 : i32
        %dma_wait3A_124 = arith.constant 0 : i32
        %dma_wait3A_125 = tpu.memref_slice %arg8[%run_scoped3A_71, %dma_wait3A_123, %dma_wait3A_124] : memref<2x128x128xf32, #tpu.memory_space<vmem>> -> memref<1x128x128xf32, #tpu.memory_space<vmem>>
        %dma_wait3A_126 = tpu.memref_squeeze %dma_wait3A_125 : memref<1x128x128xf32, #tpu.memory_space<vmem>> -> memref<128x128xf32, #tpu.memory_space<vmem>>
        %dma_wait3A_127 = arith.constant 0 : i32
        %dma_wait3A_128 = tpu.memref_slice %arg7[%run_scoped3A_72, %dma_wait3A_127] : memref<2x128xi32, #tpu.memory_space<vmem>> -> memref<1x128xi32, #tpu.memory_space<vmem>>
        %dma_wait3A_129 = tpu.memref_squeeze %dma_wait3A_128 : memref<1x128xi32, #tpu.memory_space<vmem>> -> memref<128xi32, #tpu.memory_space<vmem>>
        %dma_wait3A_130 = arith.constant 0 : i32
        %dma_wait3A_131 = arith.constant 0 : i32
        %dma_wait3A_132 = tpu.memref_slice %arg9[%dma_wait3A_130, %dma_wait3A_131] : memref<10240x128xf32, #tpu.memory_space<vmem_shared>> -> memref<10240x128xf32, #tpu.memory_space<vmem_shared>>
        tpu.wait_indirect_dma semaphore(%run_scoped3A_112 : memref<!tpu.dma_semaphore, #tpu.memory_space<semaphore_mem>>) src(%dma_wait3A_126 : memref<128x128xf32, #tpu.memory_space<vmem>>) dst(%dma_wait3A_132 : memref<10240x128xf32, #tpu.memory_space<vmem_shared>>)
        tpu.yield
      }) : () -> ()
      %mul3A_73 = arith.constant 2 : i32
      %mul3A_74 = arith.muli %mul3A_73, %scan3A_55 : i32
      %add3A_75 = arith.constant 0 : i32
      %add3A_76 = arith.addi %mul3A_74, %add3A_75 : i32
      %add3A_77 = arith.constant 2 : i32
      %add3A_78 = arith.addi %add3A_76, %add3A_77 : i32
      %lt3A = arith.constant 80 : i32
      %lt3A_79 = arith.cmpi slt, %add3A_78, %lt3A : i32
      %convert_element_type3A_80 = arith.extui %lt3A_79 : i1 to i32
      %cond3A_81 = arith.constant 0 : i32
      %cond3A_82 = arith.cmpi ne, %convert_element_type3A_80, %cond3A_81 : i32
      scf.if %cond3A_82 {
        %mul3A_112 = arith.constant 80 : i32
        %mul3A_113 = arith.muli %add3A, %mul3A_112 : i32
        %add3A_114 = arith.addi %mul3A_113, %add3A_78 : i32
        %mul3A_115 = arith.constant 128 : i32
        %mul3A_116 = arith.muli %add3A_114, %mul3A_115 : i32
        %run_scoped3A_117 = arith.constant 0 : i32
        "tpu.region"() ({
          %run_scoped3A_131 = tpu.sem_alloc : memref<!tpu.dma_semaphore, #tpu.memory_space<semaphore_mem>>
          %dma_start3A_132 = arith.constant 0 : i32
          %dma_start3A_133 = tpu.memref_slice %arg6[%run_scoped3A_117, %dma_start3A_132] : memref<2x128xi32, #tpu.memory_space<vmem>> -> memref<1x128xi32, #tpu.memory_space<vmem>>
          %dma_start3A_134 = tpu.memref_squeeze %dma_start3A_133 : memref<1x128xi32, #tpu.memory_space<vmem>> -> memref<128xi32, #tpu.memory_space<vmem>>
          %dma_start3A_135 = tpu.memref_slice %arg2[%mul3A_116] : memref<327680xi32, #tpu.memory_space<hbm>> -> memref<128xi32, #tpu.memory_space<hbm>>
          %dma_start3A_136 = arith.constant 0 : i32
          %dma_start3A_137 = tpu.memref_slice %arg6[%run_scoped3A_117, %dma_start3A_136] : memref<2x128xi32, #tpu.memory_space<vmem>> -> memref<1x128xi32, #tpu.memory_space<vmem>>
          %dma_start3A_138 = tpu.memref_squeeze %dma_start3A_137 : memref<1x128xi32, #tpu.memory_space<vmem>> -> memref<128xi32, #tpu.memory_space<vmem>>
          %dma_start3A_139 = tpu.memref_slice %arg2[%mul3A_116] : memref<327680xi32, #tpu.memory_space<hbm>> -> memref<128xi32, #tpu.memory_space<hbm>>
          tpu.enqueue_dma source(%dma_start3A_139 : memref<128xi32, #tpu.memory_space<hbm>>) target(%dma_start3A_138 : memref<128xi32, #tpu.memory_space<vmem>>) target_semaphore(%run_scoped3A_131 : memref<!tpu.dma_semaphore, #tpu.memory_space<semaphore_mem>>)
          %dma_wait3A_140 = arith.constant 0 : i32
          %dma_wait3A_141 = tpu.memref_slice %arg6[%run_scoped3A_117, %dma_wait3A_140] : memref<2x128xi32, #tpu.memory_space<vmem>> -> memref<1x128xi32, #tpu.memory_space<vmem>>
          %dma_wait3A_142 = tpu.memref_squeeze %dma_wait3A_141 : memref<1x128xi32, #tpu.memory_space<vmem>> -> memref<128xi32, #tpu.memory_space<vmem>>
          %dma_wait3A_143 = tpu.memref_slice %arg2[%mul3A_116] : memref<327680xi32, #tpu.memory_space<hbm>> -> memref<128xi32, #tpu.memory_space<hbm>>
          %dma_wait3A_144 = arith.constant 0 : i32
          %dma_wait3A_145 = tpu.memref_slice %arg6[%run_scoped3A_117, %dma_wait3A_144] : memref<2x128xi32, #tpu.memory_space<vmem>> -> memref<1x128xi32, #tpu.memory_space<vmem>>
          %dma_wait3A_146 = tpu.memref_squeeze %dma_wait3A_145 : memref<1x128xi32, #tpu.memory_space<vmem>> -> memref<128xi32, #tpu.memory_space<vmem>>
          %dma_wait3A_147 = tpu.memref_slice %arg2[%mul3A_116] : memref<327680xi32, #tpu.memory_space<hbm>> -> memref<128xi32, #tpu.memory_space<hbm>>
          tpu.wait_dma2 semaphore(%run_scoped3A_131 : memref<!tpu.dma_semaphore, #tpu.memory_space<semaphore_mem>>) src(%dma_wait3A_147 : memref<128xi32, #tpu.memory_space<hbm>>) dst(%dma_wait3A_146 : memref<128xi32, #tpu.memory_space<vmem>>)
          tpu.yield
        }) : () -> ()
        %dma_start3A_118 = arith.constant 0 : i32
        %dma_start3A_119 = arith.constant 0 : i32
        %dma_start3A_120 = arith.constant 0 : i32
        %dma_start3A_121 = arith.constant 0 : i32
        %dma_start3A_122 = tpu.memref_slice %arg8[%dma_start3A_119, %dma_start3A_120, %dma_start3A_121] : memref<2x128x128xf32, #tpu.memory_space<vmem>> -> memref<1x128x128xf32, #tpu.memory_space<vmem>>
        %dma_start3A_123 = tpu.memref_squeeze %dma_start3A_122 : memref<1x128x128xf32, #tpu.memory_space<vmem>> -> memref<128x128xf32, #tpu.memory_space<vmem>>
        %dma_start3A_124 = arith.constant 0 : i32
        %dma_start3A_125 = tpu.memref_slice %arg6[%dma_start3A_118, %dma_start3A_124] : memref<2x128xi32, #tpu.memory_space<vmem>> -> memref<1x128xi32, #tpu.memory_space<vmem>>
        %dma_start3A_126 = tpu.memref_squeeze %dma_start3A_125 : memref<1x128xi32, #tpu.memory_space<vmem>> -> memref<128xi32, #tpu.memory_space<vmem>>
        %dma_start3A_127 = arith.constant 0 : i32
        %dma_start3A_128 = arith.constant 0 : i32
        %dma_start3A_129 = tpu.memref_slice %arg4[%dma_start3A_127, %dma_start3A_128] : memref<10240x128xf32, #tpu.memory_space<hbm>> -> memref<10240x128xf32, #tpu.memory_space<hbm>>
        tpu.enqueue_indirect_dma source(%dma_start3A_129 : memref<10240x128xf32, #tpu.memory_space<hbm>>) target(%dma_start3A_123 : memref<128x128xf32, #tpu.memory_space<vmem>>) offsets(%dma_start3A_126 : memref<128xi32, #tpu.memory_space<vmem>>) semaphore(%arg10 : memref<!tpu.dma_semaphore, #tpu.memory_space<semaphore_mem>>)
        %run_scoped3A_130 = arith.constant 0 : i32
        "tpu.region"() ({
          %run_scoped3A_131 = tpu.sem_alloc : memref<!tpu.dma_semaphore, #tpu.memory_space<semaphore_mem>>
          %dma_start3A_132 = arith.constant 0 : i32
          %dma_start3A_133 = tpu.memref_slice %arg7[%run_scoped3A_130, %dma_start3A_132] : memref<2x128xi32, #tpu.memory_space<vmem>> -> memref<1x128xi32, #tpu.memory_space<vmem>>
          %dma_start3A_134 = tpu.memref_squeeze %dma_start3A_133 : memref<1x128xi32, #tpu.memory_space<vmem>> -> memref<128xi32, #tpu.memory_space<vmem>>
          %dma_start3A_135 = tpu.memref_slice %arg3[%mul3A_116] : memref<327680xi32, #tpu.memory_space<hbm>> -> memref<128xi32, #tpu.memory_space<hbm>>
          %dma_start3A_136 = arith.constant 0 : i32
          %dma_start3A_137 = tpu.memref_slice %arg7[%run_scoped3A_130, %dma_start3A_136] : memref<2x128xi32, #tpu.memory_space<vmem>> -> memref<1x128xi32, #tpu.memory_space<vmem>>
          %dma_start3A_138 = tpu.memref_squeeze %dma_start3A_137 : memref<1x128xi32, #tpu.memory_space<vmem>> -> memref<128xi32, #tpu.memory_space<vmem>>
          %dma_start3A_139 = tpu.memref_slice %arg3[%mul3A_116] : memref<327680xi32, #tpu.memory_space<hbm>> -> memref<128xi32, #tpu.memory_space<hbm>>
          tpu.enqueue_dma source(%dma_start3A_139 : memref<128xi32, #tpu.memory_space<hbm>>) target(%dma_start3A_138 : memref<128xi32, #tpu.memory_space<vmem>>) target_semaphore(%run_scoped3A_131 : memref<!tpu.dma_semaphore, #tpu.memory_space<semaphore_mem>>)
          %dma_wait3A_140 = arith.constant 0 : i32
          %dma_wait3A_141 = tpu.memref_slice %arg7[%run_scoped3A_130, %dma_wait3A_140] : memref<2x128xi32, #tpu.memory_space<vmem>> -> memref<1x128xi32, #tpu.memory_space<vmem>>
          %dma_wait3A_142 = tpu.memref_squeeze %dma_wait3A_141 : memref<1x128xi32, #tpu.memory_space<vmem>> -> memref<128xi32, #tpu.memory_space<vmem>>
          %dma_wait3A_143 = tpu.memref_slice %arg3[%mul3A_116] : memref<327680xi32, #tpu.memory_space<hbm>> -> memref<128xi32, #tpu.memory_space<hbm>>
          %dma_wait3A_144 = arith.constant 0 : i32
          %dma_wait3A_145 = tpu.memref_slice %arg7[%run_scoped3A_130, %dma_wait3A_144] : memref<2x128xi32, #tpu.memory_space<vmem>> -> memref<1x128xi32, #tpu.memory_space<vmem>>
          %dma_wait3A_146 = tpu.memref_squeeze %dma_wait3A_145 : memref<1x128xi32, #tpu.memory_space<vmem>> -> memref<128xi32, #tpu.memory_space<vmem>>
          %dma_wait3A_147 = tpu.memref_slice %arg3[%mul3A_116] : memref<327680xi32, #tpu.memory_space<hbm>> -> memref<128xi32, #tpu.memory_space<hbm>>
          tpu.wait_dma2 semaphore(%run_scoped3A_131 : memref<!tpu.dma_semaphore, #tpu.memory_space<semaphore_mem>>) src(%dma_wait3A_147 : memref<128xi32, #tpu.memory_space<hbm>>) dst(%dma_wait3A_146 : memref<128xi32, #tpu.memory_space<vmem>>)
          tpu.yield
        }) : () -> ()
      } else {
      }
      %dma_wait3A_83 = arith.constant 1 : i32
      %dma_wait3A_84 = arith.constant 0 : i32
      %dma_wait3A_85 = arith.constant 0 : i32
      %dma_wait3A_86 = tpu.memref_slice %arg8[%dma_wait3A_83, %dma_wait3A_84, %dma_wait3A_85] : memref<2x128x128xf32, #tpu.memory_space<vmem>> -> memref<1x128x128xf32, #tpu.memory_space<vmem>>
      %dma_wait3A_87 = tpu.memref_squeeze %dma_wait3A_86 : memref<1x128x128xf32, #tpu.memory_space<vmem>> -> memref<128x128xf32, #tpu.memory_space<vmem>>
      %dma_wait3A_88 = arith.constant 0 : i32
      %dma_wait3A_89 = arith.constant 0 : i32
      %dma_wait3A_90 = tpu.memref_slice %arg4[%dma_wait3A_88, %dma_wait3A_89] : memref<10240x128xf32, #tpu.memory_space<hbm>> -> memref<128x128xf32, #tpu.memory_space<hbm>>
      %dma_wait3A_91 = arith.constant 0 : i32
      %dma_wait3A_92 = arith.constant 0 : i32
      %dma_wait3A_93 = tpu.memref_slice %arg8[%dma_wait3A_83, %dma_wait3A_91, %dma_wait3A_92] : memref<2x128x128xf32, #tpu.memory_space<vmem>> -> memref<1x128x128xf32, #tpu.memory_space<vmem>>
      %dma_wait3A_94 = tpu.memref_squeeze %dma_wait3A_93 : memref<1x128x128xf32, #tpu.memory_space<vmem>> -> memref<128x128xf32, #tpu.memory_space<vmem>>
      %dma_wait3A_95 = arith.constant 0 : i32
      %dma_wait3A_96 = arith.constant 0 : i32
      %dma_wait3A_97 = tpu.memref_slice %arg4[%dma_wait3A_95, %dma_wait3A_96] : memref<10240x128xf32, #tpu.memory_space<hbm>> -> memref<128x128xf32, #tpu.memory_space<hbm>>
      tpu.wait_dma2 semaphore(%arg10 : memref<!tpu.dma_semaphore, #tpu.memory_space<semaphore_mem>>) src(%dma_wait3A_97 : memref<128x128xf32, #tpu.memory_space<hbm>>) dst(%dma_wait3A_94 : memref<128x128xf32, #tpu.memory_space<vmem>>)
      %run_scoped3A_98 = arith.constant 1 : i32
      %run_scoped3A_99 = arith.constant 1 : i32
      "tpu.region"() ({
        %run_scoped3A_112 = tpu.sem_alloc : memref<!tpu.dma_semaphore, #tpu.memory_space<semaphore_mem>>
        %dma_start3A_113 = arith.constant 0 : i32
        %dma_start3A_114 = arith.constant 0 : i32
        %dma_start3A_115 = tpu.memref_slice %arg8[%run_scoped3A_98, %dma_start3A_113, %dma_start3A_114] : memref<2x128x128xf32, #tpu.memory_space<vmem>> -> memref<1x128x128xf32, #tpu.memory_space<vmem>>
        %dma_start3A_116 = tpu.memref_squeeze %dma_start3A_115 : memref<1x128x128xf32, #tpu.memory_space<vmem>> -> memref<128x128xf32, #tpu.memory_space<vmem>>
        %dma_start3A_117 = arith.constant 0 : i32
        %dma_start3A_118 = tpu.memref_slice %arg7[%run_scoped3A_99, %dma_start3A_117] : memref<2x128xi32, #tpu.memory_space<vmem>> -> memref<1x128xi32, #tpu.memory_space<vmem>>
        %dma_start3A_119 = tpu.memref_squeeze %dma_start3A_118 : memref<1x128xi32, #tpu.memory_space<vmem>> -> memref<128xi32, #tpu.memory_space<vmem>>
        %dma_start3A_120 = arith.constant 0 : i32
        %dma_start3A_121 = arith.constant 0 : i32
        %dma_start3A_122 = tpu.memref_slice %arg9[%dma_start3A_120, %dma_start3A_121] : memref<10240x128xf32, #tpu.memory_space<vmem_shared>> -> memref<10240x128xf32, #tpu.memory_space<vmem_shared>>
        tpu.enqueue_indirect_dma source(%dma_start3A_116 : memref<128x128xf32, #tpu.memory_space<vmem>>) target(%dma_start3A_122 : memref<10240x128xf32, #tpu.memory_space<vmem_shared>>) offsets(%dma_start3A_119 : memref<128xi32, #tpu.memory_space<vmem>>) semaphore(%run_scoped3A_112 : memref<!tpu.dma_semaphore, #tpu.memory_space<semaphore_mem>>) {add = true}
        %dma_wait3A_123 = arith.constant 0 : i32
        %dma_wait3A_124 = arith.constant 0 : i32
        %dma_wait3A_125 = tpu.memref_slice %arg8[%run_scoped3A_98, %dma_wait3A_123, %dma_wait3A_124] : memref<2x128x128xf32, #tpu.memory_space<vmem>> -> memref<1x128x128xf32, #tpu.memory_space<vmem>>
        %dma_wait3A_126 = tpu.memref_squeeze %dma_wait3A_125 : memref<1x128x128xf32, #tpu.memory_space<vmem>> -> memref<128x128xf32, #tpu.memory_space<vmem>>
        %dma_wait3A_127 = arith.constant 0 : i32
        %dma_wait3A_128 = tpu.memref_slice %arg7[%run_scoped3A_99, %dma_wait3A_127] : memref<2x128xi32, #tpu.memory_space<vmem>> -> memref<1x128xi32, #tpu.memory_space<vmem>>
        %dma_wait3A_129 = tpu.memref_squeeze %dma_wait3A_128 : memref<1x128xi32, #tpu.memory_space<vmem>> -> memref<128xi32, #tpu.memory_space<vmem>>
        %dma_wait3A_130 = arith.constant 0 : i32
        %dma_wait3A_131 = arith.constant 0 : i32
        %dma_wait3A_132 = tpu.memref_slice %arg9[%dma_wait3A_130, %dma_wait3A_131] : memref<10240x128xf32, #tpu.memory_space<vmem_shared>> -> memref<10240x128xf32, #tpu.memory_space<vmem_shared>>
        tpu.wait_indirect_dma semaphore(%run_scoped3A_112 : memref<!tpu.dma_semaphore, #tpu.memory_space<semaphore_mem>>) src(%dma_wait3A_126 : memref<128x128xf32, #tpu.memory_space<vmem>>) dst(%dma_wait3A_132 : memref<10240x128xf32, #tpu.memory_space<vmem_shared>>)
        tpu.yield
      }) : () -> ()
      %mul3A_100 = arith.constant 2 : i32
      %mul3A_101 = arith.muli %mul3A_100, %scan3A_55 : i32
      %add3A_102 = arith.constant 1 : i32
      %add3A_103 = arith.addi %mul3A_101, %add3A_102 : i32
      %add3A_104 = arith.constant 2 : i32
      %add3A_105 = arith.addi %add3A_103, %add3A_104 : i32
      %lt3A_106 = arith.constant 80 : i32
      %lt3A_107 = arith.cmpi slt, %add3A_105, %lt3A_106 : i32
      %convert_element_type3A_108 = arith.extui %lt3A_107 : i1 to i32
      %cond3A_109 = arith.constant 0 : i32
      %cond3A_110 = arith.cmpi ne, %convert_element_type3A_108, %cond3A_109 : i32
      scf.if %cond3A_110 {
        %mul3A_112 = arith.constant 80 : i32
        %mul3A_113 = arith.muli %add3A, %mul3A_112 : i32
        %add3A_114 = arith.addi %mul3A_113, %add3A_105 : i32
        %mul3A_115 = arith.constant 128 : i32
        %mul3A_116 = arith.muli %add3A_114, %mul3A_115 : i32
        %run_scoped3A_117 = arith.constant 1 : i32
        "tpu.region"() ({
          %run_scoped3A_131 = tpu.sem_alloc : memref<!tpu.dma_semaphore, #tpu.memory_space<semaphore_mem>>
          %dma_start3A_132 = arith.constant 0 : i32
          %dma_start3A_133 = tpu.memref_slice %arg6[%run_scoped3A_117, %dma_start3A_132] : memref<2x128xi32, #tpu.memory_space<vmem>> -> memref<1x128xi32, #tpu.memory_space<vmem>>
          %dma_start3A_134 = tpu.memref_squeeze %dma_start3A_133 : memref<1x128xi32, #tpu.memory_space<vmem>> -> memref<128xi32, #tpu.memory_space<vmem>>
          %dma_start3A_135 = tpu.memref_slice %arg2[%mul3A_116] : memref<327680xi32, #tpu.memory_space<hbm>> -> memref<128xi32, #tpu.memory_space<hbm>>
          %dma_start3A_136 = arith.constant 0 : i32
          %dma_start3A_137 = tpu.memref_slice %arg6[%run_scoped3A_117, %dma_start3A_136] : memref<2x128xi32, #tpu.memory_space<vmem>> -> memref<1x128xi32, #tpu.memory_space<vmem>>
          %dma_start3A_138 = tpu.memref_squeeze %dma_start3A_137 : memref<1x128xi32, #tpu.memory_space<vmem>> -> memref<128xi32, #tpu.memory_space<vmem>>
          %dma_start3A_139 = tpu.memref_slice %arg2[%mul3A_116] : memref<327680xi32, #tpu.memory_space<hbm>> -> memref<128xi32, #tpu.memory_space<hbm>>
          tpu.enqueue_dma source(%dma_start3A_139 : memref<128xi32, #tpu.memory_space<hbm>>) target(%dma_start3A_138 : memref<128xi32, #tpu.memory_space<vmem>>) target_semaphore(%run_scoped3A_131 : memref<!tpu.dma_semaphore, #tpu.memory_space<semaphore_mem>>)
          %dma_wait3A_140 = arith.constant 0 : i32
          %dma_wait3A_141 = tpu.memref_slice %arg6[%run_scoped3A_117, %dma_wait3A_140] : memref<2x128xi32, #tpu.memory_space<vmem>> -> memref<1x128xi32, #tpu.memory_space<vmem>>
          %dma_wait3A_142 = tpu.memref_squeeze %dma_wait3A_141 : memref<1x128xi32, #tpu.memory_space<vmem>> -> memref<128xi32, #tpu.memory_space<vmem>>
          %dma_wait3A_143 = tpu.memref_slice %arg2[%mul3A_116] : memref<327680xi32, #tpu.memory_space<hbm>> -> memref<128xi32, #tpu.memory_space<hbm>>
          %dma_wait3A_144 = arith.constant 0 : i32
          %dma_wait3A_145 = tpu.memref_slice %arg6[%run_scoped3A_117, %dma_wait3A_144] : memref<2x128xi32, #tpu.memory_space<vmem>> -> memref<1x128xi32, #tpu.memory_space<vmem>>
          %dma_wait3A_146 = tpu.memref_squeeze %dma_wait3A_145 : memref<1x128xi32, #tpu.memory_space<vmem>> -> memref<128xi32, #tpu.memory_space<vmem>>
          %dma_wait3A_147 = tpu.memref_slice %arg2[%mul3A_116] : memref<327680xi32, #tpu.memory_space<hbm>> -> memref<128xi32, #tpu.memory_space<hbm>>
          tpu.wait_dma2 semaphore(%run_scoped3A_131 : memref<!tpu.dma_semaphore, #tpu.memory_space<semaphore_mem>>) src(%dma_wait3A_147 : memref<128xi32, #tpu.memory_space<hbm>>) dst(%dma_wait3A_146 : memref<128xi32, #tpu.memory_space<vmem>>)
          tpu.yield
        }) : () -> ()
        %dma_start3A_118 = arith.constant 1 : i32
        %dma_start3A_119 = arith.constant 1 : i32
        %dma_start3A_120 = arith.constant 0 : i32
        %dma_start3A_121 = arith.constant 0 : i32
        %dma_start3A_122 = tpu.memref_slice %arg8[%dma_start3A_119, %dma_start3A_120, %dma_start3A_121] : memref<2x128x128xf32, #tpu.memory_space<vmem>> -> memref<1x128x128xf32, #tpu.memory_space<vmem>>
        %dma_start3A_123 = tpu.memref_squeeze %dma_start3A_122 : memref<1x128x128xf32, #tpu.memory_space<vmem>> -> memref<128x128xf32, #tpu.memory_space<vmem>>
        %dma_start3A_124 = arith.constant 0 : i32
        %dma_start3A_125 = tpu.memref_slice %arg6[%dma_start3A_118, %dma_start3A_124] : memref<2x128xi32, #tpu.memory_space<vmem>> -> memref<1x128xi32, #tpu.memory_space<vmem>>
        %dma_start3A_126 = tpu.memref_squeeze %dma_start3A_125 : memref<1x128xi32, #tpu.memory_space<vmem>> -> memref<128xi32, #tpu.memory_space<vmem>>
        %dma_start3A_127 = arith.constant 0 : i32
        %dma_start3A_128 = arith.constant 0 : i32
        %dma_start3A_129 = tpu.memref_slice %arg4[%dma_start3A_127, %dma_start3A_128] : memref<10240x128xf32, #tpu.memory_space<hbm>> -> memref<10240x128xf32, #tpu.memory_space<hbm>>
        tpu.enqueue_indirect_dma source(%dma_start3A_129 : memref<10240x128xf32, #tpu.memory_space<hbm>>) target(%dma_start3A_123 : memref<128x128xf32, #tpu.memory_space<vmem>>) offsets(%dma_start3A_126 : memref<128xi32, #tpu.memory_space<vmem>>) semaphore(%arg10 : memref<!tpu.dma_semaphore, #tpu.memory_space<semaphore_mem>>)
        %run_scoped3A_130 = arith.constant 1 : i32
        "tpu.region"() ({
          %run_scoped3A_131 = tpu.sem_alloc : memref<!tpu.dma_semaphore, #tpu.memory_space<semaphore_mem>>
          %dma_start3A_132 = arith.constant 0 : i32
          %dma_start3A_133 = tpu.memref_slice %arg7[%run_scoped3A_130, %dma_start3A_132] : memref<2x128xi32, #tpu.memory_space<vmem>> -> memref<1x128xi32, #tpu.memory_space<vmem>>
          %dma_start3A_134 = tpu.memref_squeeze %dma_start3A_133 : memref<1x128xi32, #tpu.memory_space<vmem>> -> memref<128xi32, #tpu.memory_space<vmem>>
          %dma_start3A_135 = tpu.memref_slice %arg3[%mul3A_116] : memref<327680xi32, #tpu.memory_space<hbm>> -> memref<128xi32, #tpu.memory_space<hbm>>
          %dma_start3A_136 = arith.constant 0 : i32
          %dma_start3A_137 = tpu.memref_slice %arg7[%run_scoped3A_130, %dma_start3A_136] : memref<2x128xi32, #tpu.memory_space<vmem>> -> memref<1x128xi32, #tpu.memory_space<vmem>>
          %dma_start3A_138 = tpu.memref_squeeze %dma_start3A_137 : memref<1x128xi32, #tpu.memory_space<vmem>> -> memref<128xi32, #tpu.memory_space<vmem>>
          %dma_start3A_139 = tpu.memref_slice %arg3[%mul3A_116] : memref<327680xi32, #tpu.memory_space<hbm>> -> memref<128xi32, #tpu.memory_space<hbm>>
          tpu.enqueue_dma source(%dma_start3A_139 : memref<128xi32, #tpu.memory_space<hbm>>) target(%dma_start3A_138 : memref<128xi32, #tpu.memory_space<vmem>>) target_semaphore(%run_scoped3A_131 : memref<!tpu.dma_semaphore, #tpu.memory_space<semaphore_mem>>)
          %dma_wait3A_140 = arith.constant 0 : i32
          %dma_wait3A_141 = tpu.memref_slice %arg7[%run_scoped3A_130, %dma_wait3A_140] : memref<2x128xi32, #tpu.memory_space<vmem>> -> memref<1x128xi32, #tpu.memory_space<vmem>>
          %dma_wait3A_142 = tpu.memref_squeeze %dma_wait3A_141 : memref<1x128xi32, #tpu.memory_space<vmem>> -> memref<128xi32, #tpu.memory_space<vmem>>
          %dma_wait3A_143 = tpu.memref_slice %arg3[%mul3A_116] : memref<327680xi32, #tpu.memory_space<hbm>> -> memref<128xi32, #tpu.memory_space<hbm>>
          %dma_wait3A_144 = arith.constant 0 : i32
          %dma_wait3A_145 = tpu.memref_slice %arg7[%run_scoped3A_130, %dma_wait3A_144] : memref<2x128xi32, #tpu.memory_space<vmem>> -> memref<1x128xi32, #tpu.memory_space<vmem>>
          %dma_wait3A_146 = tpu.memref_squeeze %dma_wait3A_145 : memref<1x128xi32, #tpu.memory_space<vmem>> -> memref<128xi32, #tpu.memory_space<vmem>>
          %dma_wait3A_147 = tpu.memref_slice %arg3[%mul3A_116] : memref<327680xi32, #tpu.memory_space<hbm>> -> memref<128xi32, #tpu.memory_space<hbm>>
          tpu.wait_dma2 semaphore(%run_scoped3A_131 : memref<!tpu.dma_semaphore, #tpu.memory_space<semaphore_mem>>) src(%dma_wait3A_147 : memref<128xi32, #tpu.memory_space<hbm>>) dst(%dma_wait3A_146 : memref<128xi32, #tpu.memory_space<vmem>>)
          tpu.yield
        }) : () -> ()
      } else {
      }
      %scan3A_111 = arith.constant 0 : i32
      scf.yield %scan3A_111 : i32
    }
    %scan3A_51 = arith.constant 40 : i32
    %barrier3A_52 = arith.constant 0 : index
    tpu.barrier barrier_id(%barrier3A_52)
    %mul3A_53 = arith.constant 640 : i32
    %mul3A_54 = arith.muli %arg1, %mul3A_53 : i32
    "tpu.region"() ({
      %run_scoped3A_55 = tpu.sem_alloc : memref<!tpu.dma_semaphore, #tpu.memory_space<semaphore_mem>>
      %dma_start3A_56 = arith.constant 0 : i32
      %dma_start3A_57 = arith.constant 0 : i32
      %dma_start3A_58 = tpu.memref_slice %arg5[%arg0, %arg1, %dma_start3A_56, %dma_start3A_57] : memref<2x16x640x128xf32, #tpu.memory_space<hbm>> -> memref<1x1x640x128xf32, #tpu.memory_space<hbm>>
      %dma_start3A_59 = tpu.memref_squeeze %dma_start3A_58 : memref<1x1x640x128xf32, #tpu.memory_space<hbm>> -> memref<640x128xf32, #tpu.memory_space<hbm>>
      %dma_start3A_60 = arith.constant 0 : i32
      %dma_start3A_61 = tpu.memref_slice %arg9[%mul3A_54, %dma_start3A_60] : memref<10240x128xf32, #tpu.memory_space<vmem_shared>> -> memref<640x128xf32, #tpu.memory_space<vmem_shared>>
      tpu.enqueue_dma source(%dma_start3A_61 : memref<640x128xf32, #tpu.memory_space<vmem_shared>>) target(%dma_start3A_59 : memref<640x128xf32, #tpu.memory_space<hbm>>) target_semaphore(%run_scoped3A_55 : memref<!tpu.dma_semaphore, #tpu.memory_space<semaphore_mem>>)
      %dma_wait3A = arith.constant 0 : i32
      %dma_wait3A_62 = arith.constant 0 : i32
      %dma_wait3A_63 = tpu.memref_slice %arg5[%arg0, %arg1, %dma_wait3A, %dma_wait3A_62] : memref<2x16x640x128xf32, #tpu.memory_space<hbm>> -> memref<1x1x640x128xf32, #tpu.memory_space<hbm>>
      %dma_wait3A_64 = tpu.memref_squeeze %dma_wait3A_63 : memref<1x1x640x128xf32, #tpu.memory_space<hbm>> -> memref<640x128xf32, #tpu.memory_space<hbm>>
      %dma_wait3A_65 = arith.constant 0 : i32
      %dma_wait3A_66 = tpu.memref_slice %arg9[%mul3A_54, %dma_wait3A_65] : memref<10240x128xf32, #tpu.memory_space<vmem_shared>> -> memref<640x128xf32, #tpu.memory_space<vmem_shared>>
      tpu.wait_dma2 semaphore(%run_scoped3A_55 : memref<!tpu.dma_semaphore, #tpu.memory_space<semaphore_mem>>) src(%dma_wait3A_66 : memref<640x128xf32, #tpu.memory_space<vmem_shared>>) dst(%dma_wait3A_64 : memref<640x128xf32, #tpu.memory_space<hbm>>)
      tpu.yield
    }) : () -> ()
    return
  }
}

module attributes {stable_mosaic.version = 14 : i64} {
  func.func @body(%arg0: i32, %arg1: memref<1024x128xf32, #tpu.memory_space<vmem>>, %arg2: memref<128x128xf32, #tpu.memory_space<vmem>>, %arg3: memref<2x1024xf32, #tpu.memory_space<vmem>>, %arg4: memref<1024x128xf32, #tpu.memory_space<vmem>>) attributes {dimension_semantics = [#tpu.dimension_semantics<arbitrary>], iteration_bounds = array<i64: 10>, scalar_prefetch = 0 : i64, scratch_operands = 0 : i64, tpu.core_type = #tpu.core_type<tc>, window_params = [{transform_indices = @transform_0, window_bounds = array<i64: 1024, 128>}, {pipeline_mode = #tpu.pipeline_mode<synchronous>, transform_indices = @transform_1, window_bounds = array<i64: 128, 128>}, {transform_indices = @transform_2, window_bounds = array<i64: 2, 1024>}, {transform_indices = @transform_3, window_bounds = array<i64: 1024, 128>}]} {
    %get3A = arith.constant 0 : index
    %get3A_0 = arith.constant 0 : index
    %get3A_1 = vector.load %arg3[%get3A, %get3A_0] : memref<2x1024xf32, #tpu.memory_space<vmem>>, vector<1x1024xf32>
    %get3A_2 = vector.shape_cast %get3A_1 : vector<1x1024xf32> to vector<1024xf32>
    %get3A_3 = arith.constant 1 : index
    %get3A_4 = arith.constant 0 : index
    %get3A_5 = vector.load %arg3[%get3A_3, %get3A_4] : memref<2x1024xf32, #tpu.memory_space<vmem>>, vector<1x1024xf32>
    %get3A_6 = vector.shape_cast %get3A_5 : vector<1x1024xf32> to vector<1024xf32>
    %add3A = arith.addf %get3A_2, %get3A_6 : vector<1024xf32>
    %add3A_7 = arith.constant 1.000000e+00 : f32
    %add3A_8 = vector.broadcast %add3A_7 : f32 to vector<1024xf32>
    %add3A_9 = arith.addf %add3A, %add3A_8 : vector<1024xf32>
    %rsqrt3A = math.rsqrt %add3A_9 : vector<1024xf32>
    %get3A_10 = arith.constant 0 : index
    %get3A_11 = arith.constant 0 : index
    %get3A_12 = vector.load %arg1[%get3A_10, %get3A_11] : memref<1024x128xf32, #tpu.memory_space<vmem>>, vector<1024x128xf32>
    %get3A_13 = arith.constant 0 : index
    %get3A_14 = arith.constant 0 : index
    %get3A_15 = vector.load %arg2[%get3A_13, %get3A_14] : memref<128x128xf32, #tpu.memory_space<vmem>>, vector<128x128xf32>
    %dot_general3A = arith.constant dense<0.000000e+00> : vector<1024x128xf32>
    %dot_general3A_16 = tpu.matmul %get3A_12, %get3A_15, %dot_general3A {dimension_numbers = #tpu.dot_dimension_numbers<[1], [0], [0], [1], [0, 0, 1, 1], [], []>, transpose_lhs_hint = false} : vector<1024x128xf32>, vector<128x128xf32>, vector<1024x128xf32> -> vector<1024x128xf32>
    %broadcast_in_dim3A = vector.shape_cast %rsqrt3A : vector<1024xf32> to vector<1024x1xf32>
    %mul3A = vector.broadcast %broadcast_in_dim3A : vector<1024x1xf32> to vector<1024x128xf32>
    %mul3A_17 = arith.mulf %dot_general3A_16, %mul3A : vector<1024x128xf32>
    %swap3A = arith.constant 0 : index
    %swap3A_18 = arith.constant 0 : index
    %swap3A_19 = vector.load %arg4[%swap3A, %swap3A_18] : memref<1024x128xf32, #tpu.memory_space<vmem>>, vector<1024x128xf32>
    tpu.vector_store %arg4[%swap3A, %swap3A_18], %mul3A_17 {strides = array<i32>} : memref<1024x128xf32, #tpu.memory_space<vmem>>, vector<1024x128xf32>,
    return
  }
  func.func @transform_0(%arg0: i32) -> (i32, i32) {
    %c0_i32 = arith.constant 0 : i32
    %c0_i32_0 = arith.constant 0 : i32
    return %arg0, %c0_i32 : i32, i32
  }
  func.func @transform_1(%arg0: i32) -> (i32, i32) {
    %c0_i32 = arith.constant 0 : i32
    %c0_i32_0 = arith.constant 0 : i32
    %c0_i32_1 = arith.constant 0 : i32
    return %c0_i32, %c0_i32_0 : i32, i32
  }
  func.func @transform_2(%arg0: i32) -> (i32, i32) {
    %c0_i32 = arith.constant 0 : i32
    %c0_i32_0 = arith.constant 0 : i32
    return %c0_i32, %arg0 : i32, i32
  }
  func.func @transform_3(%arg0: i32) -> (i32, i32) {
    %c0_i32 = arith.constant 0 : i32
    %c0_i32_0 = arith.constant 0 : i32
    return %arg0, %c0_i32 : i32, i32
  }
}

module attributes {stable_mosaic.version = 14 : i64} {
  func.func @body(%arg0: i32, %arg1: memref<2x1024x128xf32, #tpu.memory_space<vmem>>, %arg2: memref<2x1024xf32, #tpu.memory_space<vmem>>, %arg3: memref<1x128xf32, #tpu.memory_space<vmem>>, %arg4: memref<128x128xf32, #tpu.memory_space<vmem>>, %arg5: memref<1024x128xf32, #tpu.memory_space<vmem>>) attributes {dimension_semantics = [#tpu.dimension_semantics<arbitrary>], iteration_bounds = array<i64: 10>, scalar_prefetch = 0 : i64, scratch_operands = 0 : i64, tpu.core_type = #tpu.core_type<tc>, window_params = [{transform_indices = @transform_0, window_bounds = array<i64: 2, 1024, 128>}, {transform_indices = @transform_1, window_bounds = array<i64: 2, 1024>}, {pipeline_mode = #tpu.pipeline_mode<synchronous>, transform_indices = @transform_2, window_bounds = array<i64: 1, 128>}, {pipeline_mode = #tpu.pipeline_mode<synchronous>, transform_indices = @transform_3, window_bounds = array<i64: 128, 128>}, {transform_indices = @transform_4, window_bounds = array<i64: 1024, 128>}]} {
    %get3A = arith.constant 0 : index
    %get3A_0 = arith.constant 0 : index
    %get3A_1 = vector.load %arg2[%get3A, %get3A_0] : memref<2x1024xf32, #tpu.memory_space<vmem>>, vector<1x1024xf32>
    %get3A_2 = vector.shape_cast %get3A_1 : vector<1x1024xf32> to vector<1024xf32>
    %get3A_3 = arith.constant 1 : index
    %get3A_4 = arith.constant 0 : index
    %get3A_5 = vector.load %arg2[%get3A_3, %get3A_4] : memref<2x1024xf32, #tpu.memory_space<vmem>>, vector<1x1024xf32>
    %get3A_6 = vector.shape_cast %get3A_5 : vector<1x1024xf32> to vector<1024xf32>
    %add3A = arith.addf %get3A_2, %get3A_6 : vector<1024xf32>
    %add3A_7 = arith.constant 1.000000e+00 : f32
    %add3A_8 = vector.broadcast %add3A_7 : f32 to vector<1024xf32>
    %add3A_9 = arith.addf %add3A, %add3A_8 : vector<1024xf32>
    %rsqrt3A = math.rsqrt %add3A_9 : vector<1024xf32>
    %get3A_10 = arith.constant 0 : index
    %get3A_11 = arith.constant 0 : index
    %get3A_12 = arith.constant 0 : index
    %get3A_13 = vector.load %arg1[%get3A_10, %get3A_11, %get3A_12] : memref<2x1024x128xf32, #tpu.memory_space<vmem>>, vector<1x1024x128xf32>
    %get3A_14 = vector.shape_cast %get3A_13 : vector<1x1024x128xf32> to vector<1024x128xf32>
    %get3A_15 = arith.constant 1 : index
    %get3A_16 = arith.constant 0 : index
    %get3A_17 = arith.constant 0 : index
    %get3A_18 = vector.load %arg1[%get3A_15, %get3A_16, %get3A_17] : memref<2x1024x128xf32, #tpu.memory_space<vmem>>, vector<1x1024x128xf32>
    %get3A_19 = vector.shape_cast %get3A_18 : vector<1x1024x128xf32> to vector<1024x128xf32>
    %add3A_20 = arith.addf %get3A_14, %get3A_19 : vector<1024x128xf32>
    %broadcast_in_dim3A = vector.shape_cast %rsqrt3A : vector<1024xf32> to vector<1024x1xf32>
    %mul3A = vector.broadcast %broadcast_in_dim3A : vector<1024x1xf32> to vector<1024x128xf32>
    %mul3A_21 = arith.mulf %add3A_20, %mul3A : vector<1024x128xf32>
    %get3A_22 = arith.constant 0 : index
    %get3A_23 = arith.constant 0 : index
    %get3A_24 = vector.load %arg3[%get3A_22, %get3A_23] : memref<1x128xf32, #tpu.memory_space<vmem>>, vector<1x128xf32>
    %add3A_25 = vector.broadcast %get3A_24 : vector<1x128xf32> to vector<1024x128xf32>
    %add3A_26 = arith.addf %mul3A_21, %add3A_25 : vector<1024x128xf32>
    %max3A = arith.constant 0.000000e+00 : f32
    %max3A_27 = vector.broadcast %max3A : f32 to vector<1024x128xf32>
    %max3A_28 = arith.maximumf %add3A_26, %max3A_27 : vector<1024x128xf32>
    %get3A_29 = arith.constant 0 : index
    %get3A_30 = arith.constant 0 : index
    %get3A_31 = vector.load %arg4[%get3A_29, %get3A_30] : memref<128x128xf32, #tpu.memory_space<vmem>>, vector<128x128xf32>
    %dot_general3A = arith.constant dense<0.000000e+00> : vector<1024x128xf32>
    %dot_general3A_32 = tpu.matmul %max3A_28, %get3A_31, %dot_general3A {dimension_numbers = #tpu.dot_dimension_numbers<[1], [0], [0], [1], [0, 0, 1, 1], [], []>, transpose_lhs_hint = false} : vector<1024x128xf32>, vector<128x128xf32>, vector<1024x128xf32> -> vector<1024x128xf32>
    %broadcast_in_dim3A_33 = vector.shape_cast %rsqrt3A : vector<1024xf32> to vector<1024x1xf32>
    %mul3A_34 = vector.broadcast %broadcast_in_dim3A_33 : vector<1024x1xf32> to vector<1024x128xf32>
    %mul3A_35 = arith.mulf %dot_general3A_32, %mul3A_34 : vector<1024x128xf32>
    %swap3A = arith.constant 0 : index
    %swap3A_36 = arith.constant 0 : index
    %swap3A_37 = vector.load %arg5[%swap3A, %swap3A_36] : memref<1024x128xf32, #tpu.memory_space<vmem>>, vector<1024x128xf32>
    tpu.vector_store %arg5[%swap3A, %swap3A_36], %mul3A_35 {strides = array<i32>} : memref<1024x128xf32, #tpu.memory_space<vmem>>, vector<1024x128xf32>,
    return
  }
  func.func @transform_0(%arg0: i32) -> (i32, i32, i32) {
    %c0_i32 = arith.constant 0 : i32
    %c0_i32_0 = arith.constant 0 : i32
    %c0_i32_1 = arith.constant 0 : i32
    return %c0_i32, %arg0, %c0_i32_0 : i32, i32, i32
  }
  func.func @transform_1(%arg0: i32) -> (i32, i32) {
    %c0_i32 = arith.constant 0 : i32
    %c0_i32_0 = arith.constant 0 : i32
    return %c0_i32, %arg0 : i32, i32
  }
  func.func @transform_2(%arg0: i32) -> (i32, i32) {
    %c0_i32 = arith.constant 0 : i32
    %c0_i32_0 = arith.constant 0 : i32
    %c0_i32_1 = arith.constant 0 : i32
    return %c0_i32, %c0_i32_0 : i32, i32
  }
  func.func @transform_3(%arg0: i32) -> (i32, i32) {
    %c0_i32 = arith.constant 0 : i32
    %c0_i32_0 = arith.constant 0 : i32
    %c0_i32_1 = arith.constant 0 : i32
    return %c0_i32, %c0_i32_0 : i32, i32
  }
  func.func @transform_4(%arg0: i32) -> (i32, i32) {
    %c0_i32 = arith.constant 0 : i32
    %c0_i32_0 = arith.constant 0 : i32
    return %arg0, %c0_i32 : i32, i32
  }
}

module attributes {stable_mosaic.version = 14 : i64} {
  func.func @body(%arg0: i32, %arg1: memref<2x1024x128xf32, #tpu.memory_space<vmem>>, %arg2: memref<2x1024xf32, #tpu.memory_space<vmem>>, %arg3: memref<1x128xf32, #tpu.memory_space<vmem>>, %arg4: memref<1x128xf32, #tpu.memory_space<vmem>>, %arg5: memref<128x128xf32, #tpu.memory_space<vmem>>, %arg6: memref<128x128xf32, #tpu.memory_space<vmem>>, %arg7: memref<1024x128xf32, #tpu.memory_space<vmem>>, %arg8: memref<1024x128xf32, #tpu.memory_space<vmem>>) attributes {dimension_semantics = [#tpu.dimension_semantics<arbitrary>], iteration_bounds = array<i64: 10>, scalar_prefetch = 0 : i64, scratch_operands = 0 : i64, tpu.core_type = #tpu.core_type<tc>, window_params = [{transform_indices = @transform_0, window_bounds = array<i64: 2, 1024, 128>}, {transform_indices = @transform_1, window_bounds = array<i64: 2, 1024>}, {pipeline_mode = #tpu.pipeline_mode<synchronous>, transform_indices = @transform_2, window_bounds = array<i64: 1, 128>}, {pipeline_mode = #tpu.pipeline_mode<synchronous>, transform_indices = @transform_3, window_bounds = array<i64: 1, 128>}, {pipeline_mode = #tpu.pipeline_mode<synchronous>, transform_indices = @transform_4, window_bounds = array<i64: 128, 128>}, {pipeline_mode = #tpu.pipeline_mode<synchronous>, transform_indices = @transform_5, window_bounds = array<i64: 128, 128>}, {transform_indices = @transform_6, window_bounds = array<i64: 1024, 128>}, {transform_indices = @transform_7, window_bounds = array<i64: 1024, 128>}]} {
    %get3A = arith.constant 0 : index
    %get3A_0 = arith.constant 0 : index
    %get3A_1 = vector.load %arg2[%get3A, %get3A_0] : memref<2x1024xf32, #tpu.memory_space<vmem>>, vector<1x1024xf32>
    %get3A_2 = vector.shape_cast %get3A_1 : vector<1x1024xf32> to vector<1024xf32>
    %get3A_3 = arith.constant 1 : index
    %get3A_4 = arith.constant 0 : index
    %get3A_5 = vector.load %arg2[%get3A_3, %get3A_4] : memref<2x1024xf32, #tpu.memory_space<vmem>>, vector<1x1024xf32>
    %get3A_6 = vector.shape_cast %get3A_5 : vector<1x1024xf32> to vector<1024xf32>
    %add3A = arith.addf %get3A_2, %get3A_6 : vector<1024xf32>
    %add3A_7 = arith.constant 1.000000e+00 : f32
    %add3A_8 = vector.broadcast %add3A_7 : f32 to vector<1024xf32>
    %add3A_9 = arith.addf %add3A, %add3A_8 : vector<1024xf32>
    %rsqrt3A = math.rsqrt %add3A_9 : vector<1024xf32>
    %get3A_10 = arith.constant 0 : index
    %get3A_11 = arith.constant 0 : index
    %get3A_12 = arith.constant 0 : index
    %get3A_13 = vector.load %arg1[%get3A_10, %get3A_11, %get3A_12] : memref<2x1024x128xf32, #tpu.memory_space<vmem>>, vector<1x1024x128xf32>
    %get3A_14 = vector.shape_cast %get3A_13 : vector<1x1024x128xf32> to vector<1024x128xf32>
    %get3A_15 = arith.constant 1 : index
    %get3A_16 = arith.constant 0 : index
    %get3A_17 = arith.constant 0 : index
    %get3A_18 = vector.load %arg1[%get3A_15, %get3A_16, %get3A_17] : memref<2x1024x128xf32, #tpu.memory_space<vmem>>, vector<1x1024x128xf32>
    %get3A_19 = vector.shape_cast %get3A_18 : vector<1x1024x128xf32> to vector<1024x128xf32>
    %add3A_20 = arith.addf %get3A_14, %get3A_19 : vector<1024x128xf32>
    %broadcast_in_dim3A = vector.shape_cast %rsqrt3A : vector<1024xf32> to vector<1024x1xf32>
    %mul3A = vector.broadcast %broadcast_in_dim3A : vector<1024x1xf32> to vector<1024x128xf32>
    %mul3A_21 = arith.mulf %add3A_20, %mul3A : vector<1024x128xf32>
    %get3A_22 = arith.constant 0 : index
    %get3A_23 = arith.constant 0 : index
    %get3A_24 = vector.load %arg3[%get3A_22, %get3A_23] : memref<1x128xf32, #tpu.memory_space<vmem>>, vector<1x128xf32>
    %add3A_25 = vector.broadcast %get3A_24 : vector<1x128xf32> to vector<1024x128xf32>
    %add3A_26 = arith.addf %mul3A_21, %add3A_25 : vector<1024x128xf32>
    %get3A_27 = arith.constant 0 : index
    %get3A_28 = arith.constant 0 : index
    %get3A_29 = vector.load %arg5[%get3A_27, %get3A_28] : memref<128x128xf32, #tpu.memory_space<vmem>>, vector<128x128xf32>
    %dot_general3A = arith.constant dense<0.000000e+00> : vector<1024x128xf32>
    %dot_general3A_30 = tpu.matmul %add3A_26, %get3A_29, %dot_general3A {dimension_numbers = #tpu.dot_dimension_numbers<[1], [0], [0], [1], [0, 0, 1, 1], [], []>, transpose_lhs_hint = false} : vector<1024x128xf32>, vector<128x128xf32>, vector<1024x128xf32> -> vector<1024x128xf32>
    %get3A_31 = arith.constant 0 : index
    %get3A_32 = arith.constant 0 : index
    %get3A_33 = vector.load %arg4[%get3A_31, %get3A_32] : memref<1x128xf32, #tpu.memory_space<vmem>>, vector<1x128xf32>
    %add3A_34 = vector.broadcast %get3A_33 : vector<1x128xf32> to vector<1024x128xf32>
    %add3A_35 = arith.addf %dot_general3A_30, %add3A_34 : vector<1024x128xf32>
    %swap3A = arith.constant 0 : index
    %swap3A_36 = arith.constant 0 : index
    %swap3A_37 = vector.load %arg7[%swap3A, %swap3A_36] : memref<1024x128xf32, #tpu.memory_space<vmem>>, vector<1024x128xf32>
    tpu.vector_store %arg7[%swap3A, %swap3A_36], %add3A_35 {strides = array<i32>} : memref<1024x128xf32, #tpu.memory_space<vmem>>, vector<1024x128xf32>,
    %get3A_38 = arith.constant 0 : index
    %get3A_39 = arith.constant 0 : index
    %get3A_40 = vector.load %arg6[%get3A_38, %get3A_39] : memref<128x128xf32, #tpu.memory_space<vmem>>, vector<128x128xf32>
    %dot_general3A_41 = arith.constant dense<0.000000e+00> : vector<1024x128xf32>
    %dot_general3A_42 = tpu.matmul %add3A_26, %get3A_40, %dot_general3A_41 {dimension_numbers = #tpu.dot_dimension_numbers<[1], [0], [0], [1], [0, 0, 1, 1], [], []>, transpose_lhs_hint = false} : vector<1024x128xf32>, vector<128x128xf32>, vector<1024x128xf32> -> vector<1024x128xf32>
    %swap3A_43 = arith.constant 0 : index
    %swap3A_44 = arith.constant 0 : index
    %swap3A_45 = vector.load %arg8[%swap3A_43, %swap3A_44] : memref<1024x128xf32, #tpu.memory_space<vmem>>, vector<1024x128xf32>
    tpu.vector_store %arg8[%swap3A_43, %swap3A_44], %dot_general3A_42 {strides = array<i32>} : memref<1024x128xf32, #tpu.memory_space<vmem>>, vector<1024x128xf32>,
    return
  }
  func.func @transform_0(%arg0: i32) -> (i32, i32, i32) {
    %c0_i32 = arith.constant 0 : i32
    %c0_i32_0 = arith.constant 0 : i32
    %c0_i32_1 = arith.constant 0 : i32
    return %c0_i32, %arg0, %c0_i32_0 : i32, i32, i32
  }
  func.func @transform_1(%arg0: i32) -> (i32, i32) {
    %c0_i32 = arith.constant 0 : i32
    %c0_i32_0 = arith.constant 0 : i32
    return %c0_i32, %arg0 : i32, i32
  }
  func.func @transform_2(%arg0: i32) -> (i32, i32) {
    %c0_i32 = arith.constant 0 : i32
    %c0_i32_0 = arith.constant 0 : i32
    %c0_i32_1 = arith.constant 0 : i32
    return %c0_i32, %c0_i32_0 : i32, i32
  }
  func.func @transform_3(%arg0: i32) -> (i32, i32) {
    %c0_i32 = arith.constant 0 : i32
    %c0_i32_0 = arith.constant 0 : i32
    %c0_i32_1 = arith.constant 0 : i32
    return %c0_i32, %c0_i32_0 : i32, i32
  }
  func.func @transform_4(%arg0: i32) -> (i32, i32) {
    %c0_i32 = arith.constant 0 : i32
    %c0_i32_0 = arith.constant 0 : i32
    %c0_i32_1 = arith.constant 0 : i32
    return %c0_i32, %c0_i32_0 : i32, i32
  }
  func.func @transform_5(%arg0: i32) -> (i32, i32) {
    %c0_i32 = arith.constant 0 : i32
    %c0_i32_0 = arith.constant 0 : i32
    %c0_i32_1 = arith.constant 0 : i32
    return %c0_i32, %c0_i32_0 : i32, i32
  }
  func.func @transform_6(%arg0: i32) -> (i32, i32) {
    %c0_i32 = arith.constant 0 : i32
    %c0_i32_0 = arith.constant 0 : i32
    return %arg0, %c0_i32 : i32, i32
  }
  func.func @transform_7(%arg0: i32) -> (i32, i32) {
    %c0_i32 = arith.constant 0 : i32
    %c0_i32_0 = arith.constant 0 : i32
    return %arg0, %c0_i32 : i32, i32
  }
}

module attributes {stable_mosaic.version = 14 : i64} {
  func.func @body(%arg0: i32, %arg1: memref<1024x128xf32, #tpu.memory_space<vmem>>, %arg2: memref<8x128xf32, #tpu.memory_space<vmem>>, %arg3: memref<8x1024xf32, #tpu.memory_space<vmem>>) attributes {dimension_semantics = [#tpu.dimension_semantics<arbitrary>], iteration_bounds = array<i64: 208>, scalar_prefetch = 0 : i64, scratch_operands = 0 : i64, tpu.core_type = #tpu.core_type<tc>, window_params = [{transform_indices = @transform_0, window_bounds = array<i64: 1024, 128>}, {pipeline_mode = #tpu.pipeline_mode<synchronous>, transform_indices = @transform_1, window_bounds = array<i64: 8, 128>}, {transform_indices = @transform_2, window_bounds = array<i64: 8, 1024>}]} {
    %get3A = arith.constant 0 : index
    %get3A_0 = arith.constant 0 : index
    %get3A_1 = vector.load %arg1[%get3A, %get3A_0] : memref<1024x128xf32, #tpu.memory_space<vmem>>, vector<1024x128xf32>
    %max3A = arith.constant 0.000000e+00 : f32
    %max3A_2 = vector.broadcast %max3A : f32 to vector<1024x128xf32>
    %max3A_3 = arith.maximumf %get3A_1, %max3A_2 : vector<1024x128xf32>
    %get3A_4 = arith.constant 0 : index
    %get3A_5 = arith.constant 0 : index
    %get3A_6 = vector.load %arg2[%get3A_4, %get3A_5] : memref<8x128xf32, #tpu.memory_space<vmem>>, vector<8x128xf32>
    %dot_general3A = arith.constant dense<0.000000e+00> : vector<8x1024xf32>
    %dot_general3A_7 = tpu.matmul %get3A_6, %max3A_3, %dot_general3A {dimension_numbers = #tpu.dot_dimension_numbers<[1], [1], [0], [0], [0, 0, 1, 0], [], []>, transpose_lhs_hint = false} : vector<8x128xf32>, vector<1024x128xf32>, vector<8x1024xf32> -> vector<8x1024xf32>
    %swap3A = arith.constant 0 : index
    %swap3A_8 = arith.constant 0 : index
    %swap3A_9 = vector.load %arg3[%swap3A, %swap3A_8] : memref<8x1024xf32, #tpu.memory_space<vmem>>, vector<8x1024xf32>
    tpu.vector_store %arg3[%swap3A, %swap3A_8], %dot_general3A_7 {strides = array<i32>} : memref<8x1024xf32, #tpu.memory_space<vmem>>, vector<8x1024xf32>,
    return
  }
  func.func @transform_0(%arg0: i32) -> (i32, i32) {
    %c0_i32 = arith.constant 0 : i32
    %c0_i32_0 = arith.constant 0 : i32
    return %arg0, %c0_i32 : i32, i32
  }
  func.func @transform_1(%arg0: i32) -> (i32, i32) {
    %c0_i32 = arith.constant 0 : i32
    %c0_i32_0 = arith.constant 0 : i32
    %c0_i32_1 = arith.constant 0 : i32
    return %c0_i32, %c0_i32_0 : i32, i32
  }
  func.func @transform_2(%arg0: i32) -> (i32, i32) {
    %c0_i32 = arith.constant 0 : i32
    %c0_i32_0 = arith.constant 0 : i32
    return %c0_i32, %arg0 : i32, i32
  }
}

</mosaic_0001>

<sc_bundles>
// kernel: kernel.10.cloned.1.call-start
scs
__scs_entry_jumppad:
0x0: {  	(pc) =	sbr.rel $0x88, $3  }
0x1: {  	(tag) =	ssettag $0x0;
	lr =	simm.s32 $0x1  }
0x2: {  	[smem:$0x3F96] =	sst lr;
	_ =	strace $0xD0000000  }
0x3: {  	_ = 	snop  }
0x4: {  	_ = 	snop  }
0x5: {  	_ = 	snop  }
0x6: {  	_ = 	snop  }
0x7: {  	_ = 	snop  }
__scs_overlays_trampoline_lowered:
0x8: {  	[smem:$0x3FA5] =	sst s0  }
0x9: {  	[smem:$0x3FA6] =	sst s1  }
0xa: {  	[smem:$0x3FA7] =	sst s2  }
0xb: {  	[smem:$0x3FA8] =	sst s3  }
0xc: {  	[smem:$0x3FA9] =	sst s4  }
0xd: {  	[smem:$0x3FAA] =	sst s5  }
0xe: {  	[smem:$0x3FAB] =	sst s6  }
0xf: {  	[smem:$0x3FAC] =	sst s7  }
0x10: {  	[smem:$0x3FAD] =	sst s8  }
0x11: {  	[smem:$0x3FAE] =	sst s9;
	s0 =	simm.s32 @!p0 $0x0  }
0x12: {  	s1 =	sld [smem:$0x3F94];
	s0 =	simm.s32 @p0 $0x1  }
0x13: {  	[smem:$0x3FAF] =	sst s0;
	s0 =	simm.s32 @!p1 $0x0  }
0x14: {  	s2 =	sld [smem:$0x3F93];
	s0 =	simm.s32 @p1 $0x1  }
0x15: {  	[smem:$0x3FB0] =	sst s0;
	s0 =	simm.s32 @!p2 $0x0  }
0x16: {  	s3 =	sld [smem:$0x3FDB];
	s0 =	simm.s32 @p2 $0x1  }
0x17: {  	s4 =	simm.s32 $0x1BF5;
	[smem:$0x3FB2] =	sst s0  }
0x18: {  	s0 =	sld [smem:$0x3F95];
	_ =	swait.ge [sflag:s4], $0x0  }
0x19: {  	s7 =	sld [smem:$0x3F96]  }
0x1a: {  	s8 =	sadd.s32 $0xFFFFE003, lr  }
0x1b: {  	s9 =	sadd.s32 $0xFFFFFEF7, lr;
	s5 =	simm.s32 $0xFFFFFFFF;
	p2 =	slt.u32 s8, $0xFFFFF086  }
0x1c: {  	p1 =	slt.u32 s9, $0xF7A;
	s5 =	simm.s32 @!p2 $0x0  }
0x1d: {  	s5 =	simm.s32 @p1 $0x1;
	p0 =	seq.s32 s7, s2  }
0x1e: {  	s7 =	smul.u32 @!p0 $0xF7A, s2;
	p2 =	seq.s32 @!p0 s5, $0x0  }
0x1f: {  	s9 =	smul.u32 $0xF7A, s1;
	s8 =	simm.s32 @!p0 $0x1BF5;
	p2 =	por !p2, p0  }
0x20: {  	[sflag:s8] =	ssyncset.s32 @!p0 $0xFFFFF086;
	s6 =	sadd.s32 @!p0 s3, s7;
	s7 =	simm.s32 @!p0 $0x108  }
0x21: {  	s3 =	sadd.s32 s3, s9;
	s6 =	sadd.s32 @!p0 $0x88, s6;
	s7 =	simm.s32 @p2 $0x1082  }
0x22: {  	[simem:s7], [sflag:s8] =	dma.local @!p0 [hbm:s6], $0xF7A  }
0x23: {  	s9 =	sor.u32 $0xD0000000, s2;
	s6 =	simm.s32 $0x108;
	_ =	swait.ge @!p0 [sflag:s8], $0x0  }
0x24: {  	s3 =	sadd.s32 $0x88, s3;
	s6 =	simm.s32 @!p1 $0x1082;
	[sflag:s4] =	ssyncset.s32 $0xFFFFF086  }
0x25: {  	[simem:s6], [sflag:s4] =	dma.local [hbm:s3], $0xF7A  }
0x26: {  	[smem:$0x3F96] =	sst s1;
	(tag) =	ssettag s2;
	_ =	strace s9  }
0x27: {  	s1 =	sld [smem:$0x3FA6]  }
0x28: {  	s2 =	sld [smem:$0x3FA7]  }
0x29: {  	s4 =	sld [smem:$0x3FA9]  }
0x2a: {  	p0 =	seq.s32 s5, $0x0;
	s5 =	sld [smem:$0x3FAA]  }
0x2b: {  	s6 =	sld [smem:$0x3FAB]  }
0x2c: {  	s7 =	sld [smem:$0x3FAC]  }
0x2d: {  	s3 =	simm.s32 $0x108;
	s8 =	sld [smem:$0x3FAD]  }
0x2e: {  	s3 =	simm.s32 @!p0 $0x1082;
	s9 =	sld [smem:$0x3FAE]  }
0x2f: {  	lr =	sadd.s32 s0, s3;
	s0 =	sld [smem:$0x3FA5]  }
0x30: {  	s3 =	sld [smem:$0x3FA8]  }
0x31: {  	[smem:$0x3FB1] =	sst s10  }
0x32: {  	s10 =	sld [smem:$0x3FAF];
	_ =	sdelay $0x3  }
0x33: {  	p0 =	seq.s32 s10, $0x1;
	s10 =	sld [smem:$0x3FB1];
	_ =	sdelay $0x3  }
0x34: {  	[smem:$0x3FB1] =	sst s10  }
0x35: {  	s10 =	sld [smem:$0x3FB0];
	_ =	sdelay $0x3  }
0x36: {  	p1 =	seq.s32 s10, $0x1;
	s10 =	sld [smem:$0x3FB1];
	_ =	sdelay $0x3  }
0x37: {  	[smem:$0x3FB1] =	sst s10  }
0x38: {  	s10 =	sld [smem:$0x3FB2]  }
0x39: {  	_ = 	snop;
	(pc) =	sbr.ind lr, $3  }
0x3a: {  	_ = 	snop  }
0x3b: {  	_ = 	snop  }
0x3c: {  	p2 =	seq.s32 s10, $0x1;
	s10 =	sld [smem:$0x3FB1]  }
0x3d: {  	_ =	shalt  }
0x3e: {  	_ =	shalt  }
0x3f: {  	_ =	shalt  }
0x40: {  	_ =	shalt  }
0x41: {  	_ =	shalt  }
0x42: {  	_ =	shalt  }
0x43: {  	_ =	shalt  }
0x44: {  	_ =	shalt  }
0x45: {  	_ =	shalt  }
0x46: {  	_ =	shalt  }
0x47: {  	_ =	shalt  }
0x48: {  	_ =	shalt  }
0x49: {  	_ =	shalt  }
0x4a: {  	_ =	shalt  }
0x4b: {  	_ =	shalt  }
0x4c: {  	_ =	shalt  }
0x4d: {  	_ =	shalt  }
0x4e: {  	_ =	shalt  }
0x4f: {  	_ =	shalt  }
0x50: {  	_ =	shalt  }
0x51: {  	_ =	shalt  }
0x52: {  	_ =	shalt  }
0x53: {  	_ =	shalt  }
0x54: {  	_ =	shalt  }
0x55: {  	_ =	shalt  }
0x56: {  	_ =	shalt  }
0x57: {  	_ =	shalt  }
0x58: {  	_ =	shalt  }
0x59: {  	_ =	shalt  }
0x5a: {  	_ =	shalt  }
0x5b: {  	_ =	shalt  }
0x5c: {  	_ =	shalt  }
0x5d: {  	_ =	shalt  }
0x5e: {  	_ =	shalt  }
0x5f: {  	_ =	shalt  }
0x60: {  	_ =	shalt  }
0x61: {  	_ =	shalt  }
0x62: {  	_ =	shalt  }
0x63: {  	_ =	shalt  }
0x64: {  	_ =	shalt  }
0x65: {  	_ =	shalt  }
0x66: {  	_ =	shalt  }
0x67: {  	_ =	shalt  }
0x68: {  	_ =	shalt  }
0x69: {  	_ =	shalt  }
0x6a: {  	_ =	shalt  }
0x6b: {  	_ =	shalt  }
0x6c: {  	_ =	shalt  }
0x6d: {  	_ =	shalt  }
0x6e: {  	_ =	shalt  }
0x6f: {  	_ =	shalt  }
0x70: {  	_ =	shalt  }
0x71: {  	_ =	shalt  }
0x72: {  	_ =	shalt  }
0x73: {  	_ =	shalt  }
0x74: {  	_ =	shalt  }
0x75: {  	_ =	shalt  }
0x76: {  	_ =	shalt  }
0x77: {  	_ =	shalt  }
0x78: {  	_ =	shalt  }
0x79: {  	_ =	shalt  }
0x7a: {  	_ =	shalt  }
0x7b: {  	_ =	shalt  }
0x7c: {  	_ =	shalt  }
0x7d: {  	_ =	shalt  }
0x7e: {  	_ =	shalt  }
0x7f: {  	_ =	shalt  }
0x80: {  	_ =	shalt  }
0x81: {  	_ =	shalt  }
0x82: {  	_ =	shalt  }
0x83: {  	_ =	shalt  }
0x84: {  	_ =	shalt  }
0x85: {  	_ =	shalt  }
0x86: {  	_ =	shalt  }
0x87: {  	_ =	shalt  }
.Lfunc_end0:
.L_simem_size_0:
called_computation_lowered:
.L_overlay_start_0:
0x88: {  	s2 =	sld [smem:$0x3FD9]  }
0x89: {  	s3 =	sld [smem:$0x3FFE];
	_ =	sdelay $0x1  }
0x8a: {  	s1 =	srdreg.scid  }
0x8b: {  	s0 =	sand.u32 $0x1, s1  }
0x8c: {  	s17 =	sshll.u32 s0, $0xA;
	s2 =	sadd.s32 s3, s2  }
0x8d: {  	s2 =	sadd.s32 s2, s17  }
0x8e: {  	[smem:$0x3FBD] =	sst s2  }
0x8f: {  	_ = 	snop  }
0x90: {  	s2 =	sld [smem:$0x3FD0];
	(tm) =	ssettm $0x1  }
0x91: {  	s18 =	sld [smem:$0x3FFB];
	_ =	sdelay $0x3  }
0x92: {  	_ =	strace s18  }
0x93: {  	s3 =	sld [smem:$0x3FFC];
	_ =	sdelay $0x3  }
0x94: {  	_ =	strace s3  }
0x95: {  	s3 =	sld [smem:$0x3FFD];
	_ =	sdelay $0x3  }
0x96: {  	_ =	strace s3  }
0x97: {  	_ =	strace $0x8FFFFFFF  }
0x98: {  	s19 =	sld [smem:$0x3FDB];
	_ =	sdelay $0x1  }
0x99: {  	s4 =	simm.s32 $_scs_section_size  }
0x9a: {  	s5 =	simm.s32 $_size__tile_overlayer_lowered;
	s6 =	simm.s32 $_tile_overlayer_lowered  }
0x9b: {  	s22 =	simm.s32 $0x1BFF;
	s21 =	sshll.u32 s6, $0x1;
	s3 =	sadd.s32 s4, s19  }
0x9c: {  	s7 =	simm.s32 $0x0;
	s20 =	sshll.u32 s5, $0x1;
	s5 =	sadd.s32 s21, s3  }
0x9d: {  	[timem:s7], [sflag:s22] =	dma.local [hbm:s5], s20  }
0x9e: {  	_ =	swait.ge [sflag:s22], s20  }
0x9f: {  	s4 =	ssub.s32 $0x0, s20;
	[sflag:s22] =	ssyncset.done $0x0  }
0xa0: {  	[sflag:s22] =	ssyncadd.s32 s4;
	_ =	sdelay $0x1  }
0xa1: {  	s23 =	simm.s32 $0x1B8B  }
0xa2: {  	_ =	swait.ge [sflag:s23], $0x1  }
0xa3: {  	[sflag:s23] =	ssyncset.done $0x0  }
0xa4: {  	s25 =	simm.s32 $0x1B8E;
	s24 =	sld [smem:$0x3FFE];
	[sflag:s23] =	ssyncadd.s32 $0xFFFFFFFF  }
0xa5: {  	s26 =	simm.s32 $execute0_lowered;
	[smem:$0x3FD2] =	sst s25  }
0xa6: {  	s5 =	sshll.u32 s26, $0x1;
	_ =	strace $0x80000046;
	[dreg:$0x1] =	wrdreg $0xFFFFFFFF  }
0xa7: {  	s28 =	simm.s32 $_size_execute0_lowered;
	s3 =	sadd.s32 s3, s5;
	[dreg:$0x0] =	wrdreg $0x0  }
0xa8: {  	s5 =	sshll.u32 s28, $0x1;
	[dreg:$0x2] =	wrdreg s3  }
0xa9: {  	[dreg:$0x3] =	wrdreg s5  }
0xaa: {  	[dreg:$0x4] =	wrdreg $0xC0  }
0xab: {  	_ =	task [dreg:s7], $0x5FFFF  }
0xac: {  	[dreg:$0x1] =	wrdreg $0xFFFFFFFF  }
0xad: {  	[dreg:$0x0] =	wrdreg $0x60  }
0xae: {  	[dreg:$0x2] =	wrdreg s2  }
0xaf: {  	[dreg:$0x3] =	wrdreg s24  }
0xb0: {  	[dreg:$0x4] =	wrdreg $0x1000  }
0xb1: {  	[dreg:$0x5] =	wrdreg $0x9  }
0xb2: {  	_ =	task.clear_ibuf [dreg:s7], $0x6FFFF;
	_ =	strace $0x90000046  }
0xb3: {  	s29 =	simm.s32 $0x9;
	_ =	strace $0x80000048  }
0xb4: {  	_ =	swait.ge [sflag:s29], $0x1  }
0xb5: {  	[sflag:s29] =	ssyncadd.s32 $0xFFFFFFFF  }
0xb6: {  	_ =	strace $0x90000048  }
0xb7: {  	_ =	sfence  }
0xb8: {  	s30 =	sld [smem:$0x0];
	_ =	sdelay $0x2  }
0xb9: {  	s31 =	sshll.u32 s1, $0xD;
	s1 =	sshrl.u32 s1, $0x2  }
0xba: {  	s3 =	sand.u32 $0x4000, s31;
	s1 =	sadd.s32 s1, s30  }
0xbb: {  	s0 =	sor.u32 s3, s0;
	s1 =	sshll.u32 s1, $0x11  }
0xbc: {  	s0 =	sor.u32 s1, s0  }
0xbd: {  	s0 =	sadd.s32 $0x8F2B, s0  }
0xbe: {  	[sflag:s0] =	ssyncadd.remote.s32 $0x1  }
0xbf: {  	_ =	sfence.sel $0xFFFF  }
0xc0: {  	[dreg:$0x0] =	wrdreg $0xFFFFFFFF;
	(pc) =	sbr.abs _section_cstart, $3  }
0xc1: {  	[dreg:$0x1] =	wrdreg $0xFFFFFFFF  }
0xc2: {  	_ =	task.clear_ibuf [dreg:s7], $0x2FFFF;
	_ =	strace $0x9FFFFFFF  }
0xc3: {  	(tm) =	ssettm $0x7FFFFFFF  }
tec
execute0_lowered:
.L_overlay_start_1:
0x0: {  	(tag) =	ssettag $0x1  }
0x1: {  	s10 =	rddreg [dreg:$0x0]  }
0x2: {  	s1 =	srdreg.scid;
	s4 =	rddreg [dreg:$0x1]  }
0x3: {  	s0 =	stileid.u32;
	s2 =	rddreg [dreg:$0x2];
	s3 =	simm.s32 $0x0  }
0x4: {  	s16 =	simm.s32 $0x10;
	s17 =	simm.s32 $0x0;
	s29 =	smul.u32 $0xA00, s0  }
0x5: {  	s6 =	sand.u32 $0x1, s1;
	s1 =	rddreg [dreg:$0x3];
	s13 =	smul.u32 $0x500, s0  }
0x6: {  	s7 =	sshrl.u32 s0, $0x3;
	[smem:$0x7FF] =	sst s3;
	s5 =	smul.u32 $0x2800, s6  }
0x7: {  	s8 =	sshll.u32 s0, $0x7;
	s14 =	sshll.u32 s0, $0x6;
	s7 =	smul.u32 $0x1400, s7  }
0x8: {  	s28 =	sand.u32 $0x380, s8;
	_ =	strace $0x80000047;
	s30 =	ssub.s32 $0x2, s6  }
0x9: {  	s12 =	smul.u32 $0x5000, s6;
	s14 =	sor.u32 $0x1C01, s14;
	s31 =	sshrl.u32 s30, $0x1  }
0xa: {  	s8 =	sshrl.u32 s29, $0x2;
	s5 =	sadd.s32 s5, s7;
	s11 =	ssub.s32 s30, s31  }
0xb: {  	s12 =	sadd.s32 s12, s10;
	s5 =	sor.u32 s28, s5;
	s10 =	smax.u32 s11, $0x1  }
0xc: {  	s11 =	sadd.s32 s13, s12;
	s12 =	simm.s32 $0x80;
	s5 =	sshrl.u32 s5, $0x3  }
0xd: {  	s13 =	simm.s32 $0x1;
	s9 =	sadd.s32 s5, s4;
	s4 =	sadd.s32 s8, s2  }
0xe: {  	s5 =	sadd.s32 $0x80, s4;
	s6 =	sadd.s32 $0x100, s4;
	s7 =	sadd.s32 $0x180, s4  }
0xf: {  	v0 =	vimm.f32 $0.0e+00;
	v1 =	vimm.f32 $1.000000000e+00;
	s8 =	sadd.s32 $0x200, s4;
	s9 =	sadd.s32 $0xCC00, s9;
	s15 =	sshrl.u32 s4, $0x3  }
.LBB2_1:
0x10: {  	[tilespmem:$0x80] =	vst v0  }
0x11: {  	[tilespmem:$0x90] =	vst v0  }
0x12: {  	[tilespmem:$0xA0] =	vst v0  }
0x13: {  	[tilespmem:$0xB0] =	vst v0  }
0x14: {  	[tilespmem:$0xC0] =	vst v0  }
0x15: {  	[tilespmem:$0xD0] =	vst v0  }
0x16: {  	[tilespmem:$0xE0] =	vst v0  }
0x17: {  	[tilespmem:$0xF0] =	vst v0  }
0x18: {  	[spmem:s4] =	stream.linear.scatter [tilespmem:s12], [sflag:$0x1], $0x80, $0x38;
	[tilespmem:$0x380] =	vst v63  }
0x19: {  	_ =	swait.ge [sflag:s13], $0x80  }
0x1a: {  	[sflag:s13] =	ssyncset.done $0x0  }
0x1b: {  	[sflag:s13] =	ssyncadd.s32 $0xFFFFFF80  }
0x1c: {  	[spmem:s5] =	stream.linear.scatter [tilespmem:s12], [sflag:$0x1], $0x80, $0x38;
	[tilespmem:$0x380] =	vst v63  }
0x1d: {  	_ =	swait.ge [sflag:s13], $0x80  }
0x1e: {  	[sflag:s13] =	ssyncset.done $0x0  }
0x1f: {  	[sflag:s13] =	ssyncadd.s32 $0xFFFFFF80  }
0x20: {  	[spmem:s6] =	stream.linear.scatter [tilespmem:s12], [sflag:$0x1], $0x80, $0x38;
	[tilespmem:$0x380] =	vst v63  }
0x21: {  	_ =	swait.ge [sflag:s13], $0x80  }
0x22: {  	[sflag:s13] =	ssyncset.done $0x0  }
0x23: {  	[sflag:s13] =	ssyncadd.s32 $0xFFFFFF80  }
0x24: {  	[spmem:s7] =	stream.linear.scatter [tilespmem:s12], [sflag:$0x1], $0x80, $0x38;
	[tilespmem:$0x380] =	vst v63  }
0x25: {  	_ =	swait.ge [sflag:s13], $0x80  }
0x26: {  	[sflag:s13] =	ssyncset.done $0x0  }
0x27: {  	[sflag:s13] =	ssyncadd.s32 $0xFFFFFF80  }
0x28: {  	[spmem:s8] =	stream.linear.scatter [tilespmem:s12], [sflag:$0x1], $0x80, $0x38;
	[tilespmem:$0x380] =	vst v63  }
0x29: {  	_ =	swait.ge [sflag:s13], $0x80  }
0x2a: {  	[sflag:s13] =	ssyncset.done $0x0  }
0x2b: {  	[sflag:s13] =	ssyncadd.s32 $0xFFFFFF80  }
0x2c: {  	[tilespmem:$0x80] =	vst v1  }
0x2d: {  	[tilespmem:$0x90] =	vst v1  }
0x2e: {  	[tilespmem:$0xA0] =	vst v1  }
0x2f: {  	[tilespmem:$0xB0] =	vst v1  }
0x30: {  	[tilespmem:$0xC0] =	vst v1  }
0x31: {  	[tilespmem:$0xD0] =	vst v1  }
0x32: {  	[tilespmem:$0xE0] =	vst v1  }
0x33: {  	[tilespmem:$0xF0] =	vst v1  }
0x34: {  	s18 =	sadd.s32 $0x0, s11;
	[bflag:$0x0] =	sbarrier.arrive $0xFFFF  }
0x35: {  	[tilespmem:s3], [sflag:$0x1] =	stream.linear.gather [hbm4b:s18+s3], $0x80, $0x38;
	[tilespmem:$0x380] =	vst v63  }
0x36: {  	_ =	swait.ge [sflag:s13], $0x80  }
0x37: {  	[sflag:s13] =	ssyncset.done $0x0  }
0x38: {  	[sflag:s13] =	ssyncadd.s32 $0xFFFFFF80  }
0x39: {  	[spmem:s2] =	stream.indirect.scatter.add.f32 [tilespmem:s12], [sflag:$0x1], $0x1, s3, s12, $0xb8;
	[tilespmem:$0x380] =	vst v63  }
0x3a: {  	_ =	swait.ge [sflag:s13], $0x80  }
0x3b: {  	s19 =	simm.s32 $0x20;
	s18 =	simm.s32 $0x10;
	[sflag:s13] =	ssyncset.done $0x0  }
.LBB2_2:
0x3c: {  	s20 =	sadd.s32 s18, s11  }
0x3d: {  	[sflag:s13] =	ssyncadd.s32 $0xFFFFFF80;
	s18 =	smov.u32 s19;
	s21 =	sadd.s32 $0x10, s19  }
0x3e: {  	[tilespmem:s3], [sflag:$0x1] =	stream.linear.gather [hbm4b:s20+s3], $0x80, $0x38;
	[tilespmem:$0x380] =	vst v63  }
0x3f: {  	p0 =	sne.s32 s19, $0x4F0;
	_ =	swait.ge [sflag:s13], $0x80  }
.Ltmp0:
0x40: {  	[sflag:s13] =	ssyncset.done $0x0;
	(pc) =	sbr.rel @p0 .LBB2_2-.Ltmp0, $4  }
0x41: {  	[sflag:s13] =	ssyncadd.s32 $0xFFFFFF80  }
0x42: {  	[spmem:s2] =	stream.indirect.scatter.add.f32 [tilespmem:s12], [sflag:$0x1], $0x1, s3, s12, $0xb8;
	[tilespmem:$0x380] =	vst v63  }
0x43: {  	_ =	swait.ge [sflag:s13], $0x80  }
0x44: {  	s19 =	smov.u32 s21;
	[sflag:s13] =	ssyncset.done $0x0  }
0x45: {  	s18 =	sadd.s32 s18, s11;
	[sflag:s13] =	ssyncadd.s32 $0xFFFFFF80  }
0x46: {  	[tilespmem:s3], [sflag:$0x1] =	stream.linear.gather [hbm4b:s18+s3], $0x80, $0x38;
	[tilespmem:$0x380] =	vst v63  }
0x47: {  	_ =	swait.ge [sflag:s13], $0x80  }
0x48: {  	[sflag:s13] =	ssyncset.done $0x0  }
0x49: {  	[sflag:s13] =	ssyncadd.s32 $0xFFFFFF80  }
0x4a: {  	[spmem:s2] =	stream.indirect.scatter.add.f32 [tilespmem:s12], [sflag:$0x1], $0x1, s3, s12, $0xb8;
	[tilespmem:$0x380] =	vst v63  }
0x4b: {  	_ =	swait.ge [sflag:s13], $0x80  }
0x4c: {  	s17 =	sadd.s32 $0x1, s17;
	[sflag:s13] =	ssyncset.done $0x0  }
0x4d: {  	p0 =	sne.s32 s17, s10;
	[sflag:s13] =	ssyncadd.s32 $0xFFFFFF80  }
.Ltmp1:
0x4e: {  	[bflag:$0x0] =	sbarrier.arrive $0xFFFF;
	(pc) =	sbr.rel @p0 .LBB2_1-.Ltmp1, $4  }
0x4f: {  	[hbm:s9@s12], [sflag:s14] =	dma.strided [spmem:s15@s16], $0x50, s13, $0x10   }
0x50: {  	_ =	swait.ge [sflag:s13], $0x50  }
0x51: {  	[sflag:s13] =	ssyncset.done $0x0  }
0x52: {  	[sflag:s13] =	ssyncadd.s32 $0xFFFFFFB0  }
0x53: {  	_ =	sfence.sel $0x180000  }
0x54: {  	[bflag:$0x0] =	sbarrier.arrive $0xFFFF  }
0x55: {  	p0 =	sne.s32 s0, $0x0;
	_ =	strace $0x90000047  }
0x56: {  	s0 =	sadd.s32 @!p0 $0x100000, s1;
	[bflag:$0x2] =	sbarrier.arrive $0xFFFF  }
0x57: {  	[sflag:s0] =	ssyncadd.tile.s32 @!p0 $0x1;
	_ =	shalt  }
.Lfunc_end2:
_tile_overlayer_lowered:
.L_overlay_start_2:
0x58: {  	(tag) =	ssettag $0x2  }
0x59: {  	s0 =	rddreg [dreg:$0x0];
	s2 =	stileid.u32  }
0x5a: {  	s1 =	rddreg [dreg:$0x1];
	p0 =	sne.s32 s2, $0x0  }
0x5b: {  	s3 =	rddreg [dreg:$0x2];
	[bflag:$0x3] =	sbarrier.arrive $0xFFFF;
	s2 =	simm.s32 @!p0 $0x1C01  }
0x5c: {  	[timem:s3], [sflag:s2] =	dma.local @!p0 [hbm:s0], s1  }
0x5d: {  	s0 =	simm.s32 @!p0 $0x1  }
0x5e: {  	_ =	swait.ge @!p0 [sflag:s0], s1  }
0x5f: {  	s1 =	ssub.s32 @!p0 $0x0, s1;
	[sflag:s0] =	ssyncset.done @!p0 $0x0  }
0x60: {  	[sflag:s0] =	ssyncadd.s32 @!p0 s1  }
0x61: {  	[bflag:$0x3] =	sbarrier.arrive $0xFFFF  }
0x62: {  	_ =	shalt  }

// kernel: kernel.13.cloned.1.call-start
scs
__scs_entry_jumppad:
0x0: {  	(pc) =	sbr.rel $0x88, $3  }
0x1: {  	(tag) =	ssettag $0x0;
	lr =	simm.s32 $0x1  }
0x2: {  	[smem:$0x3F96] =	sst lr;
	_ =	strace $0xD0000000  }
0x3: {  	_ = 	snop  }
0x4: {  	_ = 	snop  }
0x5: {  	_ = 	snop  }
0x6: {  	_ = 	snop  }
0x7: {  	_ = 	snop  }
__scs_overlays_trampoline_lowered:
0x8: {  	[smem:$0x3FA5] =	sst s0  }
0x9: {  	[smem:$0x3FA6] =	sst s1  }
0xa: {  	[smem:$0x3FA7] =	sst s2  }
0xb: {  	[smem:$0x3FA8] =	sst s3  }
0xc: {  	[smem:$0x3FA9] =	sst s4  }
0xd: {  	[smem:$0x3FAA] =	sst s5  }
0xe: {  	[smem:$0x3FAB] =	sst s6  }
0xf: {  	[smem:$0x3FAC] =	sst s7  }
0x10: {  	[smem:$0x3FAD] =	sst s8  }
0x11: {  	[smem:$0x3FAE] =	sst s9;
	s0 =	simm.s32 @!p0 $0x0  }
0x12: {  	s1 =	sld [smem:$0x3F94];
	s0 =	simm.s32 @p0 $0x1  }
0x13: {  	[smem:$0x3FAF] =	sst s0;
	s0 =	simm.s32 @!p1 $0x0  }
0x14: {  	s2 =	sld [smem:$0x3F93];
	s0 =	simm.s32 @p1 $0x1  }
0x15: {  	[smem:$0x3FB0] =	sst s0;
	s0 =	simm.s32 @!p2 $0x0  }
0x16: {  	s3 =	sld [smem:$0x3FDB];
	s0 =	simm.s32 @p2 $0x1  }
0x17: {  	s4 =	simm.s32 $0x1BF5;
	[smem:$0x3FB2] =	sst s0  }
0x18: {  	s0 =	sld [smem:$0x3F95];
	_ =	swait.ge [sflag:s4], $0x0  }
0x19: {  	s7 =	sld [smem:$0x3F96]  }
0x1a: {  	s8 =	sadd.s32 $0xFFFFE003, lr  }
0x1b: {  	s9 =	sadd.s32 $0xFFFFFEF7, lr;
	s5 =	simm.s32 $0xFFFFFFFF;
	p2 =	slt.u32 s8, $0xFFFFF086  }
0x1c: {  	p1 =	slt.u32 s9, $0xF7A;
	s5 =	simm.s32 @!p2 $0x0  }
0x1d: {  	s5 =	simm.s32 @p1 $0x1;
	p0 =	seq.s32 s7, s2  }
0x1e: {  	s7 =	smul.u32 @!p0 $0xF7A, s2;
	p2 =	seq.s32 @!p0 s5, $0x0  }
0x1f: {  	s9 =	smul.u32 $0xF7A, s1;
	s8 =	simm.s32 @!p0 $0x1BF5;
	p2 =	por !p2, p0  }
0x20: {  	[sflag:s8] =	ssyncset.s32 @!p0 $0xFFFFF086;
	s6 =	sadd.s32 @!p0 s3, s7;
	s7 =	simm.s32 @!p0 $0x108  }
0x21: {  	s3 =	sadd.s32 s3, s9;
	s6 =	sadd.s32 @!p0 $0x88, s6;
	s7 =	simm.s32 @p2 $0x1082  }
0x22: {  	[simem:s7], [sflag:s8] =	dma.local @!p0 [hbm:s6], $0xF7A  }
0x23: {  	s9 =	sor.u32 $0xD0000000, s2;
	s6 =	simm.s32 $0x108;
	_ =	swait.ge @!p0 [sflag:s8], $0x0  }
0x24: {  	s3 =	sadd.s32 $0x88, s3;
	s6 =	simm.s32 @!p1 $0x1082;
	[sflag:s4] =	ssyncset.s32 $0xFFFFF086  }
0x25: {  	[simem:s6], [sflag:s4] =	dma.local [hbm:s3], $0xF7A  }
0x26: {  	[smem:$0x3F96] =	sst s1;
	(tag) =	ssettag s2;
	_ =	strace s9  }
0x27: {  	s1 =	sld [smem:$0x3FA6]  }
0x28: {  	s2 =	sld [smem:$0x3FA7]  }
0x29: {  	s4 =	sld [smem:$0x3FA9]  }
0x2a: {  	p0 =	seq.s32 s5, $0x0;
	s5 =	sld [smem:$0x3FAA]  }
0x2b: {  	s6 =	sld [smem:$0x3FAB]  }
0x2c: {  	s7 =	sld [smem:$0x3FAC]  }
0x2d: {  	s3 =	simm.s32 $0x108;
	s8 =	sld [smem:$0x3FAD]  }
0x2e: {  	s3 =	simm.s32 @!p0 $0x1082;
	s9 =	sld [smem:$0x3FAE]  }
0x2f: {  	lr =	sadd.s32 s0, s3;
	s0 =	sld [smem:$0x3FA5]  }
0x30: {  	s3 =	sld [smem:$0x3FA8]  }
0x31: {  	[smem:$0x3FB1] =	sst s10  }
0x32: {  	s10 =	sld [smem:$0x3FAF];
	_ =	sdelay $0x3  }
0x33: {  	p0 =	seq.s32 s10, $0x1;
	s10 =	sld [smem:$0x3FB1];
	_ =	sdelay $0x3  }
0x34: {  	[smem:$0x3FB1] =	sst s10  }
0x35: {  	s10 =	sld [smem:$0x3FB0];
	_ =	sdelay $0x3  }
0x36: {  	p1 =	seq.s32 s10, $0x1;
	s10 =	sld [smem:$0x3FB1];
	_ =	sdelay $0x3  }
0x37: {  	[smem:$0x3FB1] =	sst s10  }
0x38: {  	s10 =	sld [smem:$0x3FB2]  }
0x39: {  	_ = 	snop;
	(pc) =	sbr.ind lr, $3  }
0x3a: {  	_ = 	snop  }
0x3b: {  	_ = 	snop  }
0x3c: {  	p2 =	seq.s32 s10, $0x1;
	s10 =	sld [smem:$0x3FB1]  }
0x3d: {  	_ =	shalt  }
0x3e: {  	_ =	shalt  }
0x3f: {  	_ =	shalt  }
0x40: {  	_ =	shalt  }
0x41: {  	_ =	shalt  }
0x42: {  	_ =	shalt  }
0x43: {  	_ =	shalt  }
0x44: {  	_ =	shalt  }
0x45: {  	_ =	shalt  }
0x46: {  	_ =	shalt  }
0x47: {  	_ =	shalt  }
0x48: {  	_ =	shalt  }
0x49: {  	_ =	shalt  }
0x4a: {  	_ =	shalt  }
0x4b: {  	_ =	shalt  }
0x4c: {  	_ =	shalt  }
0x4d: {  	_ =	shalt  }
0x4e: {  	_ =	shalt  }
0x4f: {  	_ =	shalt  }
0x50: {  	_ =	shalt  }
0x51: {  	_ =	shalt  }
0x52: {  	_ =	shalt  }
0x53: {  	_ =	shalt  }
0x54: {  	_ =	shalt  }
0x55: {  	_ =	shalt  }
0x56: {  	_ =	shalt  }
0x57: {  	_ =	shalt  }
0x58: {  	_ =	shalt  }
0x59: {  	_ =	shalt  }
0x5a: {  	_ =	shalt  }
0x5b: {  	_ =	shalt  }
0x5c: {  	_ =	shalt  }
0x5d: {  	_ =	shalt  }
0x5e: {  	_ =	shalt  }
0x5f: {  	_ =	shalt  }
0x60: {  	_ =	shalt  }
0x61: {  	_ =	shalt  }
0x62: {  	_ =	shalt  }
0x63: {  	_ =	shalt  }
0x64: {  	_ =	shalt  }
0x65: {  	_ =	shalt  }
0x66: {  	_ =	shalt  }
0x67: {  	_ =	shalt  }
0x68: {  	_ =	shalt  }
0x69: {  	_ =	shalt  }
0x6a: {  	_ =	shalt  }
0x6b: {  	_ =	shalt  }
0x6c: {  	_ =	shalt  }
0x6d: {  	_ =	shalt  }
0x6e: {  	_ =	shalt  }
0x6f: {  	_ =	shalt  }
0x70: {  	_ =	shalt  }
0x71: {  	_ =	shalt  }
0x72: {  	_ =	shalt  }
0x73: {  	_ =	shalt  }
0x74: {  	_ =	shalt  }
0x75: {  	_ =	shalt  }
0x76: {  	_ =	shalt  }
0x77: {  	_ =	shalt  }
0x78: {  	_ =	shalt  }
0x79: {  	_ =	shalt  }
0x7a: {  	_ =	shalt  }
0x7b: {  	_ =	shalt  }
0x7c: {  	_ =	shalt  }
0x7d: {  	_ =	shalt  }
0x7e: {  	_ =	shalt  }
0x7f: {  	_ =	shalt  }
0x80: {  	_ =	shalt  }
0x81: {  	_ =	shalt  }
0x82: {  	_ =	shalt  }
0x83: {  	_ =	shalt  }
0x84: {  	_ =	shalt  }
0x85: {  	_ =	shalt  }
0x86: {  	_ =	shalt  }
0x87: {  	_ =	shalt  }
.Lfunc_end0:
.L_simem_size_0:
called_computation.1_lowered:
.L_overlay_start_0:
0x88: {  	s2 =	sld [smem:$0x3FD9]  }
0x89: {  	s3 =	sld [smem:$0x3FFE];
	_ =	sdelay $0x1  }
0x8a: {  	s1 =	srdreg.scid  }
0x8b: {  	s0 =	sand.u32 $0x1, s1  }
0x8c: {  	s17 =	sshll.u32 s0, $0xA;
	s2 =	sadd.s32 s3, s2  }
0x8d: {  	s2 =	sadd.s32 s2, s17  }
0x8e: {  	[smem:$0x3FBD] =	sst s2  }
0x8f: {  	_ = 	snop  }
0x90: {  	s2 =	sld [smem:$0x3FD0];
	(tm) =	ssettm $0x1  }
0x91: {  	s18 =	sld [smem:$0x3FFB];
	_ =	sdelay $0x3  }
0x92: {  	_ =	strace s18  }
0x93: {  	s3 =	sld [smem:$0x3FFC];
	_ =	sdelay $0x3  }
0x94: {  	_ =	strace s3  }
0x95: {  	s3 =	sld [smem:$0x3FFD];
	_ =	sdelay $0x3  }
0x96: {  	_ =	strace s3  }
0x97: {  	_ =	strace $0x8FFFFFFF  }
0x98: {  	s19 =	sld [smem:$0x3FDB];
	_ =	sdelay $0x1  }
0x99: {  	s4 =	simm.s32 $_scs_section_size  }
0x9a: {  	s5 =	simm.s32 $_size__tile_overlayer_lowered;
	s6 =	simm.s32 $_tile_overlayer_lowered  }
0x9b: {  	s22 =	simm.s32 $0x1BFF;
	s21 =	sshll.u32 s6, $0x1;
	s3 =	sadd.s32 s4, s19  }
0x9c: {  	s7 =	simm.s32 $0x0;
	s20 =	sshll.u32 s5, $0x1;
	s5 =	sadd.s32 s21, s3  }
0x9d: {  	[timem:s7], [sflag:s22] =	dma.local [hbm:s5], s20  }
0x9e: {  	_ =	swait.ge [sflag:s22], s20  }
0x9f: {  	s4 =	ssub.s32 $0x0, s20;
	[sflag:s22] =	ssyncset.done $0x0  }
0xa0: {  	[sflag:s22] =	ssyncadd.s32 s4;
	_ =	sdelay $0x1  }
0xa1: {  	s23 =	simm.s32 $0x1B8B  }
0xa2: {  	_ =	swait.ge [sflag:s23], $0x1  }
0xa3: {  	[sflag:s23] =	ssyncset.done $0x0  }
0xa4: {  	s25 =	simm.s32 $0x1B8E;
	s24 =	sld [smem:$0x3FFE];
	[sflag:s23] =	ssyncadd.s32 $0xFFFFFFFF  }
0xa5: {  	s26 =	simm.s32 $execute0_lowered;
	[smem:$0x3FD2] =	sst s25  }
0xa6: {  	s5 =	sshll.u32 s26, $0x1;
	_ =	strace $0x80000049;
	[dreg:$0x1] =	wrdreg $0xFFFFFFFF  }
0xa7: {  	s28 =	simm.s32 $_size_execute0_lowered;
	s3 =	sadd.s32 s3, s5;
	[dreg:$0x0] =	wrdreg $0x0  }
0xa8: {  	s5 =	sshll.u32 s28, $0x1;
	[dreg:$0x2] =	wrdreg s3  }
0xa9: {  	[dreg:$0x3] =	wrdreg s5  }
0xaa: {  	[dreg:$0x4] =	wrdreg $0xC0  }
0xab: {  	_ =	task [dreg:s7], $0x5FFFF  }
0xac: {  	[dreg:$0x1] =	wrdreg $0xFFFFFFFF  }
0xad: {  	[dreg:$0x0] =	wrdreg $0x60  }
0xae: {  	[dreg:$0x2] =	wrdreg s24  }
0xaf: {  	[dreg:$0x3] =	wrdreg s2  }
0xb0: {  	[dreg:$0x4] =	wrdreg $0x82000  }
0xb1: {  	[dreg:$0x5] =	wrdreg $0x9  }
0xb2: {  	_ =	task.clear_ibuf [dreg:s7], $0x6FFFF;
	_ =	strace $0x90000049  }
0xb3: {  	s29 =	simm.s32 $0x9;
	_ =	strace $0x8000004B  }
0xb4: {  	_ =	swait.ge [sflag:s29], $0x1  }
0xb5: {  	[sflag:s29] =	ssyncadd.s32 $0xFFFFFFFF  }
0xb6: {  	_ =	strace $0x9000004B  }
0xb7: {  	_ =	sfence  }
0xb8: {  	s30 =	sld [smem:$0x0];
	_ =	sdelay $0x2  }
0xb9: {  	s31 =	sshll.u32 s1, $0xD;
	s1 =	sshrl.u32 s1, $0x2  }
0xba: {  	s3 =	sand.u32 $0x4000, s31;
	s1 =	sadd.s32 s1, s30  }
0xbb: {  	s0 =	sor.u32 s3, s0;
	s1 =	sshll.u32 s1, $0x11  }
0xbc: {  	s0 =	sor.u32 s1, s0  }
0xbd: {  	s0 =	sadd.s32 $0x8F2B, s0  }
0xbe: {  	[sflag:s0] =	ssyncadd.remote.s32 $0x1  }
0xbf: {  	_ =	sfence.sel $0xFFFF  }
0xc0: {  	[dreg:$0x0] =	wrdreg $0xFFFFFFFF;
	(pc) =	sbr.abs _section_cstart, $3  }
0xc1: {  	[dreg:$0x1] =	wrdreg $0xFFFFFFFF  }
0xc2: {  	_ =	task.clear_ibuf [dreg:s7], $0x2FFFF;
	_ =	strace $0x9FFFFFFF  }
0xc3: {  	(tm) =	ssettm $0x7FFFFFFF  }
tec
execute0_lowered:
.L_overlay_start_1:
0x0: {  	(tag) =	ssettag $0x1  }
0x1: {  	s1 =	rddreg [dreg:$0x0]  }
0x2: {  	s0 =	srdreg.scid;
	s20 =	rddreg [dreg:$0x1]  }
0x3: {  	s2 =	rddreg [dreg:$0x2];
	s3 =	simm.s32 $0x0;
	s7 =	sand.u32 $0x1, s0  }
0x4: {  	s28 =	simm.s32 $0x1;
	s0 =	stileid.u32;
	s4 =	smul.u32 $0x140000, s7  }
0x5: {  	s29 =	simm.s32 $0x3;
	s30 =	simm.s32 $0x0;
	s5 =	smul.u32 $0x14000, s0  }
0x6: {  	[smem:$0x7FF] =	sst s3;
	s19 =	sadd.s32 $0x2C00, s1;
	s9 =	smul.u32 $0x50000, s0  }
0x7: {  	_ =	strace $0x8000004A;
	s22 =	ssub.s32 $0x2, s7;
	s24 =	smul.u32 $0x2800, s0  }
0x8: {  	s8 =	sshll.u32 s7, $0x4;
	p0 =	seq.s32 s7, $0x1;
	s14 =	smul.u32 $0x500, s7  }
0x9: {  	s15 =	smul.u32 $0x50, s0;
	s6 =	sshrl.u32 s22, $0x1;
	s23 =	sor.u32 s0, s8  }
0xa: {  	s4 =	sadd.s32 s5, s4;
	s16 =	ssub.s32 s22, s6;
	s25 =	sshrl.u32 s9, $0x2  }
0xb: {  	s13 =	smul.u32 $0x500, s23;
	s15 =	sadd.s32 s15, s14;
	s22 =	simm.s32 $0x2  }
0xc: {  	s23 =	simm.s32 $0x80;
	s5 =	sshrl.u32 s4, $0x3;
	s4 =	sadd.s32 $0xCC00, s1  }
0xd: {  	s18 =	sshll.u32 s15, $0x4;
	s16 =	smax.u32 s16, $0x1;
	s1 =	sadd.s32 s5, s1  }
0xe: {  	s5 =	sadd.s32 s25, s2;
	s6 =	sadd.s32 s4, s24;
	s11 =	sadd.s32 s19, s13  }
0xf: {  	s12 =	sadd.s32 s20, s13;
	s17 =	sor.u32 $0x10, s13;
	s26 =	sadd.s32 s18, s19  }
0x10: {  	s31 =	sadd.s32 s18, s20;
	s21 =	sor.u32 $0x20, s18;
	s24 =	simm.s32 $0x100  }
0x11: {  	s25 =	simm.s32 $0x4200;
	[dreg:$0x4] =	wrdreg s6;
	s7 =	sadd.s32 $0x4000, s5  }
0x12: {  	s8 =	sadd.s32 $0x8000, s5;
	s9 =	sadd.s32 $0xC000, s5;
	s10 =	sadd.s32 $0x10000, s5  }
0x13: {  	s13 =	sadd.s32 s19, s17;
	s14 =	sadd.s32 s20, s17;
	s15 =	sadd.s32 $0x34C00, s1  }
0x14: {  	s17 =	sadd.s32 $0x30, s26;
	s18 =	sadd.s32 $0x30, s31;
	s19 =	sadd.s32 s21, s19  }
0x15: {  	v0 =	vimm.f32 $0.0e+00;
	s20 =	sadd.s32 s21, s20;
	s21 =	simm.s32 $0x200;
	s26 =	simm.s32 $0x180  }
.LBB2_1:
.Ltmp0:
0x16: {  	(pc) =	sbr.rel @!p0 .LBB2_2-.Ltmp0, $1  }
0x17: {  	_ =	sdelay $0x3  }
0x18: {  	s1 =	sshra.s32 s3, $0x2;
	s31 =	sadd.s32 $0x200, s3  }
.LBB2_4:
0x19: {  	p1 =	sne.s32 s31, $0xFE00;
	[tilespmem:s1+$0x270] =	vst v0  }
0x1a: {  	[tilespmem:s1+$0x200] =	vst v0  }
0x1b: {  	[tilespmem:s1+$0x210] =	vst v0  }
.Ltmp1:
0x1c: {  	[tilespmem:s1+$0x220] =	vst v0;
	(pc) =	sbr.rel @p1 .LBB2_4-.Ltmp1, $4  }
0x1d: {  	[tilespmem:s1+$0x230] =	vst v0  }
0x1e: {  	[tilespmem:s1+$0x240] =	vst v0  }
0x1f: {  	[tilespmem:s1+$0x250] =	vst v0  }
0x20: {  	[tilespmem:s1+$0x260] =	vst v0;
	s1 =	sshra.s32 s31, $0x2;
	s31 =	sadd.s32 $0x200, s31  }
0x21: {  	[tilespmem:s1+$0x270] =	vst v0  }
0x22: {  	[tilespmem:s1+$0x200] =	vst v0  }
0x23: {  	[tilespmem:s1+$0x210] =	vst v0  }
0x24: {  	[tilespmem:s1+$0x220] =	vst v0  }
0x25: {  	[tilespmem:s1+$0x230] =	vst v0  }
0x26: {  	[tilespmem:s1+$0x240] =	vst v0  }
0x27: {  	[tilespmem:s1+$0x250] =	vst v0  }
0x28: {  	[tilespmem:s1+$0x260] =	vst v0  }
0x29: {  	[spmem:s5] =	stream.linear.scatter [tilespmem:s21], [sflag:$0x2], $0x4000, $0x38;
	[tilespmem:$0x1C200] =	vst v63  }
0x2a: {  	_ =	swait.ge [sflag:s22], $0x4000  }
0x2b: {  	[sflag:s22] =	ssyncset.done $0x0  }
0x2c: {  	[sflag:s22] =	ssyncadd.s32 $0xFFFFC000  }
0x2d: {  	[spmem:s7] =	stream.linear.scatter [tilespmem:s21], [sflag:$0x2], $0x4000, $0x38;
	[tilespmem:$0x1C200] =	vst v63  }
0x2e: {  	_ =	swait.ge [sflag:s22], $0x4000  }
0x2f: {  	[sflag:s22] =	ssyncset.done $0x0  }
0x30: {  	[sflag:s22] =	ssyncadd.s32 $0xFFFFC000  }
0x31: {  	[spmem:s8] =	stream.linear.scatter [tilespmem:s21], [sflag:$0x2], $0x4000, $0x38;
	[tilespmem:$0x1C200] =	vst v63  }
0x32: {  	_ =	swait.ge [sflag:s22], $0x4000  }
0x33: {  	[sflag:s22] =	ssyncset.done $0x0  }
0x34: {  	[sflag:s22] =	ssyncadd.s32 $0xFFFFC000  }
0x35: {  	[spmem:s9] =	stream.linear.scatter [tilespmem:s21], [sflag:$0x2], $0x4000, $0x38;
	[tilespmem:$0x1C200] =	vst v63  }
0x36: {  	_ =	swait.ge [sflag:s22], $0x4000  }
0x37: {  	[sflag:s22] =	ssyncset.done $0x0  }
.Ltmp2:
0x38: {  	[sflag:s22] =	ssyncadd.s32 $0xFFFFC000;
	(pc) =	sbr.rel .LBB2_6-.Ltmp2, $4  }
0x39: {  	[spmem:s10] =	stream.linear.scatter [tilespmem:s21], [sflag:$0x2], $0x4000, $0x38;
	[tilespmem:$0x1C200] =	vst v63  }
0x3a: {  	_ =	swait.ge [sflag:s22], $0x4000  }
0x3b: {  	[sflag:s22] =	ssyncset.done $0x0  }
0x3c: {  	[sflag:s22] =	ssyncadd.s32 $0xFFFFC000  }
.LBB2_2:
0x3d: {  	s1 =	sshll.u32 s0, $0x6  }
0x3e: {  	s31 =	sshrl.u32 s5, $0x3;
	s6 =	rddreg [dreg:$0x4];
	s1 =	sor.u32 $0x1C02, s1  }
0x3f: {  	[spmem:s31], [sflag:s1] =	dma.local [hbm:s6], $0x2800  }
0x40: {  	_ =	swait.ge [sflag:s22], $0x2800  }
0x41: {  	[sflag:s22] =	ssyncset.done $0x0  }
0x42: {  	[sflag:s22] =	ssyncadd.s32 $0xFFFFD800  }
.LBB2_6:
0x43: {  	[bflag:$0x0] =	sbarrier.arrive $0xFFFF;
	s1 =	simm.s32 $0x0  }
0x44: {  	[tilespmem:s1], [sflag:$0x2] =	stream.linear.gather [hbm4b:s11+s1], $0x80, $0x38;
	[tilespmem:$0x1C200] =	vst v63  }
0x45: {  	_ =	swait.ge [sflag:s22], $0x80  }
0x46: {  	[sflag:s22] =	ssyncset.done $0x0  }
0x47: {  	[sflag:s22] =	ssyncadd.s32 $0xFFFFFF80  }
0x48: {  	[tilespmem:s21], [sflag:$0x1] =	stream.indirect.gather [hbm4b:s4+s23], $0x80, s1, s23, $0xb8;
	[tilespmem:$0x1C200] =	vst v63  }
0x49: {  	_ = 	snop  }
0x4a: {  	[tilespmem:s24], [sflag:$0x2] =	stream.linear.gather [hbm4b:s12+s1], $0x80, $0x38;
	[tilespmem:$0x1C200] =	vst v63  }
0x4b: {  	_ =	swait.ge [sflag:s22], $0x80  }
0x4c: {  	[sflag:s22] =	ssyncset.done $0x0  }
0x4d: {  	[sflag:s22] =	ssyncadd.s32 $0xFFFFFF80  }
0x4e: {  	[tilespmem:s23], [sflag:$0x2] =	stream.linear.gather [hbm4b:s13+s1], $0x80, $0x38;
	[tilespmem:$0x1C200] =	vst v63  }
0x4f: {  	_ =	swait.ge [sflag:s22], $0x80  }
0x50: {  	[sflag:s22] =	ssyncset.done $0x0  }
0x51: {  	[sflag:s22] =	ssyncadd.s32 $0xFFFFFF80  }
0x52: {  	[tilespmem:s25], [sflag:$0x1] =	stream.indirect.gather [hbm4b:s4+s23], $0x80, s23, s23, $0xb8;
	[tilespmem:$0x1C200] =	vst v63  }
0x53: {  	_ = 	snop  }
0x54: {  	[tilespmem:s26], [sflag:$0x2] =	stream.linear.gather [hbm4b:s14+s1], $0x80, $0x38;
	[tilespmem:$0x1C200] =	vst v63  }
0x55: {  	_ =	swait.ge [sflag:s22], $0x80  }
0x56: {  	[sflag:s22] =	ssyncset.done $0x0  }
0x57: {  	[sflag:s22] =	ssyncadd.s32 $0xFFFFFF80  }
0x58: {  	_ =	swait.ge [sflag:s28], $0x4000  }
0x59: {  	[sflag:s28] =	ssyncset.done $0x0  }
0x5a: {  	[sflag:s28] =	ssyncadd.s32 $0xFFFFC000  }
0x5b: {  	[spmem:s2] =	stream.indirect.scatter.add.f32 [tilespmem:s21], [sflag:$0x3], $0x80, s24, s23, $0xb8;
	[tilespmem:$0x1C200] =	vst v63  }
0x5c: {  	_ =	swait.ge [sflag:s29], $0x4000  }
0x5d: {  	[sflag:s29] =	ssyncset.done $0x0  }
0x5e: {  	s6 =	sadd.s32 $0x0, s19;
	[sflag:s29] =	ssyncadd.s32 $0xFFFFC000  }
0x5f: {  	[tilespmem:s3], [sflag:$0x3] =	stream.linear.gather [hbm4b:s6+s3], $0x80, $0x38;
	[tilespmem:$0x1C200] =	vst v63  }
0x60: {  	_ =	swait.ge [sflag:s29], $0x80  }
0x61: {  	[sflag:s29] =	ssyncset.done $0x0  }
0x62: {  	[sflag:s29] =	ssyncadd.s32 $0xFFFFFF80  }
0x63: {  	[tilespmem:s21], [sflag:$0x1] =	stream.indirect.gather [hbm4b:s4+s23], $0x80, s3, s23, $0xb8;
	[tilespmem:$0x1C200] =	vst v63  }
0x64: {  	s6 =	sadd.s32 $0x0, s20  }
0x65: {  	[tilespmem:s24], [sflag:$0x3] =	stream.linear.gather [hbm4b:s6+s3], $0x80, $0x38;
	[tilespmem:$0x1C200] =	vst v63  }
0x66: {  	_ =	swait.ge [sflag:s29], $0x80  }
0x67: {  	[sflag:s29] =	ssyncset.done $0x0  }
0x68: {  	[sflag:s29] =	ssyncadd.s32 $0xFFFFFF80  }
0x69: {  	_ =	swait.ge [sflag:s28], $0x4000  }
0x6a: {  	[sflag:s28] =	ssyncset.done $0x0  }
0x6b: {  	[sflag:s28] =	ssyncadd.s32 $0xFFFFC000  }
0x6c: {  	[spmem:s2] =	stream.indirect.scatter.add.f32 [tilespmem:s25], [sflag:$0x3], $0x80, s26, s23, $0xb8;
	[tilespmem:$0x1C200] =	vst v63  }
0x6d: {  	_ =	swait.ge [sflag:s29], $0x4000  }
0x6e: {  	[sflag:s29] =	ssyncset.done $0x0  }
0x6f: {  	s6 =	sadd.s32 $0x0, s17;
	[sflag:s29] =	ssyncadd.s32 $0xFFFFC000  }
0x70: {  	[tilespmem:s23], [sflag:$0x3] =	stream.linear.gather [hbm4b:s6+s3], $0x80, $0x38;
	[tilespmem:$0x1C200] =	vst v63  }
0x71: {  	_ =	swait.ge [sflag:s29], $0x80  }
0x72: {  	[sflag:s29] =	ssyncset.done $0x0  }
0x73: {  	[sflag:s29] =	ssyncadd.s32 $0xFFFFFF80  }
0x74: {  	[tilespmem:s25], [sflag:$0x1] =	stream.indirect.gather [hbm4b:s4+s23], $0x80, s23, s23, $0xb8;
	[tilespmem:$0x1C200] =	vst v63  }
0x75: {  	s6 =	sadd.s32 $0x0, s18  }
0x76: {  	[tilespmem:s26], [sflag:$0x2] =	stream.linear.gather [hbm4b:s6+s3], $0x80, $0x38;
	[tilespmem:$0x1C200] =	vst v63  }
0x77: {  	_ =	swait.ge [sflag:s22], $0x80  }
0x78: {  	s31 =	simm.s32 $0x20;
	[sflag:s22] =	ssyncset.done $0x0  }
.LBB2_7:
0x79: {  	p1 =	sne.s32 s31, $0x4C0  }
0x7a: {  	[sflag:s22] =	ssyncadd.s32 $0xFFFFFF80;
	s1 =	smov.u32 s31;
	s31 =	sadd.s32 $0x20, s31  }
0x7b: {  	_ = 	snop  }
0x7c: {  	_ =	swait.ge [sflag:s28], $0x4000  }
0x7d: {  	[sflag:s28] =	ssyncset.done $0x0  }
0x7e: {  	[sflag:s28] =	ssyncadd.s32 $0xFFFFC000  }
0x7f: {  	[spmem:s2] =	stream.indirect.scatter.add.f32 [tilespmem:s21], [sflag:$0x3], $0x80, s24, s23, $0xb8;
	[tilespmem:$0x1C200] =	vst v63  }
0x80: {  	_ =	swait.ge [sflag:s29], $0x4000  }
0x81: {  	[sflag:s29] =	ssyncset.done $0x0  }
0x82: {  	s6 =	sadd.s32 s1, s19;
	[sflag:s29] =	ssyncadd.s32 $0xFFFFC000  }
0x83: {  	[tilespmem:s3], [sflag:$0x3] =	stream.linear.gather [hbm4b:s6+s3], $0x80, $0x38;
	[tilespmem:$0x1C200] =	vst v63  }
0x84: {  	_ =	swait.ge [sflag:s29], $0x80  }
0x85: {  	[sflag:s29] =	ssyncset.done $0x0  }
0x86: {  	[sflag:s29] =	ssyncadd.s32 $0xFFFFFF80  }
0x87: {  	[tilespmem:s21], [sflag:$0x1] =	stream.indirect.gather [hbm4b:s4+s23], $0x80, s3, s23, $0xb8;
	[tilespmem:$0x1C200] =	vst v63  }
0x88: {  	s6 =	sadd.s32 s1, s20  }
0x89: {  	[tilespmem:s24], [sflag:$0x3] =	stream.linear.gather [hbm4b:s6+s3], $0x80, $0x38;
	[tilespmem:$0x1C200] =	vst v63  }
0x8a: {  	_ =	swait.ge [sflag:s29], $0x80  }
0x8b: {  	[sflag:s29] =	ssyncset.done $0x0  }
0x8c: {  	[sflag:s29] =	ssyncadd.s32 $0xFFFFFF80  }
0x8d: {  	_ =	swait.ge [sflag:s28], $0x4000  }
0x8e: {  	[sflag:s28] =	ssyncset.done $0x0  }
0x8f: {  	[sflag:s28] =	ssyncadd.s32 $0xFFFFC000  }
0x90: {  	[spmem:s2] =	stream.indirect.scatter.add.f32 [tilespmem:s25], [sflag:$0x3], $0x80, s26, s23, $0xb8;
	[tilespmem:$0x1C200] =	vst v63  }
0x91: {  	_ =	swait.ge [sflag:s29], $0x4000  }
0x92: {  	[sflag:s29] =	ssyncset.done $0x0  }
0x93: {  	s6 =	sadd.s32 s1, s17;
	[sflag:s29] =	ssyncadd.s32 $0xFFFFC000  }
0x94: {  	[tilespmem:s23], [sflag:$0x3] =	stream.linear.gather [hbm4b:s6+s3], $0x80, $0x38;
	[tilespmem:$0x1C200] =	vst v63  }
0x95: {  	_ =	swait.ge [sflag:s29], $0x80  }
0x96: {  	[sflag:s29] =	ssyncset.done $0x0  }
0x97: {  	[sflag:s29] =	ssyncadd.s32 $0xFFFFFF80  }
0x98: {  	[tilespmem:s25], [sflag:$0x1] =	stream.indirect.gather [hbm4b:s4+s23], $0x80, s23, s23, $0xb8;
	[tilespmem:$0x1C200] =	vst v63  }
.Ltmp3:
0x99: {  	_ = 	snop;
	(pc) =	sbr.rel @p1 .LBB2_7-.Ltmp3, $4  }
0x9a: {  	s1 =	sadd.s32 s1, s18  }
0x9b: {  	[tilespmem:s26], [sflag:$0x2] =	stream.linear.gather [hbm4b:s1+s3], $0x80, $0x38;
	[tilespmem:$0x1C200] =	vst v63  }
0x9c: {  	_ =	swait.ge [sflag:s22], $0x80  }
0x9d: {  	[sflag:s22] =	ssyncset.done $0x0  }
0x9e: {  	[sflag:s22] =	ssyncadd.s32 $0xFFFFFF80  }
0x9f: {  	_ =	swait.ge [sflag:s28], $0x4000  }
0xa0: {  	[sflag:s28] =	ssyncset.done $0x0  }
0xa1: {  	[sflag:s28] =	ssyncadd.s32 $0xFFFFC000  }
0xa2: {  	[spmem:s2] =	stream.indirect.scatter.add.f32 [tilespmem:s21], [sflag:$0x3], $0x80, s24, s23, $0xb8;
	[tilespmem:$0x1C200] =	vst v63  }
0xa3: {  	_ =	swait.ge [sflag:s29], $0x4000  }
0xa4: {  	[sflag:s29] =	ssyncset.done $0x0  }
0xa5: {  	[sflag:s29] =	ssyncadd.s32 $0xFFFFC000  }
0xa6: {  	_ =	swait.ge [sflag:s28], $0x4000  }
0xa7: {  	[sflag:s28] =	ssyncset.done $0x0  }
0xa8: {  	[sflag:s28] =	ssyncadd.s32 $0xFFFFC000  }
0xa9: {  	[spmem:s2] =	stream.indirect.scatter.add.f32 [tilespmem:s25], [sflag:$0x3], $0x80, s26, s23, $0xb8;
	[tilespmem:$0x1C200] =	vst v63  }
0xaa: {  	_ =	swait.ge [sflag:s29], $0x4000  }
0xab: {  	s1 =	sshll.u32 s0, $0x6;
	s30 =	sadd.s32 $0x1, s30;
	[sflag:s29] =	ssyncset.done $0x0  }
0xac: {  	s6 =	sshrl.u32 s5, $0x3;
	p1 =	sne.s32 s30, s16;
	[sflag:s29] =	ssyncadd.s32 $0xFFFFC000  }
.Ltmp4:
0xad: {  	s1 =	sor.u32 $0x1C02, s1;
	[bflag:$0x0] =	sbarrier.arrive $0xFFFF;
	(pc) =	sbr.rel @p1 .LBB2_1-.Ltmp4, $4  }
0xae: {  	[hbm:s15], [sflag:s1] =	dma.local [spmem:s6], $0x2800  }
0xaf: {  	_ =	swait.ge [sflag:s22], $0x2800  }
0xb0: {  	[sflag:s22] =	ssyncset.done $0x0  }
0xb1: {  	[sflag:s22] =	ssyncadd.s32 $0xFFFFD800  }
0xb2: {  	_ =	sfence.sel $0x180000  }
0xb3: {  	[bflag:$0x0] =	sbarrier.arrive $0xFFFF  }
0xb4: {  	_ =	strace $0x9000004A  }
0xb5: {  	[bflag:$0x2] =	sbarrier.arrive $0xFFFF  }
0xb6: {  	p0 =	sne.s32 s0, $0x0;
	s0 =	rddreg [dreg:$0x3]  }
0xb7: {  	s0 =	sadd.s32 @!p0 $0x100000, s0  }
0xb8: {  	[sflag:s0] =	ssyncadd.tile.s32 @!p0 $0x1;
	_ =	shalt  }
.Lfunc_end2:
_tile_overlayer_lowered:
.L_overlay_start_2:
0xb9: {  	(tag) =	ssettag $0x2  }
0xba: {  	s0 =	rddreg [dreg:$0x0];
	s2 =	stileid.u32  }
0xbb: {  	s1 =	rddreg [dreg:$0x1];
	p0 =	sne.s32 s2, $0x0  }
0xbc: {  	s3 =	rddreg [dreg:$0x2];
	[bflag:$0x3] =	sbarrier.arrive $0xFFFF;
	s2 =	simm.s32 @!p0 $0x1C02  }
0xbd: {  	[timem:s3], [sflag:s2] =	dma.local @!p0 [hbm:s0], s1  }
0xbe: {  	s0 =	simm.s32 @!p0 $0x2  }
0xbf: {  	_ =	swait.ge @!p0 [sflag:s0], s1  }
0xc0: {  	s1 =	ssub.s32 @!p0 $0x0, s1;
	[sflag:s0] =	ssyncset.done @!p0 $0x0  }
0xc1: {  	[sflag:s0] =	ssyncadd.s32 @!p0 s1  }
0xc2: {  	[bflag:$0x3] =	sbarrier.arrive $0xFFFF  }
0xc3: {  	_ =	shalt  }

// kernel: kernel.16.cloned.1.call-start
scs
__scs_entry_jumppad:
0x0: {  	(pc) =	sbr.rel $0x88, $3  }
0x1: {  	(tag) =	ssettag $0x0;
	lr =	simm.s32 $0x1  }
0x2: {  	[smem:$0x3F96] =	sst lr;
	_ =	strace $0xD0000000  }
0x3: {  	_ = 	snop  }
0x4: {  	_ = 	snop  }
0x5: {  	_ = 	snop  }
0x6: {  	_ = 	snop  }
0x7: {  	_ = 	snop  }
__scs_overlays_trampoline_lowered:
0x8: {  	[smem:$0x3FA5] =	sst s0  }
0x9: {  	[smem:$0x3FA6] =	sst s1  }
0xa: {  	[smem:$0x3FA7] =	sst s2  }
0xb: {  	[smem:$0x3FA8] =	sst s3  }
0xc: {  	[smem:$0x3FA9] =	sst s4  }
0xd: {  	[smem:$0x3FAA] =	sst s5  }
0xe: {  	[smem:$0x3FAB] =	sst s6  }
0xf: {  	[smem:$0x3FAC] =	sst s7  }
0x10: {  	[smem:$0x3FAD] =	sst s8  }
0x11: {  	[smem:$0x3FAE] =	sst s9;
	s0 =	simm.s32 @!p0 $0x0  }
0x12: {  	s1 =	sld [smem:$0x3F94];
	s0 =	simm.s32 @p0 $0x1  }
0x13: {  	[smem:$0x3FAF] =	sst s0;
	s0 =	simm.s32 @!p1 $0x0  }
0x14: {  	s2 =	sld [smem:$0x3F93];
	s0 =	simm.s32 @p1 $0x1  }
0x15: {  	[smem:$0x3FB0] =	sst s0;
	s0 =	simm.s32 @!p2 $0x0  }
0x16: {  	s3 =	sld [smem:$0x3FDB];
	s0 =	simm.s32 @p2 $0x1  }
0x17: {  	s4 =	simm.s32 $0x1BF5;
	[smem:$0x3FB2] =	sst s0  }
0x18: {  	s0 =	sld [smem:$0x3F95];
	_ =	swait.ge [sflag:s4], $0x0  }
0x19: {  	s7 =	sld [smem:$0x3F96]  }
0x1a: {  	s8 =	sadd.s32 $0xFFFFE003, lr  }
0x1b: {  	s9 =	sadd.s32 $0xFFFFFEF7, lr;
	s5 =	simm.s32 $0xFFFFFFFF;
	p2 =	slt.u32 s8, $0xFFFFF086  }
0x1c: {  	p1 =	slt.u32 s9, $0xF7A;
	s5 =	simm.s32 @!p2 $0x0  }
0x1d: {  	s5 =	simm.s32 @p1 $0x1;
	p0 =	seq.s32 s7, s2  }
0x1e: {  	s7 =	smul.u32 @!p0 $0xF7A, s2;
	p2 =	seq.s32 @!p0 s5, $0x0  }
0x1f: {  	s9 =	smul.u32 $0xF7A, s1;
	s8 =	simm.s32 @!p0 $0x1BF5;
	p2 =	por !p2, p0  }
0x20: {  	[sflag:s8] =	ssyncset.s32 @!p0 $0xFFFFF086;
	s6 =	sadd.s32 @!p0 s3, s7;
	s7 =	simm.s32 @!p0 $0x108  }
0x21: {  	s3 =	sadd.s32 s3, s9;
	s6 =	sadd.s32 @!p0 $0x88, s6;
	s7 =	simm.s32 @p2 $0x1082  }
0x22: {  	[simem:s7], [sflag:s8] =	dma.local @!p0 [hbm:s6], $0xF7A  }
0x23: {  	s9 =	sor.u32 $0xD0000000, s2;
	s6 =	simm.s32 $0x108;
	_ =	swait.ge @!p0 [sflag:s8], $0x0  }
0x24: {  	s3 =	sadd.s32 $0x88, s3;
	s6 =	simm.s32 @!p1 $0x1082;
	[sflag:s4] =	ssyncset.s32 $0xFFFFF086  }
0x25: {  	[simem:s6], [sflag:s4] =	dma.local [hbm:s3], $0xF7A  }
0x26: {  	[smem:$0x3F96] =	sst s1;
	(tag) =	ssettag s2;
	_ =	strace s9  }
0x27: {  	s1 =	sld [smem:$0x3FA6]  }
0x28: {  	s2 =	sld [smem:$0x3FA7]  }
0x29: {  	s4 =	sld [smem:$0x3FA9]  }
0x2a: {  	p0 =	seq.s32 s5, $0x0;
	s5 =	sld [smem:$0x3FAA]  }
0x2b: {  	s6 =	sld [smem:$0x3FAB]  }
0x2c: {  	s7 =	sld [smem:$0x3FAC]  }
0x2d: {  	s3 =	simm.s32 $0x108;
	s8 =	sld [smem:$0x3FAD]  }
0x2e: {  	s3 =	simm.s32 @!p0 $0x1082;
	s9 =	sld [smem:$0x3FAE]  }
0x2f: {  	lr =	sadd.s32 s0, s3;
	s0 =	sld [smem:$0x3FA5]  }
0x30: {  	s3 =	sld [smem:$0x3FA8]  }
0x31: {  	[smem:$0x3FB1] =	sst s10  }
0x32: {  	s10 =	sld [smem:$0x3FAF];
	_ =	sdelay $0x3  }
0x33: {  	p0 =	seq.s32 s10, $0x1;
	s10 =	sld [smem:$0x3FB1];
	_ =	sdelay $0x3  }
0x34: {  	[smem:$0x3FB1] =	sst s10  }
0x35: {  	s10 =	sld [smem:$0x3FB0];
	_ =	sdelay $0x3  }
0x36: {  	p1 =	seq.s32 s10, $0x1;
	s10 =	sld [smem:$0x3FB1];
	_ =	sdelay $0x3  }
0x37: {  	[smem:$0x3FB1] =	sst s10  }
0x38: {  	s10 =	sld [smem:$0x3FB2]  }
0x39: {  	_ = 	snop;
	(pc) =	sbr.ind lr, $3  }
0x3a: {  	_ = 	snop  }
0x3b: {  	_ = 	snop  }
0x3c: {  	p2 =	seq.s32 s10, $0x1;
	s10 =	sld [smem:$0x3FB1]  }
0x3d: {  	_ =	shalt  }
0x3e: {  	_ =	shalt  }
0x3f: {  	_ =	shalt  }
0x40: {  	_ =	shalt  }
0x41: {  	_ =	shalt  }
0x42: {  	_ =	shalt  }
0x43: {  	_ =	shalt  }
0x44: {  	_ =	shalt  }
0x45: {  	_ =	shalt  }
0x46: {  	_ =	shalt  }
0x47: {  	_ =	shalt  }
0x48: {  	_ =	shalt  }
0x49: {  	_ =	shalt  }
0x4a: {  	_ =	shalt  }
0x4b: {  	_ =	shalt  }
0x4c: {  	_ =	shalt  }
0x4d: {  	_ =	shalt  }
0x4e: {  	_ =	shalt  }
0x4f: {  	_ =	shalt  }
0x50: {  	_ =	shalt  }
0x51: {  	_ =	shalt  }
0x52: {  	_ =	shalt  }
0x53: {  	_ =	shalt  }
0x54: {  	_ =	shalt  }
0x55: {  	_ =	shalt  }
0x56: {  	_ =	shalt  }
0x57: {  	_ =	shalt  }
0x58: {  	_ =	shalt  }
0x59: {  	_ =	shalt  }
0x5a: {  	_ =	shalt  }
0x5b: {  	_ =	shalt  }
0x5c: {  	_ =	shalt  }
0x5d: {  	_ =	shalt  }
0x5e: {  	_ =	shalt  }
0x5f: {  	_ =	shalt  }
0x60: {  	_ =	shalt  }
0x61: {  	_ =	shalt  }
0x62: {  	_ =	shalt  }
0x63: {  	_ =	shalt  }
0x64: {  	_ =	shalt  }
0x65: {  	_ =	shalt  }
0x66: {  	_ =	shalt  }
0x67: {  	_ =	shalt  }
0x68: {  	_ =	shalt  }
0x69: {  	_ =	shalt  }
0x6a: {  	_ =	shalt  }
0x6b: {  	_ =	shalt  }
0x6c: {  	_ =	shalt  }
0x6d: {  	_ =	shalt  }
0x6e: {  	_ =	shalt  }
0x6f: {  	_ =	shalt  }
0x70: {  	_ =	shalt  }
0x71: {  	_ =	shalt  }
0x72: {  	_ =	shalt  }
0x73: {  	_ =	shalt  }
0x74: {  	_ =	shalt  }
0x75: {  	_ =	shalt  }
0x76: {  	_ =	shalt  }
0x77: {  	_ =	shalt  }
0x78: {  	_ =	shalt  }
0x79: {  	_ =	shalt  }
0x7a: {  	_ =	shalt  }
0x7b: {  	_ =	shalt  }
0x7c: {  	_ =	shalt  }
0x7d: {  	_ =	shalt  }
0x7e: {  	_ =	shalt  }
0x7f: {  	_ =	shalt  }
0x80: {  	_ =	shalt  }
0x81: {  	_ =	shalt  }
0x82: {  	_ =	shalt  }
0x83: {  	_ =	shalt  }
0x84: {  	_ =	shalt  }
0x85: {  	_ =	shalt  }
0x86: {  	_ =	shalt  }
0x87: {  	_ =	shalt  }
.Lfunc_end0:
.L_simem_size_0:
called_computation.2_lowered:
.L_overlay_start_0:
0x88: {  	s2 =	sld [smem:$0x3FD9]  }
0x89: {  	s3 =	sld [smem:$0x3FFE];
	_ =	sdelay $0x1  }
0x8a: {  	s1 =	srdreg.scid  }
0x8b: {  	s0 =	sand.u32 $0x1, s1  }
0x8c: {  	s17 =	sshll.u32 s0, $0xA;
	s2 =	sadd.s32 s3, s2  }
0x8d: {  	s2 =	sadd.s32 s2, s17  }
0x8e: {  	[smem:$0x3FBD] =	sst s2  }
0x8f: {  	_ = 	snop  }
0x90: {  	s2 =	sld [smem:$0x3FD0];
	(tm) =	ssettm $0x1  }
0x91: {  	s18 =	sld [smem:$0x3FFB];
	_ =	sdelay $0x3  }
0x92: {  	_ =	strace s18  }
0x93: {  	s3 =	sld [smem:$0x3FFC];
	_ =	sdelay $0x3  }
0x94: {  	_ =	strace s3  }
0x95: {  	s3 =	sld [smem:$0x3FFD];
	_ =	sdelay $0x3  }
0x96: {  	_ =	strace s3  }
0x97: {  	_ =	strace $0x8FFFFFFF  }
0x98: {  	s19 =	sld [smem:$0x3FDB];
	_ =	sdelay $0x1  }
0x99: {  	s4 =	simm.s32 $_scs_section_size  }
0x9a: {  	s5 =	simm.s32 $_size__tile_overlayer_lowered;
	s6 =	simm.s32 $_tile_overlayer_lowered  }
0x9b: {  	s22 =	simm.s32 $0x1BFF;
	s21 =	sshll.u32 s6, $0x1;
	s3 =	sadd.s32 s4, s19  }
0x9c: {  	s7 =	simm.s32 $0x0;
	s20 =	sshll.u32 s5, $0x1;
	s5 =	sadd.s32 s21, s3  }
0x9d: {  	[timem:s7], [sflag:s22] =	dma.local [hbm:s5], s20  }
0x9e: {  	_ =	swait.ge [sflag:s22], s20  }
0x9f: {  	s4 =	ssub.s32 $0x0, s20;
	[sflag:s22] =	ssyncset.done $0x0  }
0xa0: {  	[sflag:s22] =	ssyncadd.s32 s4;
	_ =	sdelay $0x1  }
0xa1: {  	s23 =	simm.s32 $0x1B8B  }
0xa2: {  	_ =	swait.ge [sflag:s23], $0x1  }
0xa3: {  	[sflag:s23] =	ssyncset.done $0x0  }
0xa4: {  	s25 =	simm.s32 $0x1B8E;
	s24 =	sld [smem:$0x3FFE];
	[sflag:s23] =	ssyncadd.s32 $0xFFFFFFFF  }
0xa5: {  	s26 =	simm.s32 $execute0_lowered;
	[smem:$0x3FD2] =	sst s25  }
0xa6: {  	s5 =	sshll.u32 s26, $0x1;
	_ =	strace $0x8000004C;
	[dreg:$0x1] =	wrdreg $0xFFFFFFFF  }
0xa7: {  	s28 =	simm.s32 $_size_execute0_lowered;
	s3 =	sadd.s32 s3, s5;
	[dreg:$0x0] =	wrdreg $0x0  }
0xa8: {  	s5 =	sshll.u32 s28, $0x1;
	[dreg:$0x2] =	wrdreg s3  }
0xa9: {  	[dreg:$0x3] =	wrdreg s5  }
0xaa: {  	[dreg:$0x4] =	wrdreg $0xC0  }
0xab: {  	_ =	task [dreg:s7], $0x5FFFF  }
0xac: {  	[dreg:$0x1] =	wrdreg $0xFFFFFFFF  }
0xad: {  	[dreg:$0x0] =	wrdreg $0x60  }
0xae: {  	[dreg:$0x2] =	wrdreg s24  }
0xaf: {  	[dreg:$0x3] =	wrdreg s2  }
0xb0: {  	[dreg:$0x4] =	wrdreg $0x82000  }
0xb1: {  	[dreg:$0x5] =	wrdreg $0x9  }
0xb2: {  	_ =	task.clear_ibuf [dreg:s7], $0x6FFFF;
	_ =	strace $0x9000004C  }
0xb3: {  	s29 =	simm.s32 $0x9;
	_ =	strace $0x8000004E  }
0xb4: {  	_ =	swait.ge [sflag:s29], $0x1  }
0xb5: {  	[sflag:s29] =	ssyncadd.s32 $0xFFFFFFFF  }
0xb6: {  	_ =	strace $0x9000004E  }
0xb7: {  	_ =	sfence  }
0xb8: {  	s30 =	sld [smem:$0x0];
	_ =	sdelay $0x2  }
0xb9: {  	s31 =	sshll.u32 s1, $0xD;
	s1 =	sshrl.u32 s1, $0x2  }
0xba: {  	s3 =	sand.u32 $0x4000, s31;
	s1 =	sadd.s32 s1, s30  }
0xbb: {  	s0 =	sor.u32 s3, s0;
	s1 =	sshll.u32 s1, $0x11  }
0xbc: {  	s0 =	sor.u32 s1, s0  }
0xbd: {  	s0 =	sadd.s32 $0x8F2B, s0  }
0xbe: {  	[sflag:s0] =	ssyncadd.remote.s32 $0x1  }
0xbf: {  	_ =	sfence.sel $0xFFFF  }
0xc0: {  	[dreg:$0x0] =	wrdreg $0xFFFFFFFF;
	(pc) =	sbr.abs _section_cstart, $3  }
0xc1: {  	[dreg:$0x1] =	wrdreg $0xFFFFFFFF  }
0xc2: {  	_ =	task.clear_ibuf [dreg:s7], $0x2FFFF;
	_ =	strace $0x9FFFFFFF  }
0xc3: {  	(tm) =	ssettm $0x7FFFFFFF  }
tec
execute0_lowered:
.L_overlay_start_1:
0x0: {  	(tag) =	ssettag $0x1  }
0x1: {  	s1 =	rddreg [dreg:$0x0]  }
0x2: {  	s0 =	srdreg.scid;
	s20 =	rddreg [dreg:$0x1]  }
0x3: {  	s2 =	rddreg [dreg:$0x2];
	s3 =	simm.s32 $0x0;
	s7 =	sand.u32 $0x1, s0  }
0x4: {  	s28 =	simm.s32 $0x1;
	s0 =	stileid.u32;
	s4 =	smul.u32 $0x140000, s7  }
0x5: {  	s29 =	simm.s32 $0x3;
	s30 =	simm.s32 $0x0;
	s5 =	smul.u32 $0x14000, s0  }
0x6: {  	[smem:$0x7FF] =	sst s3;
	s19 =	sadd.s32 $0x2C00, s1;
	s9 =	smul.u32 $0x50000, s0  }
0x7: {  	_ =	strace $0x8000004D;
	s22 =	ssub.s32 $0x2, s7;
	s24 =	smul.u32 $0x2800, s0  }
0x8: {  	s8 =	sshll.u32 s7, $0x4;
	p0 =	seq.s32 s7, $0x1;
	s14 =	smul.u32 $0x500, s7  }
0x9: {  	s15 =	smul.u32 $0x50, s0;
	s6 =	sshrl.u32 s22, $0x1;
	s23 =	sor.u32 s0, s8  }
0xa: {  	s4 =	sadd.s32 s5, s4;
	s16 =	ssub.s32 s22, s6;
	s25 =	sshrl.u32 s9, $0x2  }
0xb: {  	s13 =	smul.u32 $0x500, s23;
	s15 =	sadd.s32 s15, s14;
	s22 =	simm.s32 $0x2  }
0xc: {  	s23 =	simm.s32 $0x80;
	s5 =	sshrl.u32 s4, $0x3;
	s4 =	sadd.s32 $0xCC00, s1  }
0xd: {  	s18 =	sshll.u32 s15, $0x4;
	s16 =	smax.u32 s16, $0x1;
	s1 =	sadd.s32 s5, s1  }
0xe: {  	s5 =	sadd.s32 s25, s2;
	s6 =	sadd.s32 s4, s24;
	s11 =	sadd.s32 s19, s13  }
0xf: {  	s12 =	sadd.s32 s20, s13;
	s17 =	sor.u32 $0x10, s13;
	s26 =	sadd.s32 s18, s19  }
0x10: {  	s31 =	sadd.s32 s18, s20;
	s21 =	sor.u32 $0x20, s18;
	s24 =	simm.s32 $0x100  }
0x11: {  	s25 =	simm.s32 $0x4200;
	[dreg:$0x4] =	wrdreg s6;
	s7 =	sadd.s32 $0x4000, s5  }
0x12: {  	s8 =	sadd.s32 $0x8000, s5;
	s9 =	sadd.s32 $0xC000, s5;
	s10 =	sadd.s32 $0x10000, s5  }
0x13: {  	s13 =	sadd.s32 s19, s17;
	s14 =	sadd.s32 s20, s17;
	s15 =	sadd.s32 $0x34C00, s1  }
0x14: {  	s17 =	sadd.s32 $0x30, s26;
	s18 =	sadd.s32 $0x30, s31;
	s19 =	sadd.s32 s21, s19  }
0x15: {  	v0 =	vimm.f32 $0.0e+00;
	s20 =	sadd.s32 s21, s20;
	s21 =	simm.s32 $0x200;
	s26 =	simm.s32 $0x180  }
.LBB2_1:
.Ltmp0:
0x16: {  	(pc) =	sbr.rel @!p0 .LBB2_2-.Ltmp0, $1  }
0x17: {  	_ =	sdelay $0x3  }
0x18: {  	s1 =	sshra.s32 s3, $0x2;
	s31 =	sadd.s32 $0x200, s3  }
.LBB2_4:
0x19: {  	p1 =	sne.s32 s31, $0xFE00;
	[tilespmem:s1+$0x270] =	vst v0  }
0x1a: {  	[tilespmem:s1+$0x200] =	vst v0  }
0x1b: {  	[tilespmem:s1+$0x210] =	vst v0  }
.Ltmp1:
0x1c: {  	[tilespmem:s1+$0x220] =	vst v0;
	(pc) =	sbr.rel @p1 .LBB2_4-.Ltmp1, $4  }
0x1d: {  	[tilespmem:s1+$0x230] =	vst v0  }
0x1e: {  	[tilespmem:s1+$0x240] =	vst v0  }
0x1f: {  	[tilespmem:s1+$0x250] =	vst v0  }
0x20: {  	[tilespmem:s1+$0x260] =	vst v0;
	s1 =	sshra.s32 s31, $0x2;
	s31 =	sadd.s32 $0x200, s31  }
0x21: {  	[tilespmem:s1+$0x270] =	vst v0  }
0x22: {  	[tilespmem:s1+$0x200] =	vst v0  }
0x23: {  	[tilespmem:s1+$0x210] =	vst v0  }
0x24: {  	[tilespmem:s1+$0x220] =	vst v0  }
0x25: {  	[tilespmem:s1+$0x230] =	vst v0  }
0x26: {  	[tilespmem:s1+$0x240] =	vst v0  }
0x27: {  	[tilespmem:s1+$0x250] =	vst v0  }
0x28: {  	[tilespmem:s1+$0x260] =	vst v0  }
0x29: {  	[spmem:s5] =	stream.linear.scatter [tilespmem:s21], [sflag:$0x2], $0x4000, $0x38;
	[tilespmem:$0x1C200] =	vst v63  }
0x2a: {  	_ =	swait.ge [sflag:s22], $0x4000  }
0x2b: {  	[sflag:s22] =	ssyncset.done $0x0  }
0x2c: {  	[sflag:s22] =	ssyncadd.s32 $0xFFFFC000  }
0x2d: {  	[spmem:s7] =	stream.linear.scatter [tilespmem:s21], [sflag:$0x2], $0x4000, $0x38;
	[tilespmem:$0x1C200] =	vst v63  }
0x2e: {  	_ =	swait.ge [sflag:s22], $0x4000  }
0x2f: {  	[sflag:s22] =	ssyncset.done $0x0  }
0x30: {  	[sflag:s22] =	ssyncadd.s32 $0xFFFFC000  }
0x31: {  	[spmem:s8] =	stream.linear.scatter [tilespmem:s21], [sflag:$0x2], $0x4000, $0x38;
	[tilespmem:$0x1C200] =	vst v63  }
0x32: {  	_ =	swait.ge [sflag:s22], $0x4000  }
0x33: {  	[sflag:s22] =	ssyncset.done $0x0  }
0x34: {  	[sflag:s22] =	ssyncadd.s32 $0xFFFFC000  }
0x35: {  	[spmem:s9] =	stream.linear.scatter [tilespmem:s21], [sflag:$0x2], $0x4000, $0x38;
	[tilespmem:$0x1C200] =	vst v63  }
0x36: {  	_ =	swait.ge [sflag:s22], $0x4000  }
0x37: {  	[sflag:s22] =	ssyncset.done $0x0  }
.Ltmp2:
0x38: {  	[sflag:s22] =	ssyncadd.s32 $0xFFFFC000;
	(pc) =	sbr.rel .LBB2_6-.Ltmp2, $4  }
0x39: {  	[spmem:s10] =	stream.linear.scatter [tilespmem:s21], [sflag:$0x2], $0x4000, $0x38;
	[tilespmem:$0x1C200] =	vst v63  }
0x3a: {  	_ =	swait.ge [sflag:s22], $0x4000  }
0x3b: {  	[sflag:s22] =	ssyncset.done $0x0  }
0x3c: {  	[sflag:s22] =	ssyncadd.s32 $0xFFFFC000  }
.LBB2_2:
0x3d: {  	s1 =	sshll.u32 s0, $0x6  }
0x3e: {  	s31 =	sshrl.u32 s5, $0x3;
	s6 =	rddreg [dreg:$0x4];
	s1 =	sor.u32 $0x1C02, s1  }
0x3f: {  	[spmem:s31], [sflag:s1] =	dma.local [hbm:s6], $0x2800  }
0x40: {  	_ =	swait.ge [sflag:s22], $0x2800  }
0x41: {  	[sflag:s22] =	ssyncset.done $0x0  }
0x42: {  	[sflag:s22] =	ssyncadd.s32 $0xFFFFD800  }
.LBB2_6:
0x43: {  	[bflag:$0x0] =	sbarrier.arrive $0xFFFF;
	s1 =	simm.s32 $0x0  }
0x44: {  	[tilespmem:s1], [sflag:$0x2] =	stream.linear.gather [hbm4b:s11+s1], $0x80, $0x38;
	[tilespmem:$0x1C200] =	vst v63  }
0x45: {  	_ =	swait.ge [sflag:s22], $0x80  }
0x46: {  	[sflag:s22] =	ssyncset.done $0x0  }
0x47: {  	[sflag:s22] =	ssyncadd.s32 $0xFFFFFF80  }
0x48: {  	[tilespmem:s21], [sflag:$0x1] =	stream.indirect.gather [hbm4b:s4+s23], $0x80, s1, s23, $0xb8;
	[tilespmem:$0x1C200] =	vst v63  }
0x49: {  	_ = 	snop  }
0x4a: {  	[tilespmem:s24], [sflag:$0x2] =	stream.linear.gather [hbm4b:s12+s1], $0x80, $0x38;
	[tilespmem:$0x1C200] =	vst v63  }
0x4b: {  	_ =	swait.ge [sflag:s22], $0x80  }
0x4c: {  	[sflag:s22] =	ssyncset.done $0x0  }
0x4d: {  	[sflag:s22] =	ssyncadd.s32 $0xFFFFFF80  }
0x4e: {  	[tilespmem:s23], [sflag:$0x2] =	stream.linear.gather [hbm4b:s13+s1], $0x80, $0x38;
	[tilespmem:$0x1C200] =	vst v63  }
0x4f: {  	_ =	swait.ge [sflag:s22], $0x80  }
0x50: {  	[sflag:s22] =	ssyncset.done $0x0  }
0x51: {  	[sflag:s22] =	ssyncadd.s32 $0xFFFFFF80  }
0x52: {  	[tilespmem:s25], [sflag:$0x1] =	stream.indirect.gather [hbm4b:s4+s23], $0x80, s23, s23, $0xb8;
	[tilespmem:$0x1C200] =	vst v63  }
0x53: {  	_ = 	snop  }
0x54: {  	[tilespmem:s26], [sflag:$0x2] =	stream.linear.gather [hbm4b:s14+s1], $0x80, $0x38;
	[tilespmem:$0x1C200] =	vst v63  }
0x55: {  	_ =	swait.ge [sflag:s22], $0x80  }
0x56: {  	[sflag:s22] =	ssyncset.done $0x0  }
0x57: {  	[sflag:s22] =	ssyncadd.s32 $0xFFFFFF80  }
0x58: {  	_ =	swait.ge [sflag:s28], $0x4000  }
0x59: {  	[sflag:s28] =	ssyncset.done $0x0  }
0x5a: {  	[sflag:s28] =	ssyncadd.s32 $0xFFFFC000  }
0x5b: {  	[spmem:s2] =	stream.indirect.scatter.add.f32 [tilespmem:s21], [sflag:$0x3], $0x80, s24, s23, $0xb8;
	[tilespmem:$0x1C200] =	vst v63  }
0x5c: {  	_ =	swait.ge [sflag:s29], $0x4000  }
0x5d: {  	[sflag:s29] =	ssyncset.done $0x0  }
0x5e: {  	s6 =	sadd.s32 $0x0, s19;
	[sflag:s29] =	ssyncadd.s32 $0xFFFFC000  }
0x5f: {  	[tilespmem:s3], [sflag:$0x3] =	stream.linear.gather [hbm4b:s6+s3], $0x80, $0x38;
	[tilespmem:$0x1C200] =	vst v63  }
0x60: {  	_ =	swait.ge [sflag:s29], $0x80  }
0x61: {  	[sflag:s29] =	ssyncset.done $0x0  }
0x62: {  	[sflag:s29] =	ssyncadd.s32 $0xFFFFFF80  }
0x63: {  	[tilespmem:s21], [sflag:$0x1] =	stream.indirect.gather [hbm4b:s4+s23], $0x80, s3, s23, $0xb8;
	[tilespmem:$0x1C200] =	vst v63  }
0x64: {  	s6 =	sadd.s32 $0x0, s20  }
0x65: {  	[tilespmem:s24], [sflag:$0x3] =	stream.linear.gather [hbm4b:s6+s3], $0x80, $0x38;
	[tilespmem:$0x1C200] =	vst v63  }
0x66: {  	_ =	swait.ge [sflag:s29], $0x80  }
0x67: {  	[sflag:s29] =	ssyncset.done $0x0  }
0x68: {  	[sflag:s29] =	ssyncadd.s32 $0xFFFFFF80  }
0x69: {  	_ =	swait.ge [sflag:s28], $0x4000  }
0x6a: {  	[sflag:s28] =	ssyncset.done $0x0  }
0x6b: {  	[sflag:s28] =	ssyncadd.s32 $0xFFFFC000  }
0x6c: {  	[spmem:s2] =	stream.indirect.scatter.add.f32 [tilespmem:s25], [sflag:$0x3], $0x80, s26, s23, $0xb8;
	[tilespmem:$0x1C200] =	vst v63  }
0x6d: {  	_ =	swait.ge [sflag:s29], $0x4000  }
0x6e: {  	[sflag:s29] =	ssyncset.done $0x0  }
0x6f: {  	s6 =	sadd.s32 $0x0, s17;
	[sflag:s29] =	ssyncadd.s32 $0xFFFFC000  }
0x70: {  	[tilespmem:s23], [sflag:$0x3] =	stream.linear.gather [hbm4b:s6+s3], $0x80, $0x38;
	[tilespmem:$0x1C200] =	vst v63  }
0x71: {  	_ =	swait.ge [sflag:s29], $0x80  }
0x72: {  	[sflag:s29] =	ssyncset.done $0x0  }
0x73: {  	[sflag:s29] =	ssyncadd.s32 $0xFFFFFF80  }
0x74: {  	[tilespmem:s25], [sflag:$0x1] =	stream.indirect.gather [hbm4b:s4+s23], $0x80, s23, s23, $0xb8;
	[tilespmem:$0x1C200] =	vst v63  }
0x75: {  	s6 =	sadd.s32 $0x0, s18  }
0x76: {  	[tilespmem:s26], [sflag:$0x2] =	stream.linear.gather [hbm4b:s6+s3], $0x80, $0x38;
	[tilespmem:$0x1C200] =	vst v63  }
0x77: {  	_ =	swait.ge [sflag:s22], $0x80  }
0x78: {  	s31 =	simm.s32 $0x20;
	[sflag:s22] =	ssyncset.done $0x0  }
.LBB2_7:
0x79: {  	p1 =	sne.s32 s31, $0x4C0  }
0x7a: {  	[sflag:s22] =	ssyncadd.s32 $0xFFFFFF80;
	s1 =	smov.u32 s31;
	s31 =	sadd.s32 $0x20, s31  }
0x7b: {  	_ = 	snop  }
0x7c: {  	_ =	swait.ge [sflag:s28], $0x4000  }
0x7d: {  	[sflag:s28] =	ssyncset.done $0x0  }
0x7e: {  	[sflag:s28] =	ssyncadd.s32 $0xFFFFC000  }
0x7f: {  	[spmem:s2] =	stream.indirect.scatter.add.f32 [tilespmem:s21], [sflag:$0x3], $0x80, s24, s23, $0xb8;
	[tilespmem:$0x1C200] =	vst v63  }
0x80: {  	_ =	swait.ge [sflag:s29], $0x4000  }
0x81: {  	[sflag:s29] =	ssyncset.done $0x0  }
0x82: {  	s6 =	sadd.s32 s1, s19;
	[sflag:s29] =	ssyncadd.s32 $0xFFFFC000  }
0x83: {  	[tilespmem:s3], [sflag:$0x3] =	stream.linear.gather [hbm4b:s6+s3], $0x80, $0x38;
	[tilespmem:$0x1C200] =	vst v63  }
0x84: {  	_ =	swait.ge [sflag:s29], $0x80  }
0x85: {  	[sflag:s29] =	ssyncset.done $0x0  }
0x86: {  	[sflag:s29] =	ssyncadd.s32 $0xFFFFFF80  }
0x87: {  	[tilespmem:s21], [sflag:$0x1] =	stream.indirect.gather [hbm4b:s4+s23], $0x80, s3, s23, $0xb8;
	[tilespmem:$0x1C200] =	vst v63  }
0x88: {  	s6 =	sadd.s32 s1, s20  }
0x89: {  	[tilespmem:s24], [sflag:$0x3] =	stream.linear.gather [hbm4b:s6+s3], $0x80, $0x38;
	[tilespmem:$0x1C200] =	vst v63  }
0x8a: {  	_ =	swait.ge [sflag:s29], $0x80  }
0x8b: {  	[sflag:s29] =	ssyncset.done $0x0  }
0x8c: {  	[sflag:s29] =	ssyncadd.s32 $0xFFFFFF80  }
0x8d: {  	_ =	swait.ge [sflag:s28], $0x4000  }
0x8e: {  	[sflag:s28] =	ssyncset.done $0x0  }
0x8f: {  	[sflag:s28] =	ssyncadd.s32 $0xFFFFC000  }
0x90: {  	[spmem:s2] =	stream.indirect.scatter.add.f32 [tilespmem:s25], [sflag:$0x3], $0x80, s26, s23, $0xb8;
	[tilespmem:$0x1C200] =	vst v63  }
0x91: {  	_ =	swait.ge [sflag:s29], $0x4000  }
0x92: {  	[sflag:s29] =	ssyncset.done $0x0  }
0x93: {  	s6 =	sadd.s32 s1, s17;
	[sflag:s29] =	ssyncadd.s32 $0xFFFFC000  }
0x94: {  	[tilespmem:s23], [sflag:$0x3] =	stream.linear.gather [hbm4b:s6+s3], $0x80, $0x38;
	[tilespmem:$0x1C200] =	vst v63  }
0x95: {  	_ =	swait.ge [sflag:s29], $0x80  }
0x96: {  	[sflag:s29] =	ssyncset.done $0x0  }
0x97: {  	[sflag:s29] =	ssyncadd.s32 $0xFFFFFF80  }
0x98: {  	[tilespmem:s25], [sflag:$0x1] =	stream.indirect.gather [hbm4b:s4+s23], $0x80, s23, s23, $0xb8;
	[tilespmem:$0x1C200] =	vst v63  }
.Ltmp3:
0x99: {  	_ = 	snop;
	(pc) =	sbr.rel @p1 .LBB2_7-.Ltmp3, $4  }
0x9a: {  	s1 =	sadd.s32 s1, s18  }
0x9b: {  	[tilespmem:s26], [sflag:$0x2] =	stream.linear.gather [hbm4b:s1+s3], $0x80, $0x38;
	[tilespmem:$0x1C200] =	vst v63  }
0x9c: {  	_ =	swait.ge [sflag:s22], $0x80  }
0x9d: {  	[sflag:s22] =	ssyncset.done $0x0  }
0x9e: {  	[sflag:s22] =	ssyncadd.s32 $0xFFFFFF80  }
0x9f: {  	_ =	swait.ge [sflag:s28], $0x4000  }
0xa0: {  	[sflag:s28] =	ssyncset.done $0x0  }
0xa1: {  	[sflag:s28] =	ssyncadd.s32 $0xFFFFC000  }
0xa2: {  	[spmem:s2] =	stream.indirect.scatter.add.f32 [tilespmem:s21], [sflag:$0x3], $0x80, s24, s23, $0xb8;
	[tilespmem:$0x1C200] =	vst v63  }
0xa3: {  	_ =	swait.ge [sflag:s29], $0x4000  }
0xa4: {  	[sflag:s29] =	ssyncset.done $0x0  }
0xa5: {  	[sflag:s29] =	ssyncadd.s32 $0xFFFFC000  }
0xa6: {  	_ =	swait.ge [sflag:s28], $0x4000  }
0xa7: {  	[sflag:s28] =	ssyncset.done $0x0  }
0xa8: {  	[sflag:s28] =	ssyncadd.s32 $0xFFFFC000  }
0xa9: {  	[spmem:s2] =	stream.indirect.scatter.add.f32 [tilespmem:s25], [sflag:$0x3], $0x80, s26, s23, $0xb8;
	[tilespmem:$0x1C200] =	vst v63  }
0xaa: {  	_ =	swait.ge [sflag:s29], $0x4000  }
0xab: {  	s1 =	sshll.u32 s0, $0x6;
	s30 =	sadd.s32 $0x1, s30;
	[sflag:s29] =	ssyncset.done $0x0  }
0xac: {  	s6 =	sshrl.u32 s5, $0x3;
	p1 =	sne.s32 s30, s16;
	[sflag:s29] =	ssyncadd.s32 $0xFFFFC000  }
.Ltmp4:
0xad: {  	s1 =	sor.u32 $0x1C02, s1;
	[bflag:$0x0] =	sbarrier.arrive $0xFFFF;
	(pc) =	sbr.rel @p1 .LBB2_1-.Ltmp4, $4  }
0xae: {  	[hbm:s15], [sflag:s1] =	dma.local [spmem:s6], $0x2800  }
0xaf: {  	_ =	swait.ge [sflag:s22], $0x2800  }
0xb0: {  	[sflag:s22] =	ssyncset.done $0x0  }
0xb1: {  	[sflag:s22] =	ssyncadd.s32 $0xFFFFD800  }
0xb2: {  	_ =	sfence.sel $0x180000  }
0xb3: {  	[bflag:$0x0] =	sbarrier.arrive $0xFFFF  }
0xb4: {  	_ =	strace $0x9000004D  }
0xb5: {  	[bflag:$0x2] =	sbarrier.arrive $0xFFFF  }
0xb6: {  	p0 =	sne.s32 s0, $0x0;
	s0 =	rddreg [dreg:$0x3]  }
0xb7: {  	s0 =	sadd.s32 @!p0 $0x100000, s0  }
0xb8: {  	[sflag:s0] =	ssyncadd.tile.s32 @!p0 $0x1;
	_ =	shalt  }
.Lfunc_end2:
_tile_overlayer_lowered:
.L_overlay_start_2:
0xb9: {  	(tag) =	ssettag $0x2  }
0xba: {  	s0 =	rddreg [dreg:$0x0];
	s2 =	stileid.u32  }
0xbb: {  	s1 =	rddreg [dreg:$0x1];
	p0 =	sne.s32 s2, $0x0  }
0xbc: {  	s3 =	rddreg [dreg:$0x2];
	[bflag:$0x3] =	sbarrier.arrive $0xFFFF;
	s2 =	simm.s32 @!p0 $0x1C02  }
0xbd: {  	[timem:s3], [sflag:s2] =	dma.local @!p0 [hbm:s0], s1  }
0xbe: {  	s0 =	simm.s32 @!p0 $0x2  }
0xbf: {  	_ =	swait.ge @!p0 [sflag:s0], s1  }
0xc0: {  	s1 =	ssub.s32 @!p0 $0x0, s1;
	[sflag:s0] =	ssyncset.done @!p0 $0x0  }
0xc1: {  	[sflag:s0] =	ssyncadd.s32 @!p0 s1  }
0xc2: {  	[bflag:$0x3] =	sbarrier.arrive $0xFFFF  }
0xc3: {  	_ =	shalt  }

// kernel: kernel.19.cloned.1.call-start
scs
__scs_entry_jumppad:
0x0: {  	(pc) =	sbr.rel $0x88, $3  }
0x1: {  	(tag) =	ssettag $0x0;
	lr =	simm.s32 $0x1  }
0x2: {  	[smem:$0x3F96] =	sst lr;
	_ =	strace $0xD0000000  }
0x3: {  	_ = 	snop  }
0x4: {  	_ = 	snop  }
0x5: {  	_ = 	snop  }
0x6: {  	_ = 	snop  }
0x7: {  	_ = 	snop  }
__scs_overlays_trampoline_lowered:
0x8: {  	[smem:$0x3FA5] =	sst s0  }
0x9: {  	[smem:$0x3FA6] =	sst s1  }
0xa: {  	[smem:$0x3FA7] =	sst s2  }
0xb: {  	[smem:$0x3FA8] =	sst s3  }
0xc: {  	[smem:$0x3FA9] =	sst s4  }
0xd: {  	[smem:$0x3FAA] =	sst s5  }
0xe: {  	[smem:$0x3FAB] =	sst s6  }
0xf: {  	[smem:$0x3FAC] =	sst s7  }
0x10: {  	[smem:$0x3FAD] =	sst s8  }
0x11: {  	[smem:$0x3FAE] =	sst s9;
	s0 =	simm.s32 @!p0 $0x0  }
0x12: {  	s1 =	sld [smem:$0x3F94];
	s0 =	simm.s32 @p0 $0x1  }
0x13: {  	[smem:$0x3FAF] =	sst s0;
	s0 =	simm.s32 @!p1 $0x0  }
0x14: {  	s2 =	sld [smem:$0x3F93];
	s0 =	simm.s32 @p1 $0x1  }
0x15: {  	[smem:$0x3FB0] =	sst s0;
	s0 =	simm.s32 @!p2 $0x0  }
0x16: {  	s3 =	sld [smem:$0x3FDB];
	s0 =	simm.s32 @p2 $0x1  }
0x17: {  	s4 =	simm.s32 $0x1BF5;
	[smem:$0x3FB2] =	sst s0  }
0x18: {  	s0 =	sld [smem:$0x3F95];
	_ =	swait.ge [sflag:s4], $0x0  }
0x19: {  	s7 =	sld [smem:$0x3F96]  }
0x1a: {  	s8 =	sadd.s32 $0xFFFFE003, lr  }
0x1b: {  	s9 =	sadd.s32 $0xFFFFFEF7, lr;
	s5 =	simm.s32 $0xFFFFFFFF;
	p2 =	slt.u32 s8, $0xFFFFF086  }
0x1c: {  	p1 =	slt.u32 s9, $0xF7A;
	s5 =	simm.s32 @!p2 $0x0  }
0x1d: {  	s5 =	simm.s32 @p1 $0x1;
	p0 =	seq.s32 s7, s2  }
0x1e: {  	s7 =	smul.u32 @!p0 $0xF7A, s2;
	p2 =	seq.s32 @!p0 s5, $0x0  }
0x1f: {  	s9 =	smul.u32 $0xF7A, s1;
	s8 =	simm.s32 @!p0 $0x1BF5;
	p2 =	por !p2, p0  }
0x20: {  	[sflag:s8] =	ssyncset.s32 @!p0 $0xFFFFF086;
	s6 =	sadd.s32 @!p0 s3, s7;
	s7 =	simm.s32 @!p0 $0x108  }
0x21: {  	s3 =	sadd.s32 s3, s9;
	s6 =	sadd.s32 @!p0 $0x88, s6;
	s7 =	simm.s32 @p2 $0x1082  }
0x22: {  	[simem:s7], [sflag:s8] =	dma.local @!p0 [hbm:s6], $0xF7A  }
0x23: {  	s9 =	sor.u32 $0xD0000000, s2;
	s6 =	simm.s32 $0x108;
	_ =	swait.ge @!p0 [sflag:s8], $0x0  }
0x24: {  	s3 =	sadd.s32 $0x88, s3;
	s6 =	simm.s32 @!p1 $0x1082;
	[sflag:s4] =	ssyncset.s32 $0xFFFFF086  }
0x25: {  	[simem:s6], [sflag:s4] =	dma.local [hbm:s3], $0xF7A  }
0x26: {  	[smem:$0x3F96] =	sst s1;
	(tag) =	ssettag s2;
	_ =	strace s9  }
0x27: {  	s1 =	sld [smem:$0x3FA6]  }
0x28: {  	s2 =	sld [smem:$0x3FA7]  }
0x29: {  	s4 =	sld [smem:$0x3FA9]  }
0x2a: {  	p0 =	seq.s32 s5, $0x0;
	s5 =	sld [smem:$0x3FAA]  }
0x2b: {  	s6 =	sld [smem:$0x3FAB]  }
0x2c: {  	s7 =	sld [smem:$0x3FAC]  }
0x2d: {  	s3 =	simm.s32 $0x108;
	s8 =	sld [smem:$0x3FAD]  }
0x2e: {  	s3 =	simm.s32 @!p0 $0x1082;
	s9 =	sld [smem:$0x3FAE]  }
0x2f: {  	lr =	sadd.s32 s0, s3;
	s0 =	sld [smem:$0x3FA5]  }
0x30: {  	s3 =	sld [smem:$0x3FA8]  }
0x31: {  	[smem:$0x3FB1] =	sst s10  }
0x32: {  	s10 =	sld [smem:$0x3FAF];
	_ =	sdelay $0x3  }
0x33: {  	p0 =	seq.s32 s10, $0x1;
	s10 =	sld [smem:$0x3FB1];
	_ =	sdelay $0x3  }
0x34: {  	[smem:$0x3FB1] =	sst s10  }
0x35: {  	s10 =	sld [smem:$0x3FB0];
	_ =	sdelay $0x3  }
0x36: {  	p1 =	seq.s32 s10, $0x1;
	s10 =	sld [smem:$0x3FB1];
	_ =	sdelay $0x3  }
0x37: {  	[smem:$0x3FB1] =	sst s10  }
0x38: {  	s10 =	sld [smem:$0x3FB2]  }
0x39: {  	_ = 	snop;
	(pc) =	sbr.ind lr, $3  }
0x3a: {  	_ = 	snop  }
0x3b: {  	_ = 	snop  }
0x3c: {  	p2 =	seq.s32 s10, $0x1;
	s10 =	sld [smem:$0x3FB1]  }
0x3d: {  	_ =	shalt  }
0x3e: {  	_ =	shalt  }
0x3f: {  	_ =	shalt  }
0x40: {  	_ =	shalt  }
0x41: {  	_ =	shalt  }
0x42: {  	_ =	shalt  }
0x43: {  	_ =	shalt  }
0x44: {  	_ =	shalt  }
0x45: {  	_ =	shalt  }
0x46: {  	_ =	shalt  }
0x47: {  	_ =	shalt  }
0x48: {  	_ =	shalt  }
0x49: {  	_ =	shalt  }
0x4a: {  	_ =	shalt  }
0x4b: {  	_ =	shalt  }
0x4c: {  	_ =	shalt  }
0x4d: {  	_ =	shalt  }
0x4e: {  	_ =	shalt  }
0x4f: {  	_ =	shalt  }
0x50: {  	_ =	shalt  }
0x51: {  	_ =	shalt  }
0x52: {  	_ =	shalt  }
0x53: {  	_ =	shalt  }
0x54: {  	_ =	shalt  }
0x55: {  	_ =	shalt  }
0x56: {  	_ =	shalt  }
0x57: {  	_ =	shalt  }
0x58: {  	_ =	shalt  }
0x59: {  	_ =	shalt  }
0x5a: {  	_ =	shalt  }
0x5b: {  	_ =	shalt  }
0x5c: {  	_ =	shalt  }
0x5d: {  	_ =	shalt  }
0x5e: {  	_ =	shalt  }
0x5f: {  	_ =	shalt  }
0x60: {  	_ =	shalt  }
0x61: {  	_ =	shalt  }
0x62: {  	_ =	shalt  }
0x63: {  	_ =	shalt  }
0x64: {  	_ =	shalt  }
0x65: {  	_ =	shalt  }
0x66: {  	_ =	shalt  }
0x67: {  	_ =	shalt  }
0x68: {  	_ =	shalt  }
0x69: {  	_ =	shalt  }
0x6a: {  	_ =	shalt  }
0x6b: {  	_ =	shalt  }
0x6c: {  	_ =	shalt  }
0x6d: {  	_ =	shalt  }
0x6e: {  	_ =	shalt  }
0x6f: {  	_ =	shalt  }
0x70: {  	_ =	shalt  }
0x71: {  	_ =	shalt  }
0x72: {  	_ =	shalt  }
0x73: {  	_ =	shalt  }
0x74: {  	_ =	shalt  }
0x75: {  	_ =	shalt  }
0x76: {  	_ =	shalt  }
0x77: {  	_ =	shalt  }
0x78: {  	_ =	shalt  }
0x79: {  	_ =	shalt  }
0x7a: {  	_ =	shalt  }
0x7b: {  	_ =	shalt  }
0x7c: {  	_ =	shalt  }
0x7d: {  	_ =	shalt  }
0x7e: {  	_ =	shalt  }
0x7f: {  	_ =	shalt  }
0x80: {  	_ =	shalt  }
0x81: {  	_ =	shalt  }
0x82: {  	_ =	shalt  }
0x83: {  	_ =	shalt  }
0x84: {  	_ =	shalt  }
0x85: {  	_ =	shalt  }
0x86: {  	_ =	shalt  }
0x87: {  	_ =	shalt  }
.Lfunc_end0:
.L_simem_size_0:
called_computation.3_lowered:
.L_overlay_start_0:
0x88: {  	s2 =	sld [smem:$0x3FD9]  }
0x89: {  	s3 =	sld [smem:$0x3FFE];
	_ =	sdelay $0x1  }
0x8a: {  	s1 =	srdreg.scid  }
0x8b: {  	s0 =	sand.u32 $0x1, s1  }
0x8c: {  	s16 =	sshll.u32 s0, $0xA;
	s2 =	sadd.s32 s3, s2  }
0x8d: {  	s2 =	sadd.s32 s2, s16  }
0x8e: {  	[smem:$0x3FBD] =	sst s2  }
0x8f: {  	_ = 	snop  }
0x90: {  	(tm) =	ssettm $0x1  }
0x91: {  	s17 =	sld [smem:$0x3FFB];
	_ =	sdelay $0x3  }
0x92: {  	_ =	strace s17  }
0x93: {  	s2 =	sld [smem:$0x3FFC];
	_ =	sdelay $0x3  }
0x94: {  	_ =	strace s2  }
0x95: {  	s2 =	sld [smem:$0x3FFD];
	_ =	sdelay $0x3  }
0x96: {  	_ =	strace s2  }
0x97: {  	_ =	strace $0x8FFFFFFF  }
0x98: {  	s18 =	sld [smem:$0x3FDB];
	_ =	sdelay $0x1  }
0x99: {  	s19 =	simm.s32 $_scs_section_size  }
0x9a: {  	s4 =	simm.s32 $_size__tile_overlayer_lowered;
	s5 =	simm.s32 $_tile_overlayer_lowered  }
0x9b: {  	s22 =	simm.s32 $0x1BFF;
	s21 =	sshll.u32 s5, $0x1;
	s2 =	sadd.s32 s19, s18  }
0x9c: {  	s6 =	simm.s32 $0x0;
	s20 =	sshll.u32 s4, $0x1;
	s4 =	sadd.s32 s21, s2  }
0x9d: {  	[timem:s6], [sflag:s22] =	dma.local [hbm:s4], s20  }
0x9e: {  	_ =	swait.ge [sflag:s22], s20  }
0x9f: {  	s3 =	ssub.s32 $0x0, s20;
	[sflag:s22] =	ssyncset.done $0x0  }
0xa0: {  	[sflag:s22] =	ssyncadd.s32 s3;
	_ =	sdelay $0x1  }
0xa1: {  	s23 =	simm.s32 $0x1B8B  }
0xa2: {  	_ =	swait.ge [sflag:s23], $0x1  }
0xa3: {  	[sflag:s23] =	ssyncset.done $0x0  }
0xa4: {  	s25 =	simm.s32 $0x1B8E;
	s24 =	sld [smem:$0x3FFE];
	[sflag:s23] =	ssyncadd.s32 $0xFFFFFFFF  }
0xa5: {  	s26 =	simm.s32 $execute0_lowered;
	[smem:$0x3FD2] =	sst s25  }
0xa6: {  	s4 =	sshll.u32 s26, $0x1;
	_ =	strace $0x8000004F;
	[dreg:$0x1] =	wrdreg $0xFFFFFFFF  }
0xa7: {  	s28 =	simm.s32 $_size_execute0_lowered;
	s2 =	sadd.s32 s2, s4;
	[dreg:$0x0] =	wrdreg $0x0  }
0xa8: {  	s4 =	sshll.u32 s28, $0x1;
	[dreg:$0x2] =	wrdreg s2  }
0xa9: {  	[dreg:$0x3] =	wrdreg s4  }
0xaa: {  	[dreg:$0x4] =	wrdreg $0xC0  }
0xab: {  	_ =	task [dreg:s6], $0x5FFFF  }
0xac: {  	[dreg:$0x1] =	wrdreg $0xFFFFFFFF  }
0xad: {  	[dreg:$0x0] =	wrdreg $0x60  }
0xae: {  	[dreg:$0x2] =	wrdreg s24  }
0xaf: {  	[dreg:$0x3] =	wrdreg $0x9  }
0xb0: {  	_ =	task.clear_ibuf [dreg:s6], $0x4FFFF;
	_ =	strace $0x9000004F  }
0xb1: {  	s29 =	simm.s32 $0x9;
	_ =	strace $0x80000051  }
0xb2: {  	_ =	swait.ge [sflag:s29], $0x1  }
0xb3: {  	[sflag:s29] =	ssyncadd.s32 $0xFFFFFFFF  }
0xb4: {  	_ =	strace $0x90000051  }
0xb5: {  	_ =	sfence  }
0xb6: {  	s30 =	sld [smem:$0x0];
	_ =	sdelay $0x2  }
0xb7: {  	s31 =	sshll.u32 s1, $0xD;
	s1 =	sshrl.u32 s1, $0x2  }
0xb8: {  	s3 =	sand.u32 $0x4000, s31;
	s1 =	sadd.s32 s1, s30  }
0xb9: {  	s0 =	sor.u32 s3, s0;
	s1 =	sshll.u32 s1, $0x11  }
0xba: {  	s0 =	sor.u32 s1, s0  }
0xbb: {  	s0 =	sadd.s32 $0x8F2B, s0  }
0xbc: {  	[sflag:s0] =	ssyncadd.remote.s32 $0x1  }
0xbd: {  	_ =	sfence.sel $0xFFFF  }
0xbe: {  	[dreg:$0x0] =	wrdreg $0xFFFFFFFF;
	(pc) =	sbr.abs _section_cstart, $3  }
0xbf: {  	[dreg:$0x1] =	wrdreg $0xFFFFFFFF  }
0xc0: {  	_ =	task.clear_ibuf [dreg:s6], $0x2FFFF;
	_ =	strace $0x9FFFFFFF  }
0xc1: {  	(tm) =	ssettm $0x7FFFFFFF  }
tec
execute0_lowered:
.L_overlay_start_1:
0x0: {  	(tag) =	ssettag $0x1  }
0x1: {  	s0 =	rddreg [dreg:$0x0];
	s1 =	simm.s32 $0x0  }
0x2: {  	s2 =	srdreg.scid;
	s9 =	stileid.u32;
	s28 =	simm.s32 $0x300  }
0x3: {  	s29 =	simm.s32 $0x180;
	s30 =	simm.s32 $0xC400;
	s31 =	simm.s32 $0x380  }
0x4: {  	[smem:$0x7FF] =	sst s1;
	s2 =	sand.u32 $0x1, s2;
	s5 =	sadd.s32 $0x8B400, s0  }
0x5: {  	s6 =	sadd.s32 $0x84C00, s0;
	s11 =	smul.u32 $0x34, s9;
	_ =	strace $0x80000050  }
0x6: {  	s3 =	sshll.u32 s2, $0x4;
	s7 =	smul.u32 $0x1A0000, s2;
	s8 =	ssub.s32 $0x2, s2  }
0x7: {  	s2 =	smul.u32 $0x340, s2;
	s4 =	sor.u32 s9, s3;
	s3 =	sadd.s32 $0x2C00, s0  }
0x8: {  	s17 =	sshrl.u32 s8, $0x1;
	s10 =	smul.u32 $0x340, s4;
	s4 =	sadd.s32 $0x2AC00, s0  }
0x9: {  	s0 =	sadd.s32 s7, s0;
	s7 =	ssub.s32 s8, s17;
	s2 =	sadd.s32 s11, s2  }
0xa: {  	s17 =	smul.u32 $0x1A000, s9;
	s2 =	sshll.u32 s2, $0x4;
	s7 =	smax.u32 s7, $0x1  }
0xb: {  	s18 =	sadd.s32 s5, s10;
	s19 =	sadd.s32 s6, s10;
	s20 =	sor.u32 $0x10, s10  }
0xc: {  	s21 =	sor.u32 $0x20, s10;
	s23 =	sor.u32 $0x30, s10;
	[dreg:$0xa] =	wrdreg s7  }
0xd: {  	s26 =	sadd.s32 $0x40, s2;
	s2 =	sadd.s32 $0x60, s2;
	[dreg:$0x2] =	wrdreg s18  }
0xe: {  	s0 =	sadd.s32 s17, s0;
	[dreg:$0x3] =	wrdreg s19;
	s12 =	sadd.s32 s5, s20  }
0xf: {  	s8 =	sadd.s32 s6, s20;
	s22 =	sadd.s32 s5, s21;
	s24 =	sadd.s32 s5, s23  }
0x10: {  	s25 =	sadd.s32 s6, s23;
	s14 =	sadd.s32 s26, s5;
	s15 =	sadd.s32 s26, s6  }
0x11: {  	s16 =	sadd.s32 s2, s5;
	s17 =	sadd.s32 s2, s6;
	[dreg:$0x4] =	wrdreg s12  }
0x12: {  	s0 =	sadd.s32 $0x91C00, s0;
	s19 =	simm.s32 $0x3;
	[dreg:$0x5] =	wrdreg s8  }
0x13: {  	s20 =	simm.s32 $0x80;
	s23 =	simm.s32 $0x4400;
	[dreg:$0x6] =	wrdreg s22  }
.Ltmp0:
0x14: {  	s26 =	simm.s32 $0x8400;
	[dreg:$0x8] =	wrdreg s24;
	(pc) =	sbr.rel .LBB2_1-.Ltmp0, $4  }
0x15: {  	s2 =	simm.s32 $0x2;
	s5 =	simm.s32 $0x4;
	[dreg:$0x9] =	wrdreg s25  }
0x16: {  	s8 =	sadd.s32 s6, s21;
	[dreg:$0xb] =	wrdreg s0;
	s21 =	simm.s32 $0x400  }
0x17: {  	s22 =	simm.s32 $0x200;
	s24 =	simm.s32 $0x280;
	s25 =	simm.s32 $0x100  }
0x18: {  	s0 =	simm.s32 $0x1;
	s6 =	simm.s32 $0x0;
	[dreg:$0x7] =	wrdreg s8  }
.LBB2_4:
0x19: {  	s6 =	sadd.s32 $0x1, s6;
	s7 =	rddreg [dreg:$0xa]  }
0x1a: {  	p0 =	sne.s32 s6, s7  }
.Ltmp1:
0x1b: {  	_ = 	snop;
	(pc) =	sbr.rel @!p0 .LBB2_5-.Ltmp1, $1  }
0x1c: {  	_ =	sdelay $0x3  }
.LBB2_1:
0x1d: {  	s7 =	rddreg [dreg:$0x2]  }
0x1e: {  	[tilespmem:s1], [sflag:$0x3] =	stream.linear.gather [hbm4b:s7+s1], $0x80, $0x38;
	[tilespmem:$0x10400] =	vst v63  }
0x1f: {  	_ =	swait.ge [sflag:s19], $0x80  }
0x20: {  	[sflag:s19] =	ssyncset.done $0x0  }
0x21: {  	[sflag:s19] =	ssyncadd.s32 $0xFFFFFF80  }
0x22: {  	[tilespmem:s21], [sflag:$0x1] =	stream.indirect.gather [hbm4b:s3+s20], $0x80, s1, s20, $0xb8;
	[tilespmem:$0x10400] =	vst v63  }
0x23: {  	s8 =	rddreg [dreg:$0x3]  }
0x24: {  	[tilespmem:s22], [sflag:$0x3] =	stream.linear.gather [hbm4b:s8+s1], $0x80, $0x38;
	[tilespmem:$0x10400] =	vst v63  }
0x25: {  	_ =	swait.ge [sflag:s19], $0x80  }
0x26: {  	[sflag:s19] =	ssyncset.done $0x0  }
0x27: {  	s9 =	rddreg [dreg:$0x4];
	[sflag:s19] =	ssyncadd.s32 $0xFFFFFF80  }
0x28: {  	[tilespmem:s20], [sflag:$0x3] =	stream.linear.gather [hbm4b:s9+s1], $0x80, $0x38;
	[tilespmem:$0x10400] =	vst v63  }
0x29: {  	_ =	swait.ge [sflag:s19], $0x80  }
0x2a: {  	[sflag:s19] =	ssyncset.done $0x0  }
0x2b: {  	[sflag:s19] =	ssyncadd.s32 $0xFFFFFF80  }
0x2c: {  	[tilespmem:s23], [sflag:$0x1] =	stream.indirect.gather [hbm4b:s3+s20], $0x80, s20, s20, $0xb8;
	[tilespmem:$0x10400] =	vst v63  }
0x2d: {  	s10 =	rddreg [dreg:$0x5]  }
0x2e: {  	[tilespmem:s24], [sflag:$0x3] =	stream.linear.gather [hbm4b:s10+s1], $0x80, $0x38;
	[tilespmem:$0x10400] =	vst v63  }
0x2f: {  	_ =	swait.ge [sflag:s19], $0x80  }
0x30: {  	[sflag:s19] =	ssyncset.done $0x0  }
0x31: {  	s11 =	rddreg [dreg:$0x6];
	[sflag:s19] =	ssyncadd.s32 $0xFFFFFF80  }
0x32: {  	[tilespmem:s25], [sflag:$0x3] =	stream.linear.gather [hbm4b:s11+s1], $0x80, $0x38;
	[tilespmem:$0x10400] =	vst v63  }
0x33: {  	_ =	swait.ge [sflag:s19], $0x80  }
0x34: {  	[sflag:s19] =	ssyncset.done $0x0  }
0x35: {  	[sflag:s19] =	ssyncadd.s32 $0xFFFFFF80  }
0x36: {  	[tilespmem:s26], [sflag:$0x1] =	stream.indirect.gather [hbm4b:s3+s20], $0x80, s25, s20, $0xb8;
	[tilespmem:$0x10400] =	vst v63  }
0x37: {  	s12 =	rddreg [dreg:$0x7]  }
0x38: {  	[tilespmem:s28], [sflag:$0x3] =	stream.linear.gather [hbm4b:s12+s1], $0x80, $0x38;
	[tilespmem:$0x10400] =	vst v63  }
0x39: {  	_ =	swait.ge [sflag:s19], $0x80  }
0x3a: {  	[sflag:s19] =	ssyncset.done $0x0  }
0x3b: {  	s13 =	rddreg [dreg:$0x8];
	[sflag:s19] =	ssyncadd.s32 $0xFFFFFF80  }
0x3c: {  	[tilespmem:s29], [sflag:$0x3] =	stream.linear.gather [hbm4b:s13+s1], $0x80, $0x38;
	[tilespmem:$0x10400] =	vst v63  }
0x3d: {  	_ =	swait.ge [sflag:s19], $0x80  }
0x3e: {  	[sflag:s19] =	ssyncset.done $0x0  }
0x3f: {  	[sflag:s19] =	ssyncadd.s32 $0xFFFFFF80  }
0x40: {  	[tilespmem:s30], [sflag:$0x1] =	stream.indirect.gather [hbm4b:s3+s20], $0x80, s29, s20, $0xb8;
	[tilespmem:$0x10400] =	vst v63  }
0x41: {  	s18 =	rddreg [dreg:$0x9]  }
0x42: {  	[tilespmem:s31], [sflag:$0x3] =	stream.linear.gather [hbm4b:s18+s1], $0x80, $0x38;
	[tilespmem:$0x10400] =	vst v63  }
0x43: {  	_ =	swait.ge [sflag:s19], $0x80  }
0x44: {  	[sflag:s19] =	ssyncset.done $0x0  }
0x45: {  	s8 =	simm.s32 $0x0;
	s18 =	rddreg [dreg:$0xb];
	[sflag:s19] =	ssyncadd.s32 $0xFFFFFF80  }
.LBB2_2:
0x46: {  	_ =	swait.ge [sflag:s0], $0x4000  }
0x47: {  	[sflag:s0] =	ssyncset.done $0x0  }
0x48: {  	[sflag:s0] =	ssyncadd.s32 $0xFFFFC000  }
0x49: {  	[tilespmem:s21], [sflag:$0x2] =	stream.indirect.gather.add.f32 [hbm:s4], $0x80, s22, s20, $0xb8;
	[tilespmem:$0x10400] =	vst v63  }
0x4a: {  	_ =	swait.ge [sflag:s0], $0x4000  }
0x4b: {  	[sflag:s0] =	ssyncset.done $0x0  }
0x4c: {  	[sflag:s0] =	ssyncadd.s32 $0xFFFFC000  }
0x4d: {  	[tilespmem:s23], [sflag:$0x2] =	stream.indirect.gather.add.f32 [hbm:s4], $0x80, s24, s20, $0xb8;
	[tilespmem:$0x10400] =	vst v63  }
0x4e: {  	_ =	swait.ge [sflag:s0], $0x4000  }
0x4f: {  	[sflag:s0] =	ssyncset.done $0x0  }
0x50: {  	[sflag:s0] =	ssyncadd.s32 $0xFFFFC000  }
0x51: {  	[tilespmem:s26], [sflag:$0x2] =	stream.indirect.gather.add.f32 [hbm:s4], $0x80, s28, s20, $0xb8;
	[tilespmem:$0x10400] =	vst v63  }
0x52: {  	_ =	swait.ge [sflag:s0], $0x4000  }
0x53: {  	[sflag:s0] =	ssyncset.done $0x0  }
0x54: {  	[sflag:s0] =	ssyncadd.s32 $0xFFFFC000  }
0x55: {  	[tilespmem:s30], [sflag:$0x2] =	stream.indirect.gather.add.f32 [hbm:s4], $0x80, s31, s20, $0xb8;
	[tilespmem:$0x10400] =	vst v63  }
0x56: {  	_ =	swait.ge [sflag:s2], $0x4000  }
0x57: {  	[sflag:s2] =	ssyncset.done $0x0  }
0x58: {  	[sflag:s2] =	ssyncadd.s32 $0xFFFFC000  }
0x59: {  	[hbm4b:s18+s1] =	stream.linear.scatter [tilespmem:s21], [sflag:$0x4], $0x4000, $0x38;
	[tilespmem:$0x10400] =	vst v63  }
0x5a: {  	p0 =	seq.s32 s8, $0x300;
	_ =	swait.ge [sflag:s5], $0x4000  }
0x5b: {  	s9 =	sadd.s32 @!p0 s8, s14;
	[sflag:s5] =	ssyncset.done $0x0  }
0x5c: {  	s10 =	simm.s32 @!p0 $0x0;
	s11 =	simm.s32 @!p0 $0x4;
	[sflag:s5] =	ssyncadd.s32 $0xFFFFC000  }
0x5d: {  	[tilespmem:s10], [sflag:$0x4] =	stream.linear.gather @!p0 [hbm4b:s9+s10], $0x80, $0x38;
	[tilespmem:$0x10400] =	vst v63  }
0x5e: {  	_ =	swait.ge @!p0 [sflag:s11], $0x80  }
0x5f: {  	[sflag:s11] =	ssyncset.done @!p0 $0x0  }
0x60: {  	s12 =	simm.s32 @!p0 $0x80;
	s13 =	simm.s32 @!p0 $0x400;
	[sflag:s11] =	ssyncadd.s32 @!p0 $0xFFFFFF80  }
0x61: {  	[tilespmem:s13], [sflag:$0x1] =	stream.indirect.gather @!p0 [hbm4b:s3+s12], $0x80, s10, s12, $0xb8;
	[tilespmem:$0x10400] =	vst v63  }
0x62: {  	s7 =	simm.s32 @!p0 $0x200;
	s13 =	sadd.s32 @!p0 s8, s15  }
0x63: {  	[tilespmem:s7], [sflag:$0x4] =	stream.linear.gather @!p0 [hbm4b:s13+s10], $0x80, $0x38;
	[tilespmem:$0x10400] =	vst v63  }
0x64: {  	_ =	swait.ge @!p0 [sflag:s11], $0x80  }
0x65: {  	[sflag:s11] =	ssyncset.done @!p0 $0x0  }
0x66: {  	[sflag:s11] =	ssyncadd.s32 @!p0 $0xFFFFFF80  }
0x67: {  	_ =	swait.ge [sflag:s2], $0x4000  }
0x68: {  	[sflag:s2] =	ssyncset.done $0x0  }
0x69: {  	s7 =	sadd.s32 $0x800, s18;
	[sflag:s2] =	ssyncadd.s32 $0xFFFFC000  }
0x6a: {  	[hbm4b:s7+s1] =	stream.linear.scatter [tilespmem:s23], [sflag:$0x4], $0x4000, $0x38;
	[tilespmem:$0x10400] =	vst v63  }
0x6b: {  	_ =	swait.ge [sflag:s5], $0x4000  }
0x6c: {  	[sflag:s5] =	ssyncset.done $0x0  }
0x6d: {  	s7 =	sadd.s32 @!p0 $0x10, s9;
	[sflag:s5] =	ssyncadd.s32 $0xFFFFC000  }
0x6e: {  	[tilespmem:s12], [sflag:$0x4] =	stream.linear.gather @!p0 [hbm4b:s7+s10], $0x80, $0x38;
	[tilespmem:$0x10400] =	vst v63  }
0x6f: {  	_ =	swait.ge @!p0 [sflag:s11], $0x80  }
0x70: {  	[sflag:s11] =	ssyncset.done @!p0 $0x0  }
0x71: {  	s7 =	simm.s32 @!p0 $0x4400;
	[sflag:s11] =	ssyncadd.s32 @!p0 $0xFFFFFF80  }
0x72: {  	[tilespmem:s7], [sflag:$0x1] =	stream.indirect.gather @!p0 [hbm4b:s3+s12], $0x80, s12, s12, $0xb8;
	[tilespmem:$0x10400] =	vst v63  }
0x73: {  	s9 =	simm.s32 @!p0 $0x280;
	s7 =	sadd.s32 @!p0 $0x10, s13  }
0x74: {  	[tilespmem:s9], [sflag:$0x4] =	stream.linear.gather @!p0 [hbm4b:s7+s10], $0x80, $0x38;
	[tilespmem:$0x10400] =	vst v63  }
0x75: {  	_ =	swait.ge @!p0 [sflag:s11], $0x80  }
0x76: {  	[sflag:s11] =	ssyncset.done @!p0 $0x0  }
0x77: {  	[sflag:s11] =	ssyncadd.s32 @!p0 $0xFFFFFF80  }
0x78: {  	_ =	swait.ge [sflag:s2], $0x4000  }
0x79: {  	[sflag:s2] =	ssyncset.done $0x0  }
0x7a: {  	s9 =	sadd.s32 $0x1000, s18;
	[sflag:s2] =	ssyncadd.s32 $0xFFFFC000  }
0x7b: {  	[hbm4b:s9+s1] =	stream.linear.scatter [tilespmem:s26], [sflag:$0x4], $0x4000, $0x38;
	[tilespmem:$0x10400] =	vst v63  }
0x7c: {  	_ =	swait.ge [sflag:s5], $0x4000  }
0x7d: {  	[sflag:s5] =	ssyncset.done $0x0  }
0x7e: {  	s7 =	sadd.s32 @!p0 s8, s16;
	s9 =	simm.s32 @!p0 $0x100;
	[sflag:s5] =	ssyncadd.s32 $0xFFFFC000  }
0x7f: {  	[tilespmem:s9], [sflag:$0x4] =	stream.linear.gather @!p0 [hbm4b:s7+s10], $0x80, $0x38;
	[tilespmem:$0x10400] =	vst v63  }
0x80: {  	_ =	swait.ge @!p0 [sflag:s11], $0x80  }
0x81: {  	[sflag:s11] =	ssyncset.done @!p0 $0x0  }
0x82: {  	s7 =	simm.s32 @!p0 $0x8400;
	[sflag:s11] =	ssyncadd.s32 @!p0 $0xFFFFFF80  }
0x83: {  	[tilespmem:s7], [sflag:$0x1] =	stream.indirect.gather @!p0 [hbm4b:s3+s12], $0x80, s9, s12, $0xb8;
	[tilespmem:$0x10400] =	vst v63  }
0x84: {  	s7 =	sadd.s32 @!p0 s8, s17;
	s9 =	simm.s32 @!p0 $0x300  }
0x85: {  	[tilespmem:s9], [sflag:$0x4] =	stream.linear.gather @!p0 [hbm4b:s7+s10], $0x80, $0x38;
	[tilespmem:$0x10400] =	vst v63  }
0x86: {  	_ =	swait.ge @!p0 [sflag:s11], $0x80  }
0x87: {  	[sflag:s11] =	ssyncset.done @!p0 $0x0  }
0x88: {  	[sflag:s11] =	ssyncadd.s32 @!p0 $0xFFFFFF80  }
0x89: {  	_ =	swait.ge [sflag:s2], $0x4000  }
0x8a: {  	[sflag:s2] =	ssyncset.done $0x0  }
.Ltmp2:
0x8b: {  	s13 =	sadd.s32 $0x1800, s18;
	[sflag:s2] =	ssyncadd.s32 $0xFFFFC000;
	(pc) =	sbr.rel @p0 .LBB2_4-.Ltmp2, $4  }
0x8c: {  	[hbm4b:s13+s1] =	stream.linear.scatter [tilespmem:s30], [sflag:$0x4], $0x4000, $0x38;
	[tilespmem:$0x10400] =	vst v63  }
0x8d: {  	_ =	swait.ge [sflag:s5], $0x4000  }
0x8e: {  	[sflag:s5] =	ssyncset.done $0x0  }
0x8f: {  	[sflag:s5] =	ssyncadd.s32 $0xFFFFC000  }
0x90: {  	s7 =	sadd.s32 s8, s14  }
0x91: {  	s7 =	sadd.s32 $0x30, s7  }
0x92: {  	[tilespmem:s29], [sflag:$0x4] =	stream.linear.gather [hbm4b:s7+s1], $0x80, $0x38;
	[tilespmem:$0x10400] =	vst v63  }
0x93: {  	_ =	swait.ge [sflag:s5], $0x80  }
0x94: {  	[sflag:s5] =	ssyncset.done $0x0  }
0x95: {  	s13 =	sadd.s32 s8, s15;
	[sflag:s5] =	ssyncadd.s32 $0xFFFFFF80  }
0x96: {  	[tilespmem:s30], [sflag:$0x1] =	stream.indirect.gather [hbm4b:s3+s20], $0x80, s29, s20, $0xb8;
	[tilespmem:$0x10400] =	vst v63  }
.Ltmp3:
0x97: {  	s7 =	sadd.s32 $0x30, s13;
	(pc) =	sbr.rel .LBB2_2-.Ltmp3, $4  }
0x98: {  	[tilespmem:s31], [sflag:$0x3] =	stream.linear.gather [hbm4b:s7+s1], $0x80, $0x38;
	[tilespmem:$0x10400] =	vst v63  }
0x99: {  	_ =	swait.ge [sflag:s19], $0x80  }
0x9a: {  	[sflag:s19] =	ssyncset.done $0x0  }
0x9b: {  	s8 =	sadd.s32 $0x40, s8;
	s18 =	sadd.s32 $0x2000, s18;
	[sflag:s19] =	ssyncadd.s32 $0xFFFFFF80  }
.LBB2_5:
0x9c: {  	_ =	sfence.sel $0x180000  }
0x9d: {  	[bflag:$0x0] =	sbarrier.arrive $0xFFFF  }
0x9e: {  	_ =	strace $0x90000050  }
0x9f: {  	s0 =	stileid.u32;
	[bflag:$0x2] =	sbarrier.arrive $0xFFFF  }
0xa0: {  	p0 =	sne.s32 s0, $0x0;
	s0 =	rddreg [dreg:$0x1]  }
0xa1: {  	s0 =	sadd.s32 @!p0 $0x100000, s0  }
0xa2: {  	[sflag:s0] =	ssyncadd.tile.s32 @!p0 $0x1;
	_ =	shalt  }
.Lfunc_end2:
_tile_overlayer_lowered:
.L_overlay_start_2:
0xa3: {  	(tag) =	ssettag $0x2  }
0xa4: {  	s0 =	rddreg [dreg:$0x0];
	s2 =	stileid.u32  }
0xa5: {  	s1 =	rddreg [dreg:$0x1];
	p0 =	sne.s32 s2, $0x0  }
0xa6: {  	s3 =	rddreg [dreg:$0x2];
	[bflag:$0x3] =	sbarrier.arrive $0xFFFF;
	s2 =	simm.s32 @!p0 $0x1C03  }
0xa7: {  	[timem:s3], [sflag:s2] =	dma.local @!p0 [hbm:s0], s1  }
0xa8: {  	s0 =	simm.s32 @!p0 $0x3  }
0xa9: {  	_ =	swait.ge @!p0 [sflag:s0], s1  }
0xaa: {  	s1 =	ssub.s32 @!p0 $0x0, s1;
	[sflag:s0] =	ssyncset.done @!p0 $0x0  }
0xab: {  	[sflag:s0] =	ssyncadd.s32 @!p0 s1  }
0xac: {  	[bflag:$0x3] =	sbarrier.arrive $0xFFFF  }
0xad: {  	_ =	shalt  }

</sc_bundles>
